<compile_context>
chip_gen: v7x
topology: tpu7x:2x2x1
jax: 0.10.2.dev20260603
libtpu: 0.0.44.dev20260713+nightly
codegen_flags: <defaults>
</compile_context>

<pallas_src>
import functools

import jax
import jax.numpy as jnp
from jax import lax
from jax.experimental import pallas as pl
from jax.experimental.pallas import tpu as pltpu
from jax.experimental.pallas import tpu_sc as plsc

_N = 100000
_E = 3200000
_NC, _NS = 2, 16
_B = 128
_CB = 56
_NCHUNK = 28
_NBATCH = 25088
_EP = _NBATCH * _B
_NP = 100096
_STRIPE = _NP // (_NC * _NS)


def _mesh():
    return plsc.VectorSubcoreMesh(core_axis_name="c", subcore_axis_name="s")


def _deg_body(dst_hbm, ones_hbm, zcol_hbm, out_hbm, dacc, dbuf, ones_v, sem):
    c = lax.axis_index("c")
    t = lax.axis_index("s")
    wid = c * _NS + t
    r0 = t * _STRIPE
    pltpu.sync_copy(ones_hbm, ones_v)
    pltpu.sync_copy(zcol_hbm, dacc.at[pl.ds(r0, _STRIPE)])
    plsc.subcore_barrier()
    base = wid * (_NBATCH // (_NC * _NS))

    def chunk(ci, carry):
        b0 = base + ci * _CB
        pltpu.sync_copy(dst_hbm.at[pl.ds(b0, _CB)], dbuf)

        def batch(j, carry2):
            pltpu.sync_copy(ones_v, dacc.at[dbuf.at[j]], add=True)
            return carry2

        return lax.fori_loop(0, _CB, batch, carry)

    lax.fori_loop(0, (_NBATCH // (_NC * _NS)) // _CB, chunk, 0)
    plsc.subcore_barrier()
    pltpu.sync_copy(dacc.at[pl.ds(r0, _STRIPE)], out_hbm.at[c, pl.ds(r0, _STRIPE)])


def _degrees(dst2d, ones, zcol):
    return pl.kernel(
        _deg_body,
        out_type=jax.ShapeDtypeStruct((_NC, _NP, 1), jnp.float32),
        mesh=_mesh(),
        scratch_types=[
            pltpu.VMEM_SHARED((_NP, 1), jnp.float32),
            pltpu.VMEM((_CB, _B), jnp.int32),
            pltpu.VMEM((_B, 1), jnp.float32),
            pltpu.SemaphoreType.DMA,
        ],
        compiler_params=pltpu.CompilerParams(use_tc_tiling_on_sc=False),
    )(dst2d, ones, zcol)


def _agg_body(msgv_hbm, src_hbm, dst_hbm, zrow_hbm, out_hbm,
              acc, sbuf, dbuf, sidx, rows, gsem, ssem):
    c = lax.axis_index("c")
    t = lax.axis_index("s")
    r0 = t * _STRIPE
    base = t * (_NBATCH // _NS)

    for sl in range(4):
        s_glob = c * 4 + sl
        pltpu.sync_copy(zrow_hbm, acc.at[pl.ds(r0, _STRIPE)])
        plsc.subcore_barrier()

        def chunk(ci, carry, s_glob=s_glob):
            b0 = base + ci * _CB
            pltpu.sync_copy(src_hbm.at[pl.ds(b0, _CB)], sbuf)
            pltpu.sync_copy(dst_hbm.at[pl.ds(b0, _CB)], dbuf)

            def mkidx(j, carry2):
                for i in range(_B // 16):
                    v = sbuf[j, pl.ds(i * 16, 16)]
                    sidx[j, pl.ds(i * 16, 16)] = v * 8 + s_glob
                return carry2

            lax.fori_loop(0, _CB, mkidx, 0)

            pltpu.async_copy(msgv_hbm.at[sidx.at[0]], rows.at[0], gsem)
            pltpu.async_copy(msgv_hbm.at[sidx.at[1]], rows.at[1], gsem)

            def batch(j, carry2):
                @pl.when(j >= 2)
                def _():
                    pltpu.make_async_copy(rows.at[(j - 2) % 4],
                                          acc.at[dbuf.at[j - 2]], ssem).wait()

                @pl.when(j + 2 < _CB)
                def _():
                    pltpu.async_copy(msgv_hbm.at[sidx.at[j + 2]],
                                     rows.at[(j + 2) % 4], gsem)

                pltpu.make_async_copy(msgv_hbm.at[sidx.at[j]],
                                      rows.at[j % 4], gsem).wait()
                pltpu.async_copy(rows.at[j % 4], acc.at[dbuf.at[j]], ssem,
                                 add=True)
                return carry2

            lax.fori_loop(0, _CB, batch, 0)
            pltpu.make_async_copy(rows.at[(_CB - 2) % 4],
                                  acc.at[dbuf.at[_CB - 2]], ssem).wait()
            pltpu.make_async_copy(rows.at[(_CB - 1) % 4],
                                  acc.at[dbuf.at[_CB - 1]], ssem).wait()
            return carry

        lax.fori_loop(0, _NCHUNK, chunk, 0)
        plsc.subcore_barrier()
        pltpu.sync_copy(acc.at[pl.ds(r0, _STRIPE)],
                        out_hbm.at[s_glob, pl.ds(r0, _STRIPE)])
        plsc.subcore_barrier()


def _aggregate(msgv, src2d, dst2d, zrow):
    return pl.kernel(
        _agg_body,
        out_type=jax.ShapeDtypeStruct((8, _NP, 16), jnp.float32),
        mesh=_mesh(),
        scratch_types=[
            pltpu.VMEM_SHARED((_NP, 16), jnp.float32),
            pltpu.VMEM((_CB, _B), jnp.int32),
            pltpu.VMEM((_CB, _B), jnp.int32),
            pltpu.VMEM((_CB, _B), jnp.int32),
            pltpu.VMEM((4, _B, 16), jnp.float32),
            pltpu.SemaphoreType.DMA,
            pltpu.SemaphoreType.DMA,
        ],
        compiler_params=pltpu.CompilerParams(use_tc_tiling_on_sc=False),
    )(msgv, src2d, dst2d, zrow)


_R = 512
_GRID = (_N + _R - 1) // _R


def _layer1_body(feat_ref, w1m_ref, b1m_ref, w1v_ref, b1v_ref, deg_ref,
                 msg_ref, norm_ref):
    x = feat_ref[...]
    m = jnp.maximum(
        jnp.dot(x, w1m_ref[...], preferred_element_type=jnp.float32)
        + b1m_ref[...], 0.0)
    v = jnp.maximum(
        jnp.dot(x, w1v_ref[...], preferred_element_type=jnp.float32)
        + b1v_ref[...], 0.0)
    d = deg_ref[0, :] + deg_ref[1, :]
    norm = lax.rsqrt(jnp.maximum(d, 1.0))[:, None]
    att = jnp.exp(-v)
    msg_ref[...] = jnp.concatenate(
        [m * att * norm, v * (att * att) * (norm * norm)], axis=1)
    norm_ref[...] = norm


def _layer1(feat, w1m, b1m, w1v, b1v, deg2):
    return pl.pallas_call(
        _layer1_body,
        grid=(_GRID,),
        in_specs=[
            pl.BlockSpec((_R, 128), lambda i: (i, 0)),
            pl.BlockSpec((128, 64), lambda i: (0, 0)),
            pl.BlockSpec((1, 64), lambda i: (0, 0)),
            pl.BlockSpec((128, 64), lambda i: (0, 0)),
            pl.BlockSpec((1, 64), lambda i: (0, 0)),
            pl.BlockSpec((2, _R), lambda i: (0, i)),
        ],
        out_specs=[
            pl.BlockSpec((_R, 128), lambda i: (i, 0)),
            pl.BlockSpec((_R, 1), lambda i: (i, 0)),
        ],
        out_shape=[
            jax.ShapeDtypeStruct((_N, 128), jnp.float32),
            jax.ShapeDtypeStruct((_N, 1), jnp.float32),
        ],
    )(feat, w1m, b1m, w1v, b1v, deg2)


def _layer2_body(agg_ref, norm_ref, w2m_ref, b2m_ref, w2v_ref, b2v_ref,
                 msg_ref):
    norm = norm_ref[...]
    mean_in = agg_ref[:, :64] * norm
    var_in = agg_ref[:, 64:] * (norm * norm)
    m = jnp.dot(mean_in, w2m_ref[...],
                preferred_element_type=jnp.float32) + b2m_ref[...]
    v = jnp.dot(var_in, w2v_ref[...],
                preferred_element_type=jnp.float32) + b2v_ref[...]
    att = jnp.exp(-v)
    msg_ref[...] = jnp.concatenate(
        [m * att * norm, v * (att * att) * (norm * norm)], axis=1)


def _layer2(agg1, norm, w2m, b2m, w2v, b2v):
    return pl.pallas_call(
        _layer2_body,
        grid=(_GRID,),
        in_specs=[
            pl.BlockSpec((_R, 128), lambda i: (i, 0)),
            pl.BlockSpec((_R, 1), lambda i: (i, 0)),
            pl.BlockSpec((64, 64), lambda i: (0, 0)),
            pl.BlockSpec((1, 64), lambda i: (0, 0)),
            pl.BlockSpec((64, 64), lambda i: (0, 0)),
            pl.BlockSpec((1, 64), lambda i: (0, 0)),
        ],
        out_specs=pl.BlockSpec((_R, 128), lambda i: (i, 0)),
        out_shape=jax.ShapeDtypeStruct((_N, 128), jnp.float32),
    )(agg1, norm, w2m, b2m, w2v, b2v)


def _final_body(agg_ref, norm_ref, eps_ref, z_ref):
    norm = norm_ref[...]
    mean = agg_ref[:, :64] * norm
    var = agg_ref[:, 64:] * (norm * norm)
    z_ref[...] = eps_ref[...] * jnp.sqrt(var + 1e-8) + mean


def _final(agg2, norm, eps):
    return pl.pallas_call(
        _final_body,
        grid=(_GRID,),
        in_specs=[
            pl.BlockSpec((_R, 128), lambda i: (i, 0)),
            pl.BlockSpec((_R, 1), lambda i: (i, 0)),
            pl.BlockSpec((_R, 64), lambda i: (i, 0)),
        ],
        out_specs=pl.BlockSpec((_R, 64), lambda i: (i, 0)),
        out_shape=jax.ShapeDtypeStruct((_N, 64), jnp.float32),
    )(agg2, norm, eps)


def kernel(feat, edge_index, W1m, b1m, W1v, b1v, W2m, b2m, W2v, b2v):
    src = edge_index[0]
    dst = edge_index[1]
    pad = _EP - _E
    src2d = jnp.concatenate(
        [src, jnp.zeros((pad,), jnp.int32)]).reshape(_NBATCH, _B)
    dst2d = jnp.concatenate(
        [dst, jnp.full((pad,), _N, jnp.int32)]).reshape(_NBATCH, _B)

    ones = jnp.ones((_B, 1), jnp.float32)
    zcol = jnp.zeros((_STRIPE, 1), jnp.float32)
    zrow = jnp.zeros((_STRIPE, 16), jnp.float32)

    deg2 = _degrees(dst2d, ones, zcol)
    deg2 = deg2[:, :_N, 0]

    msg1, norm = _layer1(feat, W1m, b1m.reshape(1, 64),
                         W1v, b1v.reshape(1, 64), deg2)
    agg1 = _aggregate(msg1.reshape(8 * _N, 16), src2d, dst2d, zrow)
    agg1 = agg1[:, :_N, :].transpose(1, 0, 2).reshape(_N, 128)

    msg2 = _layer2(agg1, norm, W2m, b2m.reshape(1, 64),
                   W2v, b2v.reshape(1, 64))
    agg2 = _aggregate(msg2.reshape(8 * _N, 16), src2d, dst2d, zrow)
    agg2 = agg2[:, :_N, :].transpose(1, 0, 2).reshape(_N, 128)

    eps = jax.random.normal(jax.random.key(42), (_N, 64), dtype=jnp.float32)
    return _final(agg2, norm, eps)

# --- scband reference (transcript-rebuilt; emitter-appended) ---
"""Pipeline reference for scband-robust-gcn-70901320122659 (READ-ONLY COPY).

The authoritative reference and input builder live on the scoring server;
editing this copy changes nothing except your own understanding.
"""

import jax, jax.numpy as jnp
import numpy as np

N = 100000
E = 3200000
D_IN = 128
HID = 64
D_OUT = 64
GAMMA = 1.0


def _glorot(k, shape):
    lim = np.sqrt(6.0 / (shape[0] + shape[1]))
    return jax.random.uniform(k, shape, minval=-lim, maxval=lim, dtype=jnp.float32)


def setup_inputs(seed: int = 0) -> dict:
    key = jax.random.key(seed)
    ks = jax.random.split(key, 8)
    feat = jax.random.normal(ks[0], (N, D_IN), dtype=jnp.float32)
    edge_index = jax.random.randint(ks[1], (2, E), 0, N, dtype=jnp.int32)
    W1m = _glorot(ks[2], (D_IN, HID)); b1m = jnp.zeros((HID,), jnp.float32)
    W1v = _glorot(ks[3], (D_IN, HID)); b1v = jnp.zeros((HID,), jnp.float32)
    W2m = _glorot(ks[4], (HID, D_OUT)); b2m = jnp.zeros((D_OUT,), jnp.float32)
    W2v = _glorot(ks[5], (HID, D_OUT)); b2v = jnp.zeros((D_OUT,), jnp.float32)
    return {"feat": feat, "edge_index": edge_index,
            "W1m": W1m, "b1m": b1m, "W1v": W1v, "b1v": b1v,
            "W2m": W2m, "b2m": b2m, "W2v": W2v, "b2v": b2v}


def _robust_conv(mean_in, var_in, Wm, bm, Wv, bv, src, dst, norm, act):
    # Gaussian-based graph convolution (RobustConv).
    mean = mean_in @ Wm + bm
    var = var_in @ Wv + bv
    if act:
        mean = jax.nn.relu(mean)
        var = jax.nn.relu(var)
    att = jnp.exp(-GAMMA * var)
    mean = mean * att * norm            # D^{-1/2} pre-normalization
    var = var * att * att * (norm * norm)  # D^{-1} pre-normalization for variance
    agg_mean = jax.ops.segment_sum(mean[src], dst, num_segments=N)
    agg_var = jax.ops.segment_sum(var[src], dst, num_segments=N)
    return agg_mean * norm, agg_var * (norm * norm)


def reference(feat, edge_index, W1m, b1m, W1v, b1v, W2m, b2m, W2v, b2v):
    src = edge_index[0]
    dst = edge_index[1]
    degs = jnp.clip(jnp.bincount(dst, length=N).astype(jnp.float32), 1.0, None)
    norm = (degs ** -0.5)[:, None]
    # dropout = 0.0 -> identity
    mean, var = _robust_conv(feat, feat, W1m, b1m, W1v, b1v, src, dst, norm, True)
    mean, var = _robust_conv(mean, var, W2m, b2m, W2v, b2v, src, dst, norm, False)
    std = jnp.sqrt(var + 1e-8)
    eps = jax.random.normal(jax.random.key(42), std.shape, dtype=std.dtype)
    z = eps * std + mean
    return z

if __name__ == "__main__":
    import jax
    _d = setup_inputs()
    print(jax.jit(kernel)(*tuple(_d.values())))

</pallas_src>

<mosaic_0001>
#map = affine_map<(d0, d1) -> (0, 0)>
#map1 = affine_map<(d0, d1) -> (0, 0, 0)>
module attributes {stable_mosaic.version = 14 : i64} {
  func.func @_agg_body(%arg0: i32, %arg1: i32, %arg2: memref<800000x16xf32, #tpu.memory_space<hbm>>, %arg3: memref<25088x128xi32, #tpu.memory_space<hbm>>, %arg4: memref<25088x128xi32, #tpu.memory_space<hbm>>, %arg5: memref<3128x16xf32, #tpu.memory_space<hbm>>, %arg6: memref<8x100096x16xf32, #tpu.memory_space<hbm>>, %arg7: memref<100096x16xf32, #tpu.memory_space<vmem_shared>>, %arg8: memref<56x128xi32, #tpu.memory_space<vmem>>, %arg9: memref<56x128xi32, #tpu.memory_space<vmem>>, %arg10: memref<56x128xi32, #tpu.memory_space<vmem>>, %arg11: memref<4x128x16xf32, #tpu.memory_space<vmem>>, %arg12: memref<!tpu.dma_semaphore, #tpu.memory_space<semaphore_mem>>, %arg13: memref<!tpu.dma_semaphore, #tpu.memory_space<semaphore_mem>>) attributes {dimension_semantics = [#tpu.dimension_semantics<core_parallel>, #tpu.dimension_semantics<subcore_parallel>], iteration_bounds = array<i64: 2, 16>, scalar_prefetch = 0 : i64, scratch_operands = 7 : i64, tpu.core_type = #tpu.core_type<sc_vector_subcore>, window_params = [{transform_indices = #map}, {transform_indices = #map}, {transform_indices = #map}, {transform_indices = #map}, {transform_indices = #map1}]} {
    %mul3A = arith.constant 3128 : i32
    %mul3A_0 = arith.muli %arg1, %mul3A : i32
    %mul3A_1 = arith.constant 1568 : i32
    %mul3A_2 = arith.muli %arg1, %mul3A_1 : i32
    %mul3A_3 = arith.constant 4 : i32
    %mul3A_4 = arith.muli %arg0, %mul3A_3 : i32
    %add3A = arith.constant 0 : i32
    %add3A_5 = arith.addi %mul3A_4, %add3A : i32
    "tpu.region"() ({
      %run_scoped3A = tpu.sem_alloc : memref<!tpu.dma_semaphore, #tpu.memory_space<semaphore_mem>>
      %dma_start3A = arith.constant 0 : i32
      %dma_start3A_52 = tpu.memref_slice %arg7[%mul3A_0, %dma_start3A] : memref<100096x16xf32, #tpu.memory_space<vmem_shared>> -> memref<3128x16xf32, #tpu.memory_space<vmem_shared>>
      tpu.enqueue_dma source(%arg5 : memref<3128x16xf32, #tpu.memory_space<hbm>>) target(%dma_start3A_52 : memref<3128x16xf32, #tpu.memory_space<vmem_shared>>) target_semaphore(%run_scoped3A : memref<!tpu.dma_semaphore, #tpu.memory_space<semaphore_mem>>)
      %dma_wait3A = arith.constant 0 : i32
      %dma_wait3A_53 = tpu.memref_slice %arg7[%mul3A_0, %dma_wait3A] : memref<100096x16xf32, #tpu.memory_space<vmem_shared>> -> memref<3128x16xf32, #tpu.memory_space<vmem_shared>>
      tpu.wait_dma2 semaphore(%run_scoped3A : memref<!tpu.dma_semaphore, #tpu.memory_space<semaphore_mem>>) src(%arg5 : memref<3128x16xf32, #tpu.memory_space<hbm>>) dst(%dma_wait3A_53 : memref<3128x16xf32, #tpu.memory_space<vmem_shared>>)
      tpu.yield
    }) : () -> ()
    %barrier3A = arith.constant 0 : index
    tpu.barrier barrier_id(%barrier3A)
    %scan3A = arith.constant 0 : i32
    %scan3A_6 = arith.constant 0 : i32
    %scan3A_7 = arith.constant 28 : i32
    %scan3A_8 = arith.addi %scan3A_6, %scan3A_7 : i32
    %scan3A_9 = arith.constant 1 : i32
    scf.for %scan3A_52 = %scan3A_6 to %scan3A_8 step %scan3A_9  : i32 {
      %mul3A_53 = arith.constant 56 : i32
      %mul3A_54 = arith.muli %scan3A_52, %mul3A_53 : i32
      %add3A_55 = arith.addi %mul3A_2, %mul3A_54 : i32
      "tpu.region"() ({
        %run_scoped3A = tpu.sem_alloc : memref<!tpu.dma_semaphore, #tpu.memory_space<semaphore_mem>>
        %dma_start3A_114 = arith.constant 0 : i32
        %dma_start3A_115 = tpu.memref_slice %arg3[%add3A_55, %dma_start3A_114] : memref<25088x128xi32, #tpu.memory_space<hbm>> -> memref<56x128xi32, #tpu.memory_space<hbm>>
        %dma_start3A_116 = arith.constant 0 : i32
        %dma_start3A_117 = tpu.memref_slice %arg3[%add3A_55, %dma_start3A_116] : memref<25088x128xi32, #tpu.memory_space<hbm>> -> memref<56x128xi32, #tpu.memory_space<hbm>>
        tpu.enqueue_dma source(%dma_start3A_117 : memref<56x128xi32, #tpu.memory_space<hbm>>) target(%arg8 : memref<56x128xi32, #tpu.memory_space<vmem>>) target_semaphore(%run_scoped3A : memref<!tpu.dma_semaphore, #tpu.memory_space<semaphore_mem>>)
        %dma_wait3A_118 = arith.constant 0 : i32
        %dma_wait3A_119 = tpu.memref_slice %arg3[%add3A_55, %dma_wait3A_118] : memref<25088x128xi32, #tpu.memory_space<hbm>> -> memref<56x128xi32, #tpu.memory_space<hbm>>
        %dma_wait3A_120 = arith.constant 0 : i32
        %dma_wait3A_121 = tpu.memref_slice %arg3[%add3A_55, %dma_wait3A_120] : memref<25088x128xi32, #tpu.memory_space<hbm>> -> memref<56x128xi32, #tpu.memory_space<hbm>>
        tpu.wait_dma2 semaphore(%run_scoped3A : memref<!tpu.dma_semaphore, #tpu.memory_space<semaphore_mem>>) src(%dma_wait3A_121 : memref<56x128xi32, #tpu.memory_space<hbm>>) dst(%arg8 : memref<56x128xi32, #tpu.memory_space<vmem>>)
        tpu.yield
      }) : () -> ()
      "tpu.region"() ({
        %run_scoped3A = tpu.sem_alloc : memref<!tpu.dma_semaphore, #tpu.memory_space<semaphore_mem>>
        %dma_start3A_114 = arith.constant 0 : i32
        %dma_start3A_115 = tpu.memref_slice %arg4[%add3A_55, %dma_start3A_114] : memref<25088x128xi32, #tpu.memory_space<hbm>> -> memref<56x128xi32, #tpu.memory_space<hbm>>
        %dma_start3A_116 = arith.constant 0 : i32
        %dma_start3A_117 = tpu.memref_slice %arg4[%add3A_55, %dma_start3A_116] : memref<25088x128xi32, #tpu.memory_space<hbm>> -> memref<56x128xi32, #tpu.memory_space<hbm>>
        tpu.enqueue_dma source(%dma_start3A_117 : memref<56x128xi32, #tpu.memory_space<hbm>>) target(%arg9 : memref<56x128xi32, #tpu.memory_space<vmem>>) target_semaphore(%run_scoped3A : memref<!tpu.dma_semaphore, #tpu.memory_space<semaphore_mem>>)
        %dma_wait3A_118 = arith.constant 0 : i32
        %dma_wait3A_119 = tpu.memref_slice %arg4[%add3A_55, %dma_wait3A_118] : memref<25088x128xi32, #tpu.memory_space<hbm>> -> memref<56x128xi32, #tpu.memory_space<hbm>>
        %dma_wait3A_120 = arith.constant 0 : i32
        %dma_wait3A_121 = tpu.memref_slice %arg4[%add3A_55, %dma_wait3A_120] : memref<25088x128xi32, #tpu.memory_space<hbm>> -> memref<56x128xi32, #tpu.memory_space<hbm>>
        tpu.wait_dma2 semaphore(%run_scoped3A : memref<!tpu.dma_semaphore, #tpu.memory_space<semaphore_mem>>) src(%dma_wait3A_121 : memref<56x128xi32, #tpu.memory_space<hbm>>) dst(%arg9 : memref<56x128xi32, #tpu.memory_space<vmem>>)
        tpu.yield
      }) : () -> ()
      %scan3A_56 = arith.constant 0 : i32
      %scan3A_57 = arith.constant 0 : i32
      %scan3A_58 = arith.constant 56 : i32
      %scan3A_59 = arith.addi %scan3A_57, %scan3A_58 : i32
      %scan3A_60 = arith.constant 1 : i32
      scf.for %scan3A_114 = %scan3A_57 to %scan3A_59 step %scan3A_60  : i32 {
        %get3A = arith.index_cast %scan3A_114 : i32 to index
        %get3A_115 = arith.constant 0 : index
        %get3A_116 = tpu.vector_load %arg8[%get3A, %get3A_115] {strides = array<i32>} : memref<56x128xi32, #tpu.memory_space<vmem>>, vector<1x16xi32>,
        %get3A_117 = vector.shape_cast %get3A_116 : vector<1x16xi32> to vector<16xi32>
        %mul3A_118 = arith.constant 8 : i32
        %mul3A_119 = vector.broadcast %mul3A_118 : i32 to vector<16xi32>
        %mul3A_120 = arith.muli %get3A_117, %mul3A_119 : vector<16xi32>
        %add3A_121 = vector.broadcast %add3A_5 : i32 to vector<16xi32>
        %add3A_122 = arith.addi %mul3A_120, %add3A_121 : vector<16xi32>
        %swap3A = arith.index_cast %scan3A_114 : i32 to index
        %swap3A_123 = arith.constant 0 : index
        %swap3A_124 = tpu.vector_load %arg10[%swap3A, %swap3A_123] {strides = array<i32>} : memref<56x128xi32, #tpu.memory_space<vmem>>, vector<1x16xi32>,
        %swap3A_125 = vector.shape_cast %swap3A_124 : vector<1x16xi32> to vector<16xi32>
        %swap3A_126 = vector.shape_cast %add3A_122 : vector<16xi32> to vector<1x16xi32>
        tpu.vector_store %arg10[%swap3A, %swap3A_123], %swap3A_126 {strides = array<i32>} : memref<56x128xi32, #tpu.memory_space<vmem>>, vector<1x16xi32>,
        %get3A_127 = arith.index_cast %scan3A_114 : i32 to index
        %get3A_128 = arith.constant 16 : index
        %get3A_129 = tpu.vector_load %arg8[%get3A_127, %get3A_128] {strides = array<i32>} : memref<56x128xi32, #tpu.memory_space<vmem>>, vector<1x16xi32>,
        %get3A_130 = vector.shape_cast %get3A_129 : vector<1x16xi32> to vector<16xi32>
        %mul3A_131 = arith.constant 8 : i32
        %mul3A_132 = vector.broadcast %mul3A_131 : i32 to vector<16xi32>
        %mul3A_133 = arith.muli %get3A_130, %mul3A_132 : vector<16xi32>
        %add3A_134 = vector.broadcast %add3A_5 : i32 to vector<16xi32>
        %add3A_135 = arith.addi %mul3A_133, %add3A_134 : vector<16xi32>
        %swap3A_136 = arith.index_cast %scan3A_114 : i32 to index
        %swap3A_137 = arith.constant 16 : index
        %swap3A_138 = tpu.vector_load %arg10[%swap3A_136, %swap3A_137] {strides = array<i32>} : memref<56x128xi32, #tpu.memory_space<vmem>>, vector<1x16xi32>,
        %swap3A_139 = vector.shape_cast %swap3A_138 : vector<1x16xi32> to vector<16xi32>
        %swap3A_140 = vector.shape_cast %add3A_135 : vector<16xi32> to vector<1x16xi32>
        tpu.vector_store %arg10[%swap3A_136, %swap3A_137], %swap3A_140 {strides = array<i32>} : memref<56x128xi32, #tpu.memory_space<vmem>>, vector<1x16xi32>,
        %get3A_141 = arith.index_cast %scan3A_114 : i32 to index
        %get3A_142 = arith.constant 32 : index
        %get3A_143 = tpu.vector_load %arg8[%get3A_141, %get3A_142] {strides = array<i32>} : memref<56x128xi32, #tpu.memory_space<vmem>>, vector<1x16xi32>,
        %get3A_144 = vector.shape_cast %get3A_143 : vector<1x16xi32> to vector<16xi32>
        %mul3A_145 = arith.constant 8 : i32
        %mul3A_146 = vector.broadcast %mul3A_145 : i32 to vector<16xi32>
        %mul3A_147 = arith.muli %get3A_144, %mul3A_146 : vector<16xi32>
        %add3A_148 = vector.broadcast %add3A_5 : i32 to vector<16xi32>
        %add3A_149 = arith.addi %mul3A_147, %add3A_148 : vector<16xi32>
        %swap3A_150 = arith.index_cast %scan3A_114 : i32 to index
        %swap3A_151 = arith.constant 32 : index
        %swap3A_152 = tpu.vector_load %arg10[%swap3A_150, %swap3A_151] {strides = array<i32>} : memref<56x128xi32, #tpu.memory_space<vmem>>, vector<1x16xi32>,
        %swap3A_153 = vector.shape_cast %swap3A_152 : vector<1x16xi32> to vector<16xi32>
        %swap3A_154 = vector.shape_cast %add3A_149 : vector<16xi32> to vector<1x16xi32>
        tpu.vector_store %arg10[%swap3A_150, %swap3A_151], %swap3A_154 {strides = array<i32>} : memref<56x128xi32, #tpu.memory_space<vmem>>, vector<1x16xi32>,
        %get3A_155 = arith.index_cast %scan3A_114 : i32 to index
        %get3A_156 = arith.constant 48 : index
        %get3A_157 = tpu.vector_load %arg8[%get3A_155, %get3A_156] {strides = array<i32>} : memref<56x128xi32, #tpu.memory_space<vmem>>, vector<1x16xi32>,
        %get3A_158 = vector.shape_cast %get3A_157 : vector<1x16xi32> to vector<16xi32>
        %mul3A_159 = arith.constant 8 : i32
        %mul3A_160 = vector.broadcast %mul3A_159 : i32 to vector<16xi32>
        %mul3A_161 = arith.muli %get3A_158, %mul3A_160 : vector<16xi32>
        %add3A_162 = vector.broadcast %add3A_5 : i32 to vector<16xi32>
        %add3A_163 = arith.addi %mul3A_161, %add3A_162 : vector<16xi32>
        %swap3A_164 = arith.index_cast %scan3A_114 : i32 to index
        %swap3A_165 = arith.constant 48 : index
        %swap3A_166 = tpu.vector_load %arg10[%swap3A_164, %swap3A_165] {strides = array<i32>} : memref<56x128xi32, #tpu.memory_space<vmem>>, vector<1x16xi32>,
        %swap3A_167 = vector.shape_cast %swap3A_166 : vector<1x16xi32> to vector<16xi32>
        %swap3A_168 = vector.shape_cast %add3A_163 : vector<16xi32> to vector<1x16xi32>
        tpu.vector_store %arg10[%swap3A_164, %swap3A_165], %swap3A_168 {strides = array<i32>} : memref<56x128xi32, #tpu.memory_space<vmem>>, vector<1x16xi32>,
        %get3A_169 = arith.index_cast %scan3A_114 : i32 to index
        %get3A_170 = arith.constant 64 : index
        %get3A_171 = tpu.vector_load %arg8[%get3A_169, %get3A_170] {strides = array<i32>} : memref<56x128xi32, #tpu.memory_space<vmem>>, vector<1x16xi32>,
        %get3A_172 = vector.shape_cast %get3A_171 : vector<1x16xi32> to vector<16xi32>
        %mul3A_173 = arith.constant 8 : i32
        %mul3A_174 = vector.broadcast %mul3A_173 : i32 to vector<16xi32>
        %mul3A_175 = arith.muli %get3A_172, %mul3A_174 : vector<16xi32>
        %add3A_176 = vector.broadcast %add3A_5 : i32 to vector<16xi32>
        %add3A_177 = arith.addi %mul3A_175, %add3A_176 : vector<16xi32>
        %swap3A_178 = arith.index_cast %scan3A_114 : i32 to index
        %swap3A_179 = arith.constant 64 : index
        %swap3A_180 = tpu.vector_load %arg10[%swap3A_178, %swap3A_179] {strides = array<i32>} : memref<56x128xi32, #tpu.memory_space<vmem>>, vector<1x16xi32>,
        %swap3A_181 = vector.shape_cast %swap3A_180 : vector<1x16xi32> to vector<16xi32>
        %swap3A_182 = vector.shape_cast %add3A_177 : vector<16xi32> to vector<1x16xi32>
        tpu.vector_store %arg10[%swap3A_178, %swap3A_179], %swap3A_182 {strides = array<i32>} : memref<56x128xi32, #tpu.memory_space<vmem>>, vector<1x16xi32>,
        %get3A_183 = arith.index_cast %scan3A_114 : i32 to index
        %get3A_184 = arith.constant 80 : index
        %get3A_185 = tpu.vector_load %arg8[%get3A_183, %get3A_184] {strides = array<i32>} : memref<56x128xi32, #tpu.memory_space<vmem>>, vector<1x16xi32>,
        %get3A_186 = vector.shape_cast %get3A_185 : vector<1x16xi32> to vector<16xi32>
        %mul3A_187 = arith.constant 8 : i32
        %mul3A_188 = vector.broadcast %mul3A_187 : i32 to vector<16xi32>
        %mul3A_189 = arith.muli %get3A_186, %mul3A_188 : vector<16xi32>
        %add3A_190 = vector.broadcast %add3A_5 : i32 to vector<16xi32>
        %add3A_191 = arith.addi %mul3A_189, %add3A_190 : vector<16xi32>
        %swap3A_192 = arith.index_cast %scan3A_114 : i32 to index
        %swap3A_193 = arith.constant 80 : index
        %swap3A_194 = tpu.vector_load %arg10[%swap3A_192, %swap3A_193] {strides = array<i32>} : memref<56x128xi32, #tpu.memory_space<vmem>>, vector<1x16xi32>,
        %swap3A_195 = vector.shape_cast %swap3A_194 : vector<1x16xi32> to vector<16xi32>
        %swap3A_196 = vector.shape_cast %add3A_191 : vector<16xi32> to vector<1x16xi32>
        tpu.vector_store %arg10[%swap3A_192, %swap3A_193], %swap3A_196 {strides = array<i32>} : memref<56x128xi32, #tpu.memory_space<vmem>>, vector<1x16xi32>,
        %get3A_197 = arith.index_cast %scan3A_114 : i32 to index
        %get3A_198 = arith.constant 96 : index
        %get3A_199 = tpu.vector_load %arg8[%get3A_197, %get3A_198] {strides = array<i32>} : memref<56x128xi32, #tpu.memory_space<vmem>>, vector<1x16xi32>,
        %get3A_200 = vector.shape_cast %get3A_199 : vector<1x16xi32> to vector<16xi32>
        %mul3A_201 = arith.constant 8 : i32
        %mul3A_202 = vector.broadcast %mul3A_201 : i32 to vector<16xi32>
        %mul3A_203 = arith.muli %get3A_200, %mul3A_202 : vector<16xi32>
        %add3A_204 = vector.broadcast %add3A_5 : i32 to vector<16xi32>
        %add3A_205 = arith.addi %mul3A_203, %add3A_204 : vector<16xi32>
        %swap3A_206 = arith.index_cast %scan3A_114 : i32 to index
        %swap3A_207 = arith.constant 96 : index
        %swap3A_208 = tpu.vector_load %arg10[%swap3A_206, %swap3A_207] {strides = array<i32>} : memref<56x128xi32, #tpu.memory_space<vmem>>, vector<1x16xi32>,
        %swap3A_209 = vector.shape_cast %swap3A_208 : vector<1x16xi32> to vector<16xi32>
        %swap3A_210 = vector.shape_cast %add3A_205 : vector<16xi32> to vector<1x16xi32>
        tpu.vector_store %arg10[%swap3A_206, %swap3A_207], %swap3A_210 {strides = array<i32>} : memref<56x128xi32, #tpu.memory_space<vmem>>, vector<1x16xi32>,
        %get3A_211 = arith.index_cast %scan3A_114 : i32 to index
        %get3A_212 = arith.constant 112 : index
        %get3A_213 = tpu.vector_load %arg8[%get3A_211, %get3A_212] {strides = array<i32>} : memref<56x128xi32, #tpu.memory_space<vmem>>, vector<1x16xi32>,
        %get3A_214 = vector.shape_cast %get3A_213 : vector<1x16xi32> to vector<16xi32>
        %mul3A_215 = arith.constant 8 : i32
        %mul3A_216 = vector.broadcast %mul3A_215 : i32 to vector<16xi32>
        %mul3A_217 = arith.muli %get3A_214, %mul3A_216 : vector<16xi32>
        %add3A_218 = vector.broadcast %add3A_5 : i32 to vector<16xi32>
        %add3A_219 = arith.addi %mul3A_217, %add3A_218 : vector<16xi32>
        %swap3A_220 = arith.index_cast %scan3A_114 : i32 to index
        %swap3A_221 = arith.constant 112 : index
        %swap3A_222 = tpu.vector_load %arg10[%swap3A_220, %swap3A_221] {strides = array<i32>} : memref<56x128xi32, #tpu.memory_space<vmem>>, vector<1x16xi32>,
        %swap3A_223 = vector.shape_cast %swap3A_222 : vector<1x16xi32> to vector<16xi32>
        %swap3A_224 = vector.shape_cast %add3A_219 : vector<16xi32> to vector<1x16xi32>
        tpu.vector_store %arg10[%swap3A_220, %swap3A_221], %swap3A_224 {strides = array<i32>} : memref<56x128xi32, #tpu.memory_space<vmem>>, vector<1x16xi32>,
      }
      %scan3A_61 = arith.constant 56 : i32
      %dma_start3A = arith.constant 0 : i32
      %dma_start3A_62 = arith.constant 0 : i32
      %dma_start3A_63 = arith.constant 0 : i32
      %dma_start3A_64 = arith.constant 0 : i32
      %dma_start3A_65 = tpu.memref_slice %arg11[%dma_start3A_62, %dma_start3A_63, %dma_start3A_64] : memref<4x128x16xf32, #tpu.memory_space<vmem>> -> memref<1x128x16xf32, #tpu.memory_space<vmem>>
      %dma_start3A_66 = tpu.memref_squeeze %dma_start3A_65 : memref<1x128x16xf32, #tpu.memory_space<vmem>> -> memref<128x16xf32, #tpu.memory_space<vmem>>
      %dma_start3A_67 = arith.constant 0 : i32
      %dma_start3A_68 = tpu.memref_slice %arg10[%dma_start3A, %dma_start3A_67] : memref<56x128xi32, #tpu.memory_space<vmem>> -> memref<1x128xi32, #tpu.memory_space<vmem>>
      %dma_start3A_69 = tpu.memref_squeeze %dma_start3A_68 : memref<1x128xi32, #tpu.memory_space<vmem>> -> memref<128xi32, #tpu.memory_space<vmem>>
      %dma_start3A_70 = arith.constant 0 : i32
      %dma_start3A_71 = arith.constant 0 : i32
      %dma_start3A_72 = tpu.memref_slice %arg2[%dma_start3A_70, %dma_start3A_71] : memref<800000x16xf32, #tpu.memory_space<hbm>> -> memref<800000x16xf32, #tpu.memory_space<hbm>>
      tpu.enqueue_indirect_dma source(%dma_start3A_72 : memref<800000x16xf32, #tpu.memory_space<hbm>>) target(%dma_start3A_66 : memref<128x16xf32, #tpu.memory_space<vmem>>) offsets(%dma_start3A_69 : memref<128xi32, #tpu.memory_space<vmem>>) semaphore(%arg12 : memref<!tpu.dma_semaphore, #tpu.memory_space<semaphore_mem>>)
      %dma_start3A_73 = arith.constant 1 : i32
      %dma_start3A_74 = arith.constant 1 : i32
      %dma_start3A_75 = arith.constant 0 : i32
      %dma_start3A_76 = arith.constant 0 : i32
      %dma_start3A_77 = tpu.memref_slice %arg11[%dma_start3A_74, %dma_start3A_75, %dma_start3A_76] : memref<4x128x16xf32, #tpu.memory_space<vmem>> -> memref<1x128x16xf32, #tpu.memory_space<vmem>>
      %dma_start3A_78 = tpu.memref_squeeze %dma_start3A_77 : memref<1x128x16xf32, #tpu.memory_space<vmem>> -> memref<128x16xf32, #tpu.memory_space<vmem>>
      %dma_start3A_79 = arith.constant 0 : i32
      %dma_start3A_80 = tpu.memref_slice %arg10[%dma_start3A_73, %dma_start3A_79] : memref<56x128xi32, #tpu.memory_space<vmem>> -> memref<1x128xi32, #tpu.memory_space<vmem>>
      %dma_start3A_81 = tpu.memref_squeeze %dma_start3A_80 : memref<1x128xi32, #tpu.memory_space<vmem>> -> memref<128xi32, #tpu.memory_space<vmem>>
      %dma_start3A_82 = arith.constant 0 : i32
      %dma_start3A_83 = arith.constant 0 : i32
      %dma_start3A_84 = tpu.memref_slice %arg2[%dma_start3A_82, %dma_start3A_83] : memref<800000x16xf32, #tpu.memory_space<hbm>> -> memref<800000x16xf32, #tpu.memory_space<hbm>>
      tpu.enqueue_indirect_dma source(%dma_start3A_84 : memref<800000x16xf32, #tpu.memory_space<hbm>>) target(%dma_start3A_78 : memref<128x16xf32, #tpu.memory_space<vmem>>) offsets(%dma_start3A_81 : memref<128xi32, #tpu.memory_space<vmem>>) semaphore(%arg12 : memref<!tpu.dma_semaphore, #tpu.memory_space<semaphore_mem>>)
      %scan3A_85 = arith.constant 0 : i32
      %scan3A_86 = arith.constant 0 : i32
      %scan3A_87 = arith.constant 56 : i32
      %scan3A_88 = arith.addi %scan3A_86, %scan3A_87 : i32
      %scan3A_89 = arith.constant 1 : i32
      scf.for %scan3A_114 = %scan3A_86 to %scan3A_88 step %scan3A_89  : i32 {
        %ge3A = arith.constant 2 : i32
        %ge3A_115 = arith.cmpi sge, %scan3A_114, %ge3A : i32
        %convert_element_type3A = arith.extui %ge3A_115 : i1 to i32
        %cond3A = arith.constant 0 : i32
        %cond3A_116 = arith.cmpi ne, %convert_element_type3A, %cond3A : i32
        scf.if %cond3A_116 {
          %sub3A = arith.constant 2 : i32
          %sub3A_169 = arith.subi %scan3A_114, %sub3A : i32
          %jit3A_170 = arith.constant 4 : i32
          %eq3A_171 = arith.constant 0 : i32
          %eq3A_172 = arith.cmpi eq, %jit3A_170, %eq3A_171 : i32
          %jit3A_173 = arith.constant 1 : i32
          %select_n3A_174 = arith.select %eq3A_172, %jit3A_173, %jit3A_170 : i32
          %rem3A_175 = arith.remsi %sub3A_169, %select_n3A_174 : i32
          %ne3A_176 = arith.constant 0 : i32
          %ne3A_177 = arith.cmpi ne, %rem3A_175, %ne3A_176 : i32
          %lt3A_178 = arith.constant 0 : i32
          %lt3A_179 = arith.cmpi slt, %rem3A_175, %lt3A_178 : i32
          %lt3A_180 = arith.constant 0 : i32
          %lt3A_181 = arith.cmpi slt, %select_n3A_174, %lt3A_180 : i32
          %ne3A_182 = arith.xori %lt3A_179, %lt3A_181 : i1
          %and3A_183 = arith.andi %ne3A_182, %ne3A_177 : i1
          %add3A_184 = arith.addi %rem3A_175, %select_n3A_174 : i32
          %select_n3A_185 = arith.select %and3A_183, %add3A_184, %rem3A_175 : i32
          %sub3A_186 = arith.constant 2 : i32
          %sub3A_187 = arith.subi %scan3A_114, %sub3A_186 : i32
          %dma_wait3A_188 = arith.constant 0 : i32
          %dma_wait3A_189 = arith.constant 0 : i32
          %dma_wait3A_190 = tpu.memref_slice %arg11[%select_n3A_185, %dma_wait3A_188, %dma_wait3A_189] : memref<4x128x16xf32, #tpu.memory_space<vmem>> -> memref<1x128x16xf32, #tpu.memory_space<vmem>>
          %dma_wait3A_191 = tpu.memref_squeeze %dma_wait3A_190 : memref<1x128x16xf32, #tpu.memory_space<vmem>> -> memref<128x16xf32, #tpu.memory_space<vmem>>
          %dma_wait3A_192 = arith.constant 0 : i32
          %dma_wait3A_193 = tpu.memref_slice %arg9[%sub3A_187, %dma_wait3A_192] : memref<56x128xi32, #tpu.memory_space<vmem>> -> memref<1x128xi32, #tpu.memory_space<vmem>>
          %dma_wait3A_194 = tpu.memref_squeeze %dma_wait3A_193 : memref<1x128xi32, #tpu.memory_space<vmem>> -> memref<128xi32, #tpu.memory_space<vmem>>
          %dma_wait3A_195 = arith.constant 0 : i32
          %dma_wait3A_196 = arith.constant 0 : i32
          %dma_wait3A_197 = tpu.memref_slice %arg7[%dma_wait3A_195, %dma_wait3A_196] : memref<100096x16xf32, #tpu.memory_space<vmem_shared>> -> memref<100096x16xf32, #tpu.memory_space<vmem_shared>>
          tpu.wait_indirect_dma semaphore(%arg13 : memref<!tpu.dma_semaphore, #tpu.memory_space<semaphore_mem>>) src(%dma_wait3A_191 : memref<128x16xf32, #tpu.memory_space<vmem>>) dst(%dma_wait3A_197 : memref<100096x16xf32, #tpu.memory_space<vmem_shared>>)
        } else {
        }
        %add3A_117 = arith.constant 2 : i32
        %add3A_118 = arith.addi %scan3A_114, %add3A_117 : i32
        %lt3A = arith.constant 56 : i32
        %lt3A_119 = arith.cmpi slt, %add3A_118, %lt3A : i32
        %convert_element_type3A_120 = arith.extui %lt3A_119 : i1 to i32
        %cond3A_121 = arith.constant 0 : i32
        %cond3A_122 = arith.cmpi ne, %convert_element_type3A_120, %cond3A_121 : i32
        scf.if %cond3A_122 {
          %add3A_169 = arith.constant 2 : i32
          %add3A_170 = arith.addi %scan3A_114, %add3A_169 : i32
          %add3A_171 = arith.constant 2 : i32
          %add3A_172 = arith.addi %scan3A_114, %add3A_171 : i32
          %jit3A_173 = arith.constant 4 : i32
          %eq3A_174 = arith.constant 0 : i32
          %eq3A_175 = arith.cmpi eq, %jit3A_173, %eq3A_174 : i32
          %jit3A_176 = arith.constant 1 : i32
          %select_n3A_177 = arith.select %eq3A_175, %jit3A_176, %jit3A_173 : i32
          %rem3A_178 = arith.remsi %add3A_172, %select_n3A_177 : i32
          %ne3A_179 = arith.constant 0 : i32
          %ne3A_180 = arith.cmpi ne, %rem3A_178, %ne3A_179 : i32
          %lt3A_181 = arith.constant 0 : i32
          %lt3A_182 = arith.cmpi slt, %rem3A_178, %lt3A_181 : i32
          %lt3A_183 = arith.constant 0 : i32
          %lt3A_184 = arith.cmpi slt, %select_n3A_177, %lt3A_183 : i32
          %ne3A_185 = arith.xori %lt3A_182, %lt3A_184 : i1
          %and3A_186 = arith.andi %ne3A_185, %ne3A_180 : i1
          %add3A_187 = arith.addi %rem3A_178, %select_n3A_177 : i32
          %select_n3A_188 = arith.select %and3A_186, %add3A_187, %rem3A_178 : i32
          %dma_start3A_189 = arith.constant 0 : i32
          %dma_start3A_190 = arith.constant 0 : i32
          %dma_start3A_191 = tpu.memref_slice %arg11[%select_n3A_188, %dma_start3A_189, %dma_start3A_190] : memref<4x128x16xf32, #tpu.memory_space<vmem>> -> memref<1x128x16xf32, #tpu.memory_space<vmem>>
          %dma_start3A_192 = tpu.memref_squeeze %dma_start3A_191 : memref<1x128x16xf32, #tpu.memory_space<vmem>> -> memref<128x16xf32, #tpu.memory_space<vmem>>
          %dma_start3A_193 = arith.constant 0 : i32
          %dma_start3A_194 = tpu.memref_slice %arg10[%add3A_170, %dma_start3A_193] : memref<56x128xi32, #tpu.memory_space<vmem>> -> memref<1x128xi32, #tpu.memory_space<vmem>>
          %dma_start3A_195 = tpu.memref_squeeze %dma_start3A_194 : memref<1x128xi32, #tpu.memory_space<vmem>> -> memref<128xi32, #tpu.memory_space<vmem>>
          %dma_start3A_196 = arith.constant 0 : i32
          %dma_start3A_197 = arith.constant 0 : i32
          %dma_start3A_198 = tpu.memref_slice %arg2[%dma_start3A_196, %dma_start3A_197] : memref<800000x16xf32, #tpu.memory_space<hbm>> -> memref<800000x16xf32, #tpu.memory_space<hbm>>
          tpu.enqueue_indirect_dma source(%dma_start3A_198 : memref<800000x16xf32, #tpu.memory_space<hbm>>) target(%dma_start3A_192 : memref<128x16xf32, #tpu.memory_space<vmem>>) offsets(%dma_start3A_195 : memref<128xi32, #tpu.memory_space<vmem>>) semaphore(%arg12 : memref<!tpu.dma_semaphore, #tpu.memory_space<semaphore_mem>>)
        } else {
        }
        %jit3A = arith.constant 4 : i32
        %eq3A = arith.constant 0 : i32
        %eq3A_123 = arith.cmpi eq, %jit3A, %eq3A : i32
        %jit3A_124 = arith.constant 1 : i32
        %select_n3A = arith.select %eq3A_123, %jit3A_124, %jit3A : i32
        %rem3A = arith.remsi %scan3A_114, %select_n3A : i32
        %ne3A = arith.constant 0 : i32
        %ne3A_125 = arith.cmpi ne, %rem3A, %ne3A : i32
        %lt3A_126 = arith.constant 0 : i32
        %lt3A_127 = arith.cmpi slt, %rem3A, %lt3A_126 : i32
        %lt3A_128 = arith.constant 0 : i32
        %lt3A_129 = arith.cmpi slt, %select_n3A, %lt3A_128 : i32
        %ne3A_130 = arith.xori %lt3A_127, %lt3A_129 : i1
        %and3A = arith.andi %ne3A_130, %ne3A_125 : i1
        %add3A_131 = arith.addi %rem3A, %select_n3A : i32
        %select_n3A_132 = arith.select %and3A, %add3A_131, %rem3A : i32
        %dma_wait3A_133 = arith.constant 0 : i32
        %dma_wait3A_134 = arith.constant 0 : i32
        %dma_wait3A_135 = tpu.memref_slice %arg11[%select_n3A_132, %dma_wait3A_133, %dma_wait3A_134] : memref<4x128x16xf32, #tpu.memory_space<vmem>> -> memref<1x128x16xf32, #tpu.memory_space<vmem>>
        %dma_wait3A_136 = tpu.memref_squeeze %dma_wait3A_135 : memref<1x128x16xf32, #tpu.memory_space<vmem>> -> memref<128x16xf32, #tpu.memory_space<vmem>>
        %dma_wait3A_137 = arith.constant 0 : i32
        %dma_wait3A_138 = tpu.memref_slice %arg10[%scan3A_114, %dma_wait3A_137] : memref<56x128xi32, #tpu.memory_space<vmem>> -> memref<1x128xi32, #tpu.memory_space<vmem>>
        %dma_wait3A_139 = tpu.memref_squeeze %dma_wait3A_138 : memref<1x128xi32, #tpu.memory_space<vmem>> -> memref<128xi32, #tpu.memory_space<vmem>>
        %dma_wait3A_140 = arith.constant 0 : i32
        %dma_wait3A_141 = arith.constant 0 : i32
        %dma_wait3A_142 = tpu.memref_slice %arg2[%dma_wait3A_140, %dma_wait3A_141] : memref<800000x16xf32, #tpu.memory_space<hbm>> -> memref<800000x16xf32, #tpu.memory_space<hbm>>
        tpu.wait_indirect_dma semaphore(%arg12 : memref<!tpu.dma_semaphore, #tpu.memory_space<semaphore_mem>>) src(%dma_wait3A_142 : memref<800000x16xf32, #tpu.memory_space<hbm>>) dst(%dma_wait3A_136 : memref<128x16xf32, #tpu.memory_space<vmem>>)
        %jit3A_143 = arith.constant 4 : i32
        %eq3A_144 = arith.constant 0 : i32
        %eq3A_145 = arith.cmpi eq, %jit3A_143, %eq3A_144 : i32
        %jit3A_146 = arith.constant 1 : i32
        %select_n3A_147 = arith.select %eq3A_145, %jit3A_146, %jit3A_143 : i32
        %rem3A_148 = arith.remsi %scan3A_114, %select_n3A_147 : i32
        %ne3A_149 = arith.constant 0 : i32
        %ne3A_150 = arith.cmpi ne, %rem3A_148, %ne3A_149 : i32
        %lt3A_151 = arith.constant 0 : i32
        %lt3A_152 = arith.cmpi slt, %rem3A_148, %lt3A_151 : i32
        %lt3A_153 = arith.constant 0 : i32
        %lt3A_154 = arith.cmpi slt, %select_n3A_147, %lt3A_153 : i32
        %ne3A_155 = arith.xori %lt3A_152, %lt3A_154 : i1
        %and3A_156 = arith.andi %ne3A_155, %ne3A_150 : i1
        %add3A_157 = arith.addi %rem3A_148, %select_n3A_147 : i32
        %select_n3A_158 = arith.select %and3A_156, %add3A_157, %rem3A_148 : i32
        %dma_start3A_159 = arith.constant 0 : i32
        %dma_start3A_160 = arith.constant 0 : i32
        %dma_start3A_161 = tpu.memref_slice %arg11[%select_n3A_158, %dma_start3A_159, %dma_start3A_160] : memref<4x128x16xf32, #tpu.memory_space<vmem>> -> memref<1x128x16xf32, #tpu.memory_space<vmem>>
        %dma_start3A_162 = tpu.memref_squeeze %dma_start3A_161 : memref<1x128x16xf32, #tpu.memory_space<vmem>> -> memref<128x16xf32, #tpu.memory_space<vmem>>
        %dma_start3A_163 = arith.constant 0 : i32
        %dma_start3A_164 = tpu.memref_slice %arg9[%scan3A_114, %dma_start3A_163] : memref<56x128xi32, #tpu.memory_space<vmem>> -> memref<1x128xi32, #tpu.memory_space<vmem>>
        %dma_start3A_165 = tpu.memref_squeeze %dma_start3A_164 : memref<1x128xi32, #tpu.memory_space<vmem>> -> memref<128xi32, #tpu.memory_space<vmem>>
        %dma_start3A_166 = arith.constant 0 : i32
        %dma_start3A_167 = arith.constant 0 : i32
        %dma_start3A_168 = tpu.memref_slice %arg7[%dma_start3A_166, %dma_start3A_167] : memref<100096x16xf32, #tpu.memory_space<vmem_shared>> -> memref<100096x16xf32, #tpu.memory_space<vmem_shared>>
        tpu.enqueue_indirect_dma source(%dma_start3A_162 : memref<128x16xf32, #tpu.memory_space<vmem>>) target(%dma_start3A_168 : memref<100096x16xf32, #tpu.memory_space<vmem_shared>>) offsets(%dma_start3A_165 : memref<128xi32, #tpu.memory_space<vmem>>) semaphore(%arg13 : memref<!tpu.dma_semaphore, #tpu.memory_space<semaphore_mem>>) {add = true}
      }
      %scan3A_90 = arith.constant 56 : i32
      %dma_wait3A = arith.constant 2 : i32
      %dma_wait3A_91 = arith.constant 54 : i32
      %dma_wait3A_92 = arith.constant 0 : i32
      %dma_wait3A_93 = arith.constant 0 : i32
      %dma_wait3A_94 = tpu.memref_slice %arg11[%dma_wait3A, %dma_wait3A_92, %dma_wait3A_93] : memref<4x128x16xf32, #tpu.memory_space<vmem>> -> memref<1x128x16xf32, #tpu.memory_space<vmem>>
      %dma_wait3A_95 = tpu.memref_squeeze %dma_wait3A_94 : memref<1x128x16xf32, #tpu.memory_space<vmem>> -> memref<128x16xf32, #tpu.memory_space<vmem>>
      %dma_wait3A_96 = arith.constant 0 : i32
      %dma_wait3A_97 = tpu.memref_slice %arg9[%dma_wait3A_91, %dma_wait3A_96] : memref<56x128xi32, #tpu.memory_space<vmem>> -> memref<1x128xi32, #tpu.memory_space<vmem>>
      %dma_wait3A_98 = tpu.memref_squeeze %dma_wait3A_97 : memref<1x128xi32, #tpu.memory_space<vmem>> -> memref<128xi32, #tpu.memory_space<vmem>>
      %dma_wait3A_99 = arith.constant 0 : i32
      %dma_wait3A_100 = arith.constant 0 : i32
      %dma_wait3A_101 = tpu.memref_slice %arg7[%dma_wait3A_99, %dma_wait3A_100] : memref<100096x16xf32, #tpu.memory_space<vmem_shared>> -> memref<100096x16xf32, #tpu.memory_space<vmem_shared>>
      tpu.wait_indirect_dma semaphore(%arg13 : memref<!tpu.dma_semaphore, #tpu.memory_space<semaphore_mem>>) src(%dma_wait3A_95 : memref<128x16xf32, #tpu.memory_space<vmem>>) dst(%dma_wait3A_101 : memref<100096x16xf32, #tpu.memory_space<vmem_shared>>)
      %dma_wait3A_102 = arith.constant 3 : i32
      %dma_wait3A_103 = arith.constant 55 : i32
      %dma_wait3A_104 = arith.constant 0 : i32
      %dma_wait3A_105 = arith.constant 0 : i32
      %dma_wait3A_106 = tpu.memref_slice %arg11[%dma_wait3A_102, %dma_wait3A_104, %dma_wait3A_105] : memref<4x128x16xf32, #tpu.memory_space<vmem>> -> memref<1x128x16xf32, #tpu.memory_space<vmem>>
      %dma_wait3A_107 = tpu.memref_squeeze %dma_wait3A_106 : memref<1x128x16xf32, #tpu.memory_space<vmem>> -> memref<128x16xf32, #tpu.memory_space<vmem>>
      %dma_wait3A_108 = arith.constant 0 : i32
      %dma_wait3A_109 = tpu.memref_slice %arg9[%dma_wait3A_103, %dma_wait3A_108] : memref<56x128xi32, #tpu.memory_space<vmem>> -> memref<1x128xi32, #tpu.memory_space<vmem>>
      %dma_wait3A_110 = tpu.memref_squeeze %dma_wait3A_109 : memref<1x128xi32, #tpu.memory_space<vmem>> -> memref<128xi32, #tpu.memory_space<vmem>>
      %dma_wait3A_111 = arith.constant 0 : i32
      %dma_wait3A_112 = arith.constant 0 : i32
      %dma_wait3A_113 = tpu.memref_slice %arg7[%dma_wait3A_111, %dma_wait3A_112] : memref<100096x16xf32, #tpu.memory_space<vmem_shared>> -> memref<100096x16xf32, #tpu.memory_space<vmem_shared>>
      tpu.wait_indirect_dma semaphore(%arg13 : memref<!tpu.dma_semaphore, #tpu.memory_space<semaphore_mem>>) src(%dma_wait3A_107 : memref<128x16xf32, #tpu.memory_space<vmem>>) dst(%dma_wait3A_113 : memref<100096x16xf32, #tpu.memory_space<vmem_shared>>)
    }
    %scan3A_10 = arith.constant 28 : i32
    %barrier3A_11 = arith.constant 0 : index
    tpu.barrier barrier_id(%barrier3A_11)
    "tpu.region"() ({
      %run_scoped3A = tpu.sem_alloc : memref<!tpu.dma_semaphore, #tpu.memory_space<semaphore_mem>>
      %dma_start3A = arith.constant 0 : i32
      %dma_start3A_52 = tpu.memref_slice %arg6[%add3A_5, %mul3A_0, %dma_start3A] : memref<8x100096x16xf32, #tpu.memory_space<hbm>> -> memref<1x3128x16xf32, #tpu.memory_space<hbm>>
      %dma_start3A_53 = tpu.memref_squeeze %dma_start3A_52 : memref<1x3128x16xf32, #tpu.memory_space<hbm>> -> memref<3128x16xf32, #tpu.memory_space<hbm>>
      %dma_start3A_54 = arith.constant 0 : i32
      %dma_start3A_55 = tpu.memref_slice %arg7[%mul3A_0, %dma_start3A_54] : memref<100096x16xf32, #tpu.memory_space<vmem_shared>> -> memref<3128x16xf32, #tpu.memory_space<vmem_shared>>
      tpu.enqueue_dma source(%dma_start3A_55 : memref<3128x16xf32, #tpu.memory_space<vmem_shared>>) target(%dma_start3A_53 : memref<3128x16xf32, #tpu.memory_space<hbm>>) target_semaphore(%run_scoped3A : memref<!tpu.dma_semaphore, #tpu.memory_space<semaphore_mem>>)
      %dma_wait3A = arith.constant 0 : i32
      %dma_wait3A_56 = tpu.memref_slice %arg6[%add3A_5, %mul3A_0, %dma_wait3A] : memref<8x100096x16xf32, #tpu.memory_space<hbm>> -> memref<1x3128x16xf32, #tpu.memory_space<hbm>>
      %dma_wait3A_57 = tpu.memref_squeeze %dma_wait3A_56 : memref<1x3128x16xf32, #tpu.memory_space<hbm>> -> memref<3128x16xf32, #tpu.memory_space<hbm>>
      %dma_wait3A_58 = arith.constant 0 : i32
      %dma_wait3A_59 = tpu.memref_slice %arg7[%mul3A_0, %dma_wait3A_58] : memref<100096x16xf32, #tpu.memory_space<vmem_shared>> -> memref<3128x16xf32, #tpu.memory_space<vmem_shared>>
      tpu.wait_dma2 semaphore(%run_scoped3A : memref<!tpu.dma_semaphore, #tpu.memory_space<semaphore_mem>>) src(%dma_wait3A_59 : memref<3128x16xf32, #tpu.memory_space<vmem_shared>>) dst(%dma_wait3A_57 : memref<3128x16xf32, #tpu.memory_space<hbm>>)
      tpu.yield
    }) : () -> ()
    %barrier3A_12 = arith.constant 0 : index
    tpu.barrier barrier_id(%barrier3A_12)
    %mul3A_13 = arith.constant 4 : i32
    %mul3A_14 = arith.muli %arg0, %mul3A_13 : i32
    %add3A_15 = arith.constant 1 : i32
    %add3A_16 = arith.addi %mul3A_14, %add3A_15 : i32
    "tpu.region"() ({
      %run_scoped3A = tpu.sem_alloc : memref<!tpu.dma_semaphore, #tpu.memory_space<semaphore_mem>>
      %dma_start3A = arith.constant 0 : i32
      %dma_start3A_52 = tpu.memref_slice %arg7[%mul3A_0, %dma_start3A] : memref<100096x16xf32, #tpu.memory_space<vmem_shared>> -> memref<3128x16xf32, #tpu.memory_space<vmem_shared>>
      tpu.enqueue_dma source(%arg5 : memref<3128x16xf32, #tpu.memory_space<hbm>>) target(%dma_start3A_52 : memref<3128x16xf32, #tpu.memory_space<vmem_shared>>) target_semaphore(%run_scoped3A : memref<!tpu.dma_semaphore, #tpu.memory_space<semaphore_mem>>)
      %dma_wait3A = arith.constant 0 : i32
      %dma_wait3A_53 = tpu.memref_slice %arg7[%mul3A_0, %dma_wait3A] : memref<100096x16xf32, #tpu.memory_space<vmem_shared>> -> memref<3128x16xf32, #tpu.memory_space<vmem_shared>>
      tpu.wait_dma2 semaphore(%run_scoped3A : memref<!tpu.dma_semaphore, #tpu.memory_space<semaphore_mem>>) src(%arg5 : memref<3128x16xf32, #tpu.memory_space<hbm>>) dst(%dma_wait3A_53 : memref<3128x16xf32, #tpu.memory_space<vmem_shared>>)
      tpu.yield
    }) : () -> ()
    %barrier3A_17 = arith.constant 0 : index
    tpu.barrier barrier_id(%barrier3A_17)
    %scan3A_18 = arith.constant 0 : i32
    %scan3A_19 = arith.constant 0 : i32
    %scan3A_20 = arith.constant 28 : i32
    %scan3A_21 = arith.addi %scan3A_19, %scan3A_20 : i32
    %scan3A_22 = arith.constant 1 : i32
    scf.for %scan3A_52 = %scan3A_19 to %scan3A_21 step %scan3A_22  : i32 {
      %mul3A_53 = arith.constant 56 : i32
      %mul3A_54 = arith.muli %scan3A_52, %mul3A_53 : i32
      %add3A_55 = arith.addi %mul3A_2, %mul3A_54 : i32
      "tpu.region"() ({
        %run_scoped3A = tpu.sem_alloc : memref<!tpu.dma_semaphore, #tpu.memory_space<semaphore_mem>>
        %dma_start3A_114 = arith.constant 0 : i32
        %dma_start3A_115 = tpu.memref_slice %arg3[%add3A_55, %dma_start3A_114] : memref<25088x128xi32, #tpu.memory_space<hbm>> -> memref<56x128xi32, #tpu.memory_space<hbm>>
        %dma_start3A_116 = arith.constant 0 : i32
        %dma_start3A_117 = tpu.memref_slice %arg3[%add3A_55, %dma_start3A_116] : memref<25088x128xi32, #tpu.memory_space<hbm>> -> memref<56x128xi32, #tpu.memory_space<hbm>>
        tpu.enqueue_dma source(%dma_start3A_117 : memref<56x128xi32, #tpu.memory_space<hbm>>) target(%arg8 : memref<56x128xi32, #tpu.memory_space<vmem>>) target_semaphore(%run_scoped3A : memref<!tpu.dma_semaphore, #tpu.memory_space<semaphore_mem>>)
        %dma_wait3A_118 = arith.constant 0 : i32
        %dma_wait3A_119 = tpu.memref_slice %arg3[%add3A_55, %dma_wait3A_118] : memref<25088x128xi32, #tpu.memory_space<hbm>> -> memref<56x128xi32, #tpu.memory_space<hbm>>
        %dma_wait3A_120 = arith.constant 0 : i32
        %dma_wait3A_121 = tpu.memref_slice %arg3[%add3A_55, %dma_wait3A_120] : memref<25088x128xi32, #tpu.memory_space<hbm>> -> memref<56x128xi32, #tpu.memory_space<hbm>>
        tpu.wait_dma2 semaphore(%run_scoped3A : memref<!tpu.dma_semaphore, #tpu.memory_space<semaphore_mem>>) src(%dma_wait3A_121 : memref<56x128xi32, #tpu.memory_space<hbm>>) dst(%arg8 : memref<56x128xi32, #tpu.memory_space<vmem>>)
        tpu.yield
      }) : () -> ()
      "tpu.region"() ({
        %run_scoped3A = tpu.sem_alloc : memref<!tpu.dma_semaphore, #tpu.memory_space<semaphore_mem>>
        %dma_start3A_114 = arith.constant 0 : i32
        %dma_start3A_115 = tpu.memref_slice %arg4[%add3A_55, %dma_start3A_114] : memref<25088x128xi32, #tpu.memory_space<hbm>> -> memref<56x128xi32, #tpu.memory_space<hbm>>
        %dma_start3A_116 = arith.constant 0 : i32
        %dma_start3A_117 = tpu.memref_slice %arg4[%add3A_55, %dma_start3A_116] : memref<25088x128xi32, #tpu.memory_space<hbm>> -> memref<56x128xi32, #tpu.memory_space<hbm>>
        tpu.enqueue_dma source(%dma_start3A_117 : memref<56x128xi32, #tpu.memory_space<hbm>>) target(%arg9 : memref<56x128xi32, #tpu.memory_space<vmem>>) target_semaphore(%run_scoped3A : memref<!tpu.dma_semaphore, #tpu.memory_space<semaphore_mem>>)
        %dma_wait3A_118 = arith.constant 0 : i32
        %dma_wait3A_119 = tpu.memref_slice %arg4[%add3A_55, %dma_wait3A_118] : memref<25088x128xi32, #tpu.memory_space<hbm>> -> memref<56x128xi32, #tpu.memory_space<hbm>>
        %dma_wait3A_120 = arith.constant 0 : i32
        %dma_wait3A_121 = tpu.memref_slice %arg4[%add3A_55, %dma_wait3A_120] : memref<25088x128xi32, #tpu.memory_space<hbm>> -> memref<56x128xi32, #tpu.memory_space<hbm>>
        tpu.wait_dma2 semaphore(%run_scoped3A : memref<!tpu.dma_semaphore, #tpu.memory_space<semaphore_mem>>) src(%dma_wait3A_121 : memref<56x128xi32, #tpu.memory_space<hbm>>) dst(%arg9 : memref<56x128xi32, #tpu.memory_space<vmem>>)
        tpu.yield
      }) : () -> ()
      %scan3A_56 = arith.constant 0 : i32
      %scan3A_57 = arith.constant 0 : i32
      %scan3A_58 = arith.constant 56 : i32
      %scan3A_59 = arith.addi %scan3A_57, %scan3A_58 : i32
      %scan3A_60 = arith.constant 1 : i32
      scf.for %scan3A_114 = %scan3A_57 to %scan3A_59 step %scan3A_60  : i32 {
        %get3A = arith.index_cast %scan3A_114 : i32 to index
        %get3A_115 = arith.constant 0 : index
        %get3A_116 = tpu.vector_load %arg8[%get3A, %get3A_115] {strides = array<i32>} : memref<56x128xi32, #tpu.memory_space<vmem>>, vector<1x16xi32>,
        %get3A_117 = vector.shape_cast %get3A_116 : vector<1x16xi32> to vector<16xi32>
        %mul3A_118 = arith.constant 8 : i32
        %mul3A_119 = vector.broadcast %mul3A_118 : i32 to vector<16xi32>
        %mul3A_120 = arith.muli %get3A_117, %mul3A_119 : vector<16xi32>
        %add3A_121 = vector.broadcast %add3A_16 : i32 to vector<16xi32>
        %add3A_122 = arith.addi %mul3A_120, %add3A_121 : vector<16xi32>
        %swap3A = arith.index_cast %scan3A_114 : i32 to index
        %swap3A_123 = arith.constant 0 : index
        %swap3A_124 = tpu.vector_load %arg10[%swap3A, %swap3A_123] {strides = array<i32>} : memref<56x128xi32, #tpu.memory_space<vmem>>, vector<1x16xi32>,
        %swap3A_125 = vector.shape_cast %swap3A_124 : vector<1x16xi32> to vector<16xi32>
        %swap3A_126 = vector.shape_cast %add3A_122 : vector<16xi32> to vector<1x16xi32>
        tpu.vector_store %arg10[%swap3A, %swap3A_123], %swap3A_126 {strides = array<i32>} : memref<56x128xi32, #tpu.memory_space<vmem>>, vector<1x16xi32>,
        %get3A_127 = arith.index_cast %scan3A_114 : i32 to index
        %get3A_128 = arith.constant 16 : index
        %get3A_129 = tpu.vector_load %arg8[%get3A_127, %get3A_128] {strides = array<i32>} : memref<56x128xi32, #tpu.memory_space<vmem>>, vector<1x16xi32>,
        %get3A_130 = vector.shape_cast %get3A_129 : vector<1x16xi32> to vector<16xi32>
        %mul3A_131 = arith.constant 8 : i32
        %mul3A_132 = vector.broadcast %mul3A_131 : i32 to vector<16xi32>
        %mul3A_133 = arith.muli %get3A_130, %mul3A_132 : vector<16xi32>
        %add3A_134 = vector.broadcast %add3A_16 : i32 to vector<16xi32>
        %add3A_135 = arith.addi %mul3A_133, %add3A_134 : vector<16xi32>
        %swap3A_136 = arith.index_cast %scan3A_114 : i32 to index
        %swap3A_137 = arith.constant 16 : index
        %swap3A_138 = tpu.vector_load %arg10[%swap3A_136, %swap3A_137] {strides = array<i32>} : memref<56x128xi32, #tpu.memory_space<vmem>>, vector<1x16xi32>,
        %swap3A_139 = vector.shape_cast %swap3A_138 : vector<1x16xi32> to vector<16xi32>
        %swap3A_140 = vector.shape_cast %add3A_135 : vector<16xi32> to vector<1x16xi32>
        tpu.vector_store %arg10[%swap3A_136, %swap3A_137], %swap3A_140 {strides = array<i32>} : memref<56x128xi32, #tpu.memory_space<vmem>>, vector<1x16xi32>,
        %get3A_141 = arith.index_cast %scan3A_114 : i32 to index
        %get3A_142 = arith.constant 32 : index
        %get3A_143 = tpu.vector_load %arg8[%get3A_141, %get3A_142] {strides = array<i32>} : memref<56x128xi32, #tpu.memory_space<vmem>>, vector<1x16xi32>,
        %get3A_144 = vector.shape_cast %get3A_143 : vector<1x16xi32> to vector<16xi32>
        %mul3A_145 = arith.constant 8 : i32
        %mul3A_146 = vector.broadcast %mul3A_145 : i32 to vector<16xi32>
        %mul3A_147 = arith.muli %get3A_144, %mul3A_146 : vector<16xi32>
        %add3A_148 = vector.broadcast %add3A_16 : i32 to vector<16xi32>
        %add3A_149 = arith.addi %mul3A_147, %add3A_148 : vector<16xi32>
        %swap3A_150 = arith.index_cast %scan3A_114 : i32 to index
        %swap3A_151 = arith.constant 32 : index
        %swap3A_152 = tpu.vector_load %arg10[%swap3A_150, %swap3A_151] {strides = array<i32>} : memref<56x128xi32, #tpu.memory_space<vmem>>, vector<1x16xi32>,
        %swap3A_153 = vector.shape_cast %swap3A_152 : vector<1x16xi32> to vector<16xi32>
        %swap3A_154 = vector.shape_cast %add3A_149 : vector<16xi32> to vector<1x16xi32>
        tpu.vector_store %arg10[%swap3A_150, %swap3A_151], %swap3A_154 {strides = array<i32>} : memref<56x128xi32, #tpu.memory_space<vmem>>, vector<1x16xi32>,
        %get3A_155 = arith.index_cast %scan3A_114 : i32 to index
        %get3A_156 = arith.constant 48 : index
        %get3A_157 = tpu.vector_load %arg8[%get3A_155, %get3A_156] {strides = array<i32>} : memref<56x128xi32, #tpu.memory_space<vmem>>, vector<1x16xi32>,
        %get3A_158 = vector.shape_cast %get3A_157 : vector<1x16xi32> to vector<16xi32>
        %mul3A_159 = arith.constant 8 : i32
        %mul3A_160 = vector.broadcast %mul3A_159 : i32 to vector<16xi32>
        %mul3A_161 = arith.muli %get3A_158, %mul3A_160 : vector<16xi32>
        %add3A_162 = vector.broadcast %add3A_16 : i32 to vector<16xi32>
        %add3A_163 = arith.addi %mul3A_161, %add3A_162 : vector<16xi32>
        %swap3A_164 = arith.index_cast %scan3A_114 : i32 to index
        %swap3A_165 = arith.constant 48 : index
        %swap3A_166 = tpu.vector_load %arg10[%swap3A_164, %swap3A_165] {strides = array<i32>} : memref<56x128xi32, #tpu.memory_space<vmem>>, vector<1x16xi32>,
        %swap3A_167 = vector.shape_cast %swap3A_166 : vector<1x16xi32> to vector<16xi32>
        %swap3A_168 = vector.shape_cast %add3A_163 : vector<16xi32> to vector<1x16xi32>
        tpu.vector_store %arg10[%swap3A_164, %swap3A_165], %swap3A_168 {strides = array<i32>} : memref<56x128xi32, #tpu.memory_space<vmem>>, vector<1x16xi32>,
        %get3A_169 = arith.index_cast %scan3A_114 : i32 to index
        %get3A_170 = arith.constant 64 : index
        %get3A_171 = tpu.vector_load %arg8[%get3A_169, %get3A_170] {strides = array<i32>} : memref<56x128xi32, #tpu.memory_space<vmem>>, vector<1x16xi32>,
        %get3A_172 = vector.shape_cast %get3A_171 : vector<1x16xi32> to vector<16xi32>
        %mul3A_173 = arith.constant 8 : i32
        %mul3A_174 = vector.broadcast %mul3A_173 : i32 to vector<16xi32>
        %mul3A_175 = arith.muli %get3A_172, %mul3A_174 : vector<16xi32>
        %add3A_176 = vector.broadcast %add3A_16 : i32 to vector<16xi32>
        %add3A_177 = arith.addi %mul3A_175, %add3A_176 : vector<16xi32>
        %swap3A_178 = arith.index_cast %scan3A_114 : i32 to index
        %swap3A_179 = arith.constant 64 : index
        %swap3A_180 = tpu.vector_load %arg10[%swap3A_178, %swap3A_179] {strides = array<i32>} : memref<56x128xi32, #tpu.memory_space<vmem>>, vector<1x16xi32>,
        %swap3A_181 = vector.shape_cast %swap3A_180 : vector<1x16xi32> to vector<16xi32>
        %swap3A_182 = vector.shape_cast %add3A_177 : vector<16xi32> to vector<1x16xi32>
        tpu.vector_store %arg10[%swap3A_178, %swap3A_179], %swap3A_182 {strides = array<i32>} : memref<56x128xi32, #tpu.memory_space<vmem>>, vector<1x16xi32>,
        %get3A_183 = arith.index_cast %scan3A_114 : i32 to index
        %get3A_184 = arith.constant 80 : index
        %get3A_185 = tpu.vector_load %arg8[%get3A_183, %get3A_184] {strides = array<i32>} : memref<56x128xi32, #tpu.memory_space<vmem>>, vector<1x16xi32>,
        %get3A_186 = vector.shape_cast %get3A_185 : vector<1x16xi32> to vector<16xi32>
        %mul3A_187 = arith.constant 8 : i32
        %mul3A_188 = vector.broadcast %mul3A_187 : i32 to vector<16xi32>
        %mul3A_189 = arith.muli %get3A_186, %mul3A_188 : vector<16xi32>
        %add3A_190 = vector.broadcast %add3A_16 : i32 to vector<16xi32>
        %add3A_191 = arith.addi %mul3A_189, %add3A_190 : vector<16xi32>
        %swap3A_192 = arith.index_cast %scan3A_114 : i32 to index
        %swap3A_193 = arith.constant 80 : index
        %swap3A_194 = tpu.vector_load %arg10[%swap3A_192, %swap3A_193] {strides = array<i32>} : memref<56x128xi32, #tpu.memory_space<vmem>>, vector<1x16xi32>,
        %swap3A_195 = vector.shape_cast %swap3A_194 : vector<1x16xi32> to vector<16xi32>
        %swap3A_196 = vector.shape_cast %add3A_191 : vector<16xi32> to vector<1x16xi32>
        tpu.vector_store %arg10[%swap3A_192, %swap3A_193], %swap3A_196 {strides = array<i32>} : memref<56x128xi32, #tpu.memory_space<vmem>>, vector<1x16xi32>,
        %get3A_197 = arith.index_cast %scan3A_114 : i32 to index
        %get3A_198 = arith.constant 96 : index
        %get3A_199 = tpu.vector_load %arg8[%get3A_197, %get3A_198] {strides = array<i32>} : memref<56x128xi32, #tpu.memory_space<vmem>>, vector<1x16xi32>,
        %get3A_200 = vector.shape_cast %get3A_199 : vector<1x16xi32> to vector<16xi32>
        %mul3A_201 = arith.constant 8 : i32
        %mul3A_202 = vector.broadcast %mul3A_201 : i32 to vector<16xi32>
        %mul3A_203 = arith.muli %get3A_200, %mul3A_202 : vector<16xi32>
        %add3A_204 = vector.broadcast %add3A_16 : i32 to vector<16xi32>
        %add3A_205 = arith.addi %mul3A_203, %add3A_204 : vector<16xi32>
        %swap3A_206 = arith.index_cast %scan3A_114 : i32 to index
        %swap3A_207 = arith.constant 96 : index
        %swap3A_208 = tpu.vector_load %arg10[%swap3A_206, %swap3A_207] {strides = array<i32>} : memref<56x128xi32, #tpu.memory_space<vmem>>, vector<1x16xi32>,
        %swap3A_209 = vector.shape_cast %swap3A_208 : vector<1x16xi32> to vector<16xi32>
        %swap3A_210 = vector.shape_cast %add3A_205 : vector<16xi32> to vector<1x16xi32>
        tpu.vector_store %arg10[%swap3A_206, %swap3A_207], %swap3A_210 {strides = array<i32>} : memref<56x128xi32, #tpu.memory_space<vmem>>, vector<1x16xi32>,
        %get3A_211 = arith.index_cast %scan3A_114 : i32 to index
        %get3A_212 = arith.constant 112 : index
        %get3A_213 = tpu.vector_load %arg8[%get3A_211, %get3A_212] {strides = array<i32>} : memref<56x128xi32, #tpu.memory_space<vmem>>, vector<1x16xi32>,
        %get3A_214 = vector.shape_cast %get3A_213 : vector<1x16xi32> to vector<16xi32>
        %mul3A_215 = arith.constant 8 : i32
        %mul3A_216 = vector.broadcast %mul3A_215 : i32 to vector<16xi32>
        %mul3A_217 = arith.muli %get3A_214, %mul3A_216 : vector<16xi32>
        %add3A_218 = vector.broadcast %add3A_16 : i32 to vector<16xi32>
        %add3A_219 = arith.addi %mul3A_217, %add3A_218 : vector<16xi32>
        %swap3A_220 = arith.index_cast %scan3A_114 : i32 to index
        %swap3A_221 = arith.constant 112 : index
        %swap3A_222 = tpu.vector_load %arg10[%swap3A_220, %swap3A_221] {strides = array<i32>} : memref<56x128xi32, #tpu.memory_space<vmem>>, vector<1x16xi32>,
        %swap3A_223 = vector.shape_cast %swap3A_222 : vector<1x16xi32> to vector<16xi32>
        %swap3A_224 = vector.shape_cast %add3A_219 : vector<16xi32> to vector<1x16xi32>
        tpu.vector_store %arg10[%swap3A_220, %swap3A_221], %swap3A_224 {strides = array<i32>} : memref<56x128xi32, #tpu.memory_space<vmem>>, vector<1x16xi32>,
      }
      %scan3A_61 = arith.constant 56 : i32
      %dma_start3A = arith.constant 0 : i32
      %dma_start3A_62 = arith.constant 0 : i32
      %dma_start3A_63 = arith.constant 0 : i32
      %dma_start3A_64 = arith.constant 0 : i32
      %dma_start3A_65 = tpu.memref_slice %arg11[%dma_start3A_62, %dma_start3A_63, %dma_start3A_64] : memref<4x128x16xf32, #tpu.memory_space<vmem>> -> memref<1x128x16xf32, #tpu.memory_space<vmem>>
      %dma_start3A_66 = tpu.memref_squeeze %dma_start3A_65 : memref<1x128x16xf32, #tpu.memory_space<vmem>> -> memref<128x16xf32, #tpu.memory_space<vmem>>
      %dma_start3A_67 = arith.constant 0 : i32
      %dma_start3A_68 = tpu.memref_slice %arg10[%dma_start3A, %dma_start3A_67] : memref<56x128xi32, #tpu.memory_space<vmem>> -> memref<1x128xi32, #tpu.memory_space<vmem>>
      %dma_start3A_69 = tpu.memref_squeeze %dma_start3A_68 : memref<1x128xi32, #tpu.memory_space<vmem>> -> memref<128xi32, #tpu.memory_space<vmem>>
      %dma_start3A_70 = arith.constant 0 : i32
      %dma_start3A_71 = arith.constant 0 : i32
      %dma_start3A_72 = tpu.memref_slice %arg2[%dma_start3A_70, %dma_start3A_71] : memref<800000x16xf32, #tpu.memory_space<hbm>> -> memref<800000x16xf32, #tpu.memory_space<hbm>>
      tpu.enqueue_indirect_dma source(%dma_start3A_72 : memref<800000x16xf32, #tpu.memory_space<hbm>>) target(%dma_start3A_66 : memref<128x16xf32, #tpu.memory_space<vmem>>) offsets(%dma_start3A_69 : memref<128xi32, #tpu.memory_space<vmem>>) semaphore(%arg12 : memref<!tpu.dma_semaphore, #tpu.memory_space<semaphore_mem>>)
      %dma_start3A_73 = arith.constant 1 : i32
      %dma_start3A_74 = arith.constant 1 : i32
      %dma_start3A_75 = arith.constant 0 : i32
      %dma_start3A_76 = arith.constant 0 : i32
      %dma_start3A_77 = tpu.memref_slice %arg11[%dma_start3A_74, %dma_start3A_75, %dma_start3A_76] : memref<4x128x16xf32, #tpu.memory_space<vmem>> -> memref<1x128x16xf32, #tpu.memory_space<vmem>>
      %dma_start3A_78 = tpu.memref_squeeze %dma_start3A_77 : memref<1x128x16xf32, #tpu.memory_space<vmem>> -> memref<128x16xf32, #tpu.memory_space<vmem>>
      %dma_start3A_79 = arith.constant 0 : i32
      %dma_start3A_80 = tpu.memref_slice %arg10[%dma_start3A_73, %dma_start3A_79] : memref<56x128xi32, #tpu.memory_space<vmem>> -> memref<1x128xi32, #tpu.memory_space<vmem>>
      %dma_start3A_81 = tpu.memref_squeeze %dma_start3A_80 : memref<1x128xi32, #tpu.memory_space<vmem>> -> memref<128xi32, #tpu.memory_space<vmem>>
      %dma_start3A_82 = arith.constant 0 : i32
      %dma_start3A_83 = arith.constant 0 : i32
      %dma_start3A_84 = tpu.memref_slice %arg2[%dma_start3A_82, %dma_start3A_83] : memref<800000x16xf32, #tpu.memory_space<hbm>> -> memref<800000x16xf32, #tpu.memory_space<hbm>>
      tpu.enqueue_indirect_dma source(%dma_start3A_84 : memref<800000x16xf32, #tpu.memory_space<hbm>>) target(%dma_start3A_78 : memref<128x16xf32, #tpu.memory_space<vmem>>) offsets(%dma_start3A_81 : memref<128xi32, #tpu.memory_space<vmem>>) semaphore(%arg12 : memref<!tpu.dma_semaphore, #tpu.memory_space<semaphore_mem>>)
      %scan3A_85 = arith.constant 0 : i32
      %scan3A_86 = arith.constant 0 : i32
      %scan3A_87 = arith.constant 56 : i32
      %scan3A_88 = arith.addi %scan3A_86, %scan3A_87 : i32
      %scan3A_89 = arith.constant 1 : i32
      scf.for %scan3A_114 = %scan3A_86 to %scan3A_88 step %scan3A_89  : i32 {
        %ge3A = arith.constant 2 : i32
        %ge3A_115 = arith.cmpi sge, %scan3A_114, %ge3A : i32
        %convert_element_type3A = arith.extui %ge3A_115 : i1 to i32
        %cond3A = arith.constant 0 : i32
        %cond3A_116 = arith.cmpi ne, %convert_element_type3A, %cond3A : i32
        scf.if %cond3A_116 {
          %sub3A = arith.constant 2 : i32
          %sub3A_169 = arith.subi %scan3A_114, %sub3A : i32
          %jit3A_170 = arith.constant 4 : i32
          %eq3A_171 = arith.constant 0 : i32
          %eq3A_172 = arith.cmpi eq, %jit3A_170, %eq3A_171 : i32
          %jit3A_173 = arith.constant 1 : i32
          %select_n3A_174 = arith.select %eq3A_172, %jit3A_173, %jit3A_170 : i32
          %rem3A_175 = arith.remsi %sub3A_169, %select_n3A_174 : i32
          %ne3A_176 = arith.constant 0 : i32
          %ne3A_177 = arith.cmpi ne, %rem3A_175, %ne3A_176 : i32
          %lt3A_178 = arith.constant 0 : i32
          %lt3A_179 = arith.cmpi slt, %rem3A_175, %lt3A_178 : i32
          %lt3A_180 = arith.constant 0 : i32
          %lt3A_181 = arith.cmpi slt, %select_n3A_174, %lt3A_180 : i32
          %ne3A_182 = arith.xori %lt3A_179, %lt3A_181 : i1
          %and3A_183 = arith.andi %ne3A_182, %ne3A_177 : i1
          %add3A_184 = arith.addi %rem3A_175, %select_n3A_174 : i32
          %select_n3A_185 = arith.select %and3A_183, %add3A_184, %rem3A_175 : i32
          %sub3A_186 = arith.constant 2 : i32
          %sub3A_187 = arith.subi %scan3A_114, %sub3A_186 : i32
          %dma_wait3A_188 = arith.constant 0 : i32
          %dma_wait3A_189 = arith.constant 0 : i32
          %dma_wait3A_190 = tpu.memref_slice %arg11[%select_n3A_185, %dma_wait3A_188, %dma_wait3A_189] : memref<4x128x16xf32, #tpu.memory_space<vmem>> -> memref<1x128x16xf32, #tpu.memory_space<vmem>>
          %dma_wait3A_191 = tpu.memref_squeeze %dma_wait3A_190 : memref<1x128x16xf32, #tpu.memory_space<vmem>> -> memref<128x16xf32, #tpu.memory_space<vmem>>
          %dma_wait3A_192 = arith.constant 0 : i32
          %dma_wait3A_193 = tpu.memref_slice %arg9[%sub3A_187, %dma_wait3A_192] : memref<56x128xi32, #tpu.memory_space<vmem>> -> memref<1x128xi32, #tpu.memory_space<vmem>>
          %dma_wait3A_194 = tpu.memref_squeeze %dma_wait3A_193 : memref<1x128xi32, #tpu.memory_space<vmem>> -> memref<128xi32, #tpu.memory_space<vmem>>
          %dma_wait3A_195 = arith.constant 0 : i32
          %dma_wait3A_196 = arith.constant 0 : i32
          %dma_wait3A_197 = tpu.memref_slice %arg7[%dma_wait3A_195, %dma_wait3A_196] : memref<100096x16xf32, #tpu.memory_space<vmem_shared>> -> memref<100096x16xf32, #tpu.memory_space<vmem_shared>>
          tpu.wait_indirect_dma semaphore(%arg13 : memref<!tpu.dma_semaphore, #tpu.memory_space<semaphore_mem>>) src(%dma_wait3A_191 : memref<128x16xf32, #tpu.memory_space<vmem>>) dst(%dma_wait3A_197 : memref<100096x16xf32, #tpu.memory_space<vmem_shared>>)
        } else {
        }
        %add3A_117 = arith.constant 2 : i32
        %add3A_118 = arith.addi %scan3A_114, %add3A_117 : i32
        %lt3A = arith.constant 56 : i32
        %lt3A_119 = arith.cmpi slt, %add3A_118, %lt3A : i32
        %convert_element_type3A_120 = arith.extui %lt3A_119 : i1 to i32
        %cond3A_121 = arith.constant 0 : i32
        %cond3A_122 = arith.cmpi ne, %convert_element_type3A_120, %cond3A_121 : i32
        scf.if %cond3A_122 {
          %add3A_169 = arith.constant 2 : i32
          %add3A_170 = arith.addi %scan3A_114, %add3A_169 : i32
          %add3A_171 = arith.constant 2 : i32
          %add3A_172 = arith.addi %scan3A_114, %add3A_171 : i32
          %jit3A_173 = arith.constant 4 : i32
          %eq3A_174 = arith.constant 0 : i32
          %eq3A_175 = arith.cmpi eq, %jit3A_173, %eq3A_174 : i32
          %jit3A_176 = arith.constant 1 : i32
          %select_n3A_177 = arith.select %eq3A_175, %jit3A_176, %jit3A_173 : i32
          %rem3A_178 = arith.remsi %add3A_172, %select_n3A_177 : i32
          %ne3A_179 = arith.constant 0 : i32
          %ne3A_180 = arith.cmpi ne, %rem3A_178, %ne3A_179 : i32
          %lt3A_181 = arith.constant 0 : i32
          %lt3A_182 = arith.cmpi slt, %rem3A_178, %lt3A_181 : i32
          %lt3A_183 = arith.constant 0 : i32
          %lt3A_184 = arith.cmpi slt, %select_n3A_177, %lt3A_183 : i32
          %ne3A_185 = arith.xori %lt3A_182, %lt3A_184 : i1
          %and3A_186 = arith.andi %ne3A_185, %ne3A_180 : i1
          %add3A_187 = arith.addi %rem3A_178, %select_n3A_177 : i32
          %select_n3A_188 = arith.select %and3A_186, %add3A_187, %rem3A_178 : i32
          %dma_start3A_189 = arith.constant 0 : i32
          %dma_start3A_190 = arith.constant 0 : i32
          %dma_start3A_191 = tpu.memref_slice %arg11[%select_n3A_188, %dma_start3A_189, %dma_start3A_190] : memref<4x128x16xf32, #tpu.memory_space<vmem>> -> memref<1x128x16xf32, #tpu.memory_space<vmem>>
          %dma_start3A_192 = tpu.memref_squeeze %dma_start3A_191 : memref<1x128x16xf32, #tpu.memory_space<vmem>> -> memref<128x16xf32, #tpu.memory_space<vmem>>
          %dma_start3A_193 = arith.constant 0 : i32
          %dma_start3A_194 = tpu.memref_slice %arg10[%add3A_170, %dma_start3A_193] : memref<56x128xi32, #tpu.memory_space<vmem>> -> memref<1x128xi32, #tpu.memory_space<vmem>>
          %dma_start3A_195 = tpu.memref_squeeze %dma_start3A_194 : memref<1x128xi32, #tpu.memory_space<vmem>> -> memref<128xi32, #tpu.memory_space<vmem>>
          %dma_start3A_196 = arith.constant 0 : i32
          %dma_start3A_197 = arith.constant 0 : i32
          %dma_start3A_198 = tpu.memref_slice %arg2[%dma_start3A_196, %dma_start3A_197] : memref<800000x16xf32, #tpu.memory_space<hbm>> -> memref<800000x16xf32, #tpu.memory_space<hbm>>
          tpu.enqueue_indirect_dma source(%dma_start3A_198 : memref<800000x16xf32, #tpu.memory_space<hbm>>) target(%dma_start3A_192 : memref<128x16xf32, #tpu.memory_space<vmem>>) offsets(%dma_start3A_195 : memref<128xi32, #tpu.memory_space<vmem>>) semaphore(%arg12 : memref<!tpu.dma_semaphore, #tpu.memory_space<semaphore_mem>>)
        } else {
        }
        %jit3A = arith.constant 4 : i32
        %eq3A = arith.constant 0 : i32
        %eq3A_123 = arith.cmpi eq, %jit3A, %eq3A : i32
        %jit3A_124 = arith.constant 1 : i32
        %select_n3A = arith.select %eq3A_123, %jit3A_124, %jit3A : i32
        %rem3A = arith.remsi %scan3A_114, %select_n3A : i32
        %ne3A = arith.constant 0 : i32
        %ne3A_125 = arith.cmpi ne, %rem3A, %ne3A : i32
        %lt3A_126 = arith.constant 0 : i32
        %lt3A_127 = arith.cmpi slt, %rem3A, %lt3A_126 : i32
        %lt3A_128 = arith.constant 0 : i32
        %lt3A_129 = arith.cmpi slt, %select_n3A, %lt3A_128 : i32
        %ne3A_130 = arith.xori %lt3A_127, %lt3A_129 : i1
        %and3A = arith.andi %ne3A_130, %ne3A_125 : i1
        %add3A_131 = arith.addi %rem3A, %select_n3A : i32
        %select_n3A_132 = arith.select %and3A, %add3A_131, %rem3A : i32
        %dma_wait3A_133 = arith.constant 0 : i32
        %dma_wait3A_134 = arith.constant 0 : i32
        %dma_wait3A_135 = tpu.memref_slice %arg11[%select_n3A_132, %dma_wait3A_133, %dma_wait3A_134] : memref<4x128x16xf32, #tpu.memory_space<vmem>> -> memref<1x128x16xf32, #tpu.memory_space<vmem>>
        %dma_wait3A_136 = tpu.memref_squeeze %dma_wait3A_135 : memref<1x128x16xf32, #tpu.memory_space<vmem>> -> memref<128x16xf32, #tpu.memory_space<vmem>>
        %dma_wait3A_137 = arith.constant 0 : i32
        %dma_wait3A_138 = tpu.memref_slice %arg10[%scan3A_114, %dma_wait3A_137] : memref<56x128xi32, #tpu.memory_space<vmem>> -> memref<1x128xi32, #tpu.memory_space<vmem>>
        %dma_wait3A_139 = tpu.memref_squeeze %dma_wait3A_138 : memref<1x128xi32, #tpu.memory_space<vmem>> -> memref<128xi32, #tpu.memory_space<vmem>>
        %dma_wait3A_140 = arith.constant 0 : i32
        %dma_wait3A_141 = arith.constant 0 : i32
        %dma_wait3A_142 = tpu.memref_slice %arg2[%dma_wait3A_140, %dma_wait3A_141] : memref<800000x16xf32, #tpu.memory_space<hbm>> -> memref<800000x16xf32, #tpu.memory_space<hbm>>
        tpu.wait_indirect_dma semaphore(%arg12 : memref<!tpu.dma_semaphore, #tpu.memory_space<semaphore_mem>>) src(%dma_wait3A_142 : memref<800000x16xf32, #tpu.memory_space<hbm>>) dst(%dma_wait3A_136 : memref<128x16xf32, #tpu.memory_space<vmem>>)
        %jit3A_143 = arith.constant 4 : i32
        %eq3A_144 = arith.constant 0 : i32
        %eq3A_145 = arith.cmpi eq, %jit3A_143, %eq3A_144 : i32
        %jit3A_146 = arith.constant 1 : i32
        %select_n3A_147 = arith.select %eq3A_145, %jit3A_146, %jit3A_143 : i32
        %rem3A_148 = arith.remsi %scan3A_114, %select_n3A_147 : i32
        %ne3A_149 = arith.constant 0 : i32
        %ne3A_150 = arith.cmpi ne, %rem3A_148, %ne3A_149 : i32
        %lt3A_151 = arith.constant 0 : i32
        %lt3A_152 = arith.cmpi slt, %rem3A_148, %lt3A_151 : i32
        %lt3A_153 = arith.constant 0 : i32
        %lt3A_154 = arith.cmpi slt, %select_n3A_147, %lt3A_153 : i32
        %ne3A_155 = arith.xori %lt3A_152, %lt3A_154 : i1
        %and3A_156 = arith.andi %ne3A_155, %ne3A_150 : i1
        %add3A_157 = arith.addi %rem3A_148, %select_n3A_147 : i32
        %select_n3A_158 = arith.select %and3A_156, %add3A_157, %rem3A_148 : i32
        %dma_start3A_159 = arith.constant 0 : i32
        %dma_start3A_160 = arith.constant 0 : i32
        %dma_start3A_161 = tpu.memref_slice %arg11[%select_n3A_158, %dma_start3A_159, %dma_start3A_160] : memref<4x128x16xf32, #tpu.memory_space<vmem>> -> memref<1x128x16xf32, #tpu.memory_space<vmem>>
        %dma_start3A_162 = tpu.memref_squeeze %dma_start3A_161 : memref<1x128x16xf32, #tpu.memory_space<vmem>> -> memref<128x16xf32, #tpu.memory_space<vmem>>
        %dma_start3A_163 = arith.constant 0 : i32
        %dma_start3A_164 = tpu.memref_slice %arg9[%scan3A_114, %dma_start3A_163] : memref<56x128xi32, #tpu.memory_space<vmem>> -> memref<1x128xi32, #tpu.memory_space<vmem>>
        %dma_start3A_165 = tpu.memref_squeeze %dma_start3A_164 : memref<1x128xi32, #tpu.memory_space<vmem>> -> memref<128xi32, #tpu.memory_space<vmem>>
        %dma_start3A_166 = arith.constant 0 : i32
        %dma_start3A_167 = arith.constant 0 : i32
        %dma_start3A_168 = tpu.memref_slice %arg7[%dma_start3A_166, %dma_start3A_167] : memref<100096x16xf32, #tpu.memory_space<vmem_shared>> -> memref<100096x16xf32, #tpu.memory_space<vmem_shared>>
        tpu.enqueue_indirect_dma source(%dma_start3A_162 : memref<128x16xf32, #tpu.memory_space<vmem>>) target(%dma_start3A_168 : memref<100096x16xf32, #tpu.memory_space<vmem_shared>>) offsets(%dma_start3A_165 : memref<128xi32, #tpu.memory_space<vmem>>) semaphore(%arg13 : memref<!tpu.dma_semaphore, #tpu.memory_space<semaphore_mem>>) {add = true}
      }
      %scan3A_90 = arith.constant 56 : i32
      %dma_wait3A = arith.constant 2 : i32
      %dma_wait3A_91 = arith.constant 54 : i32
      %dma_wait3A_92 = arith.constant 0 : i32
      %dma_wait3A_93 = arith.constant 0 : i32
      %dma_wait3A_94 = tpu.memref_slice %arg11[%dma_wait3A, %dma_wait3A_92, %dma_wait3A_93] : memref<4x128x16xf32, #tpu.memory_space<vmem>> -> memref<1x128x16xf32, #tpu.memory_space<vmem>>
      %dma_wait3A_95 = tpu.memref_squeeze %dma_wait3A_94 : memref<1x128x16xf32, #tpu.memory_space<vmem>> -> memref<128x16xf32, #tpu.memory_space<vmem>>
      %dma_wait3A_96 = arith.constant 0 : i32
      %dma_wait3A_97 = tpu.memref_slice %arg9[%dma_wait3A_91, %dma_wait3A_96] : memref<56x128xi32, #tpu.memory_space<vmem>> -> memref<1x128xi32, #tpu.memory_space<vmem>>
      %dma_wait3A_98 = tpu.memref_squeeze %dma_wait3A_97 : memref<1x128xi32, #tpu.memory_space<vmem>> -> memref<128xi32, #tpu.memory_space<vmem>>
      %dma_wait3A_99 = arith.constant 0 : i32
      %dma_wait3A_100 = arith.constant 0 : i32
      %dma_wait3A_101 = tpu.memref_slice %arg7[%dma_wait3A_99, %dma_wait3A_100] : memref<100096x16xf32, #tpu.memory_space<vmem_shared>> -> memref<100096x16xf32, #tpu.memory_space<vmem_shared>>
      tpu.wait_indirect_dma semaphore(%arg13 : memref<!tpu.dma_semaphore, #tpu.memory_space<semaphore_mem>>) src(%dma_wait3A_95 : memref<128x16xf32, #tpu.memory_space<vmem>>) dst(%dma_wait3A_101 : memref<100096x16xf32, #tpu.memory_space<vmem_shared>>)
      %dma_wait3A_102 = arith.constant 3 : i32
      %dma_wait3A_103 = arith.constant 55 : i32
      %dma_wait3A_104 = arith.constant 0 : i32
      %dma_wait3A_105 = arith.constant 0 : i32
      %dma_wait3A_106 = tpu.memref_slice %arg11[%dma_wait3A_102, %dma_wait3A_104, %dma_wait3A_105] : memref<4x128x16xf32, #tpu.memory_space<vmem>> -> memref<1x128x16xf32, #tpu.memory_space<vmem>>
      %dma_wait3A_107 = tpu.memref_squeeze %dma_wait3A_106 : memref<1x128x16xf32, #tpu.memory_space<vmem>> -> memref<128x16xf32, #tpu.memory_space<vmem>>
      %dma_wait3A_108 = arith.constant 0 : i32
      %dma_wait3A_109 = tpu.memref_slice %arg9[%dma_wait3A_103, %dma_wait3A_108] : memref<56x128xi32, #tpu.memory_space<vmem>> -> memref<1x128xi32, #tpu.memory_space<vmem>>
      %dma_wait3A_110 = tpu.memref_squeeze %dma_wait3A_109 : memref<1x128xi32, #tpu.memory_space<vmem>> -> memref<128xi32, #tpu.memory_space<vmem>>
      %dma_wait3A_111 = arith.constant 0 : i32
      %dma_wait3A_112 = arith.constant 0 : i32
      %dma_wait3A_113 = tpu.memref_slice %arg7[%dma_wait3A_111, %dma_wait3A_112] : memref<100096x16xf32, #tpu.memory_space<vmem_shared>> -> memref<100096x16xf32, #tpu.memory_space<vmem_shared>>
      tpu.wait_indirect_dma semaphore(%arg13 : memref<!tpu.dma_semaphore, #tpu.memory_space<semaphore_mem>>) src(%dma_wait3A_107 : memref<128x16xf32, #tpu.memory_space<vmem>>) dst(%dma_wait3A_113 : memref<100096x16xf32, #tpu.memory_space<vmem_shared>>)
    }
    %scan3A_23 = arith.constant 28 : i32
    %barrier3A_24 = arith.constant 0 : index
    tpu.barrier barrier_id(%barrier3A_24)
    "tpu.region"() ({
      %run_scoped3A = tpu.sem_alloc : memref<!tpu.dma_semaphore, #tpu.memory_space<semaphore_mem>>
      %dma_start3A = arith.constant 0 : i32
      %dma_start3A_52 = tpu.memref_slice %arg6[%add3A_16, %mul3A_0, %dma_start3A] : memref<8x100096x16xf32, #tpu.memory_space<hbm>> -> memref<1x3128x16xf32, #tpu.memory_space<hbm>>
      %dma_start3A_53 = tpu.memref_squeeze %dma_start3A_52 : memref<1x3128x16xf32, #tpu.memory_space<hbm>> -> memref<3128x16xf32, #tpu.memory_space<hbm>>
      %dma_start3A_54 = arith.constant 0 : i32
      %dma_start3A_55 = tpu.memref_slice %arg7[%mul3A_0, %dma_start3A_54] : memref<100096x16xf32, #tpu.memory_space<vmem_shared>> -> memref<3128x16xf32, #tpu.memory_space<vmem_shared>>
      tpu.enqueue_dma source(%dma_start3A_55 : memref<3128x16xf32, #tpu.memory_space<vmem_shared>>) target(%dma_start3A_53 : memref<3128x16xf32, #tpu.memory_space<hbm>>) target_semaphore(%run_scoped3A : memref<!tpu.dma_semaphore, #tpu.memory_space<semaphore_mem>>)
      %dma_wait3A = arith.constant 0 : i32
      %dma_wait3A_56 = tpu.memref_slice %arg6[%add3A_16, %mul3A_0, %dma_wait3A] : memref<8x100096x16xf32, #tpu.memory_space<hbm>> -> memref<1x3128x16xf32, #tpu.memory_space<hbm>>
      %dma_wait3A_57 = tpu.memref_squeeze %dma_wait3A_56 : memref<1x3128x16xf32, #tpu.memory_space<hbm>> -> memref<3128x16xf32, #tpu.memory_space<hbm>>
      %dma_wait3A_58 = arith.constant 0 : i32
      %dma_wait3A_59 = tpu.memref_slice %arg7[%mul3A_0, %dma_wait3A_58] : memref<100096x16xf32, #tpu.memory_space<vmem_shared>> -> memref<3128x16xf32, #tpu.memory_space<vmem_shared>>
      tpu.wait_dma2 semaphore(%run_scoped3A : memref<!tpu.dma_semaphore, #tpu.memory_space<semaphore_mem>>) src(%dma_wait3A_59 : memref<3128x16xf32, #tpu.memory_space<vmem_shared>>) dst(%dma_wait3A_57 : memref<3128x16xf32, #tpu.memory_space<hbm>>)
      tpu.yield
    }) : () -> ()
    %barrier3A_25 = arith.constant 0 : index
    tpu.barrier barrier_id(%barrier3A_25)
    %mul3A_26 = arith.constant 4 : i32
    %mul3A_27 = arith.muli %arg0, %mul3A_26 : i32
    %add3A_28 = arith.constant 2 : i32
    %add3A_29 = arith.addi %mul3A_27, %add3A_28 : i32
    "tpu.region"() ({
      %run_scoped3A = tpu.sem_alloc : memref<!tpu.dma_semaphore, #tpu.memory_space<semaphore_mem>>
      %dma_start3A = arith.constant 0 : i32
      %dma_start3A_52 = tpu.memref_slice %arg7[%mul3A_0, %dma_start3A] : memref<100096x16xf32, #tpu.memory_space<vmem_shared>> -> memref<3128x16xf32, #tpu.memory_space<vmem_shared>>
      tpu.enqueue_dma source(%arg5 : memref<3128x16xf32, #tpu.memory_space<hbm>>) target(%dma_start3A_52 : memref<3128x16xf32, #tpu.memory_space<vmem_shared>>) target_semaphore(%run_scoped3A : memref<!tpu.dma_semaphore, #tpu.memory_space<semaphore_mem>>)
      %dma_wait3A = arith.constant 0 : i32
      %dma_wait3A_53 = tpu.memref_slice %arg7[%mul3A_0, %dma_wait3A] : memref<100096x16xf32, #tpu.memory_space<vmem_shared>> -> memref<3128x16xf32, #tpu.memory_space<vmem_shared>>
      tpu.wait_dma2 semaphore(%run_scoped3A : memref<!tpu.dma_semaphore, #tpu.memory_space<semaphore_mem>>) src(%arg5 : memref<3128x16xf32, #tpu.memory_space<hbm>>) dst(%dma_wait3A_53 : memref<3128x16xf32, #tpu.memory_space<vmem_shared>>)
      tpu.yield
    }) : () -> ()
    %barrier3A_30 = arith.constant 0 : index
    tpu.barrier barrier_id(%barrier3A_30)
    %scan3A_31 = arith.constant 0 : i32
    %scan3A_32 = arith.constant 0 : i32
    %scan3A_33 = arith.constant 28 : i32
    %scan3A_34 = arith.addi %scan3A_32, %scan3A_33 : i32
    %scan3A_35 = arith.constant 1 : i32
    scf.for %scan3A_52 = %scan3A_32 to %scan3A_34 step %scan3A_35  : i32 {
      %mul3A_53 = arith.constant 56 : i32
      %mul3A_54 = arith.muli %scan3A_52, %mul3A_53 : i32
      %add3A_55 = arith.addi %mul3A_2, %mul3A_54 : i32
      "tpu.region"() ({
        %run_scoped3A = tpu.sem_alloc : memref<!tpu.dma_semaphore, #tpu.memory_space<semaphore_mem>>
        %dma_start3A_114 = arith.constant 0 : i32
        %dma_start3A_115 = tpu.memref_slice %arg3[%add3A_55, %dma_start3A_114] : memref<25088x128xi32, #tpu.memory_space<hbm>> -> memref<56x128xi32, #tpu.memory_space<hbm>>
        %dma_start3A_116 = arith.constant 0 : i32
        %dma_start3A_117 = tpu.memref_slice %arg3[%add3A_55, %dma_start3A_116] : memref<25088x128xi32, #tpu.memory_space<hbm>> -> memref<56x128xi32, #tpu.memory_space<hbm>>
        tpu.enqueue_dma source(%dma_start3A_117 : memref<56x128xi32, #tpu.memory_space<hbm>>) target(%arg8 : memref<56x128xi32, #tpu.memory_space<vmem>>) target_semaphore(%run_scoped3A : memref<!tpu.dma_semaphore, #tpu.memory_space<semaphore_mem>>)
        %dma_wait3A_118 = arith.constant 0 : i32
        %dma_wait3A_119 = tpu.memref_slice %arg3[%add3A_55, %dma_wait3A_118] : memref<25088x128xi32, #tpu.memory_space<hbm>> -> memref<56x128xi32, #tpu.memory_space<hbm>>
        %dma_wait3A_120 = arith.constant 0 : i32
        %dma_wait3A_121 = tpu.memref_slice %arg3[%add3A_55, %dma_wait3A_120] : memref<25088x128xi32, #tpu.memory_space<hbm>> -> memref<56x128xi32, #tpu.memory_space<hbm>>
        tpu.wait_dma2 semaphore(%run_scoped3A : memref<!tpu.dma_semaphore, #tpu.memory_space<semaphore_mem>>) src(%dma_wait3A_121 : memref<56x128xi32, #tpu.memory_space<hbm>>) dst(%arg8 : memref<56x128xi32, #tpu.memory_space<vmem>>)
        tpu.yield
      }) : () -> ()
      "tpu.region"() ({
        %run_scoped3A = tpu.sem_alloc : memref<!tpu.dma_semaphore, #tpu.memory_space<semaphore_mem>>
        %dma_start3A_114 = arith.constant 0 : i32
        %dma_start3A_115 = tpu.memref_slice %arg4[%add3A_55, %dma_start3A_114] : memref<25088x128xi32, #tpu.memory_space<hbm>> -> memref<56x128xi32, #tpu.memory_space<hbm>>
        %dma_start3A_116 = arith.constant 0 : i32
        %dma_start3A_117 = tpu.memref_slice %arg4[%add3A_55, %dma_start3A_116] : memref<25088x128xi32, #tpu.memory_space<hbm>> -> memref<56x128xi32, #tpu.memory_space<hbm>>
        tpu.enqueue_dma source(%dma_start3A_117 : memref<56x128xi32, #tpu.memory_space<hbm>>) target(%arg9 : memref<56x128xi32, #tpu.memory_space<vmem>>) target_semaphore(%run_scoped3A : memref<!tpu.dma_semaphore, #tpu.memory_space<semaphore_mem>>)
        %dma_wait3A_118 = arith.constant 0 : i32
        %dma_wait3A_119 = tpu.memref_slice %arg4[%add3A_55, %dma_wait3A_118] : memref<25088x128xi32, #tpu.memory_space<hbm>> -> memref<56x128xi32, #tpu.memory_space<hbm>>
        %dma_wait3A_120 = arith.constant 0 : i32
        %dma_wait3A_121 = tpu.memref_slice %arg4[%add3A_55, %dma_wait3A_120] : memref<25088x128xi32, #tpu.memory_space<hbm>> -> memref<56x128xi32, #tpu.memory_space<hbm>>
        tpu.wait_dma2 semaphore(%run_scoped3A : memref<!tpu.dma_semaphore, #tpu.memory_space<semaphore_mem>>) src(%dma_wait3A_121 : memref<56x128xi32, #tpu.memory_space<hbm>>) dst(%arg9 : memref<56x128xi32, #tpu.memory_space<vmem>>)
        tpu.yield
      }) : () -> ()
      %scan3A_56 = arith.constant 0 : i32
      %scan3A_57 = arith.constant 0 : i32
      %scan3A_58 = arith.constant 56 : i32
      %scan3A_59 = arith.addi %scan3A_57, %scan3A_58 : i32
      %scan3A_60 = arith.constant 1 : i32
      scf.for %scan3A_114 = %scan3A_57 to %scan3A_59 step %scan3A_60  : i32 {
        %get3A = arith.index_cast %scan3A_114 : i32 to index
        %get3A_115 = arith.constant 0 : index
        %get3A_116 = tpu.vector_load %arg8[%get3A, %get3A_115] {strides = array<i32>} : memref<56x128xi32, #tpu.memory_space<vmem>>, vector<1x16xi32>,
        %get3A_117 = vector.shape_cast %get3A_116 : vector<1x16xi32> to vector<16xi32>
        %mul3A_118 = arith.constant 8 : i32
        %mul3A_119 = vector.broadcast %mul3A_118 : i32 to vector<16xi32>
        %mul3A_120 = arith.muli %get3A_117, %mul3A_119 : vector<16xi32>
        %add3A_121 = vector.broadcast %add3A_29 : i32 to vector<16xi32>
        %add3A_122 = arith.addi %mul3A_120, %add3A_121 : vector<16xi32>
        %swap3A = arith.index_cast %scan3A_114 : i32 to index
        %swap3A_123 = arith.constant 0 : index
        %swap3A_124 = tpu.vector_load %arg10[%swap3A, %swap3A_123] {strides = array<i32>} : memref<56x128xi32, #tpu.memory_space<vmem>>, vector<1x16xi32>,
        %swap3A_125 = vector.shape_cast %swap3A_124 : vector<1x16xi32> to vector<16xi32>
        %swap3A_126 = vector.shape_cast %add3A_122 : vector<16xi32> to vector<1x16xi32>
        tpu.vector_store %arg10[%swap3A, %swap3A_123], %swap3A_126 {strides = array<i32>} : memref<56x128xi32, #tpu.memory_space<vmem>>, vector<1x16xi32>,
        %get3A_127 = arith.index_cast %scan3A_114 : i32 to index
        %get3A_128 = arith.constant 16 : index
        %get3A_129 = tpu.vector_load %arg8[%get3A_127, %get3A_128] {strides = array<i32>} : memref<56x128xi32, #tpu.memory_space<vmem>>, vector<1x16xi32>,
        %get3A_130 = vector.shape_cast %get3A_129 : vector<1x16xi32> to vector<16xi32>
        %mul3A_131 = arith.constant 8 : i32
        %mul3A_132 = vector.broadcast %mul3A_131 : i32 to vector<16xi32>
        %mul3A_133 = arith.muli %get3A_130, %mul3A_132 : vector<16xi32>
        %add3A_134 = vector.broadcast %add3A_29 : i32 to vector<16xi32>
        %add3A_135 = arith.addi %mul3A_133, %add3A_134 : vector<16xi32>
        %swap3A_136 = arith.index_cast %scan3A_114 : i32 to index
        %swap3A_137 = arith.constant 16 : index
        %swap3A_138 = tpu.vector_load %arg10[%swap3A_136, %swap3A_137] {strides = array<i32>} : memref<56x128xi32, #tpu.memory_space<vmem>>, vector<1x16xi32>,
        %swap3A_139 = vector.shape_cast %swap3A_138 : vector<1x16xi32> to vector<16xi32>
        %swap3A_140 = vector.shape_cast %add3A_135 : vector<16xi32> to vector<1x16xi32>
        tpu.vector_store %arg10[%swap3A_136, %swap3A_137], %swap3A_140 {strides = array<i32>} : memref<56x128xi32, #tpu.memory_space<vmem>>, vector<1x16xi32>,
        %get3A_141 = arith.index_cast %scan3A_114 : i32 to index
        %get3A_142 = arith.constant 32 : index
        %get3A_143 = tpu.vector_load %arg8[%get3A_141, %get3A_142] {strides = array<i32>} : memref<56x128xi32, #tpu.memory_space<vmem>>, vector<1x16xi32>,
        %get3A_144 = vector.shape_cast %get3A_143 : vector<1x16xi32> to vector<16xi32>
        %mul3A_145 = arith.constant 8 : i32
        %mul3A_146 = vector.broadcast %mul3A_145 : i32 to vector<16xi32>
        %mul3A_147 = arith.muli %get3A_144, %mul3A_146 : vector<16xi32>
        %add3A_148 = vector.broadcast %add3A_29 : i32 to vector<16xi32>
        %add3A_149 = arith.addi %mul3A_147, %add3A_148 : vector<16xi32>
        %swap3A_150 = arith.index_cast %scan3A_114 : i32 to index
        %swap3A_151 = arith.constant 32 : index
        %swap3A_152 = tpu.vector_load %arg10[%swap3A_150, %swap3A_151] {strides = array<i32>} : memref<56x128xi32, #tpu.memory_space<vmem>>, vector<1x16xi32>,
        %swap3A_153 = vector.shape_cast %swap3A_152 : vector<1x16xi32> to vector<16xi32>
        %swap3A_154 = vector.shape_cast %add3A_149 : vector<16xi32> to vector<1x16xi32>
        tpu.vector_store %arg10[%swap3A_150, %swap3A_151], %swap3A_154 {strides = array<i32>} : memref<56x128xi32, #tpu.memory_space<vmem>>, vector<1x16xi32>,
        %get3A_155 = arith.index_cast %scan3A_114 : i32 to index
        %get3A_156 = arith.constant 48 : index
        %get3A_157 = tpu.vector_load %arg8[%get3A_155, %get3A_156] {strides = array<i32>} : memref<56x128xi32, #tpu.memory_space<vmem>>, vector<1x16xi32>,
        %get3A_158 = vector.shape_cast %get3A_157 : vector<1x16xi32> to vector<16xi32>
        %mul3A_159 = arith.constant 8 : i32
        %mul3A_160 = vector.broadcast %mul3A_159 : i32 to vector<16xi32>
        %mul3A_161 = arith.muli %get3A_158, %mul3A_160 : vector<16xi32>
        %add3A_162 = vector.broadcast %add3A_29 : i32 to vector<16xi32>
        %add3A_163 = arith.addi %mul3A_161, %add3A_162 : vector<16xi32>
        %swap3A_164 = arith.index_cast %scan3A_114 : i32 to index
        %swap3A_165 = arith.constant 48 : index
        %swap3A_166 = tpu.vector_load %arg10[%swap3A_164, %swap3A_165] {strides = array<i32>} : memref<56x128xi32, #tpu.memory_space<vmem>>, vector<1x16xi32>,
        %swap3A_167 = vector.shape_cast %swap3A_166 : vector<1x16xi32> to vector<16xi32>
        %swap3A_168 = vector.shape_cast %add3A_163 : vector<16xi32> to vector<1x16xi32>
        tpu.vector_store %arg10[%swap3A_164, %swap3A_165], %swap3A_168 {strides = array<i32>} : memref<56x128xi32, #tpu.memory_space<vmem>>, vector<1x16xi32>,
        %get3A_169 = arith.index_cast %scan3A_114 : i32 to index
        %get3A_170 = arith.constant 64 : index
        %get3A_171 = tpu.vector_load %arg8[%get3A_169, %get3A_170] {strides = array<i32>} : memref<56x128xi32, #tpu.memory_space<vmem>>, vector<1x16xi32>,
        %get3A_172 = vector.shape_cast %get3A_171 : vector<1x16xi32> to vector<16xi32>
        %mul3A_173 = arith.constant 8 : i32
        %mul3A_174 = vector.broadcast %mul3A_173 : i32 to vector<16xi32>
        %mul3A_175 = arith.muli %get3A_172, %mul3A_174 : vector<16xi32>
        %add3A_176 = vector.broadcast %add3A_29 : i32 to vector<16xi32>
        %add3A_177 = arith.addi %mul3A_175, %add3A_176 : vector<16xi32>
        %swap3A_178 = arith.index_cast %scan3A_114 : i32 to index
        %swap3A_179 = arith.constant 64 : index
        %swap3A_180 = tpu.vector_load %arg10[%swap3A_178, %swap3A_179] {strides = array<i32>} : memref<56x128xi32, #tpu.memory_space<vmem>>, vector<1x16xi32>,
        %swap3A_181 = vector.shape_cast %swap3A_180 : vector<1x16xi32> to vector<16xi32>
        %swap3A_182 = vector.shape_cast %add3A_177 : vector<16xi32> to vector<1x16xi32>
        tpu.vector_store %arg10[%swap3A_178, %swap3A_179], %swap3A_182 {strides = array<i32>} : memref<56x128xi32, #tpu.memory_space<vmem>>, vector<1x16xi32>,
        %get3A_183 = arith.index_cast %scan3A_114 : i32 to index
        %get3A_184 = arith.constant 80 : index
        %get3A_185 = tpu.vector_load %arg8[%get3A_183, %get3A_184] {strides = array<i32>} : memref<56x128xi32, #tpu.memory_space<vmem>>, vector<1x16xi32>,
        %get3A_186 = vector.shape_cast %get3A_185 : vector<1x16xi32> to vector<16xi32>
        %mul3A_187 = arith.constant 8 : i32
        %mul3A_188 = vector.broadcast %mul3A_187 : i32 to vector<16xi32>
        %mul3A_189 = arith.muli %get3A_186, %mul3A_188 : vector<16xi32>
        %add3A_190 = vector.broadcast %add3A_29 : i32 to vector<16xi32>
        %add3A_191 = arith.addi %mul3A_189, %add3A_190 : vector<16xi32>
        %swap3A_192 = arith.index_cast %scan3A_114 : i32 to index
        %swap3A_193 = arith.constant 80 : index
        %swap3A_194 = tpu.vector_load %arg10[%swap3A_192, %swap3A_193] {strides = array<i32>} : memref<56x128xi32, #tpu.memory_space<vmem>>, vector<1x16xi32>,
        %swap3A_195 = vector.shape_cast %swap3A_194 : vector<1x16xi32> to vector<16xi32>
        %swap3A_196 = vector.shape_cast %add3A_191 : vector<16xi32> to vector<1x16xi32>
        tpu.vector_store %arg10[%swap3A_192, %swap3A_193], %swap3A_196 {strides = array<i32>} : memref<56x128xi32, #tpu.memory_space<vmem>>, vector<1x16xi32>,
        %get3A_197 = arith.index_cast %scan3A_114 : i32 to index
        %get3A_198 = arith.constant 96 : index
        %get3A_199 = tpu.vector_load %arg8[%get3A_197, %get3A_198] {strides = array<i32>} : memref<56x128xi32, #tpu.memory_space<vmem>>, vector<1x16xi32>,
        %get3A_200 = vector.shape_cast %get3A_199 : vector<1x16xi32> to vector<16xi32>
        %mul3A_201 = arith.constant 8 : i32
        %mul3A_202 = vector.broadcast %mul3A_201 : i32 to vector<16xi32>
        %mul3A_203 = arith.muli %get3A_200, %mul3A_202 : vector<16xi32>
        %add3A_204 = vector.broadcast %add3A_29 : i32 to vector<16xi32>
        %add3A_205 = arith.addi %mul3A_203, %add3A_204 : vector<16xi32>
        %swap3A_206 = arith.index_cast %scan3A_114 : i32 to index
        %swap3A_207 = arith.constant 96 : index
        %swap3A_208 = tpu.vector_load %arg10[%swap3A_206, %swap3A_207] {strides = array<i32>} : memref<56x128xi32, #tpu.memory_space<vmem>>, vector<1x16xi32>,
        %swap3A_209 = vector.shape_cast %swap3A_208 : vector<1x16xi32> to vector<16xi32>
        %swap3A_210 = vector.shape_cast %add3A_205 : vector<16xi32> to vector<1x16xi32>
        tpu.vector_store %arg10[%swap3A_206, %swap3A_207], %swap3A_210 {strides = array<i32>} : memref<56x128xi32, #tpu.memory_space<vmem>>, vector<1x16xi32>,
        %get3A_211 = arith.index_cast %scan3A_114 : i32 to index
        %get3A_212 = arith.constant 112 : index
        %get3A_213 = tpu.vector_load %arg8[%get3A_211, %get3A_212] {strides = array<i32>} : memref<56x128xi32, #tpu.memory_space<vmem>>, vector<1x16xi32>,
        %get3A_214 = vector.shape_cast %get3A_213 : vector<1x16xi32> to vector<16xi32>
        %mul3A_215 = arith.constant 8 : i32
        %mul3A_216 = vector.broadcast %mul3A_215 : i32 to vector<16xi32>
        %mul3A_217 = arith.muli %get3A_214, %mul3A_216 : vector<16xi32>
        %add3A_218 = vector.broadcast %add3A_29 : i32 to vector<16xi32>
        %add3A_219 = arith.addi %mul3A_217, %add3A_218 : vector<16xi32>
        %swap3A_220 = arith.index_cast %scan3A_114 : i32 to index
        %swap3A_221 = arith.constant 112 : index
        %swap3A_222 = tpu.vector_load %arg10[%swap3A_220, %swap3A_221] {strides = array<i32>} : memref<56x128xi32, #tpu.memory_space<vmem>>, vector<1x16xi32>,
        %swap3A_223 = vector.shape_cast %swap3A_222 : vector<1x16xi32> to vector<16xi32>
        %swap3A_224 = vector.shape_cast %add3A_219 : vector<16xi32> to vector<1x16xi32>
        tpu.vector_store %arg10[%swap3A_220, %swap3A_221], %swap3A_224 {strides = array<i32>} : memref<56x128xi32, #tpu.memory_space<vmem>>, vector<1x16xi32>,
      }
      %scan3A_61 = arith.constant 56 : i32
      %dma_start3A = arith.constant 0 : i32
      %dma_start3A_62 = arith.constant 0 : i32
      %dma_start3A_63 = arith.constant 0 : i32
      %dma_start3A_64 = arith.constant 0 : i32
      %dma_start3A_65 = tpu.memref_slice %arg11[%dma_start3A_62, %dma_start3A_63, %dma_start3A_64] : memref<4x128x16xf32, #tpu.memory_space<vmem>> -> memref<1x128x16xf32, #tpu.memory_space<vmem>>
      %dma_start3A_66 = tpu.memref_squeeze %dma_start3A_65 : memref<1x128x16xf32, #tpu.memory_space<vmem>> -> memref<128x16xf32, #tpu.memory_space<vmem>>
      %dma_start3A_67 = arith.constant 0 : i32
      %dma_start3A_68 = tpu.memref_slice %arg10[%dma_start3A, %dma_start3A_67] : memref<56x128xi32, #tpu.memory_space<vmem>> -> memref<1x128xi32, #tpu.memory_space<vmem>>
      %dma_start3A_69 = tpu.memref_squeeze %dma_start3A_68 : memref<1x128xi32, #tpu.memory_space<vmem>> -> memref<128xi32, #tpu.memory_space<vmem>>
      %dma_start3A_70 = arith.constant 0 : i32
      %dma_start3A_71 = arith.constant 0 : i32
      %dma_start3A_72 = tpu.memref_slice %arg2[%dma_start3A_70, %dma_start3A_71] : memref<800000x16xf32, #tpu.memory_space<hbm>> -> memref<800000x16xf32, #tpu.memory_space<hbm>>
      tpu.enqueue_indirect_dma source(%dma_start3A_72 : memref<800000x16xf32, #tpu.memory_space<hbm>>) target(%dma_start3A_66 : memref<128x16xf32, #tpu.memory_space<vmem>>) offsets(%dma_start3A_69 : memref<128xi32, #tpu.memory_space<vmem>>) semaphore(%arg12 : memref<!tpu.dma_semaphore, #tpu.memory_space<semaphore_mem>>)
      %dma_start3A_73 = arith.constant 1 : i32
      %dma_start3A_74 = arith.constant 1 : i32
      %dma_start3A_75 = arith.constant 0 : i32
      %dma_start3A_76 = arith.constant 0 : i32
      %dma_start3A_77 = tpu.memref_slice %arg11[%dma_start3A_74, %dma_start3A_75, %dma_start3A_76] : memref<4x128x16xf32, #tpu.memory_space<vmem>> -> memref<1x128x16xf32, #tpu.memory_space<vmem>>
      %dma_start3A_78 = tpu.memref_squeeze %dma_start3A_77 : memref<1x128x16xf32, #tpu.memory_space<vmem>> -> memref<128x16xf32, #tpu.memory_space<vmem>>
      %dma_start3A_79 = arith.constant 0 : i32
      %dma_start3A_80 = tpu.memref_slice %arg10[%dma_start3A_73, %dma_start3A_79] : memref<56x128xi32, #tpu.memory_space<vmem>> -> memref<1x128xi32, #tpu.memory_space<vmem>>
      %dma_start3A_81 = tpu.memref_squeeze %dma_start3A_80 : memref<1x128xi32, #tpu.memory_space<vmem>> -> memref<128xi32, #tpu.memory_space<vmem>>
      %dma_start3A_82 = arith.constant 0 : i32
      %dma_start3A_83 = arith.constant 0 : i32
      %dma_start3A_84 = tpu.memref_slice %arg2[%dma_start3A_82, %dma_start3A_83] : memref<800000x16xf32, #tpu.memory_space<hbm>> -> memref<800000x16xf32, #tpu.memory_space<hbm>>
      tpu.enqueue_indirect_dma source(%dma_start3A_84 : memref<800000x16xf32, #tpu.memory_space<hbm>>) target(%dma_start3A_78 : memref<128x16xf32, #tpu.memory_space<vmem>>) offsets(%dma_start3A_81 : memref<128xi32, #tpu.memory_space<vmem>>) semaphore(%arg12 : memref<!tpu.dma_semaphore, #tpu.memory_space<semaphore_mem>>)
      %scan3A_85 = arith.constant 0 : i32
      %scan3A_86 = arith.constant 0 : i32
      %scan3A_87 = arith.constant 56 : i32
      %scan3A_88 = arith.addi %scan3A_86, %scan3A_87 : i32
      %scan3A_89 = arith.constant 1 : i32
      scf.for %scan3A_114 = %scan3A_86 to %scan3A_88 step %scan3A_89  : i32 {
        %ge3A = arith.constant 2 : i32
        %ge3A_115 = arith.cmpi sge, %scan3A_114, %ge3A : i32
        %convert_element_type3A = arith.extui %ge3A_115 : i1 to i32
        %cond3A = arith.constant 0 : i32
        %cond3A_116 = arith.cmpi ne, %convert_element_type3A, %cond3A : i32
        scf.if %cond3A_116 {
          %sub3A = arith.constant 2 : i32
          %sub3A_169 = arith.subi %scan3A_114, %sub3A : i32
          %jit3A_170 = arith.constant 4 : i32
          %eq3A_171 = arith.constant 0 : i32
          %eq3A_172 = arith.cmpi eq, %jit3A_170, %eq3A_171 : i32
          %jit3A_173 = arith.constant 1 : i32
          %select_n3A_174 = arith.select %eq3A_172, %jit3A_173, %jit3A_170 : i32
          %rem3A_175 = arith.remsi %sub3A_169, %select_n3A_174 : i32
          %ne3A_176 = arith.constant 0 : i32
          %ne3A_177 = arith.cmpi ne, %rem3A_175, %ne3A_176 : i32
          %lt3A_178 = arith.constant 0 : i32
          %lt3A_179 = arith.cmpi slt, %rem3A_175, %lt3A_178 : i32
          %lt3A_180 = arith.constant 0 : i32
          %lt3A_181 = arith.cmpi slt, %select_n3A_174, %lt3A_180 : i32
          %ne3A_182 = arith.xori %lt3A_179, %lt3A_181 : i1
          %and3A_183 = arith.andi %ne3A_182, %ne3A_177 : i1
          %add3A_184 = arith.addi %rem3A_175, %select_n3A_174 : i32
          %select_n3A_185 = arith.select %and3A_183, %add3A_184, %rem3A_175 : i32
          %sub3A_186 = arith.constant 2 : i32
          %sub3A_187 = arith.subi %scan3A_114, %sub3A_186 : i32
          %dma_wait3A_188 = arith.constant 0 : i32
          %dma_wait3A_189 = arith.constant 0 : i32
          %dma_wait3A_190 = tpu.memref_slice %arg11[%select_n3A_185, %dma_wait3A_188, %dma_wait3A_189] : memref<4x128x16xf32, #tpu.memory_space<vmem>> -> memref<1x128x16xf32, #tpu.memory_space<vmem>>
          %dma_wait3A_191 = tpu.memref_squeeze %dma_wait3A_190 : memref<1x128x16xf32, #tpu.memory_space<vmem>> -> memref<128x16xf32, #tpu.memory_space<vmem>>
          %dma_wait3A_192 = arith.constant 0 : i32
          %dma_wait3A_193 = tpu.memref_slice %arg9[%sub3A_187, %dma_wait3A_192] : memref<56x128xi32, #tpu.memory_space<vmem>> -> memref<1x128xi32, #tpu.memory_space<vmem>>
          %dma_wait3A_194 = tpu.memref_squeeze %dma_wait3A_193 : memref<1x128xi32, #tpu.memory_space<vmem>> -> memref<128xi32, #tpu.memory_space<vmem>>
          %dma_wait3A_195 = arith.constant 0 : i32
          %dma_wait3A_196 = arith.constant 0 : i32
          %dma_wait3A_197 = tpu.memref_slice %arg7[%dma_wait3A_195, %dma_wait3A_196] : memref<100096x16xf32, #tpu.memory_space<vmem_shared>> -> memref<100096x16xf32, #tpu.memory_space<vmem_shared>>
          tpu.wait_indirect_dma semaphore(%arg13 : memref<!tpu.dma_semaphore, #tpu.memory_space<semaphore_mem>>) src(%dma_wait3A_191 : memref<128x16xf32, #tpu.memory_space<vmem>>) dst(%dma_wait3A_197 : memref<100096x16xf32, #tpu.memory_space<vmem_shared>>)
        } else {
        }
        %add3A_117 = arith.constant 2 : i32
        %add3A_118 = arith.addi %scan3A_114, %add3A_117 : i32
        %lt3A = arith.constant 56 : i32
        %lt3A_119 = arith.cmpi slt, %add3A_118, %lt3A : i32
        %convert_element_type3A_120 = arith.extui %lt3A_119 : i1 to i32
        %cond3A_121 = arith.constant 0 : i32
        %cond3A_122 = arith.cmpi ne, %convert_element_type3A_120, %cond3A_121 : i32
        scf.if %cond3A_122 {
          %add3A_169 = arith.constant 2 : i32
          %add3A_170 = arith.addi %scan3A_114, %add3A_169 : i32
          %add3A_171 = arith.constant 2 : i32
          %add3A_172 = arith.addi %scan3A_114, %add3A_171 : i32
          %jit3A_173 = arith.constant 4 : i32
          %eq3A_174 = arith.constant 0 : i32
          %eq3A_175 = arith.cmpi eq, %jit3A_173, %eq3A_174 : i32
          %jit3A_176 = arith.constant 1 : i32
          %select_n3A_177 = arith.select %eq3A_175, %jit3A_176, %jit3A_173 : i32
          %rem3A_178 = arith.remsi %add3A_172, %select_n3A_177 : i32
          %ne3A_179 = arith.constant 0 : i32
          %ne3A_180 = arith.cmpi ne, %rem3A_178, %ne3A_179 : i32
          %lt3A_181 = arith.constant 0 : i32
          %lt3A_182 = arith.cmpi slt, %rem3A_178, %lt3A_181 : i32
          %lt3A_183 = arith.constant 0 : i32
          %lt3A_184 = arith.cmpi slt, %select_n3A_177, %lt3A_183 : i32
          %ne3A_185 = arith.xori %lt3A_182, %lt3A_184 : i1
          %and3A_186 = arith.andi %ne3A_185, %ne3A_180 : i1
          %add3A_187 = arith.addi %rem3A_178, %select_n3A_177 : i32
          %select_n3A_188 = arith.select %and3A_186, %add3A_187, %rem3A_178 : i32
          %dma_start3A_189 = arith.constant 0 : i32
          %dma_start3A_190 = arith.constant 0 : i32
          %dma_start3A_191 = tpu.memref_slice %arg11[%select_n3A_188, %dma_start3A_189, %dma_start3A_190] : memref<4x128x16xf32, #tpu.memory_space<vmem>> -> memref<1x128x16xf32, #tpu.memory_space<vmem>>
          %dma_start3A_192 = tpu.memref_squeeze %dma_start3A_191 : memref<1x128x16xf32, #tpu.memory_space<vmem>> -> memref<128x16xf32, #tpu.memory_space<vmem>>
          %dma_start3A_193 = arith.constant 0 : i32
          %dma_start3A_194 = tpu.memref_slice %arg10[%add3A_170, %dma_start3A_193] : memref<56x128xi32, #tpu.memory_space<vmem>> -> memref<1x128xi32, #tpu.memory_space<vmem>>
          %dma_start3A_195 = tpu.memref_squeeze %dma_start3A_194 : memref<1x128xi32, #tpu.memory_space<vmem>> -> memref<128xi32, #tpu.memory_space<vmem>>
          %dma_start3A_196 = arith.constant 0 : i32
          %dma_start3A_197 = arith.constant 0 : i32
          %dma_start3A_198 = tpu.memref_slice %arg2[%dma_start3A_196, %dma_start3A_197] : memref<800000x16xf32, #tpu.memory_space<hbm>> -> memref<800000x16xf32, #tpu.memory_space<hbm>>
          tpu.enqueue_indirect_dma source(%dma_start3A_198 : memref<800000x16xf32, #tpu.memory_space<hbm>>) target(%dma_start3A_192 : memref<128x16xf32, #tpu.memory_space<vmem>>) offsets(%dma_start3A_195 : memref<128xi32, #tpu.memory_space<vmem>>) semaphore(%arg12 : memref<!tpu.dma_semaphore, #tpu.memory_space<semaphore_mem>>)
        } else {
        }
        %jit3A = arith.constant 4 : i32
        %eq3A = arith.constant 0 : i32
        %eq3A_123 = arith.cmpi eq, %jit3A, %eq3A : i32
        %jit3A_124 = arith.constant 1 : i32
        %select_n3A = arith.select %eq3A_123, %jit3A_124, %jit3A : i32
        %rem3A = arith.remsi %scan3A_114, %select_n3A : i32
        %ne3A = arith.constant 0 : i32
        %ne3A_125 = arith.cmpi ne, %rem3A, %ne3A : i32
        %lt3A_126 = arith.constant 0 : i32
        %lt3A_127 = arith.cmpi slt, %rem3A, %lt3A_126 : i32
        %lt3A_128 = arith.constant 0 : i32
        %lt3A_129 = arith.cmpi slt, %select_n3A, %lt3A_128 : i32
        %ne3A_130 = arith.xori %lt3A_127, %lt3A_129 : i1
        %and3A = arith.andi %ne3A_130, %ne3A_125 : i1
        %add3A_131 = arith.addi %rem3A, %select_n3A : i32
        %select_n3A_132 = arith.select %and3A, %add3A_131, %rem3A : i32
        %dma_wait3A_133 = arith.constant 0 : i32
        %dma_wait3A_134 = arith.constant 0 : i32
        %dma_wait3A_135 = tpu.memref_slice %arg11[%select_n3A_132, %dma_wait3A_133, %dma_wait3A_134] : memref<4x128x16xf32, #tpu.memory_space<vmem>> -> memref<1x128x16xf32, #tpu.memory_space<vmem>>
        %dma_wait3A_136 = tpu.memref_squeeze %dma_wait3A_135 : memref<1x128x16xf32, #tpu.memory_space<vmem>> -> memref<128x16xf32, #tpu.memory_space<vmem>>
        %dma_wait3A_137 = arith.constant 0 : i32
        %dma_wait3A_138 = tpu.memref_slice %arg10[%scan3A_114, %dma_wait3A_137] : memref<56x128xi32, #tpu.memory_space<vmem>> -> memref<1x128xi32, #tpu.memory_space<vmem>>
        %dma_wait3A_139 = tpu.memref_squeeze %dma_wait3A_138 : memref<1x128xi32, #tpu.memory_space<vmem>> -> memref<128xi32, #tpu.memory_space<vmem>>
        %dma_wait3A_140 = arith.constant 0 : i32
        %dma_wait3A_141 = arith.constant 0 : i32
        %dma_wait3A_142 = tpu.memref_slice %arg2[%dma_wait3A_140, %dma_wait3A_141] : memref<800000x16xf32, #tpu.memory_space<hbm>> -> memref<800000x16xf32, #tpu.memory_space<hbm>>
        tpu.wait_indirect_dma semaphore(%arg12 : memref<!tpu.dma_semaphore, #tpu.memory_space<semaphore_mem>>) src(%dma_wait3A_142 : memref<800000x16xf32, #tpu.memory_space<hbm>>) dst(%dma_wait3A_136 : memref<128x16xf32, #tpu.memory_space<vmem>>)
        %jit3A_143 = arith.constant 4 : i32
        %eq3A_144 = arith.constant 0 : i32
        %eq3A_145 = arith.cmpi eq, %jit3A_143, %eq3A_144 : i32
        %jit3A_146 = arith.constant 1 : i32
        %select_n3A_147 = arith.select %eq3A_145, %jit3A_146, %jit3A_143 : i32
        %rem3A_148 = arith.remsi %scan3A_114, %select_n3A_147 : i32
        %ne3A_149 = arith.constant 0 : i32
        %ne3A_150 = arith.cmpi ne, %rem3A_148, %ne3A_149 : i32
        %lt3A_151 = arith.constant 0 : i32
        %lt3A_152 = arith.cmpi slt, %rem3A_148, %lt3A_151 : i32
        %lt3A_153 = arith.constant 0 : i32
        %lt3A_154 = arith.cmpi slt, %select_n3A_147, %lt3A_153 : i32
        %ne3A_155 = arith.xori %lt3A_152, %lt3A_154 : i1
        %and3A_156 = arith.andi %ne3A_155, %ne3A_150 : i1
        %add3A_157 = arith.addi %rem3A_148, %select_n3A_147 : i32
        %select_n3A_158 = arith.select %and3A_156, %add3A_157, %rem3A_148 : i32
        %dma_start3A_159 = arith.constant 0 : i32
        %dma_start3A_160 = arith.constant 0 : i32
        %dma_start3A_161 = tpu.memref_slice %arg11[%select_n3A_158, %dma_start3A_159, %dma_start3A_160] : memref<4x128x16xf32, #tpu.memory_space<vmem>> -> memref<1x128x16xf32, #tpu.memory_space<vmem>>
        %dma_start3A_162 = tpu.memref_squeeze %dma_start3A_161 : memref<1x128x16xf32, #tpu.memory_space<vmem>> -> memref<128x16xf32, #tpu.memory_space<vmem>>
        %dma_start3A_163 = arith.constant 0 : i32
        %dma_start3A_164 = tpu.memref_slice %arg9[%scan3A_114, %dma_start3A_163] : memref<56x128xi32, #tpu.memory_space<vmem>> -> memref<1x128xi32, #tpu.memory_space<vmem>>
        %dma_start3A_165 = tpu.memref_squeeze %dma_start3A_164 : memref<1x128xi32, #tpu.memory_space<vmem>> -> memref<128xi32, #tpu.memory_space<vmem>>
        %dma_start3A_166 = arith.constant 0 : i32
        %dma_start3A_167 = arith.constant 0 : i32
        %dma_start3A_168 = tpu.memref_slice %arg7[%dma_start3A_166, %dma_start3A_167] : memref<100096x16xf32, #tpu.memory_space<vmem_shared>> -> memref<100096x16xf32, #tpu.memory_space<vmem_shared>>
        tpu.enqueue_indirect_dma source(%dma_start3A_162 : memref<128x16xf32, #tpu.memory_space<vmem>>) target(%dma_start3A_168 : memref<100096x16xf32, #tpu.memory_space<vmem_shared>>) offsets(%dma_start3A_165 : memref<128xi32, #tpu.memory_space<vmem>>) semaphore(%arg13 : memref<!tpu.dma_semaphore, #tpu.memory_space<semaphore_mem>>) {add = true}
      }
      %scan3A_90 = arith.constant 56 : i32
      %dma_wait3A = arith.constant 2 : i32
      %dma_wait3A_91 = arith.constant 54 : i32
      %dma_wait3A_92 = arith.constant 0 : i32
      %dma_wait3A_93 = arith.constant 0 : i32
      %dma_wait3A_94 = tpu.memref_slice %arg11[%dma_wait3A, %dma_wait3A_92, %dma_wait3A_93] : memref<4x128x16xf32, #tpu.memory_space<vmem>> -> memref<1x128x16xf32, #tpu.memory_space<vmem>>
      %dma_wait3A_95 = tpu.memref_squeeze %dma_wait3A_94 : memref<1x128x16xf32, #tpu.memory_space<vmem>> -> memref<128x16xf32, #tpu.memory_space<vmem>>
      %dma_wait3A_96 = arith.constant 0 : i32
      %dma_wait3A_97 = tpu.memref_slice %arg9[%dma_wait3A_91, %dma_wait3A_96] : memref<56x128xi32, #tpu.memory_space<vmem>> -> memref<1x128xi32, #tpu.memory_space<vmem>>
      %dma_wait3A_98 = tpu.memref_squeeze %dma_wait3A_97 : memref<1x128xi32, #tpu.memory_space<vmem>> -> memref<128xi32, #tpu.memory_space<vmem>>
      %dma_wait3A_99 = arith.constant 0 : i32
      %dma_wait3A_100 = arith.constant 0 : i32
      %dma_wait3A_101 = tpu.memref_slice %arg7[%dma_wait3A_99, %dma_wait3A_100] : memref<100096x16xf32, #tpu.memory_space<vmem_shared>> -> memref<100096x16xf32, #tpu.memory_space<vmem_shared>>
      tpu.wait_indirect_dma semaphore(%arg13 : memref<!tpu.dma_semaphore, #tpu.memory_space<semaphore_mem>>) src(%dma_wait3A_95 : memref<128x16xf32, #tpu.memory_space<vmem>>) dst(%dma_wait3A_101 : memref<100096x16xf32, #tpu.memory_space<vmem_shared>>)
      %dma_wait3A_102 = arith.constant 3 : i32
      %dma_wait3A_103 = arith.constant 55 : i32
      %dma_wait3A_104 = arith.constant 0 : i32
      %dma_wait3A_105 = arith.constant 0 : i32
      %dma_wait3A_106 = tpu.memref_slice %arg11[%dma_wait3A_102, %dma_wait3A_104, %dma_wait3A_105] : memref<4x128x16xf32, #tpu.memory_space<vmem>> -> memref<1x128x16xf32, #tpu.memory_space<vmem>>
      %dma_wait3A_107 = tpu.memref_squeeze %dma_wait3A_106 : memref<1x128x16xf32, #tpu.memory_space<vmem>> -> memref<128x16xf32, #tpu.memory_space<vmem>>
      %dma_wait3A_108 = arith.constant 0 : i32
      %dma_wait3A_109 = tpu.memref_slice %arg9[%dma_wait3A_103, %dma_wait3A_108] : memref<56x128xi32, #tpu.memory_space<vmem>> -> memref<1x128xi32, #tpu.memory_space<vmem>>
      %dma_wait3A_110 = tpu.memref_squeeze %dma_wait3A_109 : memref<1x128xi32, #tpu.memory_space<vmem>> -> memref<128xi32, #tpu.memory_space<vmem>>
      %dma_wait3A_111 = arith.constant 0 : i32
      %dma_wait3A_112 = arith.constant 0 : i32
      %dma_wait3A_113 = tpu.memref_slice %arg7[%dma_wait3A_111, %dma_wait3A_112] : memref<100096x16xf32, #tpu.memory_space<vmem_shared>> -> memref<100096x16xf32, #tpu.memory_space<vmem_shared>>
      tpu.wait_indirect_dma semaphore(%arg13 : memref<!tpu.dma_semaphore, #tpu.memory_space<semaphore_mem>>) src(%dma_wait3A_107 : memref<128x16xf32, #tpu.memory_space<vmem>>) dst(%dma_wait3A_113 : memref<100096x16xf32, #tpu.memory_space<vmem_shared>>)
    }
    %scan3A_36 = arith.constant 28 : i32
    %barrier3A_37 = arith.constant 0 : index
    tpu.barrier barrier_id(%barrier3A_37)
    "tpu.region"() ({
      %run_scoped3A = tpu.sem_alloc : memref<!tpu.dma_semaphore, #tpu.memory_space<semaphore_mem>>
      %dma_start3A = arith.constant 0 : i32
      %dma_start3A_52 = tpu.memref_slice %arg6[%add3A_29, %mul3A_0, %dma_start3A] : memref<8x100096x16xf32, #tpu.memory_space<hbm>> -> memref<1x3128x16xf32, #tpu.memory_space<hbm>>
      %dma_start3A_53 = tpu.memref_squeeze %dma_start3A_52 : memref<1x3128x16xf32, #tpu.memory_space<hbm>> -> memref<3128x16xf32, #tpu.memory_space<hbm>>
      %dma_start3A_54 = arith.constant 0 : i32
      %dma_start3A_55 = tpu.memref_slice %arg7[%mul3A_0, %dma_start3A_54] : memref<100096x16xf32, #tpu.memory_space<vmem_shared>> -> memref<3128x16xf32, #tpu.memory_space<vmem_shared>>
      tpu.enqueue_dma source(%dma_start3A_55 : memref<3128x16xf32, #tpu.memory_space<vmem_shared>>) target(%dma_start3A_53 : memref<3128x16xf32, #tpu.memory_space<hbm>>) target_semaphore(%run_scoped3A : memref<!tpu.dma_semaphore, #tpu.memory_space<semaphore_mem>>)
      %dma_wait3A = arith.constant 0 : i32
      %dma_wait3A_56 = tpu.memref_slice %arg6[%add3A_29, %mul3A_0, %dma_wait3A] : memref<8x100096x16xf32, #tpu.memory_space<hbm>> -> memref<1x3128x16xf32, #tpu.memory_space<hbm>>
      %dma_wait3A_57 = tpu.memref_squeeze %dma_wait3A_56 : memref<1x3128x16xf32, #tpu.memory_space<hbm>> -> memref<3128x16xf32, #tpu.memory_space<hbm>>
      %dma_wait3A_58 = arith.constant 0 : i32
      %dma_wait3A_59 = tpu.memref_slice %arg7[%mul3A_0, %dma_wait3A_58] : memref<100096x16xf32, #tpu.memory_space<vmem_shared>> -> memref<3128x16xf32, #tpu.memory_space<vmem_shared>>
      tpu.wait_dma2 semaphore(%run_scoped3A : memref<!tpu.dma_semaphore, #tpu.memory_space<semaphore_mem>>) src(%dma_wait3A_59 : memref<3128x16xf32, #tpu.memory_space<vmem_shared>>) dst(%dma_wait3A_57 : memref<3128x16xf32, #tpu.memory_space<hbm>>)
      tpu.yield
    }) : () -> ()
    %barrier3A_38 = arith.constant 0 : index
    tpu.barrier barrier_id(%barrier3A_38)
    %mul3A_39 = arith.constant 4 : i32
    %mul3A_40 = arith.muli %arg0, %mul3A_39 : i32
    %add3A_41 = arith.constant 3 : i32
    %add3A_42 = arith.addi %mul3A_40, %add3A_41 : i32
    "tpu.region"() ({
      %run_scoped3A = tpu.sem_alloc : memref<!tpu.dma_semaphore, #tpu.memory_space<semaphore_mem>>
      %dma_start3A = arith.constant 0 : i32
      %dma_start3A_52 = tpu.memref_slice %arg7[%mul3A_0, %dma_start3A] : memref<100096x16xf32, #tpu.memory_space<vmem_shared>> -> memref<3128x16xf32, #tpu.memory_space<vmem_shared>>
      tpu.enqueue_dma source(%arg5 : memref<3128x16xf32, #tpu.memory_space<hbm>>) target(%dma_start3A_52 : memref<3128x16xf32, #tpu.memory_space<vmem_shared>>) target_semaphore(%run_scoped3A : memref<!tpu.dma_semaphore, #tpu.memory_space<semaphore_mem>>)
      %dma_wait3A = arith.constant 0 : i32
      %dma_wait3A_53 = tpu.memref_slice %arg7[%mul3A_0, %dma_wait3A] : memref<100096x16xf32, #tpu.memory_space<vmem_shared>> -> memref<3128x16xf32, #tpu.memory_space<vmem_shared>>
      tpu.wait_dma2 semaphore(%run_scoped3A : memref<!tpu.dma_semaphore, #tpu.memory_space<semaphore_mem>>) src(%arg5 : memref<3128x16xf32, #tpu.memory_space<hbm>>) dst(%dma_wait3A_53 : memref<3128x16xf32, #tpu.memory_space<vmem_shared>>)
      tpu.yield
    }) : () -> ()
    %barrier3A_43 = arith.constant 0 : index
    tpu.barrier barrier_id(%barrier3A_43)
    %scan3A_44 = arith.constant 0 : i32
    %scan3A_45 = arith.constant 0 : i32
    %scan3A_46 = arith.constant 28 : i32
    %scan3A_47 = arith.addi %scan3A_45, %scan3A_46 : i32
    %scan3A_48 = arith.constant 1 : i32
    scf.for %scan3A_52 = %scan3A_45 to %scan3A_47 step %scan3A_48  : i32 {
      %mul3A_53 = arith.constant 56 : i32
      %mul3A_54 = arith.muli %scan3A_52, %mul3A_53 : i32
      %add3A_55 = arith.addi %mul3A_2, %mul3A_54 : i32
      "tpu.region"() ({
        %run_scoped3A = tpu.sem_alloc : memref<!tpu.dma_semaphore, #tpu.memory_space<semaphore_mem>>
        %dma_start3A_114 = arith.constant 0 : i32
        %dma_start3A_115 = tpu.memref_slice %arg3[%add3A_55, %dma_start3A_114] : memref<25088x128xi32, #tpu.memory_space<hbm>> -> memref<56x128xi32, #tpu.memory_space<hbm>>
        %dma_start3A_116 = arith.constant 0 : i32
        %dma_start3A_117 = tpu.memref_slice %arg3[%add3A_55, %dma_start3A_116] : memref<25088x128xi32, #tpu.memory_space<hbm>> -> memref<56x128xi32, #tpu.memory_space<hbm>>
        tpu.enqueue_dma source(%dma_start3A_117 : memref<56x128xi32, #tpu.memory_space<hbm>>) target(%arg8 : memref<56x128xi32, #tpu.memory_space<vmem>>) target_semaphore(%run_scoped3A : memref<!tpu.dma_semaphore, #tpu.memory_space<semaphore_mem>>)
        %dma_wait3A_118 = arith.constant 0 : i32
        %dma_wait3A_119 = tpu.memref_slice %arg3[%add3A_55, %dma_wait3A_118] : memref<25088x128xi32, #tpu.memory_space<hbm>> -> memref<56x128xi32, #tpu.memory_space<hbm>>
        %dma_wait3A_120 = arith.constant 0 : i32
        %dma_wait3A_121 = tpu.memref_slice %arg3[%add3A_55, %dma_wait3A_120] : memref<25088x128xi32, #tpu.memory_space<hbm>> -> memref<56x128xi32, #tpu.memory_space<hbm>>
        tpu.wait_dma2 semaphore(%run_scoped3A : memref<!tpu.dma_semaphore, #tpu.memory_space<semaphore_mem>>) src(%dma_wait3A_121 : memref<56x128xi32, #tpu.memory_space<hbm>>) dst(%arg8 : memref<56x128xi32, #tpu.memory_space<vmem>>)
        tpu.yield
      }) : () -> ()
      "tpu.region"() ({
        %run_scoped3A = tpu.sem_alloc : memref<!tpu.dma_semaphore, #tpu.memory_space<semaphore_mem>>
        %dma_start3A_114 = arith.constant 0 : i32
        %dma_start3A_115 = tpu.memref_slice %arg4[%add3A_55, %dma_start3A_114] : memref<25088x128xi32, #tpu.memory_space<hbm>> -> memref<56x128xi32, #tpu.memory_space<hbm>>
        %dma_start3A_116 = arith.constant 0 : i32
        %dma_start3A_117 = tpu.memref_slice %arg4[%add3A_55, %dma_start3A_116] : memref<25088x128xi32, #tpu.memory_space<hbm>> -> memref<56x128xi32, #tpu.memory_space<hbm>>
        tpu.enqueue_dma source(%dma_start3A_117 : memref<56x128xi32, #tpu.memory_space<hbm>>) target(%arg9 : memref<56x128xi32, #tpu.memory_space<vmem>>) target_semaphore(%run_scoped3A : memref<!tpu.dma_semaphore, #tpu.memory_space<semaphore_mem>>)
        %dma_wait3A_118 = arith.constant 0 : i32
        %dma_wait3A_119 = tpu.memref_slice %arg4[%add3A_55, %dma_wait3A_118] : memref<25088x128xi32, #tpu.memory_space<hbm>> -> memref<56x128xi32, #tpu.memory_space<hbm>>
        %dma_wait3A_120 = arith.constant 0 : i32
        %dma_wait3A_121 = tpu.memref_slice %arg4[%add3A_55, %dma_wait3A_120] : memref<25088x128xi32, #tpu.memory_space<hbm>> -> memref<56x128xi32, #tpu.memory_space<hbm>>
        tpu.wait_dma2 semaphore(%run_scoped3A : memref<!tpu.dma_semaphore, #tpu.memory_space<semaphore_mem>>) src(%dma_wait3A_121 : memref<56x128xi32, #tpu.memory_space<hbm>>) dst(%arg9 : memref<56x128xi32, #tpu.memory_space<vmem>>)
        tpu.yield
      }) : () -> ()
      %scan3A_56 = arith.constant 0 : i32
      %scan3A_57 = arith.constant 0 : i32
      %scan3A_58 = arith.constant 56 : i32
      %scan3A_59 = arith.addi %scan3A_57, %scan3A_58 : i32
      %scan3A_60 = arith.constant 1 : i32
      scf.for %scan3A_114 = %scan3A_57 to %scan3A_59 step %scan3A_60  : i32 {
        %get3A = arith.index_cast %scan3A_114 : i32 to index
        %get3A_115 = arith.constant 0 : index
        %get3A_116 = tpu.vector_load %arg8[%get3A, %get3A_115] {strides = array<i32>} : memref<56x128xi32, #tpu.memory_space<vmem>>, vector<1x16xi32>,
        %get3A_117 = vector.shape_cast %get3A_116 : vector<1x16xi32> to vector<16xi32>
        %mul3A_118 = arith.constant 8 : i32
        %mul3A_119 = vector.broadcast %mul3A_118 : i32 to vector<16xi32>
        %mul3A_120 = arith.muli %get3A_117, %mul3A_119 : vector<16xi32>
        %add3A_121 = vector.broadcast %add3A_42 : i32 to vector<16xi32>
        %add3A_122 = arith.addi %mul3A_120, %add3A_121 : vector<16xi32>
        %swap3A = arith.index_cast %scan3A_114 : i32 to index
        %swap3A_123 = arith.constant 0 : index
        %swap3A_124 = tpu.vector_load %arg10[%swap3A, %swap3A_123] {strides = array<i32>} : memref<56x128xi32, #tpu.memory_space<vmem>>, vector<1x16xi32>,
        %swap3A_125 = vector.shape_cast %swap3A_124 : vector<1x16xi32> to vector<16xi32>
        %swap3A_126 = vector.shape_cast %add3A_122 : vector<16xi32> to vector<1x16xi32>
        tpu.vector_store %arg10[%swap3A, %swap3A_123], %swap3A_126 {strides = array<i32>} : memref<56x128xi32, #tpu.memory_space<vmem>>, vector<1x16xi32>,
        %get3A_127 = arith.index_cast %scan3A_114 : i32 to index
        %get3A_128 = arith.constant 16 : index
        %get3A_129 = tpu.vector_load %arg8[%get3A_127, %get3A_128] {strides = array<i32>} : memref<56x128xi32, #tpu.memory_space<vmem>>, vector<1x16xi32>,
        %get3A_130 = vector.shape_cast %get3A_129 : vector<1x16xi32> to vector<16xi32>
        %mul3A_131 = arith.constant 8 : i32
        %mul3A_132 = vector.broadcast %mul3A_131 : i32 to vector<16xi32>
        %mul3A_133 = arith.muli %get3A_130, %mul3A_132 : vector<16xi32>
        %add3A_134 = vector.broadcast %add3A_42 : i32 to vector<16xi32>
        %add3A_135 = arith.addi %mul3A_133, %add3A_134 : vector<16xi32>
        %swap3A_136 = arith.index_cast %scan3A_114 : i32 to index
        %swap3A_137 = arith.constant 16 : index
        %swap3A_138 = tpu.vector_load %arg10[%swap3A_136, %swap3A_137] {strides = array<i32>} : memref<56x128xi32, #tpu.memory_space<vmem>>, vector<1x16xi32>,
        %swap3A_139 = vector.shape_cast %swap3A_138 : vector<1x16xi32> to vector<16xi32>
        %swap3A_140 = vector.shape_cast %add3A_135 : vector<16xi32> to vector<1x16xi32>
        tpu.vector_store %arg10[%swap3A_136, %swap3A_137], %swap3A_140 {strides = array<i32>} : memref<56x128xi32, #tpu.memory_space<vmem>>, vector<1x16xi32>,
        %get3A_141 = arith.index_cast %scan3A_114 : i32 to index
        %get3A_142 = arith.constant 32 : index
        %get3A_143 = tpu.vector_load %arg8[%get3A_141, %get3A_142] {strides = array<i32>} : memref<56x128xi32, #tpu.memory_space<vmem>>, vector<1x16xi32>,
        %get3A_144 = vector.shape_cast %get3A_143 : vector<1x16xi32> to vector<16xi32>
        %mul3A_145 = arith.constant 8 : i32
        %mul3A_146 = vector.broadcast %mul3A_145 : i32 to vector<16xi32>
        %mul3A_147 = arith.muli %get3A_144, %mul3A_146 : vector<16xi32>
        %add3A_148 = vector.broadcast %add3A_42 : i32 to vector<16xi32>
        %add3A_149 = arith.addi %mul3A_147, %add3A_148 : vector<16xi32>
        %swap3A_150 = arith.index_cast %scan3A_114 : i32 to index
        %swap3A_151 = arith.constant 32 : index
        %swap3A_152 = tpu.vector_load %arg10[%swap3A_150, %swap3A_151] {strides = array<i32>} : memref<56x128xi32, #tpu.memory_space<vmem>>, vector<1x16xi32>,
        %swap3A_153 = vector.shape_cast %swap3A_152 : vector<1x16xi32> to vector<16xi32>
        %swap3A_154 = vector.shape_cast %add3A_149 : vector<16xi32> to vector<1x16xi32>
        tpu.vector_store %arg10[%swap3A_150, %swap3A_151], %swap3A_154 {strides = array<i32>} : memref<56x128xi32, #tpu.memory_space<vmem>>, vector<1x16xi32>,
        %get3A_155 = arith.index_cast %scan3A_114 : i32 to index
        %get3A_156 = arith.constant 48 : index
        %get3A_157 = tpu.vector_load %arg8[%get3A_155, %get3A_156] {strides = array<i32>} : memref<56x128xi32, #tpu.memory_space<vmem>>, vector<1x16xi32>,
        %get3A_158 = vector.shape_cast %get3A_157 : vector<1x16xi32> to vector<16xi32>
        %mul3A_159 = arith.constant 8 : i32
        %mul3A_160 = vector.broadcast %mul3A_159 : i32 to vector<16xi32>
        %mul3A_161 = arith.muli %get3A_158, %mul3A_160 : vector<16xi32>
        %add3A_162 = vector.broadcast %add3A_42 : i32 to vector<16xi32>
        %add3A_163 = arith.addi %mul3A_161, %add3A_162 : vector<16xi32>
        %swap3A_164 = arith.index_cast %scan3A_114 : i32 to index
        %swap3A_165 = arith.constant 48 : index
        %swap3A_166 = tpu.vector_load %arg10[%swap3A_164, %swap3A_165] {strides = array<i32>} : memref<56x128xi32, #tpu.memory_space<vmem>>, vector<1x16xi32>,
        %swap3A_167 = vector.shape_cast %swap3A_166 : vector<1x16xi32> to vector<16xi32>
        %swap3A_168 = vector.shape_cast %add3A_163 : vector<16xi32> to vector<1x16xi32>
        tpu.vector_store %arg10[%swap3A_164, %swap3A_165], %swap3A_168 {strides = array<i32>} : memref<56x128xi32, #tpu.memory_space<vmem>>, vector<1x16xi32>,
        %get3A_169 = arith.index_cast %scan3A_114 : i32 to index
        %get3A_170 = arith.constant 64 : index
        %get3A_171 = tpu.vector_load %arg8[%get3A_169, %get3A_170] {strides = array<i32>} : memref<56x128xi32, #tpu.memory_space<vmem>>, vector<1x16xi32>,
        %get3A_172 = vector.shape_cast %get3A_171 : vector<1x16xi32> to vector<16xi32>
        %mul3A_173 = arith.constant 8 : i32
        %mul3A_174 = vector.broadcast %mul3A_173 : i32 to vector<16xi32>
        %mul3A_175 = arith.muli %get3A_172, %mul3A_174 : vector<16xi32>
        %add3A_176 = vector.broadcast %add3A_42 : i32 to vector<16xi32>
        %add3A_177 = arith.addi %mul3A_175, %add3A_176 : vector<16xi32>
        %swap3A_178 = arith.index_cast %scan3A_114 : i32 to index
        %swap3A_179 = arith.constant 64 : index
        %swap3A_180 = tpu.vector_load %arg10[%swap3A_178, %swap3A_179] {strides = array<i32>} : memref<56x128xi32, #tpu.memory_space<vmem>>, vector<1x16xi32>,
        %swap3A_181 = vector.shape_cast %swap3A_180 : vector<1x16xi32> to vector<16xi32>
        %swap3A_182 = vector.shape_cast %add3A_177 : vector<16xi32> to vector<1x16xi32>
        tpu.vector_store %arg10[%swap3A_178, %swap3A_179], %swap3A_182 {strides = array<i32>} : memref<56x128xi32, #tpu.memory_space<vmem>>, vector<1x16xi32>,
        %get3A_183 = arith.index_cast %scan3A_114 : i32 to index
        %get3A_184 = arith.constant 80 : index
        %get3A_185 = tpu.vector_load %arg8[%get3A_183, %get3A_184] {strides = array<i32>} : memref<56x128xi32, #tpu.memory_space<vmem>>, vector<1x16xi32>,
        %get3A_186 = vector.shape_cast %get3A_185 : vector<1x16xi32> to vector<16xi32>
        %mul3A_187 = arith.constant 8 : i32
        %mul3A_188 = vector.broadcast %mul3A_187 : i32 to vector<16xi32>
        %mul3A_189 = arith.muli %get3A_186, %mul3A_188 : vector<16xi32>
        %add3A_190 = vector.broadcast %add3A_42 : i32 to vector<16xi32>
        %add3A_191 = arith.addi %mul3A_189, %add3A_190 : vector<16xi32>
        %swap3A_192 = arith.index_cast %scan3A_114 : i32 to index
        %swap3A_193 = arith.constant 80 : index
        %swap3A_194 = tpu.vector_load %arg10[%swap3A_192, %swap3A_193] {strides = array<i32>} : memref<56x128xi32, #tpu.memory_space<vmem>>, vector<1x16xi32>,
        %swap3A_195 = vector.shape_cast %swap3A_194 : vector<1x16xi32> to vector<16xi32>
        %swap3A_196 = vector.shape_cast %add3A_191 : vector<16xi32> to vector<1x16xi32>
        tpu.vector_store %arg10[%swap3A_192, %swap3A_193], %swap3A_196 {strides = array<i32>} : memref<56x128xi32, #tpu.memory_space<vmem>>, vector<1x16xi32>,
        %get3A_197 = arith.index_cast %scan3A_114 : i32 to index
        %get3A_198 = arith.constant 96 : index
        %get3A_199 = tpu.vector_load %arg8[%get3A_197, %get3A_198] {strides = array<i32>} : memref<56x128xi32, #tpu.memory_space<vmem>>, vector<1x16xi32>,
        %get3A_200 = vector.shape_cast %get3A_199 : vector<1x16xi32> to vector<16xi32>
        %mul3A_201 = arith.constant 8 : i32
        %mul3A_202 = vector.broadcast %mul3A_201 : i32 to vector<16xi32>
        %mul3A_203 = arith.muli %get3A_200, %mul3A_202 : vector<16xi32>
        %add3A_204 = vector.broadcast %add3A_42 : i32 to vector<16xi32>
        %add3A_205 = arith.addi %mul3A_203, %add3A_204 : vector<16xi32>
        %swap3A_206 = arith.index_cast %scan3A_114 : i32 to index
        %swap3A_207 = arith.constant 96 : index
        %swap3A_208 = tpu.vector_load %arg10[%swap3A_206, %swap3A_207] {strides = array<i32>} : memref<56x128xi32, #tpu.memory_space<vmem>>, vector<1x16xi32>,
        %swap3A_209 = vector.shape_cast %swap3A_208 : vector<1x16xi32> to vector<16xi32>
        %swap3A_210 = vector.shape_cast %add3A_205 : vector<16xi32> to vector<1x16xi32>
        tpu.vector_store %arg10[%swap3A_206, %swap3A_207], %swap3A_210 {strides = array<i32>} : memref<56x128xi32, #tpu.memory_space<vmem>>, vector<1x16xi32>,
        %get3A_211 = arith.index_cast %scan3A_114 : i32 to index
        %get3A_212 = arith.constant 112 : index
        %get3A_213 = tpu.vector_load %arg8[%get3A_211, %get3A_212] {strides = array<i32>} : memref<56x128xi32, #tpu.memory_space<vmem>>, vector<1x16xi32>,
        %get3A_214 = vector.shape_cast %get3A_213 : vector<1x16xi32> to vector<16xi32>
        %mul3A_215 = arith.constant 8 : i32
        %mul3A_216 = vector.broadcast %mul3A_215 : i32 to vector<16xi32>
        %mul3A_217 = arith.muli %get3A_214, %mul3A_216 : vector<16xi32>
        %add3A_218 = vector.broadcast %add3A_42 : i32 to vector<16xi32>
        %add3A_219 = arith.addi %mul3A_217, %add3A_218 : vector<16xi32>
        %swap3A_220 = arith.index_cast %scan3A_114 : i32 to index
        %swap3A_221 = arith.constant 112 : index
        %swap3A_222 = tpu.vector_load %arg10[%swap3A_220, %swap3A_221] {strides = array<i32>} : memref<56x128xi32, #tpu.memory_space<vmem>>, vector<1x16xi32>,
        %swap3A_223 = vector.shape_cast %swap3A_222 : vector<1x16xi32> to vector<16xi32>
        %swap3A_224 = vector.shape_cast %add3A_219 : vector<16xi32> to vector<1x16xi32>
        tpu.vector_store %arg10[%swap3A_220, %swap3A_221], %swap3A_224 {strides = array<i32>} : memref<56x128xi32, #tpu.memory_space<vmem>>, vector<1x16xi32>,
      }
      %scan3A_61 = arith.constant 56 : i32
      %dma_start3A = arith.constant 0 : i32
      %dma_start3A_62 = arith.constant 0 : i32
      %dma_start3A_63 = arith.constant 0 : i32
      %dma_start3A_64 = arith.constant 0 : i32
      %dma_start3A_65 = tpu.memref_slice %arg11[%dma_start3A_62, %dma_start3A_63, %dma_start3A_64] : memref<4x128x16xf32, #tpu.memory_space<vmem>> -> memref<1x128x16xf32, #tpu.memory_space<vmem>>
      %dma_start3A_66 = tpu.memref_squeeze %dma_start3A_65 : memref<1x128x16xf32, #tpu.memory_space<vmem>> -> memref<128x16xf32, #tpu.memory_space<vmem>>
      %dma_start3A_67 = arith.constant 0 : i32
      %dma_start3A_68 = tpu.memref_slice %arg10[%dma_start3A, %dma_start3A_67] : memref<56x128xi32, #tpu.memory_space<vmem>> -> memref<1x128xi32, #tpu.memory_space<vmem>>
      %dma_start3A_69 = tpu.memref_squeeze %dma_start3A_68 : memref<1x128xi32, #tpu.memory_space<vmem>> -> memref<128xi32, #tpu.memory_space<vmem>>
      %dma_start3A_70 = arith.constant 0 : i32
      %dma_start3A_71 = arith.constant 0 : i32
      %dma_start3A_72 = tpu.memref_slice %arg2[%dma_start3A_70, %dma_start3A_71] : memref<800000x16xf32, #tpu.memory_space<hbm>> -> memref<800000x16xf32, #tpu.memory_space<hbm>>
      tpu.enqueue_indirect_dma source(%dma_start3A_72 : memref<800000x16xf32, #tpu.memory_space<hbm>>) target(%dma_start3A_66 : memref<128x16xf32, #tpu.memory_space<vmem>>) offsets(%dma_start3A_69 : memref<128xi32, #tpu.memory_space<vmem>>) semaphore(%arg12 : memref<!tpu.dma_semaphore, #tpu.memory_space<semaphore_mem>>)
      %dma_start3A_73 = arith.constant 1 : i32
      %dma_start3A_74 = arith.constant 1 : i32
      %dma_start3A_75 = arith.constant 0 : i32
      %dma_start3A_76 = arith.constant 0 : i32
      %dma_start3A_77 = tpu.memref_slice %arg11[%dma_start3A_74, %dma_start3A_75, %dma_start3A_76] : memref<4x128x16xf32, #tpu.memory_space<vmem>> -> memref<1x128x16xf32, #tpu.memory_space<vmem>>
      %dma_start3A_78 = tpu.memref_squeeze %dma_start3A_77 : memref<1x128x16xf32, #tpu.memory_space<vmem>> -> memref<128x16xf32, #tpu.memory_space<vmem>>
      %dma_start3A_79 = arith.constant 0 : i32
      %dma_start3A_80 = tpu.memref_slice %arg10[%dma_start3A_73, %dma_start3A_79] : memref<56x128xi32, #tpu.memory_space<vmem>> -> memref<1x128xi32, #tpu.memory_space<vmem>>
      %dma_start3A_81 = tpu.memref_squeeze %dma_start3A_80 : memref<1x128xi32, #tpu.memory_space<vmem>> -> memref<128xi32, #tpu.memory_space<vmem>>
      %dma_start3A_82 = arith.constant 0 : i32
      %dma_start3A_83 = arith.constant 0 : i32
      %dma_start3A_84 = tpu.memref_slice %arg2[%dma_start3A_82, %dma_start3A_83] : memref<800000x16xf32, #tpu.memory_space<hbm>> -> memref<800000x16xf32, #tpu.memory_space<hbm>>
      tpu.enqueue_indirect_dma source(%dma_start3A_84 : memref<800000x16xf32, #tpu.memory_space<hbm>>) target(%dma_start3A_78 : memref<128x16xf32, #tpu.memory_space<vmem>>) offsets(%dma_start3A_81 : memref<128xi32, #tpu.memory_space<vmem>>) semaphore(%arg12 : memref<!tpu.dma_semaphore, #tpu.memory_space<semaphore_mem>>)
      %scan3A_85 = arith.constant 0 : i32
      %scan3A_86 = arith.constant 0 : i32
      %scan3A_87 = arith.constant 56 : i32
      %scan3A_88 = arith.addi %scan3A_86, %scan3A_87 : i32
      %scan3A_89 = arith.constant 1 : i32
      scf.for %scan3A_114 = %scan3A_86 to %scan3A_88 step %scan3A_89  : i32 {
        %ge3A = arith.constant 2 : i32
        %ge3A_115 = arith.cmpi sge, %scan3A_114, %ge3A : i32
        %convert_element_type3A = arith.extui %ge3A_115 : i1 to i32
        %cond3A = arith.constant 0 : i32
        %cond3A_116 = arith.cmpi ne, %convert_element_type3A, %cond3A : i32
        scf.if %cond3A_116 {
          %sub3A = arith.constant 2 : i32
          %sub3A_169 = arith.subi %scan3A_114, %sub3A : i32
          %jit3A_170 = arith.constant 4 : i32
          %eq3A_171 = arith.constant 0 : i32
          %eq3A_172 = arith.cmpi eq, %jit3A_170, %eq3A_171 : i32
          %jit3A_173 = arith.constant 1 : i32
          %select_n3A_174 = arith.select %eq3A_172, %jit3A_173, %jit3A_170 : i32
          %rem3A_175 = arith.remsi %sub3A_169, %select_n3A_174 : i32
          %ne3A_176 = arith.constant 0 : i32
          %ne3A_177 = arith.cmpi ne, %rem3A_175, %ne3A_176 : i32
          %lt3A_178 = arith.constant 0 : i32
          %lt3A_179 = arith.cmpi slt, %rem3A_175, %lt3A_178 : i32
          %lt3A_180 = arith.constant 0 : i32
          %lt3A_181 = arith.cmpi slt, %select_n3A_174, %lt3A_180 : i32
          %ne3A_182 = arith.xori %lt3A_179, %lt3A_181 : i1
          %and3A_183 = arith.andi %ne3A_182, %ne3A_177 : i1
          %add3A_184 = arith.addi %rem3A_175, %select_n3A_174 : i32
          %select_n3A_185 = arith.select %and3A_183, %add3A_184, %rem3A_175 : i32
          %sub3A_186 = arith.constant 2 : i32
          %sub3A_187 = arith.subi %scan3A_114, %sub3A_186 : i32
          %dma_wait3A_188 = arith.constant 0 : i32
          %dma_wait3A_189 = arith.constant 0 : i32
          %dma_wait3A_190 = tpu.memref_slice %arg11[%select_n3A_185, %dma_wait3A_188, %dma_wait3A_189] : memref<4x128x16xf32, #tpu.memory_space<vmem>> -> memref<1x128x16xf32, #tpu.memory_space<vmem>>
          %dma_wait3A_191 = tpu.memref_squeeze %dma_wait3A_190 : memref<1x128x16xf32, #tpu.memory_space<vmem>> -> memref<128x16xf32, #tpu.memory_space<vmem>>
          %dma_wait3A_192 = arith.constant 0 : i32
          %dma_wait3A_193 = tpu.memref_slice %arg9[%sub3A_187, %dma_wait3A_192] : memref<56x128xi32, #tpu.memory_space<vmem>> -> memref<1x128xi32, #tpu.memory_space<vmem>>
          %dma_wait3A_194 = tpu.memref_squeeze %dma_wait3A_193 : memref<1x128xi32, #tpu.memory_space<vmem>> -> memref<128xi32, #tpu.memory_space<vmem>>
          %dma_wait3A_195 = arith.constant 0 : i32
          %dma_wait3A_196 = arith.constant 0 : i32
          %dma_wait3A_197 = tpu.memref_slice %arg7[%dma_wait3A_195, %dma_wait3A_196] : memref<100096x16xf32, #tpu.memory_space<vmem_shared>> -> memref<100096x16xf32, #tpu.memory_space<vmem_shared>>
          tpu.wait_indirect_dma semaphore(%arg13 : memref<!tpu.dma_semaphore, #tpu.memory_space<semaphore_mem>>) src(%dma_wait3A_191 : memref<128x16xf32, #tpu.memory_space<vmem>>) dst(%dma_wait3A_197 : memref<100096x16xf32, #tpu.memory_space<vmem_shared>>)
        } else {
        }
        %add3A_117 = arith.constant 2 : i32
        %add3A_118 = arith.addi %scan3A_114, %add3A_117 : i32
        %lt3A = arith.constant 56 : i32
        %lt3A_119 = arith.cmpi slt, %add3A_118, %lt3A : i32
        %convert_element_type3A_120 = arith.extui %lt3A_119 : i1 to i32
        %cond3A_121 = arith.constant 0 : i32
        %cond3A_122 = arith.cmpi ne, %convert_element_type3A_120, %cond3A_121 : i32
        scf.if %cond3A_122 {
          %add3A_169 = arith.constant 2 : i32
          %add3A_170 = arith.addi %scan3A_114, %add3A_169 : i32
          %add3A_171 = arith.constant 2 : i32
          %add3A_172 = arith.addi %scan3A_114, %add3A_171 : i32
          %jit3A_173 = arith.constant 4 : i32
          %eq3A_174 = arith.constant 0 : i32
          %eq3A_175 = arith.cmpi eq, %jit3A_173, %eq3A_174 : i32
          %jit3A_176 = arith.constant 1 : i32
          %select_n3A_177 = arith.select %eq3A_175, %jit3A_176, %jit3A_173 : i32
          %rem3A_178 = arith.remsi %add3A_172, %select_n3A_177 : i32
          %ne3A_179 = arith.constant 0 : i32
          %ne3A_180 = arith.cmpi ne, %rem3A_178, %ne3A_179 : i32
          %lt3A_181 = arith.constant 0 : i32
          %lt3A_182 = arith.cmpi slt, %rem3A_178, %lt3A_181 : i32
          %lt3A_183 = arith.constant 0 : i32
          %lt3A_184 = arith.cmpi slt, %select_n3A_177, %lt3A_183 : i32
          %ne3A_185 = arith.xori %lt3A_182, %lt3A_184 : i1
          %and3A_186 = arith.andi %ne3A_185, %ne3A_180 : i1
          %add3A_187 = arith.addi %rem3A_178, %select_n3A_177 : i32
          %select_n3A_188 = arith.select %and3A_186, %add3A_187, %rem3A_178 : i32
          %dma_start3A_189 = arith.constant 0 : i32
          %dma_start3A_190 = arith.constant 0 : i32
          %dma_start3A_191 = tpu.memref_slice %arg11[%select_n3A_188, %dma_start3A_189, %dma_start3A_190] : memref<4x128x16xf32, #tpu.memory_space<vmem>> -> memref<1x128x16xf32, #tpu.memory_space<vmem>>
          %dma_start3A_192 = tpu.memref_squeeze %dma_start3A_191 : memref<1x128x16xf32, #tpu.memory_space<vmem>> -> memref<128x16xf32, #tpu.memory_space<vmem>>
          %dma_start3A_193 = arith.constant 0 : i32
          %dma_start3A_194 = tpu.memref_slice %arg10[%add3A_170, %dma_start3A_193] : memref<56x128xi32, #tpu.memory_space<vmem>> -> memref<1x128xi32, #tpu.memory_space<vmem>>
          %dma_start3A_195 = tpu.memref_squeeze %dma_start3A_194 : memref<1x128xi32, #tpu.memory_space<vmem>> -> memref<128xi32, #tpu.memory_space<vmem>>
          %dma_start3A_196 = arith.constant 0 : i32
          %dma_start3A_197 = arith.constant 0 : i32
          %dma_start3A_198 = tpu.memref_slice %arg2[%dma_start3A_196, %dma_start3A_197] : memref<800000x16xf32, #tpu.memory_space<hbm>> -> memref<800000x16xf32, #tpu.memory_space<hbm>>
          tpu.enqueue_indirect_dma source(%dma_start3A_198 : memref<800000x16xf32, #tpu.memory_space<hbm>>) target(%dma_start3A_192 : memref<128x16xf32, #tpu.memory_space<vmem>>) offsets(%dma_start3A_195 : memref<128xi32, #tpu.memory_space<vmem>>) semaphore(%arg12 : memref<!tpu.dma_semaphore, #tpu.memory_space<semaphore_mem>>)
        } else {
        }
        %jit3A = arith.constant 4 : i32
        %eq3A = arith.constant 0 : i32
        %eq3A_123 = arith.cmpi eq, %jit3A, %eq3A : i32
        %jit3A_124 = arith.constant 1 : i32
        %select_n3A = arith.select %eq3A_123, %jit3A_124, %jit3A : i32
        %rem3A = arith.remsi %scan3A_114, %select_n3A : i32
        %ne3A = arith.constant 0 : i32
        %ne3A_125 = arith.cmpi ne, %rem3A, %ne3A : i32
        %lt3A_126 = arith.constant 0 : i32
        %lt3A_127 = arith.cmpi slt, %rem3A, %lt3A_126 : i32
        %lt3A_128 = arith.constant 0 : i32
        %lt3A_129 = arith.cmpi slt, %select_n3A, %lt3A_128 : i32
        %ne3A_130 = arith.xori %lt3A_127, %lt3A_129 : i1
        %and3A = arith.andi %ne3A_130, %ne3A_125 : i1
        %add3A_131 = arith.addi %rem3A, %select_n3A : i32
        %select_n3A_132 = arith.select %and3A, %add3A_131, %rem3A : i32
        %dma_wait3A_133 = arith.constant 0 : i32
        %dma_wait3A_134 = arith.constant 0 : i32
        %dma_wait3A_135 = tpu.memref_slice %arg11[%select_n3A_132, %dma_wait3A_133, %dma_wait3A_134] : memref<4x128x16xf32, #tpu.memory_space<vmem>> -> memref<1x128x16xf32, #tpu.memory_space<vmem>>
        %dma_wait3A_136 = tpu.memref_squeeze %dma_wait3A_135 : memref<1x128x16xf32, #tpu.memory_space<vmem>> -> memref<128x16xf32, #tpu.memory_space<vmem>>
        %dma_wait3A_137 = arith.constant 0 : i32
        %dma_wait3A_138 = tpu.memref_slice %arg10[%scan3A_114, %dma_wait3A_137] : memref<56x128xi32, #tpu.memory_space<vmem>> -> memref<1x128xi32, #tpu.memory_space<vmem>>
        %dma_wait3A_139 = tpu.memref_squeeze %dma_wait3A_138 : memref<1x128xi32, #tpu.memory_space<vmem>> -> memref<128xi32, #tpu.memory_space<vmem>>
        %dma_wait3A_140 = arith.constant 0 : i32
        %dma_wait3A_141 = arith.constant 0 : i32
        %dma_wait3A_142 = tpu.memref_slice %arg2[%dma_wait3A_140, %dma_wait3A_141] : memref<800000x16xf32, #tpu.memory_space<hbm>> -> memref<800000x16xf32, #tpu.memory_space<hbm>>
        tpu.wait_indirect_dma semaphore(%arg12 : memref<!tpu.dma_semaphore, #tpu.memory_space<semaphore_mem>>) src(%dma_wait3A_142 : memref<800000x16xf32, #tpu.memory_space<hbm>>) dst(%dma_wait3A_136 : memref<128x16xf32, #tpu.memory_space<vmem>>)
        %jit3A_143 = arith.constant 4 : i32
        %eq3A_144 = arith.constant 0 : i32
        %eq3A_145 = arith.cmpi eq, %jit3A_143, %eq3A_144 : i32
        %jit3A_146 = arith.constant 1 : i32
        %select_n3A_147 = arith.select %eq3A_145, %jit3A_146, %jit3A_143 : i32
        %rem3A_148 = arith.remsi %scan3A_114, %select_n3A_147 : i32
        %ne3A_149 = arith.constant 0 : i32
        %ne3A_150 = arith.cmpi ne, %rem3A_148, %ne3A_149 : i32
        %lt3A_151 = arith.constant 0 : i32
        %lt3A_152 = arith.cmpi slt, %rem3A_148, %lt3A_151 : i32
        %lt3A_153 = arith.constant 0 : i32
        %lt3A_154 = arith.cmpi slt, %select_n3A_147, %lt3A_153 : i32
        %ne3A_155 = arith.xori %lt3A_152, %lt3A_154 : i1
        %and3A_156 = arith.andi %ne3A_155, %ne3A_150 : i1
        %add3A_157 = arith.addi %rem3A_148, %select_n3A_147 : i32
        %select_n3A_158 = arith.select %and3A_156, %add3A_157, %rem3A_148 : i32
        %dma_start3A_159 = arith.constant 0 : i32
        %dma_start3A_160 = arith.constant 0 : i32
        %dma_start3A_161 = tpu.memref_slice %arg11[%select_n3A_158, %dma_start3A_159, %dma_start3A_160] : memref<4x128x16xf32, #tpu.memory_space<vmem>> -> memref<1x128x16xf32, #tpu.memory_space<vmem>>
        %dma_start3A_162 = tpu.memref_squeeze %dma_start3A_161 : memref<1x128x16xf32, #tpu.memory_space<vmem>> -> memref<128x16xf32, #tpu.memory_space<vmem>>
        %dma_start3A_163 = arith.constant 0 : i32
        %dma_start3A_164 = tpu.memref_slice %arg9[%scan3A_114, %dma_start3A_163] : memref<56x128xi32, #tpu.memory_space<vmem>> -> memref<1x128xi32, #tpu.memory_space<vmem>>
        %dma_start3A_165 = tpu.memref_squeeze %dma_start3A_164 : memref<1x128xi32, #tpu.memory_space<vmem>> -> memref<128xi32, #tpu.memory_space<vmem>>
        %dma_start3A_166 = arith.constant 0 : i32
        %dma_start3A_167 = arith.constant 0 : i32
        %dma_start3A_168 = tpu.memref_slice %arg7[%dma_start3A_166, %dma_start3A_167] : memref<100096x16xf32, #tpu.memory_space<vmem_shared>> -> memref<100096x16xf32, #tpu.memory_space<vmem_shared>>
        tpu.enqueue_indirect_dma source(%dma_start3A_162 : memref<128x16xf32, #tpu.memory_space<vmem>>) target(%dma_start3A_168 : memref<100096x16xf32, #tpu.memory_space<vmem_shared>>) offsets(%dma_start3A_165 : memref<128xi32, #tpu.memory_space<vmem>>) semaphore(%arg13 : memref<!tpu.dma_semaphore, #tpu.memory_space<semaphore_mem>>) {add = true}
      }
      %scan3A_90 = arith.constant 56 : i32
      %dma_wait3A = arith.constant 2 : i32
      %dma_wait3A_91 = arith.constant 54 : i32
      %dma_wait3A_92 = arith.constant 0 : i32
      %dma_wait3A_93 = arith.constant 0 : i32
      %dma_wait3A_94 = tpu.memref_slice %arg11[%dma_wait3A, %dma_wait3A_92, %dma_wait3A_93] : memref<4x128x16xf32, #tpu.memory_space<vmem>> -> memref<1x128x16xf32, #tpu.memory_space<vmem>>
      %dma_wait3A_95 = tpu.memref_squeeze %dma_wait3A_94 : memref<1x128x16xf32, #tpu.memory_space<vmem>> -> memref<128x16xf32, #tpu.memory_space<vmem>>
      %dma_wait3A_96 = arith.constant 0 : i32
      %dma_wait3A_97 = tpu.memref_slice %arg9[%dma_wait3A_91, %dma_wait3A_96] : memref<56x128xi32, #tpu.memory_space<vmem>> -> memref<1x128xi32, #tpu.memory_space<vmem>>
      %dma_wait3A_98 = tpu.memref_squeeze %dma_wait3A_97 : memref<1x128xi32, #tpu.memory_space<vmem>> -> memref<128xi32, #tpu.memory_space<vmem>>
      %dma_wait3A_99 = arith.constant 0 : i32
      %dma_wait3A_100 = arith.constant 0 : i32
      %dma_wait3A_101 = tpu.memref_slice %arg7[%dma_wait3A_99, %dma_wait3A_100] : memref<100096x16xf32, #tpu.memory_space<vmem_shared>> -> memref<100096x16xf32, #tpu.memory_space<vmem_shared>>
      tpu.wait_indirect_dma semaphore(%arg13 : memref<!tpu.dma_semaphore, #tpu.memory_space<semaphore_mem>>) src(%dma_wait3A_95 : memref<128x16xf32, #tpu.memory_space<vmem>>) dst(%dma_wait3A_101 : memref<100096x16xf32, #tpu.memory_space<vmem_shared>>)
      %dma_wait3A_102 = arith.constant 3 : i32
      %dma_wait3A_103 = arith.constant 55 : i32
      %dma_wait3A_104 = arith.constant 0 : i32
      %dma_wait3A_105 = arith.constant 0 : i32
      %dma_wait3A_106 = tpu.memref_slice %arg11[%dma_wait3A_102, %dma_wait3A_104, %dma_wait3A_105] : memref<4x128x16xf32, #tpu.memory_space<vmem>> -> memref<1x128x16xf32, #tpu.memory_space<vmem>>
      %dma_wait3A_107 = tpu.memref_squeeze %dma_wait3A_106 : memref<1x128x16xf32, #tpu.memory_space<vmem>> -> memref<128x16xf32, #tpu.memory_space<vmem>>
      %dma_wait3A_108 = arith.constant 0 : i32
      %dma_wait3A_109 = tpu.memref_slice %arg9[%dma_wait3A_103, %dma_wait3A_108] : memref<56x128xi32, #tpu.memory_space<vmem>> -> memref<1x128xi32, #tpu.memory_space<vmem>>
      %dma_wait3A_110 = tpu.memref_squeeze %dma_wait3A_109 : memref<1x128xi32, #tpu.memory_space<vmem>> -> memref<128xi32, #tpu.memory_space<vmem>>
      %dma_wait3A_111 = arith.constant 0 : i32
      %dma_wait3A_112 = arith.constant 0 : i32
      %dma_wait3A_113 = tpu.memref_slice %arg7[%dma_wait3A_111, %dma_wait3A_112] : memref<100096x16xf32, #tpu.memory_space<vmem_shared>> -> memref<100096x16xf32, #tpu.memory_space<vmem_shared>>
      tpu.wait_indirect_dma semaphore(%arg13 : memref<!tpu.dma_semaphore, #tpu.memory_space<semaphore_mem>>) src(%dma_wait3A_107 : memref<128x16xf32, #tpu.memory_space<vmem>>) dst(%dma_wait3A_113 : memref<100096x16xf32, #tpu.memory_space<vmem_shared>>)
    }
    %scan3A_49 = arith.constant 28 : i32
    %barrier3A_50 = arith.constant 0 : index
    tpu.barrier barrier_id(%barrier3A_50)
    "tpu.region"() ({
      %run_scoped3A = tpu.sem_alloc : memref<!tpu.dma_semaphore, #tpu.memory_space<semaphore_mem>>
      %dma_start3A = arith.constant 0 : i32
      %dma_start3A_52 = tpu.memref_slice %arg6[%add3A_42, %mul3A_0, %dma_start3A] : memref<8x100096x16xf32, #tpu.memory_space<hbm>> -> memref<1x3128x16xf32, #tpu.memory_space<hbm>>
      %dma_start3A_53 = tpu.memref_squeeze %dma_start3A_52 : memref<1x3128x16xf32, #tpu.memory_space<hbm>> -> memref<3128x16xf32, #tpu.memory_space<hbm>>
      %dma_start3A_54 = arith.constant 0 : i32
      %dma_start3A_55 = tpu.memref_slice %arg7[%mul3A_0, %dma_start3A_54] : memref<100096x16xf32, #tpu.memory_space<vmem_shared>> -> memref<3128x16xf32, #tpu.memory_space<vmem_shared>>
      tpu.enqueue_dma source(%dma_start3A_55 : memref<3128x16xf32, #tpu.memory_space<vmem_shared>>) target(%dma_start3A_53 : memref<3128x16xf32, #tpu.memory_space<hbm>>) target_semaphore(%run_scoped3A : memref<!tpu.dma_semaphore, #tpu.memory_space<semaphore_mem>>)
      %dma_wait3A = arith.constant 0 : i32
      %dma_wait3A_56 = tpu.memref_slice %arg6[%add3A_42, %mul3A_0, %dma_wait3A] : memref<8x100096x16xf32, #tpu.memory_space<hbm>> -> memref<1x3128x16xf32, #tpu.memory_space<hbm>>
      %dma_wait3A_57 = tpu.memref_squeeze %dma_wait3A_56 : memref<1x3128x16xf32, #tpu.memory_space<hbm>> -> memref<3128x16xf32, #tpu.memory_space<hbm>>
      %dma_wait3A_58 = arith.constant 0 : i32
      %dma_wait3A_59 = tpu.memref_slice %arg7[%mul3A_0, %dma_wait3A_58] : memref<100096x16xf32, #tpu.memory_space<vmem_shared>> -> memref<3128x16xf32, #tpu.memory_space<vmem_shared>>
      tpu.wait_dma2 semaphore(%run_scoped3A : memref<!tpu.dma_semaphore, #tpu.memory_space<semaphore_mem>>) src(%dma_wait3A_59 : memref<3128x16xf32, #tpu.memory_space<vmem_shared>>) dst(%dma_wait3A_57 : memref<3128x16xf32, #tpu.memory_space<hbm>>)
      tpu.yield
    }) : () -> ()
    %barrier3A_51 = arith.constant 0 : index
    tpu.barrier barrier_id(%barrier3A_51)
    return
  }
}

#map = affine_map<(d0, d1) -> (0, 0)>
#map1 = affine_map<(d0, d1) -> (0, 0, 0)>
module attributes {stable_mosaic.version = 14 : i64} {
  func.func @_agg_body(%arg0: i32, %arg1: i32, %arg2: memref<800000x16xf32, #tpu.memory_space<hbm>>, %arg3: memref<25088x128xi32, #tpu.memory_space<hbm>>, %arg4: memref<25088x128xi32, #tpu.memory_space<hbm>>, %arg5: memref<3128x16xf32, #tpu.memory_space<hbm>>, %arg6: memref<8x100096x16xf32, #tpu.memory_space<hbm>>, %arg7: memref<100096x16xf32, #tpu.memory_space<vmem_shared>>, %arg8: memref<56x128xi32, #tpu.memory_space<vmem>>, %arg9: memref<56x128xi32, #tpu.memory_space<vmem>>, %arg10: memref<56x128xi32, #tpu.memory_space<vmem>>, %arg11: memref<4x128x16xf32, #tpu.memory_space<vmem>>, %arg12: memref<!tpu.dma_semaphore, #tpu.memory_space<semaphore_mem>>, %arg13: memref<!tpu.dma_semaphore, #tpu.memory_space<semaphore_mem>>) attributes {dimension_semantics = [#tpu.dimension_semantics<core_parallel>, #tpu.dimension_semantics<subcore_parallel>], iteration_bounds = array<i64: 2, 16>, scalar_prefetch = 0 : i64, scratch_operands = 7 : i64, tpu.core_type = #tpu.core_type<sc_vector_subcore>, window_params = [{transform_indices = #map}, {transform_indices = #map}, {transform_indices = #map}, {transform_indices = #map}, {transform_indices = #map1}]} {
    %mul3A = arith.constant 3128 : i32
    %mul3A_0 = arith.muli %arg1, %mul3A : i32
    %mul3A_1 = arith.constant 1568 : i32
    %mul3A_2 = arith.muli %arg1, %mul3A_1 : i32
    %mul3A_3 = arith.constant 4 : i32
    %mul3A_4 = arith.muli %arg0, %mul3A_3 : i32
    %add3A = arith.constant 0 : i32
    %add3A_5 = arith.addi %mul3A_4, %add3A : i32
    "tpu.region"() ({
      %run_scoped3A = tpu.sem_alloc : memref<!tpu.dma_semaphore, #tpu.memory_space<semaphore_mem>>
      %dma_start3A = arith.constant 0 : i32
      %dma_start3A_52 = tpu.memref_slice %arg7[%mul3A_0, %dma_start3A] : memref<100096x16xf32, #tpu.memory_space<vmem_shared>> -> memref<3128x16xf32, #tpu.memory_space<vmem_shared>>
      tpu.enqueue_dma source(%arg5 : memref<3128x16xf32, #tpu.memory_space<hbm>>) target(%dma_start3A_52 : memref<3128x16xf32, #tpu.memory_space<vmem_shared>>) target_semaphore(%run_scoped3A : memref<!tpu.dma_semaphore, #tpu.memory_space<semaphore_mem>>)
      %dma_wait3A = arith.constant 0 : i32
      %dma_wait3A_53 = tpu.memref_slice %arg7[%mul3A_0, %dma_wait3A] : memref<100096x16xf32, #tpu.memory_space<vmem_shared>> -> memref<3128x16xf32, #tpu.memory_space<vmem_shared>>
      tpu.wait_dma2 semaphore(%run_scoped3A : memref<!tpu.dma_semaphore, #tpu.memory_space<semaphore_mem>>) src(%arg5 : memref<3128x16xf32, #tpu.memory_space<hbm>>) dst(%dma_wait3A_53 : memref<3128x16xf32, #tpu.memory_space<vmem_shared>>)
      tpu.yield
    }) : () -> ()
    %barrier3A = arith.constant 0 : index
    tpu.barrier barrier_id(%barrier3A)
    %scan3A = arith.constant 0 : i32
    %scan3A_6 = arith.constant 0 : i32
    %scan3A_7 = arith.constant 28 : i32
    %scan3A_8 = arith.addi %scan3A_6, %scan3A_7 : i32
    %scan3A_9 = arith.constant 1 : i32
    scf.for %scan3A_52 = %scan3A_6 to %scan3A_8 step %scan3A_9  : i32 {
      %mul3A_53 = arith.constant 56 : i32
      %mul3A_54 = arith.muli %scan3A_52, %mul3A_53 : i32
      %add3A_55 = arith.addi %mul3A_2, %mul3A_54 : i32
      "tpu.region"() ({
        %run_scoped3A = tpu.sem_alloc : memref<!tpu.dma_semaphore, #tpu.memory_space<semaphore_mem>>
        %dma_start3A_114 = arith.constant 0 : i32
        %dma_start3A_115 = tpu.memref_slice %arg3[%add3A_55, %dma_start3A_114] : memref<25088x128xi32, #tpu.memory_space<hbm>> -> memref<56x128xi32, #tpu.memory_space<hbm>>
        %dma_start3A_116 = arith.constant 0 : i32
        %dma_start3A_117 = tpu.memref_slice %arg3[%add3A_55, %dma_start3A_116] : memref<25088x128xi32, #tpu.memory_space<hbm>> -> memref<56x128xi32, #tpu.memory_space<hbm>>
        tpu.enqueue_dma source(%dma_start3A_117 : memref<56x128xi32, #tpu.memory_space<hbm>>) target(%arg8 : memref<56x128xi32, #tpu.memory_space<vmem>>) target_semaphore(%run_scoped3A : memref<!tpu.dma_semaphore, #tpu.memory_space<semaphore_mem>>)
        %dma_wait3A_118 = arith.constant 0 : i32
        %dma_wait3A_119 = tpu.memref_slice %arg3[%add3A_55, %dma_wait3A_118] : memref<25088x128xi32, #tpu.memory_space<hbm>> -> memref<56x128xi32, #tpu.memory_space<hbm>>
        %dma_wait3A_120 = arith.constant 0 : i32
        %dma_wait3A_121 = tpu.memref_slice %arg3[%add3A_55, %dma_wait3A_120] : memref<25088x128xi32, #tpu.memory_space<hbm>> -> memref<56x128xi32, #tpu.memory_space<hbm>>
        tpu.wait_dma2 semaphore(%run_scoped3A : memref<!tpu.dma_semaphore, #tpu.memory_space<semaphore_mem>>) src(%dma_wait3A_121 : memref<56x128xi32, #tpu.memory_space<hbm>>) dst(%arg8 : memref<56x128xi32, #tpu.memory_space<vmem>>)
        tpu.yield
      }) : () -> ()
      "tpu.region"() ({
        %run_scoped3A = tpu.sem_alloc : memref<!tpu.dma_semaphore, #tpu.memory_space<semaphore_mem>>
        %dma_start3A_114 = arith.constant 0 : i32
        %dma_start3A_115 = tpu.memref_slice %arg4[%add3A_55, %dma_start3A_114] : memref<25088x128xi32, #tpu.memory_space<hbm>> -> memref<56x128xi32, #tpu.memory_space<hbm>>
        %dma_start3A_116 = arith.constant 0 : i32
        %dma_start3A_117 = tpu.memref_slice %arg4[%add3A_55, %dma_start3A_116] : memref<25088x128xi32, #tpu.memory_space<hbm>> -> memref<56x128xi32, #tpu.memory_space<hbm>>
        tpu.enqueue_dma source(%dma_start3A_117 : memref<56x128xi32, #tpu.memory_space<hbm>>) target(%arg9 : memref<56x128xi32, #tpu.memory_space<vmem>>) target_semaphore(%run_scoped3A : memref<!tpu.dma_semaphore, #tpu.memory_space<semaphore_mem>>)
        %dma_wait3A_118 = arith.constant 0 : i32
        %dma_wait3A_119 = tpu.memref_slice %arg4[%add3A_55, %dma_wait3A_118] : memref<25088x128xi32, #tpu.memory_space<hbm>> -> memref<56x128xi32, #tpu.memory_space<hbm>>
        %dma_wait3A_120 = arith.constant 0 : i32
        %dma_wait3A_121 = tpu.memref_slice %arg4[%add3A_55, %dma_wait3A_120] : memref<25088x128xi32, #tpu.memory_space<hbm>> -> memref<56x128xi32, #tpu.memory_space<hbm>>
        tpu.wait_dma2 semaphore(%run_scoped3A : memref<!tpu.dma_semaphore, #tpu.memory_space<semaphore_mem>>) src(%dma_wait3A_121 : memref<56x128xi32, #tpu.memory_space<hbm>>) dst(%arg9 : memref<56x128xi32, #tpu.memory_space<vmem>>)
        tpu.yield
      }) : () -> ()
      %scan3A_56 = arith.constant 0 : i32
      %scan3A_57 = arith.constant 0 : i32
      %scan3A_58 = arith.constant 56 : i32
      %scan3A_59 = arith.addi %scan3A_57, %scan3A_58 : i32
      %scan3A_60 = arith.constant 1 : i32
      scf.for %scan3A_114 = %scan3A_57 to %scan3A_59 step %scan3A_60  : i32 {
        %get3A = arith.index_cast %scan3A_114 : i32 to index
        %get3A_115 = arith.constant 0 : index
        %get3A_116 = tpu.vector_load %arg8[%get3A, %get3A_115] {strides = array<i32>} : memref<56x128xi32, #tpu.memory_space<vmem>>, vector<1x16xi32>,
        %get3A_117 = vector.shape_cast %get3A_116 : vector<1x16xi32> to vector<16xi32>
        %mul3A_118 = arith.constant 8 : i32
        %mul3A_119 = vector.broadcast %mul3A_118 : i32 to vector<16xi32>
        %mul3A_120 = arith.muli %get3A_117, %mul3A_119 : vector<16xi32>
        %add3A_121 = vector.broadcast %add3A_5 : i32 to vector<16xi32>
        %add3A_122 = arith.addi %mul3A_120, %add3A_121 : vector<16xi32>
        %swap3A = arith.index_cast %scan3A_114 : i32 to index
        %swap3A_123 = arith.constant 0 : index
        %swap3A_124 = tpu.vector_load %arg10[%swap3A, %swap3A_123] {strides = array<i32>} : memref<56x128xi32, #tpu.memory_space<vmem>>, vector<1x16xi32>,
        %swap3A_125 = vector.shape_cast %swap3A_124 : vector<1x16xi32> to vector<16xi32>
        %swap3A_126 = vector.shape_cast %add3A_122 : vector<16xi32> to vector<1x16xi32>
        tpu.vector_store %arg10[%swap3A, %swap3A_123], %swap3A_126 {strides = array<i32>} : memref<56x128xi32, #tpu.memory_space<vmem>>, vector<1x16xi32>,
        %get3A_127 = arith.index_cast %scan3A_114 : i32 to index
        %get3A_128 = arith.constant 16 : index
        %get3A_129 = tpu.vector_load %arg8[%get3A_127, %get3A_128] {strides = array<i32>} : memref<56x128xi32, #tpu.memory_space<vmem>>, vector<1x16xi32>,
        %get3A_130 = vector.shape_cast %get3A_129 : vector<1x16xi32> to vector<16xi32>
        %mul3A_131 = arith.constant 8 : i32
        %mul3A_132 = vector.broadcast %mul3A_131 : i32 to vector<16xi32>
        %mul3A_133 = arith.muli %get3A_130, %mul3A_132 : vector<16xi32>
        %add3A_134 = vector.broadcast %add3A_5 : i32 to vector<16xi32>
        %add3A_135 = arith.addi %mul3A_133, %add3A_134 : vector<16xi32>
        %swap3A_136 = arith.index_cast %scan3A_114 : i32 to index
        %swap3A_137 = arith.constant 16 : index
        %swap3A_138 = tpu.vector_load %arg10[%swap3A_136, %swap3A_137] {strides = array<i32>} : memref<56x128xi32, #tpu.memory_space<vmem>>, vector<1x16xi32>,
        %swap3A_139 = vector.shape_cast %swap3A_138 : vector<1x16xi32> to vector<16xi32>
        %swap3A_140 = vector.shape_cast %add3A_135 : vector<16xi32> to vector<1x16xi32>
        tpu.vector_store %arg10[%swap3A_136, %swap3A_137], %swap3A_140 {strides = array<i32>} : memref<56x128xi32, #tpu.memory_space<vmem>>, vector<1x16xi32>,
        %get3A_141 = arith.index_cast %scan3A_114 : i32 to index
        %get3A_142 = arith.constant 32 : index
        %get3A_143 = tpu.vector_load %arg8[%get3A_141, %get3A_142] {strides = array<i32>} : memref<56x128xi32, #tpu.memory_space<vmem>>, vector<1x16xi32>,
        %get3A_144 = vector.shape_cast %get3A_143 : vector<1x16xi32> to vector<16xi32>
        %mul3A_145 = arith.constant 8 : i32
        %mul3A_146 = vector.broadcast %mul3A_145 : i32 to vector<16xi32>
        %mul3A_147 = arith.muli %get3A_144, %mul3A_146 : vector<16xi32>
        %add3A_148 = vector.broadcast %add3A_5 : i32 to vector<16xi32>
        %add3A_149 = arith.addi %mul3A_147, %add3A_148 : vector<16xi32>
        %swap3A_150 = arith.index_cast %scan3A_114 : i32 to index
        %swap3A_151 = arith.constant 32 : index
        %swap3A_152 = tpu.vector_load %arg10[%swap3A_150, %swap3A_151] {strides = array<i32>} : memref<56x128xi32, #tpu.memory_space<vmem>>, vector<1x16xi32>,
        %swap3A_153 = vector.shape_cast %swap3A_152 : vector<1x16xi32> to vector<16xi32>
        %swap3A_154 = vector.shape_cast %add3A_149 : vector<16xi32> to vector<1x16xi32>
        tpu.vector_store %arg10[%swap3A_150, %swap3A_151], %swap3A_154 {strides = array<i32>} : memref<56x128xi32, #tpu.memory_space<vmem>>, vector<1x16xi32>,
        %get3A_155 = arith.index_cast %scan3A_114 : i32 to index
        %get3A_156 = arith.constant 48 : index
        %get3A_157 = tpu.vector_load %arg8[%get3A_155, %get3A_156] {strides = array<i32>} : memref<56x128xi32, #tpu.memory_space<vmem>>, vector<1x16xi32>,
        %get3A_158 = vector.shape_cast %get3A_157 : vector<1x16xi32> to vector<16xi32>
        %mul3A_159 = arith.constant 8 : i32
        %mul3A_160 = vector.broadcast %mul3A_159 : i32 to vector<16xi32>
        %mul3A_161 = arith.muli %get3A_158, %mul3A_160 : vector<16xi32>
        %add3A_162 = vector.broadcast %add3A_5 : i32 to vector<16xi32>
        %add3A_163 = arith.addi %mul3A_161, %add3A_162 : vector<16xi32>
        %swap3A_164 = arith.index_cast %scan3A_114 : i32 to index
        %swap3A_165 = arith.constant 48 : index
        %swap3A_166 = tpu.vector_load %arg10[%swap3A_164, %swap3A_165] {strides = array<i32>} : memref<56x128xi32, #tpu.memory_space<vmem>>, vector<1x16xi32>,
        %swap3A_167 = vector.shape_cast %swap3A_166 : vector<1x16xi32> to vector<16xi32>
        %swap3A_168 = vector.shape_cast %add3A_163 : vector<16xi32> to vector<1x16xi32>
        tpu.vector_store %arg10[%swap3A_164, %swap3A_165], %swap3A_168 {strides = array<i32>} : memref<56x128xi32, #tpu.memory_space<vmem>>, vector<1x16xi32>,
        %get3A_169 = arith.index_cast %scan3A_114 : i32 to index
        %get3A_170 = arith.constant 64 : index
        %get3A_171 = tpu.vector_load %arg8[%get3A_169, %get3A_170] {strides = array<i32>} : memref<56x128xi32, #tpu.memory_space<vmem>>, vector<1x16xi32>,
        %get3A_172 = vector.shape_cast %get3A_171 : vector<1x16xi32> to vector<16xi32>
        %mul3A_173 = arith.constant 8 : i32
        %mul3A_174 = vector.broadcast %mul3A_173 : i32 to vector<16xi32>
        %mul3A_175 = arith.muli %get3A_172, %mul3A_174 : vector<16xi32>
        %add3A_176 = vector.broadcast %add3A_5 : i32 to vector<16xi32>
        %add3A_177 = arith.addi %mul3A_175, %add3A_176 : vector<16xi32>
        %swap3A_178 = arith.index_cast %scan3A_114 : i32 to index
        %swap3A_179 = arith.constant 64 : index
        %swap3A_180 = tpu.vector_load %arg10[%swap3A_178, %swap3A_179] {strides = array<i32>} : memref<56x128xi32, #tpu.memory_space<vmem>>, vector<1x16xi32>,
        %swap3A_181 = vector.shape_cast %swap3A_180 : vector<1x16xi32> to vector<16xi32>
        %swap3A_182 = vector.shape_cast %add3A_177 : vector<16xi32> to vector<1x16xi32>
        tpu.vector_store %arg10[%swap3A_178, %swap3A_179], %swap3A_182 {strides = array<i32>} : memref<56x128xi32, #tpu.memory_space<vmem>>, vector<1x16xi32>,
        %get3A_183 = arith.index_cast %scan3A_114 : i32 to index
        %get3A_184 = arith.constant 80 : index
        %get3A_185 = tpu.vector_load %arg8[%get3A_183, %get3A_184] {strides = array<i32>} : memref<56x128xi32, #tpu.memory_space<vmem>>, vector<1x16xi32>,
        %get3A_186 = vector.shape_cast %get3A_185 : vector<1x16xi32> to vector<16xi32>
        %mul3A_187 = arith.constant 8 : i32
        %mul3A_188 = vector.broadcast %mul3A_187 : i32 to vector<16xi32>
        %mul3A_189 = arith.muli %get3A_186, %mul3A_188 : vector<16xi32>
        %add3A_190 = vector.broadcast %add3A_5 : i32 to vector<16xi32>
        %add3A_191 = arith.addi %mul3A_189, %add3A_190 : vector<16xi32>
        %swap3A_192 = arith.index_cast %scan3A_114 : i32 to index
        %swap3A_193 = arith.constant 80 : index
        %swap3A_194 = tpu.vector_load %arg10[%swap3A_192, %swap3A_193] {strides = array<i32>} : memref<56x128xi32, #tpu.memory_space<vmem>>, vector<1x16xi32>,
        %swap3A_195 = vector.shape_cast %swap3A_194 : vector<1x16xi32> to vector<16xi32>
        %swap3A_196 = vector.shape_cast %add3A_191 : vector<16xi32> to vector<1x16xi32>
        tpu.vector_store %arg10[%swap3A_192, %swap3A_193], %swap3A_196 {strides = array<i32>} : memref<56x128xi32, #tpu.memory_space<vmem>>, vector<1x16xi32>,
        %get3A_197 = arith.index_cast %scan3A_114 : i32 to index
        %get3A_198 = arith.constant 96 : index
        %get3A_199 = tpu.vector_load %arg8[%get3A_197, %get3A_198] {strides = array<i32>} : memref<56x128xi32, #tpu.memory_space<vmem>>, vector<1x16xi32>,
        %get3A_200 = vector.shape_cast %get3A_199 : vector<1x16xi32> to vector<16xi32>
        %mul3A_201 = arith.constant 8 : i32
        %mul3A_202 = vector.broadcast %mul3A_201 : i32 to vector<16xi32>
        %mul3A_203 = arith.muli %get3A_200, %mul3A_202 : vector<16xi32>
        %add3A_204 = vector.broadcast %add3A_5 : i32 to vector<16xi32>
        %add3A_205 = arith.addi %mul3A_203, %add3A_204 : vector<16xi32>
        %swap3A_206 = arith.index_cast %scan3A_114 : i32 to index
        %swap3A_207 = arith.constant 96 : index
        %swap3A_208 = tpu.vector_load %arg10[%swap3A_206, %swap3A_207] {strides = array<i32>} : memref<56x128xi32, #tpu.memory_space<vmem>>, vector<1x16xi32>,
        %swap3A_209 = vector.shape_cast %swap3A_208 : vector<1x16xi32> to vector<16xi32>
        %swap3A_210 = vector.shape_cast %add3A_205 : vector<16xi32> to vector<1x16xi32>
        tpu.vector_store %arg10[%swap3A_206, %swap3A_207], %swap3A_210 {strides = array<i32>} : memref<56x128xi32, #tpu.memory_space<vmem>>, vector<1x16xi32>,
        %get3A_211 = arith.index_cast %scan3A_114 : i32 to index
        %get3A_212 = arith.constant 112 : index
        %get3A_213 = tpu.vector_load %arg8[%get3A_211, %get3A_212] {strides = array<i32>} : memref<56x128xi32, #tpu.memory_space<vmem>>, vector<1x16xi32>,
        %get3A_214 = vector.shape_cast %get3A_213 : vector<1x16xi32> to vector<16xi32>
        %mul3A_215 = arith.constant 8 : i32
        %mul3A_216 = vector.broadcast %mul3A_215 : i32 to vector<16xi32>
        %mul3A_217 = arith.muli %get3A_214, %mul3A_216 : vector<16xi32>
        %add3A_218 = vector.broadcast %add3A_5 : i32 to vector<16xi32>
        %add3A_219 = arith.addi %mul3A_217, %add3A_218 : vector<16xi32>
        %swap3A_220 = arith.index_cast %scan3A_114 : i32 to index
        %swap3A_221 = arith.constant 112 : index
        %swap3A_222 = tpu.vector_load %arg10[%swap3A_220, %swap3A_221] {strides = array<i32>} : memref<56x128xi32, #tpu.memory_space<vmem>>, vector<1x16xi32>,
        %swap3A_223 = vector.shape_cast %swap3A_222 : vector<1x16xi32> to vector<16xi32>
        %swap3A_224 = vector.shape_cast %add3A_219 : vector<16xi32> to vector<1x16xi32>
        tpu.vector_store %arg10[%swap3A_220, %swap3A_221], %swap3A_224 {strides = array<i32>} : memref<56x128xi32, #tpu.memory_space<vmem>>, vector<1x16xi32>,
      }
      %scan3A_61 = arith.constant 56 : i32
      %dma_start3A = arith.constant 0 : i32
      %dma_start3A_62 = arith.constant 0 : i32
      %dma_start3A_63 = arith.constant 0 : i32
      %dma_start3A_64 = arith.constant 0 : i32
      %dma_start3A_65 = tpu.memref_slice %arg11[%dma_start3A_62, %dma_start3A_63, %dma_start3A_64] : memref<4x128x16xf32, #tpu.memory_space<vmem>> -> memref<1x128x16xf32, #tpu.memory_space<vmem>>
      %dma_start3A_66 = tpu.memref_squeeze %dma_start3A_65 : memref<1x128x16xf32, #tpu.memory_space<vmem>> -> memref<128x16xf32, #tpu.memory_space<vmem>>
      %dma_start3A_67 = arith.constant 0 : i32
      %dma_start3A_68 = tpu.memref_slice %arg10[%dma_start3A, %dma_start3A_67] : memref<56x128xi32, #tpu.memory_space<vmem>> -> memref<1x128xi32, #tpu.memory_space<vmem>>
      %dma_start3A_69 = tpu.memref_squeeze %dma_start3A_68 : memref<1x128xi32, #tpu.memory_space<vmem>> -> memref<128xi32, #tpu.memory_space<vmem>>
      %dma_start3A_70 = arith.constant 0 : i32
      %dma_start3A_71 = arith.constant 0 : i32
      %dma_start3A_72 = tpu.memref_slice %arg2[%dma_start3A_70, %dma_start3A_71] : memref<800000x16xf32, #tpu.memory_space<hbm>> -> memref<800000x16xf32, #tpu.memory_space<hbm>>
      tpu.enqueue_indirect_dma source(%dma_start3A_72 : memref<800000x16xf32, #tpu.memory_space<hbm>>) target(%dma_start3A_66 : memref<128x16xf32, #tpu.memory_space<vmem>>) offsets(%dma_start3A_69 : memref<128xi32, #tpu.memory_space<vmem>>) semaphore(%arg12 : memref<!tpu.dma_semaphore, #tpu.memory_space<semaphore_mem>>)
      %dma_start3A_73 = arith.constant 1 : i32
      %dma_start3A_74 = arith.constant 1 : i32
      %dma_start3A_75 = arith.constant 0 : i32
      %dma_start3A_76 = arith.constant 0 : i32
      %dma_start3A_77 = tpu.memref_slice %arg11[%dma_start3A_74, %dma_start3A_75, %dma_start3A_76] : memref<4x128x16xf32, #tpu.memory_space<vmem>> -> memref<1x128x16xf32, #tpu.memory_space<vmem>>
      %dma_start3A_78 = tpu.memref_squeeze %dma_start3A_77 : memref<1x128x16xf32, #tpu.memory_space<vmem>> -> memref<128x16xf32, #tpu.memory_space<vmem>>
      %dma_start3A_79 = arith.constant 0 : i32
      %dma_start3A_80 = tpu.memref_slice %arg10[%dma_start3A_73, %dma_start3A_79] : memref<56x128xi32, #tpu.memory_space<vmem>> -> memref<1x128xi32, #tpu.memory_space<vmem>>
      %dma_start3A_81 = tpu.memref_squeeze %dma_start3A_80 : memref<1x128xi32, #tpu.memory_space<vmem>> -> memref<128xi32, #tpu.memory_space<vmem>>
      %dma_start3A_82 = arith.constant 0 : i32
      %dma_start3A_83 = arith.constant 0 : i32
      %dma_start3A_84 = tpu.memref_slice %arg2[%dma_start3A_82, %dma_start3A_83] : memref<800000x16xf32, #tpu.memory_space<hbm>> -> memref<800000x16xf32, #tpu.memory_space<hbm>>
      tpu.enqueue_indirect_dma source(%dma_start3A_84 : memref<800000x16xf32, #tpu.memory_space<hbm>>) target(%dma_start3A_78 : memref<128x16xf32, #tpu.memory_space<vmem>>) offsets(%dma_start3A_81 : memref<128xi32, #tpu.memory_space<vmem>>) semaphore(%arg12 : memref<!tpu.dma_semaphore, #tpu.memory_space<semaphore_mem>>)
      %scan3A_85 = arith.constant 0 : i32
      %scan3A_86 = arith.constant 0 : i32
      %scan3A_87 = arith.constant 56 : i32
      %scan3A_88 = arith.addi %scan3A_86, %scan3A_87 : i32
      %scan3A_89 = arith.constant 1 : i32
      scf.for %scan3A_114 = %scan3A_86 to %scan3A_88 step %scan3A_89  : i32 {
        %ge3A = arith.constant 2 : i32
        %ge3A_115 = arith.cmpi sge, %scan3A_114, %ge3A : i32
        %convert_element_type3A = arith.extui %ge3A_115 : i1 to i32
        %cond3A = arith.constant 0 : i32
        %cond3A_116 = arith.cmpi ne, %convert_element_type3A, %cond3A : i32
        scf.if %cond3A_116 {
          %sub3A = arith.constant 2 : i32
          %sub3A_169 = arith.subi %scan3A_114, %sub3A : i32
          %jit3A_170 = arith.constant 4 : i32
          %eq3A_171 = arith.constant 0 : i32
          %eq3A_172 = arith.cmpi eq, %jit3A_170, %eq3A_171 : i32
          %jit3A_173 = arith.constant 1 : i32
          %select_n3A_174 = arith.select %eq3A_172, %jit3A_173, %jit3A_170 : i32
          %rem3A_175 = arith.remsi %sub3A_169, %select_n3A_174 : i32
          %ne3A_176 = arith.constant 0 : i32
          %ne3A_177 = arith.cmpi ne, %rem3A_175, %ne3A_176 : i32
          %lt3A_178 = arith.constant 0 : i32
          %lt3A_179 = arith.cmpi slt, %rem3A_175, %lt3A_178 : i32
          %lt3A_180 = arith.constant 0 : i32
          %lt3A_181 = arith.cmpi slt, %select_n3A_174, %lt3A_180 : i32
          %ne3A_182 = arith.xori %lt3A_179, %lt3A_181 : i1
          %and3A_183 = arith.andi %ne3A_182, %ne3A_177 : i1
          %add3A_184 = arith.addi %rem3A_175, %select_n3A_174 : i32
          %select_n3A_185 = arith.select %and3A_183, %add3A_184, %rem3A_175 : i32
          %sub3A_186 = arith.constant 2 : i32
          %sub3A_187 = arith.subi %scan3A_114, %sub3A_186 : i32
          %dma_wait3A_188 = arith.constant 0 : i32
          %dma_wait3A_189 = arith.constant 0 : i32
          %dma_wait3A_190 = tpu.memref_slice %arg11[%select_n3A_185, %dma_wait3A_188, %dma_wait3A_189] : memref<4x128x16xf32, #tpu.memory_space<vmem>> -> memref<1x128x16xf32, #tpu.memory_space<vmem>>
          %dma_wait3A_191 = tpu.memref_squeeze %dma_wait3A_190 : memref<1x128x16xf32, #tpu.memory_space<vmem>> -> memref<128x16xf32, #tpu.memory_space<vmem>>
          %dma_wait3A_192 = arith.constant 0 : i32
          %dma_wait3A_193 = tpu.memref_slice %arg9[%sub3A_187, %dma_wait3A_192] : memref<56x128xi32, #tpu.memory_space<vmem>> -> memref<1x128xi32, #tpu.memory_space<vmem>>
          %dma_wait3A_194 = tpu.memref_squeeze %dma_wait3A_193 : memref<1x128xi32, #tpu.memory_space<vmem>> -> memref<128xi32, #tpu.memory_space<vmem>>
          %dma_wait3A_195 = arith.constant 0 : i32
          %dma_wait3A_196 = arith.constant 0 : i32
          %dma_wait3A_197 = tpu.memref_slice %arg7[%dma_wait3A_195, %dma_wait3A_196] : memref<100096x16xf32, #tpu.memory_space<vmem_shared>> -> memref<100096x16xf32, #tpu.memory_space<vmem_shared>>
          tpu.wait_indirect_dma semaphore(%arg13 : memref<!tpu.dma_semaphore, #tpu.memory_space<semaphore_mem>>) src(%dma_wait3A_191 : memref<128x16xf32, #tpu.memory_space<vmem>>) dst(%dma_wait3A_197 : memref<100096x16xf32, #tpu.memory_space<vmem_shared>>)
        } else {
        }
        %add3A_117 = arith.constant 2 : i32
        %add3A_118 = arith.addi %scan3A_114, %add3A_117 : i32
        %lt3A = arith.constant 56 : i32
        %lt3A_119 = arith.cmpi slt, %add3A_118, %lt3A : i32
        %convert_element_type3A_120 = arith.extui %lt3A_119 : i1 to i32
        %cond3A_121 = arith.constant 0 : i32
        %cond3A_122 = arith.cmpi ne, %convert_element_type3A_120, %cond3A_121 : i32
        scf.if %cond3A_122 {
          %add3A_169 = arith.constant 2 : i32
          %add3A_170 = arith.addi %scan3A_114, %add3A_169 : i32
          %add3A_171 = arith.constant 2 : i32
          %add3A_172 = arith.addi %scan3A_114, %add3A_171 : i32
          %jit3A_173 = arith.constant 4 : i32
          %eq3A_174 = arith.constant 0 : i32
          %eq3A_175 = arith.cmpi eq, %jit3A_173, %eq3A_174 : i32
          %jit3A_176 = arith.constant 1 : i32
          %select_n3A_177 = arith.select %eq3A_175, %jit3A_176, %jit3A_173 : i32
          %rem3A_178 = arith.remsi %add3A_172, %select_n3A_177 : i32
          %ne3A_179 = arith.constant 0 : i32
          %ne3A_180 = arith.cmpi ne, %rem3A_178, %ne3A_179 : i32
          %lt3A_181 = arith.constant 0 : i32
          %lt3A_182 = arith.cmpi slt, %rem3A_178, %lt3A_181 : i32
          %lt3A_183 = arith.constant 0 : i32
          %lt3A_184 = arith.cmpi slt, %select_n3A_177, %lt3A_183 : i32
          %ne3A_185 = arith.xori %lt3A_182, %lt3A_184 : i1
          %and3A_186 = arith.andi %ne3A_185, %ne3A_180 : i1
          %add3A_187 = arith.addi %rem3A_178, %select_n3A_177 : i32
          %select_n3A_188 = arith.select %and3A_186, %add3A_187, %rem3A_178 : i32
          %dma_start3A_189 = arith.constant 0 : i32
          %dma_start3A_190 = arith.constant 0 : i32
          %dma_start3A_191 = tpu.memref_slice %arg11[%select_n3A_188, %dma_start3A_189, %dma_start3A_190] : memref<4x128x16xf32, #tpu.memory_space<vmem>> -> memref<1x128x16xf32, #tpu.memory_space<vmem>>
          %dma_start3A_192 = tpu.memref_squeeze %dma_start3A_191 : memref<1x128x16xf32, #tpu.memory_space<vmem>> -> memref<128x16xf32, #tpu.memory_space<vmem>>
          %dma_start3A_193 = arith.constant 0 : i32
          %dma_start3A_194 = tpu.memref_slice %arg10[%add3A_170, %dma_start3A_193] : memref<56x128xi32, #tpu.memory_space<vmem>> -> memref<1x128xi32, #tpu.memory_space<vmem>>
          %dma_start3A_195 = tpu.memref_squeeze %dma_start3A_194 : memref<1x128xi32, #tpu.memory_space<vmem>> -> memref<128xi32, #tpu.memory_space<vmem>>
          %dma_start3A_196 = arith.constant 0 : i32
          %dma_start3A_197 = arith.constant 0 : i32
          %dma_start3A_198 = tpu.memref_slice %arg2[%dma_start3A_196, %dma_start3A_197] : memref<800000x16xf32, #tpu.memory_space<hbm>> -> memref<800000x16xf32, #tpu.memory_space<hbm>>
          tpu.enqueue_indirect_dma source(%dma_start3A_198 : memref<800000x16xf32, #tpu.memory_space<hbm>>) target(%dma_start3A_192 : memref<128x16xf32, #tpu.memory_space<vmem>>) offsets(%dma_start3A_195 : memref<128xi32, #tpu.memory_space<vmem>>) semaphore(%arg12 : memref<!tpu.dma_semaphore, #tpu.memory_space<semaphore_mem>>)
        } else {
        }
        %jit3A = arith.constant 4 : i32
        %eq3A = arith.constant 0 : i32
        %eq3A_123 = arith.cmpi eq, %jit3A, %eq3A : i32
        %jit3A_124 = arith.constant 1 : i32
        %select_n3A = arith.select %eq3A_123, %jit3A_124, %jit3A : i32
        %rem3A = arith.remsi %scan3A_114, %select_n3A : i32
        %ne3A = arith.constant 0 : i32
        %ne3A_125 = arith.cmpi ne, %rem3A, %ne3A : i32
        %lt3A_126 = arith.constant 0 : i32
        %lt3A_127 = arith.cmpi slt, %rem3A, %lt3A_126 : i32
        %lt3A_128 = arith.constant 0 : i32
        %lt3A_129 = arith.cmpi slt, %select_n3A, %lt3A_128 : i32
        %ne3A_130 = arith.xori %lt3A_127, %lt3A_129 : i1
        %and3A = arith.andi %ne3A_130, %ne3A_125 : i1
        %add3A_131 = arith.addi %rem3A, %select_n3A : i32
        %select_n3A_132 = arith.select %and3A, %add3A_131, %rem3A : i32
        %dma_wait3A_133 = arith.constant 0 : i32
        %dma_wait3A_134 = arith.constant 0 : i32
        %dma_wait3A_135 = tpu.memref_slice %arg11[%select_n3A_132, %dma_wait3A_133, %dma_wait3A_134] : memref<4x128x16xf32, #tpu.memory_space<vmem>> -> memref<1x128x16xf32, #tpu.memory_space<vmem>>
        %dma_wait3A_136 = tpu.memref_squeeze %dma_wait3A_135 : memref<1x128x16xf32, #tpu.memory_space<vmem>> -> memref<128x16xf32, #tpu.memory_space<vmem>>
        %dma_wait3A_137 = arith.constant 0 : i32
        %dma_wait3A_138 = tpu.memref_slice %arg10[%scan3A_114, %dma_wait3A_137] : memref<56x128xi32, #tpu.memory_space<vmem>> -> memref<1x128xi32, #tpu.memory_space<vmem>>
        %dma_wait3A_139 = tpu.memref_squeeze %dma_wait3A_138 : memref<1x128xi32, #tpu.memory_space<vmem>> -> memref<128xi32, #tpu.memory_space<vmem>>
        %dma_wait3A_140 = arith.constant 0 : i32
        %dma_wait3A_141 = arith.constant 0 : i32
        %dma_wait3A_142 = tpu.memref_slice %arg2[%dma_wait3A_140, %dma_wait3A_141] : memref<800000x16xf32, #tpu.memory_space<hbm>> -> memref<800000x16xf32, #tpu.memory_space<hbm>>
        tpu.wait_indirect_dma semaphore(%arg12 : memref<!tpu.dma_semaphore, #tpu.memory_space<semaphore_mem>>) src(%dma_wait3A_142 : memref<800000x16xf32, #tpu.memory_space<hbm>>) dst(%dma_wait3A_136 : memref<128x16xf32, #tpu.memory_space<vmem>>)
        %jit3A_143 = arith.constant 4 : i32
        %eq3A_144 = arith.constant 0 : i32
        %eq3A_145 = arith.cmpi eq, %jit3A_143, %eq3A_144 : i32
        %jit3A_146 = arith.constant 1 : i32
        %select_n3A_147 = arith.select %eq3A_145, %jit3A_146, %jit3A_143 : i32
        %rem3A_148 = arith.remsi %scan3A_114, %select_n3A_147 : i32
        %ne3A_149 = arith.constant 0 : i32
        %ne3A_150 = arith.cmpi ne, %rem3A_148, %ne3A_149 : i32
        %lt3A_151 = arith.constant 0 : i32
        %lt3A_152 = arith.cmpi slt, %rem3A_148, %lt3A_151 : i32
        %lt3A_153 = arith.constant 0 : i32
        %lt3A_154 = arith.cmpi slt, %select_n3A_147, %lt3A_153 : i32
        %ne3A_155 = arith.xori %lt3A_152, %lt3A_154 : i1
        %and3A_156 = arith.andi %ne3A_155, %ne3A_150 : i1
        %add3A_157 = arith.addi %rem3A_148, %select_n3A_147 : i32
        %select_n3A_158 = arith.select %and3A_156, %add3A_157, %rem3A_148 : i32
        %dma_start3A_159 = arith.constant 0 : i32
        %dma_start3A_160 = arith.constant 0 : i32
        %dma_start3A_161 = tpu.memref_slice %arg11[%select_n3A_158, %dma_start3A_159, %dma_start3A_160] : memref<4x128x16xf32, #tpu.memory_space<vmem>> -> memref<1x128x16xf32, #tpu.memory_space<vmem>>
        %dma_start3A_162 = tpu.memref_squeeze %dma_start3A_161 : memref<1x128x16xf32, #tpu.memory_space<vmem>> -> memref<128x16xf32, #tpu.memory_space<vmem>>
        %dma_start3A_163 = arith.constant 0 : i32
        %dma_start3A_164 = tpu.memref_slice %arg9[%scan3A_114, %dma_start3A_163] : memref<56x128xi32, #tpu.memory_space<vmem>> -> memref<1x128xi32, #tpu.memory_space<vmem>>
        %dma_start3A_165 = tpu.memref_squeeze %dma_start3A_164 : memref<1x128xi32, #tpu.memory_space<vmem>> -> memref<128xi32, #tpu.memory_space<vmem>>
        %dma_start3A_166 = arith.constant 0 : i32
        %dma_start3A_167 = arith.constant 0 : i32
        %dma_start3A_168 = tpu.memref_slice %arg7[%dma_start3A_166, %dma_start3A_167] : memref<100096x16xf32, #tpu.memory_space<vmem_shared>> -> memref<100096x16xf32, #tpu.memory_space<vmem_shared>>
        tpu.enqueue_indirect_dma source(%dma_start3A_162 : memref<128x16xf32, #tpu.memory_space<vmem>>) target(%dma_start3A_168 : memref<100096x16xf32, #tpu.memory_space<vmem_shared>>) offsets(%dma_start3A_165 : memref<128xi32, #tpu.memory_space<vmem>>) semaphore(%arg13 : memref<!tpu.dma_semaphore, #tpu.memory_space<semaphore_mem>>) {add = true}
      }
      %scan3A_90 = arith.constant 56 : i32
      %dma_wait3A = arith.constant 2 : i32
      %dma_wait3A_91 = arith.constant 54 : i32
      %dma_wait3A_92 = arith.constant 0 : i32
      %dma_wait3A_93 = arith.constant 0 : i32
      %dma_wait3A_94 = tpu.memref_slice %arg11[%dma_wait3A, %dma_wait3A_92, %dma_wait3A_93] : memref<4x128x16xf32, #tpu.memory_space<vmem>> -> memref<1x128x16xf32, #tpu.memory_space<vmem>>
      %dma_wait3A_95 = tpu.memref_squeeze %dma_wait3A_94 : memref<1x128x16xf32, #tpu.memory_space<vmem>> -> memref<128x16xf32, #tpu.memory_space<vmem>>
      %dma_wait3A_96 = arith.constant 0 : i32
      %dma_wait3A_97 = tpu.memref_slice %arg9[%dma_wait3A_91, %dma_wait3A_96] : memref<56x128xi32, #tpu.memory_space<vmem>> -> memref<1x128xi32, #tpu.memory_space<vmem>>
      %dma_wait3A_98 = tpu.memref_squeeze %dma_wait3A_97 : memref<1x128xi32, #tpu.memory_space<vmem>> -> memref<128xi32, #tpu.memory_space<vmem>>
      %dma_wait3A_99 = arith.constant 0 : i32
      %dma_wait3A_100 = arith.constant 0 : i32
      %dma_wait3A_101 = tpu.memref_slice %arg7[%dma_wait3A_99, %dma_wait3A_100] : memref<100096x16xf32, #tpu.memory_space<vmem_shared>> -> memref<100096x16xf32, #tpu.memory_space<vmem_shared>>
      tpu.wait_indirect_dma semaphore(%arg13 : memref<!tpu.dma_semaphore, #tpu.memory_space<semaphore_mem>>) src(%dma_wait3A_95 : memref<128x16xf32, #tpu.memory_space<vmem>>) dst(%dma_wait3A_101 : memref<100096x16xf32, #tpu.memory_space<vmem_shared>>)
      %dma_wait3A_102 = arith.constant 3 : i32
      %dma_wait3A_103 = arith.constant 55 : i32
      %dma_wait3A_104 = arith.constant 0 : i32
      %dma_wait3A_105 = arith.constant 0 : i32
      %dma_wait3A_106 = tpu.memref_slice %arg11[%dma_wait3A_102, %dma_wait3A_104, %dma_wait3A_105] : memref<4x128x16xf32, #tpu.memory_space<vmem>> -> memref<1x128x16xf32, #tpu.memory_space<vmem>>
      %dma_wait3A_107 = tpu.memref_squeeze %dma_wait3A_106 : memref<1x128x16xf32, #tpu.memory_space<vmem>> -> memref<128x16xf32, #tpu.memory_space<vmem>>
      %dma_wait3A_108 = arith.constant 0 : i32
      %dma_wait3A_109 = tpu.memref_slice %arg9[%dma_wait3A_103, %dma_wait3A_108] : memref<56x128xi32, #tpu.memory_space<vmem>> -> memref<1x128xi32, #tpu.memory_space<vmem>>
      %dma_wait3A_110 = tpu.memref_squeeze %dma_wait3A_109 : memref<1x128xi32, #tpu.memory_space<vmem>> -> memref<128xi32, #tpu.memory_space<vmem>>
      %dma_wait3A_111 = arith.constant 0 : i32
      %dma_wait3A_112 = arith.constant 0 : i32
      %dma_wait3A_113 = tpu.memref_slice %arg7[%dma_wait3A_111, %dma_wait3A_112] : memref<100096x16xf32, #tpu.memory_space<vmem_shared>> -> memref<100096x16xf32, #tpu.memory_space<vmem_shared>>
      tpu.wait_indirect_dma semaphore(%arg13 : memref<!tpu.dma_semaphore, #tpu.memory_space<semaphore_mem>>) src(%dma_wait3A_107 : memref<128x16xf32, #tpu.memory_space<vmem>>) dst(%dma_wait3A_113 : memref<100096x16xf32, #tpu.memory_space<vmem_shared>>)
    }
    %scan3A_10 = arith.constant 28 : i32
    %barrier3A_11 = arith.constant 0 : index
    tpu.barrier barrier_id(%barrier3A_11)
    "tpu.region"() ({
      %run_scoped3A = tpu.sem_alloc : memref<!tpu.dma_semaphore, #tpu.memory_space<semaphore_mem>>
      %dma_start3A = arith.constant 0 : i32
      %dma_start3A_52 = tpu.memref_slice %arg6[%add3A_5, %mul3A_0, %dma_start3A] : memref<8x100096x16xf32, #tpu.memory_space<hbm>> -> memref<1x3128x16xf32, #tpu.memory_space<hbm>>
      %dma_start3A_53 = tpu.memref_squeeze %dma_start3A_52 : memref<1x3128x16xf32, #tpu.memory_space<hbm>> -> memref<3128x16xf32, #tpu.memory_space<hbm>>
      %dma_start3A_54 = arith.constant 0 : i32
      %dma_start3A_55 = tpu.memref_slice %arg7[%mul3A_0, %dma_start3A_54] : memref<100096x16xf32, #tpu.memory_space<vmem_shared>> -> memref<3128x16xf32, #tpu.memory_space<vmem_shared>>
      tpu.enqueue_dma source(%dma_start3A_55 : memref<3128x16xf32, #tpu.memory_space<vmem_shared>>) target(%dma_start3A_53 : memref<3128x16xf32, #tpu.memory_space<hbm>>) target_semaphore(%run_scoped3A : memref<!tpu.dma_semaphore, #tpu.memory_space<semaphore_mem>>)
      %dma_wait3A = arith.constant 0 : i32
      %dma_wait3A_56 = tpu.memref_slice %arg6[%add3A_5, %mul3A_0, %dma_wait3A] : memref<8x100096x16xf32, #tpu.memory_space<hbm>> -> memref<1x3128x16xf32, #tpu.memory_space<hbm>>
      %dma_wait3A_57 = tpu.memref_squeeze %dma_wait3A_56 : memref<1x3128x16xf32, #tpu.memory_space<hbm>> -> memref<3128x16xf32, #tpu.memory_space<hbm>>
      %dma_wait3A_58 = arith.constant 0 : i32
      %dma_wait3A_59 = tpu.memref_slice %arg7[%mul3A_0, %dma_wait3A_58] : memref<100096x16xf32, #tpu.memory_space<vmem_shared>> -> memref<3128x16xf32, #tpu.memory_space<vmem_shared>>
      tpu.wait_dma2 semaphore(%run_scoped3A : memref<!tpu.dma_semaphore, #tpu.memory_space<semaphore_mem>>) src(%dma_wait3A_59 : memref<3128x16xf32, #tpu.memory_space<vmem_shared>>) dst(%dma_wait3A_57 : memref<3128x16xf32, #tpu.memory_space<hbm>>)
      tpu.yield
    }) : () -> ()
    %barrier3A_12 = arith.constant 0 : index
    tpu.barrier barrier_id(%barrier3A_12)
    %mul3A_13 = arith.constant 4 : i32
    %mul3A_14 = arith.muli %arg0, %mul3A_13 : i32
    %add3A_15 = arith.constant 1 : i32
    %add3A_16 = arith.addi %mul3A_14, %add3A_15 : i32
    "tpu.region"() ({
      %run_scoped3A = tpu.sem_alloc : memref<!tpu.dma_semaphore, #tpu.memory_space<semaphore_mem>>
      %dma_start3A = arith.constant 0 : i32
      %dma_start3A_52 = tpu.memref_slice %arg7[%mul3A_0, %dma_start3A] : memref<100096x16xf32, #tpu.memory_space<vmem_shared>> -> memref<3128x16xf32, #tpu.memory_space<vmem_shared>>
      tpu.enqueue_dma source(%arg5 : memref<3128x16xf32, #tpu.memory_space<hbm>>) target(%dma_start3A_52 : memref<3128x16xf32, #tpu.memory_space<vmem_shared>>) target_semaphore(%run_scoped3A : memref<!tpu.dma_semaphore, #tpu.memory_space<semaphore_mem>>)
      %dma_wait3A = arith.constant 0 : i32
      %dma_wait3A_53 = tpu.memref_slice %arg7[%mul3A_0, %dma_wait3A] : memref<100096x16xf32, #tpu.memory_space<vmem_shared>> -> memref<3128x16xf32, #tpu.memory_space<vmem_shared>>
      tpu.wait_dma2 semaphore(%run_scoped3A : memref<!tpu.dma_semaphore, #tpu.memory_space<semaphore_mem>>) src(%arg5 : memref<3128x16xf32, #tpu.memory_space<hbm>>) dst(%dma_wait3A_53 : memref<3128x16xf32, #tpu.memory_space<vmem_shared>>)
      tpu.yield
    }) : () -> ()
    %barrier3A_17 = arith.constant 0 : index
    tpu.barrier barrier_id(%barrier3A_17)
    %scan3A_18 = arith.constant 0 : i32
    %scan3A_19 = arith.constant 0 : i32
    %scan3A_20 = arith.constant 28 : i32
    %scan3A_21 = arith.addi %scan3A_19, %scan3A_20 : i32
    %scan3A_22 = arith.constant 1 : i32
    scf.for %scan3A_52 = %scan3A_19 to %scan3A_21 step %scan3A_22  : i32 {
      %mul3A_53 = arith.constant 56 : i32
      %mul3A_54 = arith.muli %scan3A_52, %mul3A_53 : i32
      %add3A_55 = arith.addi %mul3A_2, %mul3A_54 : i32
      "tpu.region"() ({
        %run_scoped3A = tpu.sem_alloc : memref<!tpu.dma_semaphore, #tpu.memory_space<semaphore_mem>>
        %dma_start3A_114 = arith.constant 0 : i32
        %dma_start3A_115 = tpu.memref_slice %arg3[%add3A_55, %dma_start3A_114] : memref<25088x128xi32, #tpu.memory_space<hbm>> -> memref<56x128xi32, #tpu.memory_space<hbm>>
        %dma_start3A_116 = arith.constant 0 : i32
        %dma_start3A_117 = tpu.memref_slice %arg3[%add3A_55, %dma_start3A_116] : memref<25088x128xi32, #tpu.memory_space<hbm>> -> memref<56x128xi32, #tpu.memory_space<hbm>>
        tpu.enqueue_dma source(%dma_start3A_117 : memref<56x128xi32, #tpu.memory_space<hbm>>) target(%arg8 : memref<56x128xi32, #tpu.memory_space<vmem>>) target_semaphore(%run_scoped3A : memref<!tpu.dma_semaphore, #tpu.memory_space<semaphore_mem>>)
        %dma_wait3A_118 = arith.constant 0 : i32
        %dma_wait3A_119 = tpu.memref_slice %arg3[%add3A_55, %dma_wait3A_118] : memref<25088x128xi32, #tpu.memory_space<hbm>> -> memref<56x128xi32, #tpu.memory_space<hbm>>
        %dma_wait3A_120 = arith.constant 0 : i32
        %dma_wait3A_121 = tpu.memref_slice %arg3[%add3A_55, %dma_wait3A_120] : memref<25088x128xi32, #tpu.memory_space<hbm>> -> memref<56x128xi32, #tpu.memory_space<hbm>>
        tpu.wait_dma2 semaphore(%run_scoped3A : memref<!tpu.dma_semaphore, #tpu.memory_space<semaphore_mem>>) src(%dma_wait3A_121 : memref<56x128xi32, #tpu.memory_space<hbm>>) dst(%arg8 : memref<56x128xi32, #tpu.memory_space<vmem>>)
        tpu.yield
      }) : () -> ()
      "tpu.region"() ({
        %run_scoped3A = tpu.sem_alloc : memref<!tpu.dma_semaphore, #tpu.memory_space<semaphore_mem>>
        %dma_start3A_114 = arith.constant 0 : i32
        %dma_start3A_115 = tpu.memref_slice %arg4[%add3A_55, %dma_start3A_114] : memref<25088x128xi32, #tpu.memory_space<hbm>> -> memref<56x128xi32, #tpu.memory_space<hbm>>
        %dma_start3A_116 = arith.constant 0 : i32
        %dma_start3A_117 = tpu.memref_slice %arg4[%add3A_55, %dma_start3A_116] : memref<25088x128xi32, #tpu.memory_space<hbm>> -> memref<56x128xi32, #tpu.memory_space<hbm>>
        tpu.enqueue_dma source(%dma_start3A_117 : memref<56x128xi32, #tpu.memory_space<hbm>>) target(%arg9 : memref<56x128xi32, #tpu.memory_space<vmem>>) target_semaphore(%run_scoped3A : memref<!tpu.dma_semaphore, #tpu.memory_space<semaphore_mem>>)
        %dma_wait3A_118 = arith.constant 0 : i32
        %dma_wait3A_119 = tpu.memref_slice %arg4[%add3A_55, %dma_wait3A_118] : memref<25088x128xi32, #tpu.memory_space<hbm>> -> memref<56x128xi32, #tpu.memory_space<hbm>>
        %dma_wait3A_120 = arith.constant 0 : i32
        %dma_wait3A_121 = tpu.memref_slice %arg4[%add3A_55, %dma_wait3A_120] : memref<25088x128xi32, #tpu.memory_space<hbm>> -> memref<56x128xi32, #tpu.memory_space<hbm>>
        tpu.wait_dma2 semaphore(%run_scoped3A : memref<!tpu.dma_semaphore, #tpu.memory_space<semaphore_mem>>) src(%dma_wait3A_121 : memref<56x128xi32, #tpu.memory_space<hbm>>) dst(%arg9 : memref<56x128xi32, #tpu.memory_space<vmem>>)
        tpu.yield
      }) : () -> ()
      %scan3A_56 = arith.constant 0 : i32
      %scan3A_57 = arith.constant 0 : i32
      %scan3A_58 = arith.constant 56 : i32
      %scan3A_59 = arith.addi %scan3A_57, %scan3A_58 : i32
      %scan3A_60 = arith.constant 1 : i32
      scf.for %scan3A_114 = %scan3A_57 to %scan3A_59 step %scan3A_60  : i32 {
        %get3A = arith.index_cast %scan3A_114 : i32 to index
        %get3A_115 = arith.constant 0 : index
        %get3A_116 = tpu.vector_load %arg8[%get3A, %get3A_115] {strides = array<i32>} : memref<56x128xi32, #tpu.memory_space<vmem>>, vector<1x16xi32>,
        %get3A_117 = vector.shape_cast %get3A_116 : vector<1x16xi32> to vector<16xi32>
        %mul3A_118 = arith.constant 8 : i32
        %mul3A_119 = vector.broadcast %mul3A_118 : i32 to vector<16xi32>
        %mul3A_120 = arith.muli %get3A_117, %mul3A_119 : vector<16xi32>
        %add3A_121 = vector.broadcast %add3A_16 : i32 to vector<16xi32>
        %add3A_122 = arith.addi %mul3A_120, %add3A_121 : vector<16xi32>
        %swap3A = arith.index_cast %scan3A_114 : i32 to index
        %swap3A_123 = arith.constant 0 : index
        %swap3A_124 = tpu.vector_load %arg10[%swap3A, %swap3A_123] {strides = array<i32>} : memref<56x128xi32, #tpu.memory_space<vmem>>, vector<1x16xi32>,
        %swap3A_125 = vector.shape_cast %swap3A_124 : vector<1x16xi32> to vector<16xi32>
        %swap3A_126 = vector.shape_cast %add3A_122 : vector<16xi32> to vector<1x16xi32>
        tpu.vector_store %arg10[%swap3A, %swap3A_123], %swap3A_126 {strides = array<i32>} : memref<56x128xi32, #tpu.memory_space<vmem>>, vector<1x16xi32>,
        %get3A_127 = arith.index_cast %scan3A_114 : i32 to index
        %get3A_128 = arith.constant 16 : index
        %get3A_129 = tpu.vector_load %arg8[%get3A_127, %get3A_128] {strides = array<i32>} : memref<56x128xi32, #tpu.memory_space<vmem>>, vector<1x16xi32>,
        %get3A_130 = vector.shape_cast %get3A_129 : vector<1x16xi32> to vector<16xi32>
        %mul3A_131 = arith.constant 8 : i32
        %mul3A_132 = vector.broadcast %mul3A_131 : i32 to vector<16xi32>
        %mul3A_133 = arith.muli %get3A_130, %mul3A_132 : vector<16xi32>
        %add3A_134 = vector.broadcast %add3A_16 : i32 to vector<16xi32>
        %add3A_135 = arith.addi %mul3A_133, %add3A_134 : vector<16xi32>
        %swap3A_136 = arith.index_cast %scan3A_114 : i32 to index
        %swap3A_137 = arith.constant 16 : index
        %swap3A_138 = tpu.vector_load %arg10[%swap3A_136, %swap3A_137] {strides = array<i32>} : memref<56x128xi32, #tpu.memory_space<vmem>>, vector<1x16xi32>,
        %swap3A_139 = vector.shape_cast %swap3A_138 : vector<1x16xi32> to vector<16xi32>
        %swap3A_140 = vector.shape_cast %add3A_135 : vector<16xi32> to vector<1x16xi32>
        tpu.vector_store %arg10[%swap3A_136, %swap3A_137], %swap3A_140 {strides = array<i32>} : memref<56x128xi32, #tpu.memory_space<vmem>>, vector<1x16xi32>,
        %get3A_141 = arith.index_cast %scan3A_114 : i32 to index
        %get3A_142 = arith.constant 32 : index
        %get3A_143 = tpu.vector_load %arg8[%get3A_141, %get3A_142] {strides = array<i32>} : memref<56x128xi32, #tpu.memory_space<vmem>>, vector<1x16xi32>,
        %get3A_144 = vector.shape_cast %get3A_143 : vector<1x16xi32> to vector<16xi32>
        %mul3A_145 = arith.constant 8 : i32
        %mul3A_146 = vector.broadcast %mul3A_145 : i32 to vector<16xi32>
        %mul3A_147 = arith.muli %get3A_144, %mul3A_146 : vector<16xi32>
        %add3A_148 = vector.broadcast %add3A_16 : i32 to vector<16xi32>
        %add3A_149 = arith.addi %mul3A_147, %add3A_148 : vector<16xi32>
        %swap3A_150 = arith.index_cast %scan3A_114 : i32 to index
        %swap3A_151 = arith.constant 32 : index
        %swap3A_152 = tpu.vector_load %arg10[%swap3A_150, %swap3A_151] {strides = array<i32>} : memref<56x128xi32, #tpu.memory_space<vmem>>, vector<1x16xi32>,
        %swap3A_153 = vector.shape_cast %swap3A_152 : vector<1x16xi32> to vector<16xi32>
        %swap3A_154 = vector.shape_cast %add3A_149 : vector<16xi32> to vector<1x16xi32>
        tpu.vector_store %arg10[%swap3A_150, %swap3A_151], %swap3A_154 {strides = array<i32>} : memref<56x128xi32, #tpu.memory_space<vmem>>, vector<1x16xi32>,
        %get3A_155 = arith.index_cast %scan3A_114 : i32 to index
        %get3A_156 = arith.constant 48 : index
        %get3A_157 = tpu.vector_load %arg8[%get3A_155, %get3A_156] {strides = array<i32>} : memref<56x128xi32, #tpu.memory_space<vmem>>, vector<1x16xi32>,
        %get3A_158 = vector.shape_cast %get3A_157 : vector<1x16xi32> to vector<16xi32>
        %mul3A_159 = arith.constant 8 : i32
        %mul3A_160 = vector.broadcast %mul3A_159 : i32 to vector<16xi32>
        %mul3A_161 = arith.muli %get3A_158, %mul3A_160 : vector<16xi32>
        %add3A_162 = vector.broadcast %add3A_16 : i32 to vector<16xi32>
        %add3A_163 = arith.addi %mul3A_161, %add3A_162 : vector<16xi32>
        %swap3A_164 = arith.index_cast %scan3A_114 : i32 to index
        %swap3A_165 = arith.constant 48 : index
        %swap3A_166 = tpu.vector_load %arg10[%swap3A_164, %swap3A_165] {strides = array<i32>} : memref<56x128xi32, #tpu.memory_space<vmem>>, vector<1x16xi32>,
        %swap3A_167 = vector.shape_cast %swap3A_166 : vector<1x16xi32> to vector<16xi32>
        %swap3A_168 = vector.shape_cast %add3A_163 : vector<16xi32> to vector<1x16xi32>
        tpu.vector_store %arg10[%swap3A_164, %swap3A_165], %swap3A_168 {strides = array<i32>} : memref<56x128xi32, #tpu.memory_space<vmem>>, vector<1x16xi32>,
        %get3A_169 = arith.index_cast %scan3A_114 : i32 to index
        %get3A_170 = arith.constant 64 : index
        %get3A_171 = tpu.vector_load %arg8[%get3A_169, %get3A_170] {strides = array<i32>} : memref<56x128xi32, #tpu.memory_space<vmem>>, vector<1x16xi32>,
        %get3A_172 = vector.shape_cast %get3A_171 : vector<1x16xi32> to vector<16xi32>
        %mul3A_173 = arith.constant 8 : i32
        %mul3A_174 = vector.broadcast %mul3A_173 : i32 to vector<16xi32>
        %mul3A_175 = arith.muli %get3A_172, %mul3A_174 : vector<16xi32>
        %add3A_176 = vector.broadcast %add3A_16 : i32 to vector<16xi32>
        %add3A_177 = arith.addi %mul3A_175, %add3A_176 : vector<16xi32>
        %swap3A_178 = arith.index_cast %scan3A_114 : i32 to index
        %swap3A_179 = arith.constant 64 : index
        %swap3A_180 = tpu.vector_load %arg10[%swap3A_178, %swap3A_179] {strides = array<i32>} : memref<56x128xi32, #tpu.memory_space<vmem>>, vector<1x16xi32>,
        %swap3A_181 = vector.shape_cast %swap3A_180 : vector<1x16xi32> to vector<16xi32>
        %swap3A_182 = vector.shape_cast %add3A_177 : vector<16xi32> to vector<1x16xi32>
        tpu.vector_store %arg10[%swap3A_178, %swap3A_179], %swap3A_182 {strides = array<i32>} : memref<56x128xi32, #tpu.memory_space<vmem>>, vector<1x16xi32>,
        %get3A_183 = arith.index_cast %scan3A_114 : i32 to index
        %get3A_184 = arith.constant 80 : index
        %get3A_185 = tpu.vector_load %arg8[%get3A_183, %get3A_184] {strides = array<i32>} : memref<56x128xi32, #tpu.memory_space<vmem>>, vector<1x16xi32>,
        %get3A_186 = vector.shape_cast %get3A_185 : vector<1x16xi32> to vector<16xi32>
        %mul3A_187 = arith.constant 8 : i32
        %mul3A_188 = vector.broadcast %mul3A_187 : i32 to vector<16xi32>
        %mul3A_189 = arith.muli %get3A_186, %mul3A_188 : vector<16xi32>
        %add3A_190 = vector.broadcast %add3A_16 : i32 to vector<16xi32>
        %add3A_191 = arith.addi %mul3A_189, %add3A_190 : vector<16xi32>
        %swap3A_192 = arith.index_cast %scan3A_114 : i32 to index
        %swap3A_193 = arith.constant 80 : index
        %swap3A_194 = tpu.vector_load %arg10[%swap3A_192, %swap3A_193] {strides = array<i32>} : memref<56x128xi32, #tpu.memory_space<vmem>>, vector<1x16xi32>,
        %swap3A_195 = vector.shape_cast %swap3A_194 : vector<1x16xi32> to vector<16xi32>
        %swap3A_196 = vector.shape_cast %add3A_191 : vector<16xi32> to vector<1x16xi32>
        tpu.vector_store %arg10[%swap3A_192, %swap3A_193], %swap3A_196 {strides = array<i32>} : memref<56x128xi32, #tpu.memory_space<vmem>>, vector<1x16xi32>,
        %get3A_197 = arith.index_cast %scan3A_114 : i32 to index
        %get3A_198 = arith.constant 96 : index
        %get3A_199 = tpu.vector_load %arg8[%get3A_197, %get3A_198] {strides = array<i32>} : memref<56x128xi32, #tpu.memory_space<vmem>>, vector<1x16xi32>,
        %get3A_200 = vector.shape_cast %get3A_199 : vector<1x16xi32> to vector<16xi32>
        %mul3A_201 = arith.constant 8 : i32
        %mul3A_202 = vector.broadcast %mul3A_201 : i32 to vector<16xi32>
        %mul3A_203 = arith.muli %get3A_200, %mul3A_202 : vector<16xi32>
        %add3A_204 = vector.broadcast %add3A_16 : i32 to vector<16xi32>
        %add3A_205 = arith.addi %mul3A_203, %add3A_204 : vector<16xi32>
        %swap3A_206 = arith.index_cast %scan3A_114 : i32 to index
        %swap3A_207 = arith.constant 96 : index
        %swap3A_208 = tpu.vector_load %arg10[%swap3A_206, %swap3A_207] {strides = array<i32>} : memref<56x128xi32, #tpu.memory_space<vmem>>, vector<1x16xi32>,
        %swap3A_209 = vector.shape_cast %swap3A_208 : vector<1x16xi32> to vector<16xi32>
        %swap3A_210 = vector.shape_cast %add3A_205 : vector<16xi32> to vector<1x16xi32>
        tpu.vector_store %arg10[%swap3A_206, %swap3A_207], %swap3A_210 {strides = array<i32>} : memref<56x128xi32, #tpu.memory_space<vmem>>, vector<1x16xi32>,
        %get3A_211 = arith.index_cast %scan3A_114 : i32 to index
        %get3A_212 = arith.constant 112 : index
        %get3A_213 = tpu.vector_load %arg8[%get3A_211, %get3A_212] {strides = array<i32>} : memref<56x128xi32, #tpu.memory_space<vmem>>, vector<1x16xi32>,
        %get3A_214 = vector.shape_cast %get3A_213 : vector<1x16xi32> to vector<16xi32>
        %mul3A_215 = arith.constant 8 : i32
        %mul3A_216 = vector.broadcast %mul3A_215 : i32 to vector<16xi32>
        %mul3A_217 = arith.muli %get3A_214, %mul3A_216 : vector<16xi32>
        %add3A_218 = vector.broadcast %add3A_16 : i32 to vector<16xi32>
        %add3A_219 = arith.addi %mul3A_217, %add3A_218 : vector<16xi32>
        %swap3A_220 = arith.index_cast %scan3A_114 : i32 to index
        %swap3A_221 = arith.constant 112 : index
        %swap3A_222 = tpu.vector_load %arg10[%swap3A_220, %swap3A_221] {strides = array<i32>} : memref<56x128xi32, #tpu.memory_space<vmem>>, vector<1x16xi32>,
        %swap3A_223 = vector.shape_cast %swap3A_222 : vector<1x16xi32> to vector<16xi32>
        %swap3A_224 = vector.shape_cast %add3A_219 : vector<16xi32> to vector<1x16xi32>
        tpu.vector_store %arg10[%swap3A_220, %swap3A_221], %swap3A_224 {strides = array<i32>} : memref<56x128xi32, #tpu.memory_space<vmem>>, vector<1x16xi32>,
      }
      %scan3A_61 = arith.constant 56 : i32
      %dma_start3A = arith.constant 0 : i32
      %dma_start3A_62 = arith.constant 0 : i32
      %dma_start3A_63 = arith.constant 0 : i32
      %dma_start3A_64 = arith.constant 0 : i32
      %dma_start3A_65 = tpu.memref_slice %arg11[%dma_start3A_62, %dma_start3A_63, %dma_start3A_64] : memref<4x128x16xf32, #tpu.memory_space<vmem>> -> memref<1x128x16xf32, #tpu.memory_space<vmem>>
      %dma_start3A_66 = tpu.memref_squeeze %dma_start3A_65 : memref<1x128x16xf32, #tpu.memory_space<vmem>> -> memref<128x16xf32, #tpu.memory_space<vmem>>
      %dma_start3A_67 = arith.constant 0 : i32
      %dma_start3A_68 = tpu.memref_slice %arg10[%dma_start3A, %dma_start3A_67] : memref<56x128xi32, #tpu.memory_space<vmem>> -> memref<1x128xi32, #tpu.memory_space<vmem>>
      %dma_start3A_69 = tpu.memref_squeeze %dma_start3A_68 : memref<1x128xi32, #tpu.memory_space<vmem>> -> memref<128xi32, #tpu.memory_space<vmem>>
      %dma_start3A_70 = arith.constant 0 : i32
      %dma_start3A_71 = arith.constant 0 : i32
      %dma_start3A_72 = tpu.memref_slice %arg2[%dma_start3A_70, %dma_start3A_71] : memref<800000x16xf32, #tpu.memory_space<hbm>> -> memref<800000x16xf32, #tpu.memory_space<hbm>>
      tpu.enqueue_indirect_dma source(%dma_start3A_72 : memref<800000x16xf32, #tpu.memory_space<hbm>>) target(%dma_start3A_66 : memref<128x16xf32, #tpu.memory_space<vmem>>) offsets(%dma_start3A_69 : memref<128xi32, #tpu.memory_space<vmem>>) semaphore(%arg12 : memref<!tpu.dma_semaphore, #tpu.memory_space<semaphore_mem>>)
      %dma_start3A_73 = arith.constant 1 : i32
      %dma_start3A_74 = arith.constant 1 : i32
      %dma_start3A_75 = arith.constant 0 : i32
      %dma_start3A_76 = arith.constant 0 : i32
      %dma_start3A_77 = tpu.memref_slice %arg11[%dma_start3A_74, %dma_start3A_75, %dma_start3A_76] : memref<4x128x16xf32, #tpu.memory_space<vmem>> -> memref<1x128x16xf32, #tpu.memory_space<vmem>>
      %dma_start3A_78 = tpu.memref_squeeze %dma_start3A_77 : memref<1x128x16xf32, #tpu.memory_space<vmem>> -> memref<128x16xf32, #tpu.memory_space<vmem>>
      %dma_start3A_79 = arith.constant 0 : i32
      %dma_start3A_80 = tpu.memref_slice %arg10[%dma_start3A_73, %dma_start3A_79] : memref<56x128xi32, #tpu.memory_space<vmem>> -> memref<1x128xi32, #tpu.memory_space<vmem>>
      %dma_start3A_81 = tpu.memref_squeeze %dma_start3A_80 : memref<1x128xi32, #tpu.memory_space<vmem>> -> memref<128xi32, #tpu.memory_space<vmem>>
      %dma_start3A_82 = arith.constant 0 : i32
      %dma_start3A_83 = arith.constant 0 : i32
      %dma_start3A_84 = tpu.memref_slice %arg2[%dma_start3A_82, %dma_start3A_83] : memref<800000x16xf32, #tpu.memory_space<hbm>> -> memref<800000x16xf32, #tpu.memory_space<hbm>>
      tpu.enqueue_indirect_dma source(%dma_start3A_84 : memref<800000x16xf32, #tpu.memory_space<hbm>>) target(%dma_start3A_78 : memref<128x16xf32, #tpu.memory_space<vmem>>) offsets(%dma_start3A_81 : memref<128xi32, #tpu.memory_space<vmem>>) semaphore(%arg12 : memref<!tpu.dma_semaphore, #tpu.memory_space<semaphore_mem>>)
      %scan3A_85 = arith.constant 0 : i32
      %scan3A_86 = arith.constant 0 : i32
      %scan3A_87 = arith.constant 56 : i32
      %scan3A_88 = arith.addi %scan3A_86, %scan3A_87 : i32
      %scan3A_89 = arith.constant 1 : i32
      scf.for %scan3A_114 = %scan3A_86 to %scan3A_88 step %scan3A_89  : i32 {
        %ge3A = arith.constant 2 : i32
        %ge3A_115 = arith.cmpi sge, %scan3A_114, %ge3A : i32
        %convert_element_type3A = arith.extui %ge3A_115 : i1 to i32
        %cond3A = arith.constant 0 : i32
        %cond3A_116 = arith.cmpi ne, %convert_element_type3A, %cond3A : i32
        scf.if %cond3A_116 {
          %sub3A = arith.constant 2 : i32
          %sub3A_169 = arith.subi %scan3A_114, %sub3A : i32
          %jit3A_170 = arith.constant 4 : i32
          %eq3A_171 = arith.constant 0 : i32
          %eq3A_172 = arith.cmpi eq, %jit3A_170, %eq3A_171 : i32
          %jit3A_173 = arith.constant 1 : i32
          %select_n3A_174 = arith.select %eq3A_172, %jit3A_173, %jit3A_170 : i32
          %rem3A_175 = arith.remsi %sub3A_169, %select_n3A_174 : i32
          %ne3A_176 = arith.constant 0 : i32
          %ne3A_177 = arith.cmpi ne, %rem3A_175, %ne3A_176 : i32
          %lt3A_178 = arith.constant 0 : i32
          %lt3A_179 = arith.cmpi slt, %rem3A_175, %lt3A_178 : i32
          %lt3A_180 = arith.constant 0 : i32
          %lt3A_181 = arith.cmpi slt, %select_n3A_174, %lt3A_180 : i32
          %ne3A_182 = arith.xori %lt3A_179, %lt3A_181 : i1
          %and3A_183 = arith.andi %ne3A_182, %ne3A_177 : i1
          %add3A_184 = arith.addi %rem3A_175, %select_n3A_174 : i32
          %select_n3A_185 = arith.select %and3A_183, %add3A_184, %rem3A_175 : i32
          %sub3A_186 = arith.constant 2 : i32
          %sub3A_187 = arith.subi %scan3A_114, %sub3A_186 : i32
          %dma_wait3A_188 = arith.constant 0 : i32
          %dma_wait3A_189 = arith.constant 0 : i32
          %dma_wait3A_190 = tpu.memref_slice %arg11[%select_n3A_185, %dma_wait3A_188, %dma_wait3A_189] : memref<4x128x16xf32, #tpu.memory_space<vmem>> -> memref<1x128x16xf32, #tpu.memory_space<vmem>>
          %dma_wait3A_191 = tpu.memref_squeeze %dma_wait3A_190 : memref<1x128x16xf32, #tpu.memory_space<vmem>> -> memref<128x16xf32, #tpu.memory_space<vmem>>
          %dma_wait3A_192 = arith.constant 0 : i32
          %dma_wait3A_193 = tpu.memref_slice %arg9[%sub3A_187, %dma_wait3A_192] : memref<56x128xi32, #tpu.memory_space<vmem>> -> memref<1x128xi32, #tpu.memory_space<vmem>>
          %dma_wait3A_194 = tpu.memref_squeeze %dma_wait3A_193 : memref<1x128xi32, #tpu.memory_space<vmem>> -> memref<128xi32, #tpu.memory_space<vmem>>
          %dma_wait3A_195 = arith.constant 0 : i32
          %dma_wait3A_196 = arith.constant 0 : i32
          %dma_wait3A_197 = tpu.memref_slice %arg7[%dma_wait3A_195, %dma_wait3A_196] : memref<100096x16xf32, #tpu.memory_space<vmem_shared>> -> memref<100096x16xf32, #tpu.memory_space<vmem_shared>>
          tpu.wait_indirect_dma semaphore(%arg13 : memref<!tpu.dma_semaphore, #tpu.memory_space<semaphore_mem>>) src(%dma_wait3A_191 : memref<128x16xf32, #tpu.memory_space<vmem>>) dst(%dma_wait3A_197 : memref<100096x16xf32, #tpu.memory_space<vmem_shared>>)
        } else {
        }
        %add3A_117 = arith.constant 2 : i32
        %add3A_118 = arith.addi %scan3A_114, %add3A_117 : i32
        %lt3A = arith.constant 56 : i32
        %lt3A_119 = arith.cmpi slt, %add3A_118, %lt3A : i32
        %convert_element_type3A_120 = arith.extui %lt3A_119 : i1 to i32
        %cond3A_121 = arith.constant 0 : i32
        %cond3A_122 = arith.cmpi ne, %convert_element_type3A_120, %cond3A_121 : i32
        scf.if %cond3A_122 {
          %add3A_169 = arith.constant 2 : i32
          %add3A_170 = arith.addi %scan3A_114, %add3A_169 : i32
          %add3A_171 = arith.constant 2 : i32
          %add3A_172 = arith.addi %scan3A_114, %add3A_171 : i32
          %jit3A_173 = arith.constant 4 : i32
          %eq3A_174 = arith.constant 0 : i32
          %eq3A_175 = arith.cmpi eq, %jit3A_173, %eq3A_174 : i32
          %jit3A_176 = arith.constant 1 : i32
          %select_n3A_177 = arith.select %eq3A_175, %jit3A_176, %jit3A_173 : i32
          %rem3A_178 = arith.remsi %add3A_172, %select_n3A_177 : i32
          %ne3A_179 = arith.constant 0 : i32
          %ne3A_180 = arith.cmpi ne, %rem3A_178, %ne3A_179 : i32
          %lt3A_181 = arith.constant 0 : i32
          %lt3A_182 = arith.cmpi slt, %rem3A_178, %lt3A_181 : i32
          %lt3A_183 = arith.constant 0 : i32
          %lt3A_184 = arith.cmpi slt, %select_n3A_177, %lt3A_183 : i32
          %ne3A_185 = arith.xori %lt3A_182, %lt3A_184 : i1
          %and3A_186 = arith.andi %ne3A_185, %ne3A_180 : i1
          %add3A_187 = arith.addi %rem3A_178, %select_n3A_177 : i32
          %select_n3A_188 = arith.select %and3A_186, %add3A_187, %rem3A_178 : i32
          %dma_start3A_189 = arith.constant 0 : i32
          %dma_start3A_190 = arith.constant 0 : i32
          %dma_start3A_191 = tpu.memref_slice %arg11[%select_n3A_188, %dma_start3A_189, %dma_start3A_190] : memref<4x128x16xf32, #tpu.memory_space<vmem>> -> memref<1x128x16xf32, #tpu.memory_space<vmem>>
          %dma_start3A_192 = tpu.memref_squeeze %dma_start3A_191 : memref<1x128x16xf32, #tpu.memory_space<vmem>> -> memref<128x16xf32, #tpu.memory_space<vmem>>
          %dma_start3A_193 = arith.constant 0 : i32
          %dma_start3A_194 = tpu.memref_slice %arg10[%add3A_170, %dma_start3A_193] : memref<56x128xi32, #tpu.memory_space<vmem>> -> memref<1x128xi32, #tpu.memory_space<vmem>>
          %dma_start3A_195 = tpu.memref_squeeze %dma_start3A_194 : memref<1x128xi32, #tpu.memory_space<vmem>> -> memref<128xi32, #tpu.memory_space<vmem>>
          %dma_start3A_196 = arith.constant 0 : i32
          %dma_start3A_197 = arith.constant 0 : i32
          %dma_start3A_198 = tpu.memref_slice %arg2[%dma_start3A_196, %dma_start3A_197] : memref<800000x16xf32, #tpu.memory_space<hbm>> -> memref<800000x16xf32, #tpu.memory_space<hbm>>
          tpu.enqueue_indirect_dma source(%dma_start3A_198 : memref<800000x16xf32, #tpu.memory_space<hbm>>) target(%dma_start3A_192 : memref<128x16xf32, #tpu.memory_space<vmem>>) offsets(%dma_start3A_195 : memref<128xi32, #tpu.memory_space<vmem>>) semaphore(%arg12 : memref<!tpu.dma_semaphore, #tpu.memory_space<semaphore_mem>>)
        } else {
        }
        %jit3A = arith.constant 4 : i32
        %eq3A = arith.constant 0 : i32
        %eq3A_123 = arith.cmpi eq, %jit3A, %eq3A : i32
        %jit3A_124 = arith.constant 1 : i32
        %select_n3A = arith.select %eq3A_123, %jit3A_124, %jit3A : i32
        %rem3A = arith.remsi %scan3A_114, %select_n3A : i32
        %ne3A = arith.constant 0 : i32
        %ne3A_125 = arith.cmpi ne, %rem3A, %ne3A : i32
        %lt3A_126 = arith.constant 0 : i32
        %lt3A_127 = arith.cmpi slt, %rem3A, %lt3A_126 : i32
        %lt3A_128 = arith.constant 0 : i32
        %lt3A_129 = arith.cmpi slt, %select_n3A, %lt3A_128 : i32
        %ne3A_130 = arith.xori %lt3A_127, %lt3A_129 : i1
        %and3A = arith.andi %ne3A_130, %ne3A_125 : i1
        %add3A_131 = arith.addi %rem3A, %select_n3A : i32
        %select_n3A_132 = arith.select %and3A, %add3A_131, %rem3A : i32
        %dma_wait3A_133 = arith.constant 0 : i32
        %dma_wait3A_134 = arith.constant 0 : i32
        %dma_wait3A_135 = tpu.memref_slice %arg11[%select_n3A_132, %dma_wait3A_133, %dma_wait3A_134] : memref<4x128x16xf32, #tpu.memory_space<vmem>> -> memref<1x128x16xf32, #tpu.memory_space<vmem>>
        %dma_wait3A_136 = tpu.memref_squeeze %dma_wait3A_135 : memref<1x128x16xf32, #tpu.memory_space<vmem>> -> memref<128x16xf32, #tpu.memory_space<vmem>>
        %dma_wait3A_137 = arith.constant 0 : i32
        %dma_wait3A_138 = tpu.memref_slice %arg10[%scan3A_114, %dma_wait3A_137] : memref<56x128xi32, #tpu.memory_space<vmem>> -> memref<1x128xi32, #tpu.memory_space<vmem>>
        %dma_wait3A_139 = tpu.memref_squeeze %dma_wait3A_138 : memref<1x128xi32, #tpu.memory_space<vmem>> -> memref<128xi32, #tpu.memory_space<vmem>>
        %dma_wait3A_140 = arith.constant 0 : i32
        %dma_wait3A_141 = arith.constant 0 : i32
        %dma_wait3A_142 = tpu.memref_slice %arg2[%dma_wait3A_140, %dma_wait3A_141] : memref<800000x16xf32, #tpu.memory_space<hbm>> -> memref<800000x16xf32, #tpu.memory_space<hbm>>
        tpu.wait_indirect_dma semaphore(%arg12 : memref<!tpu.dma_semaphore, #tpu.memory_space<semaphore_mem>>) src(%dma_wait3A_142 : memref<800000x16xf32, #tpu.memory_space<hbm>>) dst(%dma_wait3A_136 : memref<128x16xf32, #tpu.memory_space<vmem>>)
        %jit3A_143 = arith.constant 4 : i32
        %eq3A_144 = arith.constant 0 : i32
        %eq3A_145 = arith.cmpi eq, %jit3A_143, %eq3A_144 : i32
        %jit3A_146 = arith.constant 1 : i32
        %select_n3A_147 = arith.select %eq3A_145, %jit3A_146, %jit3A_143 : i32
        %rem3A_148 = arith.remsi %scan3A_114, %select_n3A_147 : i32
        %ne3A_149 = arith.constant 0 : i32
        %ne3A_150 = arith.cmpi ne, %rem3A_148, %ne3A_149 : i32
        %lt3A_151 = arith.constant 0 : i32
        %lt3A_152 = arith.cmpi slt, %rem3A_148, %lt3A_151 : i32
        %lt3A_153 = arith.constant 0 : i32
        %lt3A_154 = arith.cmpi slt, %select_n3A_147, %lt3A_153 : i32
        %ne3A_155 = arith.xori %lt3A_152, %lt3A_154 : i1
        %and3A_156 = arith.andi %ne3A_155, %ne3A_150 : i1
        %add3A_157 = arith.addi %rem3A_148, %select_n3A_147 : i32
        %select_n3A_158 = arith.select %and3A_156, %add3A_157, %rem3A_148 : i32
        %dma_start3A_159 = arith.constant 0 : i32
        %dma_start3A_160 = arith.constant 0 : i32
        %dma_start3A_161 = tpu.memref_slice %arg11[%select_n3A_158, %dma_start3A_159, %dma_start3A_160] : memref<4x128x16xf32, #tpu.memory_space<vmem>> -> memref<1x128x16xf32, #tpu.memory_space<vmem>>
        %dma_start3A_162 = tpu.memref_squeeze %dma_start3A_161 : memref<1x128x16xf32, #tpu.memory_space<vmem>> -> memref<128x16xf32, #tpu.memory_space<vmem>>
        %dma_start3A_163 = arith.constant 0 : i32
        %dma_start3A_164 = tpu.memref_slice %arg9[%scan3A_114, %dma_start3A_163] : memref<56x128xi32, #tpu.memory_space<vmem>> -> memref<1x128xi32, #tpu.memory_space<vmem>>
        %dma_start3A_165 = tpu.memref_squeeze %dma_start3A_164 : memref<1x128xi32, #tpu.memory_space<vmem>> -> memref<128xi32, #tpu.memory_space<vmem>>
        %dma_start3A_166 = arith.constant 0 : i32
        %dma_start3A_167 = arith.constant 0 : i32
        %dma_start3A_168 = tpu.memref_slice %arg7[%dma_start3A_166, %dma_start3A_167] : memref<100096x16xf32, #tpu.memory_space<vmem_shared>> -> memref<100096x16xf32, #tpu.memory_space<vmem_shared>>
        tpu.enqueue_indirect_dma source(%dma_start3A_162 : memref<128x16xf32, #tpu.memory_space<vmem>>) target(%dma_start3A_168 : memref<100096x16xf32, #tpu.memory_space<vmem_shared>>) offsets(%dma_start3A_165 : memref<128xi32, #tpu.memory_space<vmem>>) semaphore(%arg13 : memref<!tpu.dma_semaphore, #tpu.memory_space<semaphore_mem>>) {add = true}
      }
      %scan3A_90 = arith.constant 56 : i32
      %dma_wait3A = arith.constant 2 : i32
      %dma_wait3A_91 = arith.constant 54 : i32
      %dma_wait3A_92 = arith.constant 0 : i32
      %dma_wait3A_93 = arith.constant 0 : i32
      %dma_wait3A_94 = tpu.memref_slice %arg11[%dma_wait3A, %dma_wait3A_92, %dma_wait3A_93] : memref<4x128x16xf32, #tpu.memory_space<vmem>> -> memref<1x128x16xf32, #tpu.memory_space<vmem>>
      %dma_wait3A_95 = tpu.memref_squeeze %dma_wait3A_94 : memref<1x128x16xf32, #tpu.memory_space<vmem>> -> memref<128x16xf32, #tpu.memory_space<vmem>>
      %dma_wait3A_96 = arith.constant 0 : i32
      %dma_wait3A_97 = tpu.memref_slice %arg9[%dma_wait3A_91, %dma_wait3A_96] : memref<56x128xi32, #tpu.memory_space<vmem>> -> memref<1x128xi32, #tpu.memory_space<vmem>>
      %dma_wait3A_98 = tpu.memref_squeeze %dma_wait3A_97 : memref<1x128xi32, #tpu.memory_space<vmem>> -> memref<128xi32, #tpu.memory_space<vmem>>
      %dma_wait3A_99 = arith.constant 0 : i32
      %dma_wait3A_100 = arith.constant 0 : i32
      %dma_wait3A_101 = tpu.memref_slice %arg7[%dma_wait3A_99, %dma_wait3A_100] : memref<100096x16xf32, #tpu.memory_space<vmem_shared>> -> memref<100096x16xf32, #tpu.memory_space<vmem_shared>>
      tpu.wait_indirect_dma semaphore(%arg13 : memref<!tpu.dma_semaphore, #tpu.memory_space<semaphore_mem>>) src(%dma_wait3A_95 : memref<128x16xf32, #tpu.memory_space<vmem>>) dst(%dma_wait3A_101 : memref<100096x16xf32, #tpu.memory_space<vmem_shared>>)
      %dma_wait3A_102 = arith.constant 3 : i32
      %dma_wait3A_103 = arith.constant 55 : i32
      %dma_wait3A_104 = arith.constant 0 : i32
      %dma_wait3A_105 = arith.constant 0 : i32
      %dma_wait3A_106 = tpu.memref_slice %arg11[%dma_wait3A_102, %dma_wait3A_104, %dma_wait3A_105] : memref<4x128x16xf32, #tpu.memory_space<vmem>> -> memref<1x128x16xf32, #tpu.memory_space<vmem>>
      %dma_wait3A_107 = tpu.memref_squeeze %dma_wait3A_106 : memref<1x128x16xf32, #tpu.memory_space<vmem>> -> memref<128x16xf32, #tpu.memory_space<vmem>>
      %dma_wait3A_108 = arith.constant 0 : i32
      %dma_wait3A_109 = tpu.memref_slice %arg9[%dma_wait3A_103, %dma_wait3A_108] : memref<56x128xi32, #tpu.memory_space<vmem>> -> memref<1x128xi32, #tpu.memory_space<vmem>>
      %dma_wait3A_110 = tpu.memref_squeeze %dma_wait3A_109 : memref<1x128xi32, #tpu.memory_space<vmem>> -> memref<128xi32, #tpu.memory_space<vmem>>
      %dma_wait3A_111 = arith.constant 0 : i32
      %dma_wait3A_112 = arith.constant 0 : i32
      %dma_wait3A_113 = tpu.memref_slice %arg7[%dma_wait3A_111, %dma_wait3A_112] : memref<100096x16xf32, #tpu.memory_space<vmem_shared>> -> memref<100096x16xf32, #tpu.memory_space<vmem_shared>>
      tpu.wait_indirect_dma semaphore(%arg13 : memref<!tpu.dma_semaphore, #tpu.memory_space<semaphore_mem>>) src(%dma_wait3A_107 : memref<128x16xf32, #tpu.memory_space<vmem>>) dst(%dma_wait3A_113 : memref<100096x16xf32, #tpu.memory_space<vmem_shared>>)
    }
    %scan3A_23 = arith.constant 28 : i32
    %barrier3A_24 = arith.constant 0 : index
    tpu.barrier barrier_id(%barrier3A_24)
    "tpu.region"() ({
      %run_scoped3A = tpu.sem_alloc : memref<!tpu.dma_semaphore, #tpu.memory_space<semaphore_mem>>
      %dma_start3A = arith.constant 0 : i32
      %dma_start3A_52 = tpu.memref_slice %arg6[%add3A_16, %mul3A_0, %dma_start3A] : memref<8x100096x16xf32, #tpu.memory_space<hbm>> -> memref<1x3128x16xf32, #tpu.memory_space<hbm>>
      %dma_start3A_53 = tpu.memref_squeeze %dma_start3A_52 : memref<1x3128x16xf32, #tpu.memory_space<hbm>> -> memref<3128x16xf32, #tpu.memory_space<hbm>>
      %dma_start3A_54 = arith.constant 0 : i32
      %dma_start3A_55 = tpu.memref_slice %arg7[%mul3A_0, %dma_start3A_54] : memref<100096x16xf32, #tpu.memory_space<vmem_shared>> -> memref<3128x16xf32, #tpu.memory_space<vmem_shared>>
      tpu.enqueue_dma source(%dma_start3A_55 : memref<3128x16xf32, #tpu.memory_space<vmem_shared>>) target(%dma_start3A_53 : memref<3128x16xf32, #tpu.memory_space<hbm>>) target_semaphore(%run_scoped3A : memref<!tpu.dma_semaphore, #tpu.memory_space<semaphore_mem>>)
      %dma_wait3A = arith.constant 0 : i32
      %dma_wait3A_56 = tpu.memref_slice %arg6[%add3A_16, %mul3A_0, %dma_wait3A] : memref<8x100096x16xf32, #tpu.memory_space<hbm>> -> memref<1x3128x16xf32, #tpu.memory_space<hbm>>
      %dma_wait3A_57 = tpu.memref_squeeze %dma_wait3A_56 : memref<1x3128x16xf32, #tpu.memory_space<hbm>> -> memref<3128x16xf32, #tpu.memory_space<hbm>>
      %dma_wait3A_58 = arith.constant 0 : i32
      %dma_wait3A_59 = tpu.memref_slice %arg7[%mul3A_0, %dma_wait3A_58] : memref<100096x16xf32, #tpu.memory_space<vmem_shared>> -> memref<3128x16xf32, #tpu.memory_space<vmem_shared>>
      tpu.wait_dma2 semaphore(%run_scoped3A : memref<!tpu.dma_semaphore, #tpu.memory_space<semaphore_mem>>) src(%dma_wait3A_59 : memref<3128x16xf32, #tpu.memory_space<vmem_shared>>) dst(%dma_wait3A_57 : memref<3128x16xf32, #tpu.memory_space<hbm>>)
      tpu.yield
    }) : () -> ()
    %barrier3A_25 = arith.constant 0 : index
    tpu.barrier barrier_id(%barrier3A_25)
    %mul3A_26 = arith.constant 4 : i32
    %mul3A_27 = arith.muli %arg0, %mul3A_26 : i32
    %add3A_28 = arith.constant 2 : i32
    %add3A_29 = arith.addi %mul3A_27, %add3A_28 : i32
    "tpu.region"() ({
      %run_scoped3A = tpu.sem_alloc : memref<!tpu.dma_semaphore, #tpu.memory_space<semaphore_mem>>
      %dma_start3A = arith.constant 0 : i32
      %dma_start3A_52 = tpu.memref_slice %arg7[%mul3A_0, %dma_start3A] : memref<100096x16xf32, #tpu.memory_space<vmem_shared>> -> memref<3128x16xf32, #tpu.memory_space<vmem_shared>>
      tpu.enqueue_dma source(%arg5 : memref<3128x16xf32, #tpu.memory_space<hbm>>) target(%dma_start3A_52 : memref<3128x16xf32, #tpu.memory_space<vmem_shared>>) target_semaphore(%run_scoped3A : memref<!tpu.dma_semaphore, #tpu.memory_space<semaphore_mem>>)
      %dma_wait3A = arith.constant 0 : i32
      %dma_wait3A_53 = tpu.memref_slice %arg7[%mul3A_0, %dma_wait3A] : memref<100096x16xf32, #tpu.memory_space<vmem_shared>> -> memref<3128x16xf32, #tpu.memory_space<vmem_shared>>
      tpu.wait_dma2 semaphore(%run_scoped3A : memref<!tpu.dma_semaphore, #tpu.memory_space<semaphore_mem>>) src(%arg5 : memref<3128x16xf32, #tpu.memory_space<hbm>>) dst(%dma_wait3A_53 : memref<3128x16xf32, #tpu.memory_space<vmem_shared>>)
      tpu.yield
    }) : () -> ()
    %barrier3A_30 = arith.constant 0 : index
    tpu.barrier barrier_id(%barrier3A_30)
    %scan3A_31 = arith.constant 0 : i32
    %scan3A_32 = arith.constant 0 : i32
    %scan3A_33 = arith.constant 28 : i32
    %scan3A_34 = arith.addi %scan3A_32, %scan3A_33 : i32
    %scan3A_35 = arith.constant 1 : i32
    scf.for %scan3A_52 = %scan3A_32 to %scan3A_34 step %scan3A_35  : i32 {
      %mul3A_53 = arith.constant 56 : i32
      %mul3A_54 = arith.muli %scan3A_52, %mul3A_53 : i32
      %add3A_55 = arith.addi %mul3A_2, %mul3A_54 : i32
      "tpu.region"() ({
        %run_scoped3A = tpu.sem_alloc : memref<!tpu.dma_semaphore, #tpu.memory_space<semaphore_mem>>
        %dma_start3A_114 = arith.constant 0 : i32
        %dma_start3A_115 = tpu.memref_slice %arg3[%add3A_55, %dma_start3A_114] : memref<25088x128xi32, #tpu.memory_space<hbm>> -> memref<56x128xi32, #tpu.memory_space<hbm>>
        %dma_start3A_116 = arith.constant 0 : i32
        %dma_start3A_117 = tpu.memref_slice %arg3[%add3A_55, %dma_start3A_116] : memref<25088x128xi32, #tpu.memory_space<hbm>> -> memref<56x128xi32, #tpu.memory_space<hbm>>
        tpu.enqueue_dma source(%dma_start3A_117 : memref<56x128xi32, #tpu.memory_space<hbm>>) target(%arg8 : memref<56x128xi32, #tpu.memory_space<vmem>>) target_semaphore(%run_scoped3A : memref<!tpu.dma_semaphore, #tpu.memory_space<semaphore_mem>>)
        %dma_wait3A_118 = arith.constant 0 : i32
        %dma_wait3A_119 = tpu.memref_slice %arg3[%add3A_55, %dma_wait3A_118] : memref<25088x128xi32, #tpu.memory_space<hbm>> -> memref<56x128xi32, #tpu.memory_space<hbm>>
        %dma_wait3A_120 = arith.constant 0 : i32
        %dma_wait3A_121 = tpu.memref_slice %arg3[%add3A_55, %dma_wait3A_120] : memref<25088x128xi32, #tpu.memory_space<hbm>> -> memref<56x128xi32, #tpu.memory_space<hbm>>
        tpu.wait_dma2 semaphore(%run_scoped3A : memref<!tpu.dma_semaphore, #tpu.memory_space<semaphore_mem>>) src(%dma_wait3A_121 : memref<56x128xi32, #tpu.memory_space<hbm>>) dst(%arg8 : memref<56x128xi32, #tpu.memory_space<vmem>>)
        tpu.yield
      }) : () -> ()
      "tpu.region"() ({
        %run_scoped3A = tpu.sem_alloc : memref<!tpu.dma_semaphore, #tpu.memory_space<semaphore_mem>>
        %dma_start3A_114 = arith.constant 0 : i32
        %dma_start3A_115 = tpu.memref_slice %arg4[%add3A_55, %dma_start3A_114] : memref<25088x128xi32, #tpu.memory_space<hbm>> -> memref<56x128xi32, #tpu.memory_space<hbm>>
        %dma_start3A_116 = arith.constant 0 : i32
        %dma_start3A_117 = tpu.memref_slice %arg4[%add3A_55, %dma_start3A_116] : memref<25088x128xi32, #tpu.memory_space<hbm>> -> memref<56x128xi32, #tpu.memory_space<hbm>>
        tpu.enqueue_dma source(%dma_start3A_117 : memref<56x128xi32, #tpu.memory_space<hbm>>) target(%arg9 : memref<56x128xi32, #tpu.memory_space<vmem>>) target_semaphore(%run_scoped3A : memref<!tpu.dma_semaphore, #tpu.memory_space<semaphore_mem>>)
        %dma_wait3A_118 = arith.constant 0 : i32
        %dma_wait3A_119 = tpu.memref_slice %arg4[%add3A_55, %dma_wait3A_118] : memref<25088x128xi32, #tpu.memory_space<hbm>> -> memref<56x128xi32, #tpu.memory_space<hbm>>
        %dma_wait3A_120 = arith.constant 0 : i32
        %dma_wait3A_121 = tpu.memref_slice %arg4[%add3A_55, %dma_wait3A_120] : memref<25088x128xi32, #tpu.memory_space<hbm>> -> memref<56x128xi32, #tpu.memory_space<hbm>>
        tpu.wait_dma2 semaphore(%run_scoped3A : memref<!tpu.dma_semaphore, #tpu.memory_space<semaphore_mem>>) src(%dma_wait3A_121 : memref<56x128xi32, #tpu.memory_space<hbm>>) dst(%arg9 : memref<56x128xi32, #tpu.memory_space<vmem>>)
        tpu.yield
      }) : () -> ()
      %scan3A_56 = arith.constant 0 : i32
      %scan3A_57 = arith.constant 0 : i32
      %scan3A_58 = arith.constant 56 : i32
      %scan3A_59 = arith.addi %scan3A_57, %scan3A_58 : i32
      %scan3A_60 = arith.constant 1 : i32
      scf.for %scan3A_114 = %scan3A_57 to %scan3A_59 step %scan3A_60  : i32 {
        %get3A = arith.index_cast %scan3A_114 : i32 to index
        %get3A_115 = arith.constant 0 : index
        %get3A_116 = tpu.vector_load %arg8[%get3A, %get3A_115] {strides = array<i32>} : memref<56x128xi32, #tpu.memory_space<vmem>>, vector<1x16xi32>,
        %get3A_117 = vector.shape_cast %get3A_116 : vector<1x16xi32> to vector<16xi32>
        %mul3A_118 = arith.constant 8 : i32
        %mul3A_119 = vector.broadcast %mul3A_118 : i32 to vector<16xi32>
        %mul3A_120 = arith.muli %get3A_117, %mul3A_119 : vector<16xi32>
        %add3A_121 = vector.broadcast %add3A_29 : i32 to vector<16xi32>
        %add3A_122 = arith.addi %mul3A_120, %add3A_121 : vector<16xi32>
        %swap3A = arith.index_cast %scan3A_114 : i32 to index
        %swap3A_123 = arith.constant 0 : index
        %swap3A_124 = tpu.vector_load %arg10[%swap3A, %swap3A_123] {strides = array<i32>} : memref<56x128xi32, #tpu.memory_space<vmem>>, vector<1x16xi32>,
        %swap3A_125 = vector.shape_cast %swap3A_124 : vector<1x16xi32> to vector<16xi32>
        %swap3A_126 = vector.shape_cast %add3A_122 : vector<16xi32> to vector<1x16xi32>
        tpu.vector_store %arg10[%swap3A, %swap3A_123], %swap3A_126 {strides = array<i32>} : memref<56x128xi32, #tpu.memory_space<vmem>>, vector<1x16xi32>,
        %get3A_127 = arith.index_cast %scan3A_114 : i32 to index
        %get3A_128 = arith.constant 16 : index
        %get3A_129 = tpu.vector_load %arg8[%get3A_127, %get3A_128] {strides = array<i32>} : memref<56x128xi32, #tpu.memory_space<vmem>>, vector<1x16xi32>,
        %get3A_130 = vector.shape_cast %get3A_129 : vector<1x16xi32> to vector<16xi32>
        %mul3A_131 = arith.constant 8 : i32
        %mul3A_132 = vector.broadcast %mul3A_131 : i32 to vector<16xi32>
        %mul3A_133 = arith.muli %get3A_130, %mul3A_132 : vector<16xi32>
        %add3A_134 = vector.broadcast %add3A_29 : i32 to vector<16xi32>
        %add3A_135 = arith.addi %mul3A_133, %add3A_134 : vector<16xi32>
        %swap3A_136 = arith.index_cast %scan3A_114 : i32 to index
        %swap3A_137 = arith.constant 16 : index
        %swap3A_138 = tpu.vector_load %arg10[%swap3A_136, %swap3A_137] {strides = array<i32>} : memref<56x128xi32, #tpu.memory_space<vmem>>, vector<1x16xi32>,
        %swap3A_139 = vector.shape_cast %swap3A_138 : vector<1x16xi32> to vector<16xi32>
        %swap3A_140 = vector.shape_cast %add3A_135 : vector<16xi32> to vector<1x16xi32>
        tpu.vector_store %arg10[%swap3A_136, %swap3A_137], %swap3A_140 {strides = array<i32>} : memref<56x128xi32, #tpu.memory_space<vmem>>, vector<1x16xi32>,
        %get3A_141 = arith.index_cast %scan3A_114 : i32 to index
        %get3A_142 = arith.constant 32 : index
        %get3A_143 = tpu.vector_load %arg8[%get3A_141, %get3A_142] {strides = array<i32>} : memref<56x128xi32, #tpu.memory_space<vmem>>, vector<1x16xi32>,
        %get3A_144 = vector.shape_cast %get3A_143 : vector<1x16xi32> to vector<16xi32>
        %mul3A_145 = arith.constant 8 : i32
        %mul3A_146 = vector.broadcast %mul3A_145 : i32 to vector<16xi32>
        %mul3A_147 = arith.muli %get3A_144, %mul3A_146 : vector<16xi32>
        %add3A_148 = vector.broadcast %add3A_29 : i32 to vector<16xi32>
        %add3A_149 = arith.addi %mul3A_147, %add3A_148 : vector<16xi32>
        %swap3A_150 = arith.index_cast %scan3A_114 : i32 to index
        %swap3A_151 = arith.constant 32 : index
        %swap3A_152 = tpu.vector_load %arg10[%swap3A_150, %swap3A_151] {strides = array<i32>} : memref<56x128xi32, #tpu.memory_space<vmem>>, vector<1x16xi32>,
        %swap3A_153 = vector.shape_cast %swap3A_152 : vector<1x16xi32> to vector<16xi32>
        %swap3A_154 = vector.shape_cast %add3A_149 : vector<16xi32> to vector<1x16xi32>
        tpu.vector_store %arg10[%swap3A_150, %swap3A_151], %swap3A_154 {strides = array<i32>} : memref<56x128xi32, #tpu.memory_space<vmem>>, vector<1x16xi32>,
        %get3A_155 = arith.index_cast %scan3A_114 : i32 to index
        %get3A_156 = arith.constant 48 : index
        %get3A_157 = tpu.vector_load %arg8[%get3A_155, %get3A_156] {strides = array<i32>} : memref<56x128xi32, #tpu.memory_space<vmem>>, vector<1x16xi32>,
        %get3A_158 = vector.shape_cast %get3A_157 : vector<1x16xi32> to vector<16xi32>
        %mul3A_159 = arith.constant 8 : i32
        %mul3A_160 = vector.broadcast %mul3A_159 : i32 to vector<16xi32>
        %mul3A_161 = arith.muli %get3A_158, %mul3A_160 : vector<16xi32>
        %add3A_162 = vector.broadcast %add3A_29 : i32 to vector<16xi32>
        %add3A_163 = arith.addi %mul3A_161, %add3A_162 : vector<16xi32>
        %swap3A_164 = arith.index_cast %scan3A_114 : i32 to index
        %swap3A_165 = arith.constant 48 : index
        %swap3A_166 = tpu.vector_load %arg10[%swap3A_164, %swap3A_165] {strides = array<i32>} : memref<56x128xi32, #tpu.memory_space<vmem>>, vector<1x16xi32>,
        %swap3A_167 = vector.shape_cast %swap3A_166 : vector<1x16xi32> to vector<16xi32>
        %swap3A_168 = vector.shape_cast %add3A_163 : vector<16xi32> to vector<1x16xi32>
        tpu.vector_store %arg10[%swap3A_164, %swap3A_165], %swap3A_168 {strides = array<i32>} : memref<56x128xi32, #tpu.memory_space<vmem>>, vector<1x16xi32>,
        %get3A_169 = arith.index_cast %scan3A_114 : i32 to index
        %get3A_170 = arith.constant 64 : index
        %get3A_171 = tpu.vector_load %arg8[%get3A_169, %get3A_170] {strides = array<i32>} : memref<56x128xi32, #tpu.memory_space<vmem>>, vector<1x16xi32>,
        %get3A_172 = vector.shape_cast %get3A_171 : vector<1x16xi32> to vector<16xi32>
        %mul3A_173 = arith.constant 8 : i32
        %mul3A_174 = vector.broadcast %mul3A_173 : i32 to vector<16xi32>
        %mul3A_175 = arith.muli %get3A_172, %mul3A_174 : vector<16xi32>
        %add3A_176 = vector.broadcast %add3A_29 : i32 to vector<16xi32>
        %add3A_177 = arith.addi %mul3A_175, %add3A_176 : vector<16xi32>
        %swap3A_178 = arith.index_cast %scan3A_114 : i32 to index
        %swap3A_179 = arith.constant 64 : index
        %swap3A_180 = tpu.vector_load %arg10[%swap3A_178, %swap3A_179] {strides = array<i32>} : memref<56x128xi32, #tpu.memory_space<vmem>>, vector<1x16xi32>,
        %swap3A_181 = vector.shape_cast %swap3A_180 : vector<1x16xi32> to vector<16xi32>
        %swap3A_182 = vector.shape_cast %add3A_177 : vector<16xi32> to vector<1x16xi32>
        tpu.vector_store %arg10[%swap3A_178, %swap3A_179], %swap3A_182 {strides = array<i32>} : memref<56x128xi32, #tpu.memory_space<vmem>>, vector<1x16xi32>,
        %get3A_183 = arith.index_cast %scan3A_114 : i32 to index
        %get3A_184 = arith.constant 80 : index
        %get3A_185 = tpu.vector_load %arg8[%get3A_183, %get3A_184] {strides = array<i32>} : memref<56x128xi32, #tpu.memory_space<vmem>>, vector<1x16xi32>,
        %get3A_186 = vector.shape_cast %get3A_185 : vector<1x16xi32> to vector<16xi32>
        %mul3A_187 = arith.constant 8 : i32
        %mul3A_188 = vector.broadcast %mul3A_187 : i32 to vector<16xi32>
        %mul3A_189 = arith.muli %get3A_186, %mul3A_188 : vector<16xi32>
        %add3A_190 = vector.broadcast %add3A_29 : i32 to vector<16xi32>
        %add3A_191 = arith.addi %mul3A_189, %add3A_190 : vector<16xi32>
        %swap3A_192 = arith.index_cast %scan3A_114 : i32 to index
        %swap3A_193 = arith.constant 80 : index
        %swap3A_194 = tpu.vector_load %arg10[%swap3A_192, %swap3A_193] {strides = array<i32>} : memref<56x128xi32, #tpu.memory_space<vmem>>, vector<1x16xi32>,
        %swap3A_195 = vector.shape_cast %swap3A_194 : vector<1x16xi32> to vector<16xi32>
        %swap3A_196 = vector.shape_cast %add3A_191 : vector<16xi32> to vector<1x16xi32>
        tpu.vector_store %arg10[%swap3A_192, %swap3A_193], %swap3A_196 {strides = array<i32>} : memref<56x128xi32, #tpu.memory_space<vmem>>, vector<1x16xi32>,
        %get3A_197 = arith.index_cast %scan3A_114 : i32 to index
        %get3A_198 = arith.constant 96 : index
        %get3A_199 = tpu.vector_load %arg8[%get3A_197, %get3A_198] {strides = array<i32>} : memref<56x128xi32, #tpu.memory_space<vmem>>, vector<1x16xi32>,
        %get3A_200 = vector.shape_cast %get3A_199 : vector<1x16xi32> to vector<16xi32>
        %mul3A_201 = arith.constant 8 : i32
        %mul3A_202 = vector.broadcast %mul3A_201 : i32 to vector<16xi32>
        %mul3A_203 = arith.muli %get3A_200, %mul3A_202 : vector<16xi32>
        %add3A_204 = vector.broadcast %add3A_29 : i32 to vector<16xi32>
        %add3A_205 = arith.addi %mul3A_203, %add3A_204 : vector<16xi32>
        %swap3A_206 = arith.index_cast %scan3A_114 : i32 to index
        %swap3A_207 = arith.constant 96 : index
        %swap3A_208 = tpu.vector_load %arg10[%swap3A_206, %swap3A_207] {strides = array<i32>} : memref<56x128xi32, #tpu.memory_space<vmem>>, vector<1x16xi32>,
        %swap3A_209 = vector.shape_cast %swap3A_208 : vector<1x16xi32> to vector<16xi32>
        %swap3A_210 = vector.shape_cast %add3A_205 : vector<16xi32> to vector<1x16xi32>
        tpu.vector_store %arg10[%swap3A_206, %swap3A_207], %swap3A_210 {strides = array<i32>} : memref<56x128xi32, #tpu.memory_space<vmem>>, vector<1x16xi32>,
        %get3A_211 = arith.index_cast %scan3A_114 : i32 to index
        %get3A_212 = arith.constant 112 : index
        %get3A_213 = tpu.vector_load %arg8[%get3A_211, %get3A_212] {strides = array<i32>} : memref<56x128xi32, #tpu.memory_space<vmem>>, vector<1x16xi32>,
        %get3A_214 = vector.shape_cast %get3A_213 : vector<1x16xi32> to vector<16xi32>
        %mul3A_215 = arith.constant 8 : i32
        %mul3A_216 = vector.broadcast %mul3A_215 : i32 to vector<16xi32>
        %mul3A_217 = arith.muli %get3A_214, %mul3A_216 : vector<16xi32>
        %add3A_218 = vector.broadcast %add3A_29 : i32 to vector<16xi32>
        %add3A_219 = arith.addi %mul3A_217, %add3A_218 : vector<16xi32>
        %swap3A_220 = arith.index_cast %scan3A_114 : i32 to index
        %swap3A_221 = arith.constant 112 : index
        %swap3A_222 = tpu.vector_load %arg10[%swap3A_220, %swap3A_221] {strides = array<i32>} : memref<56x128xi32, #tpu.memory_space<vmem>>, vector<1x16xi32>,
        %swap3A_223 = vector.shape_cast %swap3A_222 : vector<1x16xi32> to vector<16xi32>
        %swap3A_224 = vector.shape_cast %add3A_219 : vector<16xi32> to vector<1x16xi32>
        tpu.vector_store %arg10[%swap3A_220, %swap3A_221], %swap3A_224 {strides = array<i32>} : memref<56x128xi32, #tpu.memory_space<vmem>>, vector<1x16xi32>,
      }
      %scan3A_61 = arith.constant 56 : i32
      %dma_start3A = arith.constant 0 : i32
      %dma_start3A_62 = arith.constant 0 : i32
      %dma_start3A_63 = arith.constant 0 : i32
      %dma_start3A_64 = arith.constant 0 : i32
      %dma_start3A_65 = tpu.memref_slice %arg11[%dma_start3A_62, %dma_start3A_63, %dma_start3A_64] : memref<4x128x16xf32, #tpu.memory_space<vmem>> -> memref<1x128x16xf32, #tpu.memory_space<vmem>>
      %dma_start3A_66 = tpu.memref_squeeze %dma_start3A_65 : memref<1x128x16xf32, #tpu.memory_space<vmem>> -> memref<128x16xf32, #tpu.memory_space<vmem>>
      %dma_start3A_67 = arith.constant 0 : i32
      %dma_start3A_68 = tpu.memref_slice %arg10[%dma_start3A, %dma_start3A_67] : memref<56x128xi32, #tpu.memory_space<vmem>> -> memref<1x128xi32, #tpu.memory_space<vmem>>
      %dma_start3A_69 = tpu.memref_squeeze %dma_start3A_68 : memref<1x128xi32, #tpu.memory_space<vmem>> -> memref<128xi32, #tpu.memory_space<vmem>>
      %dma_start3A_70 = arith.constant 0 : i32
      %dma_start3A_71 = arith.constant 0 : i32
      %dma_start3A_72 = tpu.memref_slice %arg2[%dma_start3A_70, %dma_start3A_71] : memref<800000x16xf32, #tpu.memory_space<hbm>> -> memref<800000x16xf32, #tpu.memory_space<hbm>>
      tpu.enqueue_indirect_dma source(%dma_start3A_72 : memref<800000x16xf32, #tpu.memory_space<hbm>>) target(%dma_start3A_66 : memref<128x16xf32, #tpu.memory_space<vmem>>) offsets(%dma_start3A_69 : memref<128xi32, #tpu.memory_space<vmem>>) semaphore(%arg12 : memref<!tpu.dma_semaphore, #tpu.memory_space<semaphore_mem>>)
      %dma_start3A_73 = arith.constant 1 : i32
      %dma_start3A_74 = arith.constant 1 : i32
      %dma_start3A_75 = arith.constant 0 : i32
      %dma_start3A_76 = arith.constant 0 : i32
      %dma_start3A_77 = tpu.memref_slice %arg11[%dma_start3A_74, %dma_start3A_75, %dma_start3A_76] : memref<4x128x16xf32, #tpu.memory_space<vmem>> -> memref<1x128x16xf32, #tpu.memory_space<vmem>>
      %dma_start3A_78 = tpu.memref_squeeze %dma_start3A_77 : memref<1x128x16xf32, #tpu.memory_space<vmem>> -> memref<128x16xf32, #tpu.memory_space<vmem>>
      %dma_start3A_79 = arith.constant 0 : i32
      %dma_start3A_80 = tpu.memref_slice %arg10[%dma_start3A_73, %dma_start3A_79] : memref<56x128xi32, #tpu.memory_space<vmem>> -> memref<1x128xi32, #tpu.memory_space<vmem>>
      %dma_start3A_81 = tpu.memref_squeeze %dma_start3A_80 : memref<1x128xi32, #tpu.memory_space<vmem>> -> memref<128xi32, #tpu.memory_space<vmem>>
      %dma_start3A_82 = arith.constant 0 : i32
      %dma_start3A_83 = arith.constant 0 : i32
      %dma_start3A_84 = tpu.memref_slice %arg2[%dma_start3A_82, %dma_start3A_83] : memref<800000x16xf32, #tpu.memory_space<hbm>> -> memref<800000x16xf32, #tpu.memory_space<hbm>>
      tpu.enqueue_indirect_dma source(%dma_start3A_84 : memref<800000x16xf32, #tpu.memory_space<hbm>>) target(%dma_start3A_78 : memref<128x16xf32, #tpu.memory_space<vmem>>) offsets(%dma_start3A_81 : memref<128xi32, #tpu.memory_space<vmem>>) semaphore(%arg12 : memref<!tpu.dma_semaphore, #tpu.memory_space<semaphore_mem>>)
      %scan3A_85 = arith.constant 0 : i32
      %scan3A_86 = arith.constant 0 : i32
      %scan3A_87 = arith.constant 56 : i32
      %scan3A_88 = arith.addi %scan3A_86, %scan3A_87 : i32
      %scan3A_89 = arith.constant 1 : i32
      scf.for %scan3A_114 = %scan3A_86 to %scan3A_88 step %scan3A_89  : i32 {
        %ge3A = arith.constant 2 : i32
        %ge3A_115 = arith.cmpi sge, %scan3A_114, %ge3A : i32
        %convert_element_type3A = arith.extui %ge3A_115 : i1 to i32
        %cond3A = arith.constant 0 : i32
        %cond3A_116 = arith.cmpi ne, %convert_element_type3A, %cond3A : i32
        scf.if %cond3A_116 {
          %sub3A = arith.constant 2 : i32
          %sub3A_169 = arith.subi %scan3A_114, %sub3A : i32
          %jit3A_170 = arith.constant 4 : i32
          %eq3A_171 = arith.constant 0 : i32
          %eq3A_172 = arith.cmpi eq, %jit3A_170, %eq3A_171 : i32
          %jit3A_173 = arith.constant 1 : i32
          %select_n3A_174 = arith.select %eq3A_172, %jit3A_173, %jit3A_170 : i32
          %rem3A_175 = arith.remsi %sub3A_169, %select_n3A_174 : i32
          %ne3A_176 = arith.constant 0 : i32
          %ne3A_177 = arith.cmpi ne, %rem3A_175, %ne3A_176 : i32
          %lt3A_178 = arith.constant 0 : i32
          %lt3A_179 = arith.cmpi slt, %rem3A_175, %lt3A_178 : i32
          %lt3A_180 = arith.constant 0 : i32
          %lt3A_181 = arith.cmpi slt, %select_n3A_174, %lt3A_180 : i32
          %ne3A_182 = arith.xori %lt3A_179, %lt3A_181 : i1
          %and3A_183 = arith.andi %ne3A_182, %ne3A_177 : i1
          %add3A_184 = arith.addi %rem3A_175, %select_n3A_174 : i32
          %select_n3A_185 = arith.select %and3A_183, %add3A_184, %rem3A_175 : i32
          %sub3A_186 = arith.constant 2 : i32
          %sub3A_187 = arith.subi %scan3A_114, %sub3A_186 : i32
          %dma_wait3A_188 = arith.constant 0 : i32
          %dma_wait3A_189 = arith.constant 0 : i32
          %dma_wait3A_190 = tpu.memref_slice %arg11[%select_n3A_185, %dma_wait3A_188, %dma_wait3A_189] : memref<4x128x16xf32, #tpu.memory_space<vmem>> -> memref<1x128x16xf32, #tpu.memory_space<vmem>>
          %dma_wait3A_191 = tpu.memref_squeeze %dma_wait3A_190 : memref<1x128x16xf32, #tpu.memory_space<vmem>> -> memref<128x16xf32, #tpu.memory_space<vmem>>
          %dma_wait3A_192 = arith.constant 0 : i32
          %dma_wait3A_193 = tpu.memref_slice %arg9[%sub3A_187, %dma_wait3A_192] : memref<56x128xi32, #tpu.memory_space<vmem>> -> memref<1x128xi32, #tpu.memory_space<vmem>>
          %dma_wait3A_194 = tpu.memref_squeeze %dma_wait3A_193 : memref<1x128xi32, #tpu.memory_space<vmem>> -> memref<128xi32, #tpu.memory_space<vmem>>
          %dma_wait3A_195 = arith.constant 0 : i32
          %dma_wait3A_196 = arith.constant 0 : i32
          %dma_wait3A_197 = tpu.memref_slice %arg7[%dma_wait3A_195, %dma_wait3A_196] : memref<100096x16xf32, #tpu.memory_space<vmem_shared>> -> memref<100096x16xf32, #tpu.memory_space<vmem_shared>>
          tpu.wait_indirect_dma semaphore(%arg13 : memref<!tpu.dma_semaphore, #tpu.memory_space<semaphore_mem>>) src(%dma_wait3A_191 : memref<128x16xf32, #tpu.memory_space<vmem>>) dst(%dma_wait3A_197 : memref<100096x16xf32, #tpu.memory_space<vmem_shared>>)
        } else {
        }
        %add3A_117 = arith.constant 2 : i32
        %add3A_118 = arith.addi %scan3A_114, %add3A_117 : i32
        %lt3A = arith.constant 56 : i32
        %lt3A_119 = arith.cmpi slt, %add3A_118, %lt3A : i32
        %convert_element_type3A_120 = arith.extui %lt3A_119 : i1 to i32
        %cond3A_121 = arith.constant 0 : i32
        %cond3A_122 = arith.cmpi ne, %convert_element_type3A_120, %cond3A_121 : i32
        scf.if %cond3A_122 {
          %add3A_169 = arith.constant 2 : i32
          %add3A_170 = arith.addi %scan3A_114, %add3A_169 : i32
          %add3A_171 = arith.constant 2 : i32
          %add3A_172 = arith.addi %scan3A_114, %add3A_171 : i32
          %jit3A_173 = arith.constant 4 : i32
          %eq3A_174 = arith.constant 0 : i32
          %eq3A_175 = arith.cmpi eq, %jit3A_173, %eq3A_174 : i32
          %jit3A_176 = arith.constant 1 : i32
          %select_n3A_177 = arith.select %eq3A_175, %jit3A_176, %jit3A_173 : i32
          %rem3A_178 = arith.remsi %add3A_172, %select_n3A_177 : i32
          %ne3A_179 = arith.constant 0 : i32
          %ne3A_180 = arith.cmpi ne, %rem3A_178, %ne3A_179 : i32
          %lt3A_181 = arith.constant 0 : i32
          %lt3A_182 = arith.cmpi slt, %rem3A_178, %lt3A_181 : i32
          %lt3A_183 = arith.constant 0 : i32
          %lt3A_184 = arith.cmpi slt, %select_n3A_177, %lt3A_183 : i32
          %ne3A_185 = arith.xori %lt3A_182, %lt3A_184 : i1
          %and3A_186 = arith.andi %ne3A_185, %ne3A_180 : i1
          %add3A_187 = arith.addi %rem3A_178, %select_n3A_177 : i32
          %select_n3A_188 = arith.select %and3A_186, %add3A_187, %rem3A_178 : i32
          %dma_start3A_189 = arith.constant 0 : i32
          %dma_start3A_190 = arith.constant 0 : i32
          %dma_start3A_191 = tpu.memref_slice %arg11[%select_n3A_188, %dma_start3A_189, %dma_start3A_190] : memref<4x128x16xf32, #tpu.memory_space<vmem>> -> memref<1x128x16xf32, #tpu.memory_space<vmem>>
          %dma_start3A_192 = tpu.memref_squeeze %dma_start3A_191 : memref<1x128x16xf32, #tpu.memory_space<vmem>> -> memref<128x16xf32, #tpu.memory_space<vmem>>
          %dma_start3A_193 = arith.constant 0 : i32
          %dma_start3A_194 = tpu.memref_slice %arg10[%add3A_170, %dma_start3A_193] : memref<56x128xi32, #tpu.memory_space<vmem>> -> memref<1x128xi32, #tpu.memory_space<vmem>>
          %dma_start3A_195 = tpu.memref_squeeze %dma_start3A_194 : memref<1x128xi32, #tpu.memory_space<vmem>> -> memref<128xi32, #tpu.memory_space<vmem>>
          %dma_start3A_196 = arith.constant 0 : i32
          %dma_start3A_197 = arith.constant 0 : i32
          %dma_start3A_198 = tpu.memref_slice %arg2[%dma_start3A_196, %dma_start3A_197] : memref<800000x16xf32, #tpu.memory_space<hbm>> -> memref<800000x16xf32, #tpu.memory_space<hbm>>
          tpu.enqueue_indirect_dma source(%dma_start3A_198 : memref<800000x16xf32, #tpu.memory_space<hbm>>) target(%dma_start3A_192 : memref<128x16xf32, #tpu.memory_space<vmem>>) offsets(%dma_start3A_195 : memref<128xi32, #tpu.memory_space<vmem>>) semaphore(%arg12 : memref<!tpu.dma_semaphore, #tpu.memory_space<semaphore_mem>>)
        } else {
        }
        %jit3A = arith.constant 4 : i32
        %eq3A = arith.constant 0 : i32
        %eq3A_123 = arith.cmpi eq, %jit3A, %eq3A : i32
        %jit3A_124 = arith.constant 1 : i32
        %select_n3A = arith.select %eq3A_123, %jit3A_124, %jit3A : i32
        %rem3A = arith.remsi %scan3A_114, %select_n3A : i32
        %ne3A = arith.constant 0 : i32
        %ne3A_125 = arith.cmpi ne, %rem3A, %ne3A : i32
        %lt3A_126 = arith.constant 0 : i32
        %lt3A_127 = arith.cmpi slt, %rem3A, %lt3A_126 : i32
        %lt3A_128 = arith.constant 0 : i32
        %lt3A_129 = arith.cmpi slt, %select_n3A, %lt3A_128 : i32
        %ne3A_130 = arith.xori %lt3A_127, %lt3A_129 : i1
        %and3A = arith.andi %ne3A_130, %ne3A_125 : i1
        %add3A_131 = arith.addi %rem3A, %select_n3A : i32
        %select_n3A_132 = arith.select %and3A, %add3A_131, %rem3A : i32
        %dma_wait3A_133 = arith.constant 0 : i32
        %dma_wait3A_134 = arith.constant 0 : i32
        %dma_wait3A_135 = tpu.memref_slice %arg11[%select_n3A_132, %dma_wait3A_133, %dma_wait3A_134] : memref<4x128x16xf32, #tpu.memory_space<vmem>> -> memref<1x128x16xf32, #tpu.memory_space<vmem>>
        %dma_wait3A_136 = tpu.memref_squeeze %dma_wait3A_135 : memref<1x128x16xf32, #tpu.memory_space<vmem>> -> memref<128x16xf32, #tpu.memory_space<vmem>>
        %dma_wait3A_137 = arith.constant 0 : i32
        %dma_wait3A_138 = tpu.memref_slice %arg10[%scan3A_114, %dma_wait3A_137] : memref<56x128xi32, #tpu.memory_space<vmem>> -> memref<1x128xi32, #tpu.memory_space<vmem>>
        %dma_wait3A_139 = tpu.memref_squeeze %dma_wait3A_138 : memref<1x128xi32, #tpu.memory_space<vmem>> -> memref<128xi32, #tpu.memory_space<vmem>>
        %dma_wait3A_140 = arith.constant 0 : i32
        %dma_wait3A_141 = arith.constant 0 : i32
        %dma_wait3A_142 = tpu.memref_slice %arg2[%dma_wait3A_140, %dma_wait3A_141] : memref<800000x16xf32, #tpu.memory_space<hbm>> -> memref<800000x16xf32, #tpu.memory_space<hbm>>
        tpu.wait_indirect_dma semaphore(%arg12 : memref<!tpu.dma_semaphore, #tpu.memory_space<semaphore_mem>>) src(%dma_wait3A_142 : memref<800000x16xf32, #tpu.memory_space<hbm>>) dst(%dma_wait3A_136 : memref<128x16xf32, #tpu.memory_space<vmem>>)
        %jit3A_143 = arith.constant 4 : i32
        %eq3A_144 = arith.constant 0 : i32
        %eq3A_145 = arith.cmpi eq, %jit3A_143, %eq3A_144 : i32
        %jit3A_146 = arith.constant 1 : i32
        %select_n3A_147 = arith.select %eq3A_145, %jit3A_146, %jit3A_143 : i32
        %rem3A_148 = arith.remsi %scan3A_114, %select_n3A_147 : i32
        %ne3A_149 = arith.constant 0 : i32
        %ne3A_150 = arith.cmpi ne, %rem3A_148, %ne3A_149 : i32
        %lt3A_151 = arith.constant 0 : i32
        %lt3A_152 = arith.cmpi slt, %rem3A_148, %lt3A_151 : i32
        %lt3A_153 = arith.constant 0 : i32
        %lt3A_154 = arith.cmpi slt, %select_n3A_147, %lt3A_153 : i32
        %ne3A_155 = arith.xori %lt3A_152, %lt3A_154 : i1
        %and3A_156 = arith.andi %ne3A_155, %ne3A_150 : i1
        %add3A_157 = arith.addi %rem3A_148, %select_n3A_147 : i32
        %select_n3A_158 = arith.select %and3A_156, %add3A_157, %rem3A_148 : i32
        %dma_start3A_159 = arith.constant 0 : i32
        %dma_start3A_160 = arith.constant 0 : i32
        %dma_start3A_161 = tpu.memref_slice %arg11[%select_n3A_158, %dma_start3A_159, %dma_start3A_160] : memref<4x128x16xf32, #tpu.memory_space<vmem>> -> memref<1x128x16xf32, #tpu.memory_space<vmem>>
        %dma_start3A_162 = tpu.memref_squeeze %dma_start3A_161 : memref<1x128x16xf32, #tpu.memory_space<vmem>> -> memref<128x16xf32, #tpu.memory_space<vmem>>
        %dma_start3A_163 = arith.constant 0 : i32
        %dma_start3A_164 = tpu.memref_slice %arg9[%scan3A_114, %dma_start3A_163] : memref<56x128xi32, #tpu.memory_space<vmem>> -> memref<1x128xi32, #tpu.memory_space<vmem>>
        %dma_start3A_165 = tpu.memref_squeeze %dma_start3A_164 : memref<1x128xi32, #tpu.memory_space<vmem>> -> memref<128xi32, #tpu.memory_space<vmem>>
        %dma_start3A_166 = arith.constant 0 : i32
        %dma_start3A_167 = arith.constant 0 : i32
        %dma_start3A_168 = tpu.memref_slice %arg7[%dma_start3A_166, %dma_start3A_167] : memref<100096x16xf32, #tpu.memory_space<vmem_shared>> -> memref<100096x16xf32, #tpu.memory_space<vmem_shared>>
        tpu.enqueue_indirect_dma source(%dma_start3A_162 : memref<128x16xf32, #tpu.memory_space<vmem>>) target(%dma_start3A_168 : memref<100096x16xf32, #tpu.memory_space<vmem_shared>>) offsets(%dma_start3A_165 : memref<128xi32, #tpu.memory_space<vmem>>) semaphore(%arg13 : memref<!tpu.dma_semaphore, #tpu.memory_space<semaphore_mem>>) {add = true}
      }
      %scan3A_90 = arith.constant 56 : i32
      %dma_wait3A = arith.constant 2 : i32
      %dma_wait3A_91 = arith.constant 54 : i32
      %dma_wait3A_92 = arith.constant 0 : i32
      %dma_wait3A_93 = arith.constant 0 : i32
      %dma_wait3A_94 = tpu.memref_slice %arg11[%dma_wait3A, %dma_wait3A_92, %dma_wait3A_93] : memref<4x128x16xf32, #tpu.memory_space<vmem>> -> memref<1x128x16xf32, #tpu.memory_space<vmem>>
      %dma_wait3A_95 = tpu.memref_squeeze %dma_wait3A_94 : memref<1x128x16xf32, #tpu.memory_space<vmem>> -> memref<128x16xf32, #tpu.memory_space<vmem>>
      %dma_wait3A_96 = arith.constant 0 : i32
      %dma_wait3A_97 = tpu.memref_slice %arg9[%dma_wait3A_91, %dma_wait3A_96] : memref<56x128xi32, #tpu.memory_space<vmem>> -> memref<1x128xi32, #tpu.memory_space<vmem>>
      %dma_wait3A_98 = tpu.memref_squeeze %dma_wait3A_97 : memref<1x128xi32, #tpu.memory_space<vmem>> -> memref<128xi32, #tpu.memory_space<vmem>>
      %dma_wait3A_99 = arith.constant 0 : i32
      %dma_wait3A_100 = arith.constant 0 : i32
      %dma_wait3A_101 = tpu.memref_slice %arg7[%dma_wait3A_99, %dma_wait3A_100] : memref<100096x16xf32, #tpu.memory_space<vmem_shared>> -> memref<100096x16xf32, #tpu.memory_space<vmem_shared>>
      tpu.wait_indirect_dma semaphore(%arg13 : memref<!tpu.dma_semaphore, #tpu.memory_space<semaphore_mem>>) src(%dma_wait3A_95 : memref<128x16xf32, #tpu.memory_space<vmem>>) dst(%dma_wait3A_101 : memref<100096x16xf32, #tpu.memory_space<vmem_shared>>)
      %dma_wait3A_102 = arith.constant 3 : i32
      %dma_wait3A_103 = arith.constant 55 : i32
      %dma_wait3A_104 = arith.constant 0 : i32
      %dma_wait3A_105 = arith.constant 0 : i32
      %dma_wait3A_106 = tpu.memref_slice %arg11[%dma_wait3A_102, %dma_wait3A_104, %dma_wait3A_105] : memref<4x128x16xf32, #tpu.memory_space<vmem>> -> memref<1x128x16xf32, #tpu.memory_space<vmem>>
      %dma_wait3A_107 = tpu.memref_squeeze %dma_wait3A_106 : memref<1x128x16xf32, #tpu.memory_space<vmem>> -> memref<128x16xf32, #tpu.memory_space<vmem>>
      %dma_wait3A_108 = arith.constant 0 : i32
      %dma_wait3A_109 = tpu.memref_slice %arg9[%dma_wait3A_103, %dma_wait3A_108] : memref<56x128xi32, #tpu.memory_space<vmem>> -> memref<1x128xi32, #tpu.memory_space<vmem>>
      %dma_wait3A_110 = tpu.memref_squeeze %dma_wait3A_109 : memref<1x128xi32, #tpu.memory_space<vmem>> -> memref<128xi32, #tpu.memory_space<vmem>>
      %dma_wait3A_111 = arith.constant 0 : i32
      %dma_wait3A_112 = arith.constant 0 : i32
      %dma_wait3A_113 = tpu.memref_slice %arg7[%dma_wait3A_111, %dma_wait3A_112] : memref<100096x16xf32, #tpu.memory_space<vmem_shared>> -> memref<100096x16xf32, #tpu.memory_space<vmem_shared>>
      tpu.wait_indirect_dma semaphore(%arg13 : memref<!tpu.dma_semaphore, #tpu.memory_space<semaphore_mem>>) src(%dma_wait3A_107 : memref<128x16xf32, #tpu.memory_space<vmem>>) dst(%dma_wait3A_113 : memref<100096x16xf32, #tpu.memory_space<vmem_shared>>)
    }
    %scan3A_36 = arith.constant 28 : i32
    %barrier3A_37 = arith.constant 0 : index
    tpu.barrier barrier_id(%barrier3A_37)
    "tpu.region"() ({
      %run_scoped3A = tpu.sem_alloc : memref<!tpu.dma_semaphore, #tpu.memory_space<semaphore_mem>>
      %dma_start3A = arith.constant 0 : i32
      %dma_start3A_52 = tpu.memref_slice %arg6[%add3A_29, %mul3A_0, %dma_start3A] : memref<8x100096x16xf32, #tpu.memory_space<hbm>> -> memref<1x3128x16xf32, #tpu.memory_space<hbm>>
      %dma_start3A_53 = tpu.memref_squeeze %dma_start3A_52 : memref<1x3128x16xf32, #tpu.memory_space<hbm>> -> memref<3128x16xf32, #tpu.memory_space<hbm>>
      %dma_start3A_54 = arith.constant 0 : i32
      %dma_start3A_55 = tpu.memref_slice %arg7[%mul3A_0, %dma_start3A_54] : memref<100096x16xf32, #tpu.memory_space<vmem_shared>> -> memref<3128x16xf32, #tpu.memory_space<vmem_shared>>
      tpu.enqueue_dma source(%dma_start3A_55 : memref<3128x16xf32, #tpu.memory_space<vmem_shared>>) target(%dma_start3A_53 : memref<3128x16xf32, #tpu.memory_space<hbm>>) target_semaphore(%run_scoped3A : memref<!tpu.dma_semaphore, #tpu.memory_space<semaphore_mem>>)
      %dma_wait3A = arith.constant 0 : i32
      %dma_wait3A_56 = tpu.memref_slice %arg6[%add3A_29, %mul3A_0, %dma_wait3A] : memref<8x100096x16xf32, #tpu.memory_space<hbm>> -> memref<1x3128x16xf32, #tpu.memory_space<hbm>>
      %dma_wait3A_57 = tpu.memref_squeeze %dma_wait3A_56 : memref<1x3128x16xf32, #tpu.memory_space<hbm>> -> memref<3128x16xf32, #tpu.memory_space<hbm>>
      %dma_wait3A_58 = arith.constant 0 : i32
      %dma_wait3A_59 = tpu.memref_slice %arg7[%mul3A_0, %dma_wait3A_58] : memref<100096x16xf32, #tpu.memory_space<vmem_shared>> -> memref<3128x16xf32, #tpu.memory_space<vmem_shared>>
      tpu.wait_dma2 semaphore(%run_scoped3A : memref<!tpu.dma_semaphore, #tpu.memory_space<semaphore_mem>>) src(%dma_wait3A_59 : memref<3128x16xf32, #tpu.memory_space<vmem_shared>>) dst(%dma_wait3A_57 : memref<3128x16xf32, #tpu.memory_space<hbm>>)
      tpu.yield
    }) : () -> ()
    %barrier3A_38 = arith.constant 0 : index
    tpu.barrier barrier_id(%barrier3A_38)
    %mul3A_39 = arith.constant 4 : i32
    %mul3A_40 = arith.muli %arg0, %mul3A_39 : i32
    %add3A_41 = arith.constant 3 : i32
    %add3A_42 = arith.addi %mul3A_40, %add3A_41 : i32
    "tpu.region"() ({
      %run_scoped3A = tpu.sem_alloc : memref<!tpu.dma_semaphore, #tpu.memory_space<semaphore_mem>>
      %dma_start3A = arith.constant 0 : i32
      %dma_start3A_52 = tpu.memref_slice %arg7[%mul3A_0, %dma_start3A] : memref<100096x16xf32, #tpu.memory_space<vmem_shared>> -> memref<3128x16xf32, #tpu.memory_space<vmem_shared>>
      tpu.enqueue_dma source(%arg5 : memref<3128x16xf32, #tpu.memory_space<hbm>>) target(%dma_start3A_52 : memref<3128x16xf32, #tpu.memory_space<vmem_shared>>) target_semaphore(%run_scoped3A : memref<!tpu.dma_semaphore, #tpu.memory_space<semaphore_mem>>)
      %dma_wait3A = arith.constant 0 : i32
      %dma_wait3A_53 = tpu.memref_slice %arg7[%mul3A_0, %dma_wait3A] : memref<100096x16xf32, #tpu.memory_space<vmem_shared>> -> memref<3128x16xf32, #tpu.memory_space<vmem_shared>>
      tpu.wait_dma2 semaphore(%run_scoped3A : memref<!tpu.dma_semaphore, #tpu.memory_space<semaphore_mem>>) src(%arg5 : memref<3128x16xf32, #tpu.memory_space<hbm>>) dst(%dma_wait3A_53 : memref<3128x16xf32, #tpu.memory_space<vmem_shared>>)
      tpu.yield
    }) : () -> ()
    %barrier3A_43 = arith.constant 0 : index
    tpu.barrier barrier_id(%barrier3A_43)
    %scan3A_44 = arith.constant 0 : i32
    %scan3A_45 = arith.constant 0 : i32
    %scan3A_46 = arith.constant 28 : i32
    %scan3A_47 = arith.addi %scan3A_45, %scan3A_46 : i32
    %scan3A_48 = arith.constant 1 : i32
    scf.for %scan3A_52 = %scan3A_45 to %scan3A_47 step %scan3A_48  : i32 {
      %mul3A_53 = arith.constant 56 : i32
      %mul3A_54 = arith.muli %scan3A_52, %mul3A_53 : i32
      %add3A_55 = arith.addi %mul3A_2, %mul3A_54 : i32
      "tpu.region"() ({
        %run_scoped3A = tpu.sem_alloc : memref<!tpu.dma_semaphore, #tpu.memory_space<semaphore_mem>>
        %dma_start3A_114 = arith.constant 0 : i32
        %dma_start3A_115 = tpu.memref_slice %arg3[%add3A_55, %dma_start3A_114] : memref<25088x128xi32, #tpu.memory_space<hbm>> -> memref<56x128xi32, #tpu.memory_space<hbm>>
        %dma_start3A_116 = arith.constant 0 : i32
        %dma_start3A_117 = tpu.memref_slice %arg3[%add3A_55, %dma_start3A_116] : memref<25088x128xi32, #tpu.memory_space<hbm>> -> memref<56x128xi32, #tpu.memory_space<hbm>>
        tpu.enqueue_dma source(%dma_start3A_117 : memref<56x128xi32, #tpu.memory_space<hbm>>) target(%arg8 : memref<56x128xi32, #tpu.memory_space<vmem>>) target_semaphore(%run_scoped3A : memref<!tpu.dma_semaphore, #tpu.memory_space<semaphore_mem>>)
        %dma_wait3A_118 = arith.constant 0 : i32
        %dma_wait3A_119 = tpu.memref_slice %arg3[%add3A_55, %dma_wait3A_118] : memref<25088x128xi32, #tpu.memory_space<hbm>> -> memref<56x128xi32, #tpu.memory_space<hbm>>
        %dma_wait3A_120 = arith.constant 0 : i32
        %dma_wait3A_121 = tpu.memref_slice %arg3[%add3A_55, %dma_wait3A_120] : memref<25088x128xi32, #tpu.memory_space<hbm>> -> memref<56x128xi32, #tpu.memory_space<hbm>>
        tpu.wait_dma2 semaphore(%run_scoped3A : memref<!tpu.dma_semaphore, #tpu.memory_space<semaphore_mem>>) src(%dma_wait3A_121 : memref<56x128xi32, #tpu.memory_space<hbm>>) dst(%arg8 : memref<56x128xi32, #tpu.memory_space<vmem>>)
        tpu.yield
      }) : () -> ()
      "tpu.region"() ({
        %run_scoped3A = tpu.sem_alloc : memref<!tpu.dma_semaphore, #tpu.memory_space<semaphore_mem>>
        %dma_start3A_114 = arith.constant 0 : i32
        %dma_start3A_115 = tpu.memref_slice %arg4[%add3A_55, %dma_start3A_114] : memref<25088x128xi32, #tpu.memory_space<hbm>> -> memref<56x128xi32, #tpu.memory_space<hbm>>
        %dma_start3A_116 = arith.constant 0 : i32
        %dma_start3A_117 = tpu.memref_slice %arg4[%add3A_55, %dma_start3A_116] : memref<25088x128xi32, #tpu.memory_space<hbm>> -> memref<56x128xi32, #tpu.memory_space<hbm>>
        tpu.enqueue_dma source(%dma_start3A_117 : memref<56x128xi32, #tpu.memory_space<hbm>>) target(%arg9 : memref<56x128xi32, #tpu.memory_space<vmem>>) target_semaphore(%run_scoped3A : memref<!tpu.dma_semaphore, #tpu.memory_space<semaphore_mem>>)
        %dma_wait3A_118 = arith.constant 0 : i32
        %dma_wait3A_119 = tpu.memref_slice %arg4[%add3A_55, %dma_wait3A_118] : memref<25088x128xi32, #tpu.memory_space<hbm>> -> memref<56x128xi32, #tpu.memory_space<hbm>>
        %dma_wait3A_120 = arith.constant 0 : i32
        %dma_wait3A_121 = tpu.memref_slice %arg4[%add3A_55, %dma_wait3A_120] : memref<25088x128xi32, #tpu.memory_space<hbm>> -> memref<56x128xi32, #tpu.memory_space<hbm>>
        tpu.wait_dma2 semaphore(%run_scoped3A : memref<!tpu.dma_semaphore, #tpu.memory_space<semaphore_mem>>) src(%dma_wait3A_121 : memref<56x128xi32, #tpu.memory_space<hbm>>) dst(%arg9 : memref<56x128xi32, #tpu.memory_space<vmem>>)
        tpu.yield
      }) : () -> ()
      %scan3A_56 = arith.constant 0 : i32
      %scan3A_57 = arith.constant 0 : i32
      %scan3A_58 = arith.constant 56 : i32
      %scan3A_59 = arith.addi %scan3A_57, %scan3A_58 : i32
      %scan3A_60 = arith.constant 1 : i32
      scf.for %scan3A_114 = %scan3A_57 to %scan3A_59 step %scan3A_60  : i32 {
        %get3A = arith.index_cast %scan3A_114 : i32 to index
        %get3A_115 = arith.constant 0 : index
        %get3A_116 = tpu.vector_load %arg8[%get3A, %get3A_115] {strides = array<i32>} : memref<56x128xi32, #tpu.memory_space<vmem>>, vector<1x16xi32>,
        %get3A_117 = vector.shape_cast %get3A_116 : vector<1x16xi32> to vector<16xi32>
        %mul3A_118 = arith.constant 8 : i32
        %mul3A_119 = vector.broadcast %mul3A_118 : i32 to vector<16xi32>
        %mul3A_120 = arith.muli %get3A_117, %mul3A_119 : vector<16xi32>
        %add3A_121 = vector.broadcast %add3A_42 : i32 to vector<16xi32>
        %add3A_122 = arith.addi %mul3A_120, %add3A_121 : vector<16xi32>
        %swap3A = arith.index_cast %scan3A_114 : i32 to index
        %swap3A_123 = arith.constant 0 : index
        %swap3A_124 = tpu.vector_load %arg10[%swap3A, %swap3A_123] {strides = array<i32>} : memref<56x128xi32, #tpu.memory_space<vmem>>, vector<1x16xi32>,
        %swap3A_125 = vector.shape_cast %swap3A_124 : vector<1x16xi32> to vector<16xi32>
        %swap3A_126 = vector.shape_cast %add3A_122 : vector<16xi32> to vector<1x16xi32>
        tpu.vector_store %arg10[%swap3A, %swap3A_123], %swap3A_126 {strides = array<i32>} : memref<56x128xi32, #tpu.memory_space<vmem>>, vector<1x16xi32>,
        %get3A_127 = arith.index_cast %scan3A_114 : i32 to index
        %get3A_128 = arith.constant 16 : index
        %get3A_129 = tpu.vector_load %arg8[%get3A_127, %get3A_128] {strides = array<i32>} : memref<56x128xi32, #tpu.memory_space<vmem>>, vector<1x16xi32>,
        %get3A_130 = vector.shape_cast %get3A_129 : vector<1x16xi32> to vector<16xi32>
        %mul3A_131 = arith.constant 8 : i32
        %mul3A_132 = vector.broadcast %mul3A_131 : i32 to vector<16xi32>
        %mul3A_133 = arith.muli %get3A_130, %mul3A_132 : vector<16xi32>
        %add3A_134 = vector.broadcast %add3A_42 : i32 to vector<16xi32>
        %add3A_135 = arith.addi %mul3A_133, %add3A_134 : vector<16xi32>
        %swap3A_136 = arith.index_cast %scan3A_114 : i32 to index
        %swap3A_137 = arith.constant 16 : index
        %swap3A_138 = tpu.vector_load %arg10[%swap3A_136, %swap3A_137] {strides = array<i32>} : memref<56x128xi32, #tpu.memory_space<vmem>>, vector<1x16xi32>,
        %swap3A_139 = vector.shape_cast %swap3A_138 : vector<1x16xi32> to vector<16xi32>
        %swap3A_140 = vector.shape_cast %add3A_135 : vector<16xi32> to vector<1x16xi32>
        tpu.vector_store %arg10[%swap3A_136, %swap3A_137], %swap3A_140 {strides = array<i32>} : memref<56x128xi32, #tpu.memory_space<vmem>>, vector<1x16xi32>,
        %get3A_141 = arith.index_cast %scan3A_114 : i32 to index
        %get3A_142 = arith.constant 32 : index
        %get3A_143 = tpu.vector_load %arg8[%get3A_141, %get3A_142] {strides = array<i32>} : memref<56x128xi32, #tpu.memory_space<vmem>>, vector<1x16xi32>,
        %get3A_144 = vector.shape_cast %get3A_143 : vector<1x16xi32> to vector<16xi32>
        %mul3A_145 = arith.constant 8 : i32
        %mul3A_146 = vector.broadcast %mul3A_145 : i32 to vector<16xi32>
        %mul3A_147 = arith.muli %get3A_144, %mul3A_146 : vector<16xi32>
        %add3A_148 = vector.broadcast %add3A_42 : i32 to vector<16xi32>
        %add3A_149 = arith.addi %mul3A_147, %add3A_148 : vector<16xi32>
        %swap3A_150 = arith.index_cast %scan3A_114 : i32 to index
        %swap3A_151 = arith.constant 32 : index
        %swap3A_152 = tpu.vector_load %arg10[%swap3A_150, %swap3A_151] {strides = array<i32>} : memref<56x128xi32, #tpu.memory_space<vmem>>, vector<1x16xi32>,
        %swap3A_153 = vector.shape_cast %swap3A_152 : vector<1x16xi32> to vector<16xi32>
        %swap3A_154 = vector.shape_cast %add3A_149 : vector<16xi32> to vector<1x16xi32>
        tpu.vector_store %arg10[%swap3A_150, %swap3A_151], %swap3A_154 {strides = array<i32>} : memref<56x128xi32, #tpu.memory_space<vmem>>, vector<1x16xi32>,
        %get3A_155 = arith.index_cast %scan3A_114 : i32 to index
        %get3A_156 = arith.constant 48 : index
        %get3A_157 = tpu.vector_load %arg8[%get3A_155, %get3A_156] {strides = array<i32>} : memref<56x128xi32, #tpu.memory_space<vmem>>, vector<1x16xi32>,
        %get3A_158 = vector.shape_cast %get3A_157 : vector<1x16xi32> to vector<16xi32>
        %mul3A_159 = arith.constant 8 : i32
        %mul3A_160 = vector.broadcast %mul3A_159 : i32 to vector<16xi32>
        %mul3A_161 = arith.muli %get3A_158, %mul3A_160 : vector<16xi32>
        %add3A_162 = vector.broadcast %add3A_42 : i32 to vector<16xi32>
        %add3A_163 = arith.addi %mul3A_161, %add3A_162 : vector<16xi32>
        %swap3A_164 = arith.index_cast %scan3A_114 : i32 to index
        %swap3A_165 = arith.constant 48 : index
        %swap3A_166 = tpu.vector_load %arg10[%swap3A_164, %swap3A_165] {strides = array<i32>} : memref<56x128xi32, #tpu.memory_space<vmem>>, vector<1x16xi32>,
        %swap3A_167 = vector.shape_cast %swap3A_166 : vector<1x16xi32> to vector<16xi32>
        %swap3A_168 = vector.shape_cast %add3A_163 : vector<16xi32> to vector<1x16xi32>
        tpu.vector_store %arg10[%swap3A_164, %swap3A_165], %swap3A_168 {strides = array<i32>} : memref<56x128xi32, #tpu.memory_space<vmem>>, vector<1x16xi32>,
        %get3A_169 = arith.index_cast %scan3A_114 : i32 to index
        %get3A_170 = arith.constant 64 : index
        %get3A_171 = tpu.vector_load %arg8[%get3A_169, %get3A_170] {strides = array<i32>} : memref<56x128xi32, #tpu.memory_space<vmem>>, vector<1x16xi32>,
        %get3A_172 = vector.shape_cast %get3A_171 : vector<1x16xi32> to vector<16xi32>
        %mul3A_173 = arith.constant 8 : i32
        %mul3A_174 = vector.broadcast %mul3A_173 : i32 to vector<16xi32>
        %mul3A_175 = arith.muli %get3A_172, %mul3A_174 : vector<16xi32>
        %add3A_176 = vector.broadcast %add3A_42 : i32 to vector<16xi32>
        %add3A_177 = arith.addi %mul3A_175, %add3A_176 : vector<16xi32>
        %swap3A_178 = arith.index_cast %scan3A_114 : i32 to index
        %swap3A_179 = arith.constant 64 : index
        %swap3A_180 = tpu.vector_load %arg10[%swap3A_178, %swap3A_179] {strides = array<i32>} : memref<56x128xi32, #tpu.memory_space<vmem>>, vector<1x16xi32>,
        %swap3A_181 = vector.shape_cast %swap3A_180 : vector<1x16xi32> to vector<16xi32>
        %swap3A_182 = vector.shape_cast %add3A_177 : vector<16xi32> to vector<1x16xi32>
        tpu.vector_store %arg10[%swap3A_178, %swap3A_179], %swap3A_182 {strides = array<i32>} : memref<56x128xi32, #tpu.memory_space<vmem>>, vector<1x16xi32>,
        %get3A_183 = arith.index_cast %scan3A_114 : i32 to index
        %get3A_184 = arith.constant 80 : index
        %get3A_185 = tpu.vector_load %arg8[%get3A_183, %get3A_184] {strides = array<i32>} : memref<56x128xi32, #tpu.memory_space<vmem>>, vector<1x16xi32>,
        %get3A_186 = vector.shape_cast %get3A_185 : vector<1x16xi32> to vector<16xi32>
        %mul3A_187 = arith.constant 8 : i32
        %mul3A_188 = vector.broadcast %mul3A_187 : i32 to vector<16xi32>
        %mul3A_189 = arith.muli %get3A_186, %mul3A_188 : vector<16xi32>
        %add3A_190 = vector.broadcast %add3A_42 : i32 to vector<16xi32>
        %add3A_191 = arith.addi %mul3A_189, %add3A_190 : vector<16xi32>
        %swap3A_192 = arith.index_cast %scan3A_114 : i32 to index
        %swap3A_193 = arith.constant 80 : index
        %swap3A_194 = tpu.vector_load %arg10[%swap3A_192, %swap3A_193] {strides = array<i32>} : memref<56x128xi32, #tpu.memory_space<vmem>>, vector<1x16xi32>,
        %swap3A_195 = vector.shape_cast %swap3A_194 : vector<1x16xi32> to vector<16xi32>
        %swap3A_196 = vector.shape_cast %add3A_191 : vector<16xi32> to vector<1x16xi32>
        tpu.vector_store %arg10[%swap3A_192, %swap3A_193], %swap3A_196 {strides = array<i32>} : memref<56x128xi32, #tpu.memory_space<vmem>>, vector<1x16xi32>,
        %get3A_197 = arith.index_cast %scan3A_114 : i32 to index
        %get3A_198 = arith.constant 96 : index
        %get3A_199 = tpu.vector_load %arg8[%get3A_197, %get3A_198] {strides = array<i32>} : memref<56x128xi32, #tpu.memory_space<vmem>>, vector<1x16xi32>,
        %get3A_200 = vector.shape_cast %get3A_199 : vector<1x16xi32> to vector<16xi32>
        %mul3A_201 = arith.constant 8 : i32
        %mul3A_202 = vector.broadcast %mul3A_201 : i32 to vector<16xi32>
        %mul3A_203 = arith.muli %get3A_200, %mul3A_202 : vector<16xi32>
        %add3A_204 = vector.broadcast %add3A_42 : i32 to vector<16xi32>
        %add3A_205 = arith.addi %mul3A_203, %add3A_204 : vector<16xi32>
        %swap3A_206 = arith.index_cast %scan3A_114 : i32 to index
        %swap3A_207 = arith.constant 96 : index
        %swap3A_208 = tpu.vector_load %arg10[%swap3A_206, %swap3A_207] {strides = array<i32>} : memref<56x128xi32, #tpu.memory_space<vmem>>, vector<1x16xi32>,
        %swap3A_209 = vector.shape_cast %swap3A_208 : vector<1x16xi32> to vector<16xi32>
        %swap3A_210 = vector.shape_cast %add3A_205 : vector<16xi32> to vector<1x16xi32>
        tpu.vector_store %arg10[%swap3A_206, %swap3A_207], %swap3A_210 {strides = array<i32>} : memref<56x128xi32, #tpu.memory_space<vmem>>, vector<1x16xi32>,
        %get3A_211 = arith.index_cast %scan3A_114 : i32 to index
        %get3A_212 = arith.constant 112 : index
        %get3A_213 = tpu.vector_load %arg8[%get3A_211, %get3A_212] {strides = array<i32>} : memref<56x128xi32, #tpu.memory_space<vmem>>, vector<1x16xi32>,
        %get3A_214 = vector.shape_cast %get3A_213 : vector<1x16xi32> to vector<16xi32>
        %mul3A_215 = arith.constant 8 : i32
        %mul3A_216 = vector.broadcast %mul3A_215 : i32 to vector<16xi32>
        %mul3A_217 = arith.muli %get3A_214, %mul3A_216 : vector<16xi32>
        %add3A_218 = vector.broadcast %add3A_42 : i32 to vector<16xi32>
        %add3A_219 = arith.addi %mul3A_217, %add3A_218 : vector<16xi32>
        %swap3A_220 = arith.index_cast %scan3A_114 : i32 to index
        %swap3A_221 = arith.constant 112 : index
        %swap3A_222 = tpu.vector_load %arg10[%swap3A_220, %swap3A_221] {strides = array<i32>} : memref<56x128xi32, #tpu.memory_space<vmem>>, vector<1x16xi32>,
        %swap3A_223 = vector.shape_cast %swap3A_222 : vector<1x16xi32> to vector<16xi32>
        %swap3A_224 = vector.shape_cast %add3A_219 : vector<16xi32> to vector<1x16xi32>
        tpu.vector_store %arg10[%swap3A_220, %swap3A_221], %swap3A_224 {strides = array<i32>} : memref<56x128xi32, #tpu.memory_space<vmem>>, vector<1x16xi32>,
      }
      %scan3A_61 = arith.constant 56 : i32
      %dma_start3A = arith.constant 0 : i32
      %dma_start3A_62 = arith.constant 0 : i32
      %dma_start3A_63 = arith.constant 0 : i32
      %dma_start3A_64 = arith.constant 0 : i32
      %dma_start3A_65 = tpu.memref_slice %arg11[%dma_start3A_62, %dma_start3A_63, %dma_start3A_64] : memref<4x128x16xf32, #tpu.memory_space<vmem>> -> memref<1x128x16xf32, #tpu.memory_space<vmem>>
      %dma_start3A_66 = tpu.memref_squeeze %dma_start3A_65 : memref<1x128x16xf32, #tpu.memory_space<vmem>> -> memref<128x16xf32, #tpu.memory_space<vmem>>
      %dma_start3A_67 = arith.constant 0 : i32
      %dma_start3A_68 = tpu.memref_slice %arg10[%dma_start3A, %dma_start3A_67] : memref<56x128xi32, #tpu.memory_space<vmem>> -> memref<1x128xi32, #tpu.memory_space<vmem>>
      %dma_start3A_69 = tpu.memref_squeeze %dma_start3A_68 : memref<1x128xi32, #tpu.memory_space<vmem>> -> memref<128xi32, #tpu.memory_space<vmem>>
      %dma_start3A_70 = arith.constant 0 : i32
      %dma_start3A_71 = arith.constant 0 : i32
      %dma_start3A_72 = tpu.memref_slice %arg2[%dma_start3A_70, %dma_start3A_71] : memref<800000x16xf32, #tpu.memory_space<hbm>> -> memref<800000x16xf32, #tpu.memory_space<hbm>>
      tpu.enqueue_indirect_dma source(%dma_start3A_72 : memref<800000x16xf32, #tpu.memory_space<hbm>>) target(%dma_start3A_66 : memref<128x16xf32, #tpu.memory_space<vmem>>) offsets(%dma_start3A_69 : memref<128xi32, #tpu.memory_space<vmem>>) semaphore(%arg12 : memref<!tpu.dma_semaphore, #tpu.memory_space<semaphore_mem>>)
      %dma_start3A_73 = arith.constant 1 : i32
      %dma_start3A_74 = arith.constant 1 : i32
      %dma_start3A_75 = arith.constant 0 : i32
      %dma_start3A_76 = arith.constant 0 : i32
      %dma_start3A_77 = tpu.memref_slice %arg11[%dma_start3A_74, %dma_start3A_75, %dma_start3A_76] : memref<4x128x16xf32, #tpu.memory_space<vmem>> -> memref<1x128x16xf32, #tpu.memory_space<vmem>>
      %dma_start3A_78 = tpu.memref_squeeze %dma_start3A_77 : memref<1x128x16xf32, #tpu.memory_space<vmem>> -> memref<128x16xf32, #tpu.memory_space<vmem>>
      %dma_start3A_79 = arith.constant 0 : i32
      %dma_start3A_80 = tpu.memref_slice %arg10[%dma_start3A_73, %dma_start3A_79] : memref<56x128xi32, #tpu.memory_space<vmem>> -> memref<1x128xi32, #tpu.memory_space<vmem>>
      %dma_start3A_81 = tpu.memref_squeeze %dma_start3A_80 : memref<1x128xi32, #tpu.memory_space<vmem>> -> memref<128xi32, #tpu.memory_space<vmem>>
      %dma_start3A_82 = arith.constant 0 : i32
      %dma_start3A_83 = arith.constant 0 : i32
      %dma_start3A_84 = tpu.memref_slice %arg2[%dma_start3A_82, %dma_start3A_83] : memref<800000x16xf32, #tpu.memory_space<hbm>> -> memref<800000x16xf32, #tpu.memory_space<hbm>>
      tpu.enqueue_indirect_dma source(%dma_start3A_84 : memref<800000x16xf32, #tpu.memory_space<hbm>>) target(%dma_start3A_78 : memref<128x16xf32, #tpu.memory_space<vmem>>) offsets(%dma_start3A_81 : memref<128xi32, #tpu.memory_space<vmem>>) semaphore(%arg12 : memref<!tpu.dma_semaphore, #tpu.memory_space<semaphore_mem>>)
      %scan3A_85 = arith.constant 0 : i32
      %scan3A_86 = arith.constant 0 : i32
      %scan3A_87 = arith.constant 56 : i32
      %scan3A_88 = arith.addi %scan3A_86, %scan3A_87 : i32
      %scan3A_89 = arith.constant 1 : i32
      scf.for %scan3A_114 = %scan3A_86 to %scan3A_88 step %scan3A_89  : i32 {
        %ge3A = arith.constant 2 : i32
        %ge3A_115 = arith.cmpi sge, %scan3A_114, %ge3A : i32
        %convert_element_type3A = arith.extui %ge3A_115 : i1 to i32
        %cond3A = arith.constant 0 : i32
        %cond3A_116 = arith.cmpi ne, %convert_element_type3A, %cond3A : i32
        scf.if %cond3A_116 {
          %sub3A = arith.constant 2 : i32
          %sub3A_169 = arith.subi %scan3A_114, %sub3A : i32
          %jit3A_170 = arith.constant 4 : i32
          %eq3A_171 = arith.constant 0 : i32
          %eq3A_172 = arith.cmpi eq, %jit3A_170, %eq3A_171 : i32
          %jit3A_173 = arith.constant 1 : i32
          %select_n3A_174 = arith.select %eq3A_172, %jit3A_173, %jit3A_170 : i32
          %rem3A_175 = arith.remsi %sub3A_169, %select_n3A_174 : i32
          %ne3A_176 = arith.constant 0 : i32
          %ne3A_177 = arith.cmpi ne, %rem3A_175, %ne3A_176 : i32
          %lt3A_178 = arith.constant 0 : i32
          %lt3A_179 = arith.cmpi slt, %rem3A_175, %lt3A_178 : i32
          %lt3A_180 = arith.constant 0 : i32
          %lt3A_181 = arith.cmpi slt, %select_n3A_174, %lt3A_180 : i32
          %ne3A_182 = arith.xori %lt3A_179, %lt3A_181 : i1
          %and3A_183 = arith.andi %ne3A_182, %ne3A_177 : i1
          %add3A_184 = arith.addi %rem3A_175, %select_n3A_174 : i32
          %select_n3A_185 = arith.select %and3A_183, %add3A_184, %rem3A_175 : i32
          %sub3A_186 = arith.constant 2 : i32
          %sub3A_187 = arith.subi %scan3A_114, %sub3A_186 : i32
          %dma_wait3A_188 = arith.constant 0 : i32
          %dma_wait3A_189 = arith.constant 0 : i32
          %dma_wait3A_190 = tpu.memref_slice %arg11[%select_n3A_185, %dma_wait3A_188, %dma_wait3A_189] : memref<4x128x16xf32, #tpu.memory_space<vmem>> -> memref<1x128x16xf32, #tpu.memory_space<vmem>>
          %dma_wait3A_191 = tpu.memref_squeeze %dma_wait3A_190 : memref<1x128x16xf32, #tpu.memory_space<vmem>> -> memref<128x16xf32, #tpu.memory_space<vmem>>
          %dma_wait3A_192 = arith.constant 0 : i32
          %dma_wait3A_193 = tpu.memref_slice %arg9[%sub3A_187, %dma_wait3A_192] : memref<56x128xi32, #tpu.memory_space<vmem>> -> memref<1x128xi32, #tpu.memory_space<vmem>>
          %dma_wait3A_194 = tpu.memref_squeeze %dma_wait3A_193 : memref<1x128xi32, #tpu.memory_space<vmem>> -> memref<128xi32, #tpu.memory_space<vmem>>
          %dma_wait3A_195 = arith.constant 0 : i32
          %dma_wait3A_196 = arith.constant 0 : i32
          %dma_wait3A_197 = tpu.memref_slice %arg7[%dma_wait3A_195, %dma_wait3A_196] : memref<100096x16xf32, #tpu.memory_space<vmem_shared>> -> memref<100096x16xf32, #tpu.memory_space<vmem_shared>>
          tpu.wait_indirect_dma semaphore(%arg13 : memref<!tpu.dma_semaphore, #tpu.memory_space<semaphore_mem>>) src(%dma_wait3A_191 : memref<128x16xf32, #tpu.memory_space<vmem>>) dst(%dma_wait3A_197 : memref<100096x16xf32, #tpu.memory_space<vmem_shared>>)
        } else {
        }
        %add3A_117 = arith.constant 2 : i32
        %add3A_118 = arith.addi %scan3A_114, %add3A_117 : i32
        %lt3A = arith.constant 56 : i32
        %lt3A_119 = arith.cmpi slt, %add3A_118, %lt3A : i32
        %convert_element_type3A_120 = arith.extui %lt3A_119 : i1 to i32
        %cond3A_121 = arith.constant 0 : i32
        %cond3A_122 = arith.cmpi ne, %convert_element_type3A_120, %cond3A_121 : i32
        scf.if %cond3A_122 {
          %add3A_169 = arith.constant 2 : i32
          %add3A_170 = arith.addi %scan3A_114, %add3A_169 : i32
          %add3A_171 = arith.constant 2 : i32
          %add3A_172 = arith.addi %scan3A_114, %add3A_171 : i32
          %jit3A_173 = arith.constant 4 : i32
          %eq3A_174 = arith.constant 0 : i32
          %eq3A_175 = arith.cmpi eq, %jit3A_173, %eq3A_174 : i32
          %jit3A_176 = arith.constant 1 : i32
          %select_n3A_177 = arith.select %eq3A_175, %jit3A_176, %jit3A_173 : i32
          %rem3A_178 = arith.remsi %add3A_172, %select_n3A_177 : i32
          %ne3A_179 = arith.constant 0 : i32
          %ne3A_180 = arith.cmpi ne, %rem3A_178, %ne3A_179 : i32
          %lt3A_181 = arith.constant 0 : i32
          %lt3A_182 = arith.cmpi slt, %rem3A_178, %lt3A_181 : i32
          %lt3A_183 = arith.constant 0 : i32
          %lt3A_184 = arith.cmpi slt, %select_n3A_177, %lt3A_183 : i32
          %ne3A_185 = arith.xori %lt3A_182, %lt3A_184 : i1
          %and3A_186 = arith.andi %ne3A_185, %ne3A_180 : i1
          %add3A_187 = arith.addi %rem3A_178, %select_n3A_177 : i32
          %select_n3A_188 = arith.select %and3A_186, %add3A_187, %rem3A_178 : i32
          %dma_start3A_189 = arith.constant 0 : i32
          %dma_start3A_190 = arith.constant 0 : i32
          %dma_start3A_191 = tpu.memref_slice %arg11[%select_n3A_188, %dma_start3A_189, %dma_start3A_190] : memref<4x128x16xf32, #tpu.memory_space<vmem>> -> memref<1x128x16xf32, #tpu.memory_space<vmem>>
          %dma_start3A_192 = tpu.memref_squeeze %dma_start3A_191 : memref<1x128x16xf32, #tpu.memory_space<vmem>> -> memref<128x16xf32, #tpu.memory_space<vmem>>
          %dma_start3A_193 = arith.constant 0 : i32
          %dma_start3A_194 = tpu.memref_slice %arg10[%add3A_170, %dma_start3A_193] : memref<56x128xi32, #tpu.memory_space<vmem>> -> memref<1x128xi32, #tpu.memory_space<vmem>>
          %dma_start3A_195 = tpu.memref_squeeze %dma_start3A_194 : memref<1x128xi32, #tpu.memory_space<vmem>> -> memref<128xi32, #tpu.memory_space<vmem>>
          %dma_start3A_196 = arith.constant 0 : i32
          %dma_start3A_197 = arith.constant 0 : i32
          %dma_start3A_198 = tpu.memref_slice %arg2[%dma_start3A_196, %dma_start3A_197] : memref<800000x16xf32, #tpu.memory_space<hbm>> -> memref<800000x16xf32, #tpu.memory_space<hbm>>
          tpu.enqueue_indirect_dma source(%dma_start3A_198 : memref<800000x16xf32, #tpu.memory_space<hbm>>) target(%dma_start3A_192 : memref<128x16xf32, #tpu.memory_space<vmem>>) offsets(%dma_start3A_195 : memref<128xi32, #tpu.memory_space<vmem>>) semaphore(%arg12 : memref<!tpu.dma_semaphore, #tpu.memory_space<semaphore_mem>>)
        } else {
        }
        %jit3A = arith.constant 4 : i32
        %eq3A = arith.constant 0 : i32
        %eq3A_123 = arith.cmpi eq, %jit3A, %eq3A : i32
        %jit3A_124 = arith.constant 1 : i32
        %select_n3A = arith.select %eq3A_123, %jit3A_124, %jit3A : i32
        %rem3A = arith.remsi %scan3A_114, %select_n3A : i32
        %ne3A = arith.constant 0 : i32
        %ne3A_125 = arith.cmpi ne, %rem3A, %ne3A : i32
        %lt3A_126 = arith.constant 0 : i32
        %lt3A_127 = arith.cmpi slt, %rem3A, %lt3A_126 : i32
        %lt3A_128 = arith.constant 0 : i32
        %lt3A_129 = arith.cmpi slt, %select_n3A, %lt3A_128 : i32
        %ne3A_130 = arith.xori %lt3A_127, %lt3A_129 : i1
        %and3A = arith.andi %ne3A_130, %ne3A_125 : i1
        %add3A_131 = arith.addi %rem3A, %select_n3A : i32
        %select_n3A_132 = arith.select %and3A, %add3A_131, %rem3A : i32
        %dma_wait3A_133 = arith.constant 0 : i32
        %dma_wait3A_134 = arith.constant 0 : i32
        %dma_wait3A_135 = tpu.memref_slice %arg11[%select_n3A_132, %dma_wait3A_133, %dma_wait3A_134] : memref<4x128x16xf32, #tpu.memory_space<vmem>> -> memref<1x128x16xf32, #tpu.memory_space<vmem>>
        %dma_wait3A_136 = tpu.memref_squeeze %dma_wait3A_135 : memref<1x128x16xf32, #tpu.memory_space<vmem>> -> memref<128x16xf32, #tpu.memory_space<vmem>>
        %dma_wait3A_137 = arith.constant 0 : i32
        %dma_wait3A_138 = tpu.memref_slice %arg10[%scan3A_114, %dma_wait3A_137] : memref<56x128xi32, #tpu.memory_space<vmem>> -> memref<1x128xi32, #tpu.memory_space<vmem>>
        %dma_wait3A_139 = tpu.memref_squeeze %dma_wait3A_138 : memref<1x128xi32, #tpu.memory_space<vmem>> -> memref<128xi32, #tpu.memory_space<vmem>>
        %dma_wait3A_140 = arith.constant 0 : i32
        %dma_wait3A_141 = arith.constant 0 : i32
        %dma_wait3A_142 = tpu.memref_slice %arg2[%dma_wait3A_140, %dma_wait3A_141] : memref<800000x16xf32, #tpu.memory_space<hbm>> -> memref<800000x16xf32, #tpu.memory_space<hbm>>
        tpu.wait_indirect_dma semaphore(%arg12 : memref<!tpu.dma_semaphore, #tpu.memory_space<semaphore_mem>>) src(%dma_wait3A_142 : memref<800000x16xf32, #tpu.memory_space<hbm>>) dst(%dma_wait3A_136 : memref<128x16xf32, #tpu.memory_space<vmem>>)
        %jit3A_143 = arith.constant 4 : i32
        %eq3A_144 = arith.constant 0 : i32
        %eq3A_145 = arith.cmpi eq, %jit3A_143, %eq3A_144 : i32
        %jit3A_146 = arith.constant 1 : i32
        %select_n3A_147 = arith.select %eq3A_145, %jit3A_146, %jit3A_143 : i32
        %rem3A_148 = arith.remsi %scan3A_114, %select_n3A_147 : i32
        %ne3A_149 = arith.constant 0 : i32
        %ne3A_150 = arith.cmpi ne, %rem3A_148, %ne3A_149 : i32
        %lt3A_151 = arith.constant 0 : i32
        %lt3A_152 = arith.cmpi slt, %rem3A_148, %lt3A_151 : i32
        %lt3A_153 = arith.constant 0 : i32
        %lt3A_154 = arith.cmpi slt, %select_n3A_147, %lt3A_153 : i32
        %ne3A_155 = arith.xori %lt3A_152, %lt3A_154 : i1
        %and3A_156 = arith.andi %ne3A_155, %ne3A_150 : i1
        %add3A_157 = arith.addi %rem3A_148, %select_n3A_147 : i32
        %select_n3A_158 = arith.select %and3A_156, %add3A_157, %rem3A_148 : i32
        %dma_start3A_159 = arith.constant 0 : i32
        %dma_start3A_160 = arith.constant 0 : i32
        %dma_start3A_161 = tpu.memref_slice %arg11[%select_n3A_158, %dma_start3A_159, %dma_start3A_160] : memref<4x128x16xf32, #tpu.memory_space<vmem>> -> memref<1x128x16xf32, #tpu.memory_space<vmem>>
        %dma_start3A_162 = tpu.memref_squeeze %dma_start3A_161 : memref<1x128x16xf32, #tpu.memory_space<vmem>> -> memref<128x16xf32, #tpu.memory_space<vmem>>
        %dma_start3A_163 = arith.constant 0 : i32
        %dma_start3A_164 = tpu.memref_slice %arg9[%scan3A_114, %dma_start3A_163] : memref<56x128xi32, #tpu.memory_space<vmem>> -> memref<1x128xi32, #tpu.memory_space<vmem>>
        %dma_start3A_165 = tpu.memref_squeeze %dma_start3A_164 : memref<1x128xi32, #tpu.memory_space<vmem>> -> memref<128xi32, #tpu.memory_space<vmem>>
        %dma_start3A_166 = arith.constant 0 : i32
        %dma_start3A_167 = arith.constant 0 : i32
        %dma_start3A_168 = tpu.memref_slice %arg7[%dma_start3A_166, %dma_start3A_167] : memref<100096x16xf32, #tpu.memory_space<vmem_shared>> -> memref<100096x16xf32, #tpu.memory_space<vmem_shared>>
        tpu.enqueue_indirect_dma source(%dma_start3A_162 : memref<128x16xf32, #tpu.memory_space<vmem>>) target(%dma_start3A_168 : memref<100096x16xf32, #tpu.memory_space<vmem_shared>>) offsets(%dma_start3A_165 : memref<128xi32, #tpu.memory_space<vmem>>) semaphore(%arg13 : memref<!tpu.dma_semaphore, #tpu.memory_space<semaphore_mem>>) {add = true}
      }
      %scan3A_90 = arith.constant 56 : i32
      %dma_wait3A = arith.constant 2 : i32
      %dma_wait3A_91 = arith.constant 54 : i32
      %dma_wait3A_92 = arith.constant 0 : i32
      %dma_wait3A_93 = arith.constant 0 : i32
      %dma_wait3A_94 = tpu.memref_slice %arg11[%dma_wait3A, %dma_wait3A_92, %dma_wait3A_93] : memref<4x128x16xf32, #tpu.memory_space<vmem>> -> memref<1x128x16xf32, #tpu.memory_space<vmem>>
      %dma_wait3A_95 = tpu.memref_squeeze %dma_wait3A_94 : memref<1x128x16xf32, #tpu.memory_space<vmem>> -> memref<128x16xf32, #tpu.memory_space<vmem>>
      %dma_wait3A_96 = arith.constant 0 : i32
      %dma_wait3A_97 = tpu.memref_slice %arg9[%dma_wait3A_91, %dma_wait3A_96] : memref<56x128xi32, #tpu.memory_space<vmem>> -> memref<1x128xi32, #tpu.memory_space<vmem>>
      %dma_wait3A_98 = tpu.memref_squeeze %dma_wait3A_97 : memref<1x128xi32, #tpu.memory_space<vmem>> -> memref<128xi32, #tpu.memory_space<vmem>>
      %dma_wait3A_99 = arith.constant 0 : i32
      %dma_wait3A_100 = arith.constant 0 : i32
      %dma_wait3A_101 = tpu.memref_slice %arg7[%dma_wait3A_99, %dma_wait3A_100] : memref<100096x16xf32, #tpu.memory_space<vmem_shared>> -> memref<100096x16xf32, #tpu.memory_space<vmem_shared>>
      tpu.wait_indirect_dma semaphore(%arg13 : memref<!tpu.dma_semaphore, #tpu.memory_space<semaphore_mem>>) src(%dma_wait3A_95 : memref<128x16xf32, #tpu.memory_space<vmem>>) dst(%dma_wait3A_101 : memref<100096x16xf32, #tpu.memory_space<vmem_shared>>)
      %dma_wait3A_102 = arith.constant 3 : i32
      %dma_wait3A_103 = arith.constant 55 : i32
      %dma_wait3A_104 = arith.constant 0 : i32
      %dma_wait3A_105 = arith.constant 0 : i32
      %dma_wait3A_106 = tpu.memref_slice %arg11[%dma_wait3A_102, %dma_wait3A_104, %dma_wait3A_105] : memref<4x128x16xf32, #tpu.memory_space<vmem>> -> memref<1x128x16xf32, #tpu.memory_space<vmem>>
      %dma_wait3A_107 = tpu.memref_squeeze %dma_wait3A_106 : memref<1x128x16xf32, #tpu.memory_space<vmem>> -> memref<128x16xf32, #tpu.memory_space<vmem>>
      %dma_wait3A_108 = arith.constant 0 : i32
      %dma_wait3A_109 = tpu.memref_slice %arg9[%dma_wait3A_103, %dma_wait3A_108] : memref<56x128xi32, #tpu.memory_space<vmem>> -> memref<1x128xi32, #tpu.memory_space<vmem>>
      %dma_wait3A_110 = tpu.memref_squeeze %dma_wait3A_109 : memref<1x128xi32, #tpu.memory_space<vmem>> -> memref<128xi32, #tpu.memory_space<vmem>>
      %dma_wait3A_111 = arith.constant 0 : i32
      %dma_wait3A_112 = arith.constant 0 : i32
      %dma_wait3A_113 = tpu.memref_slice %arg7[%dma_wait3A_111, %dma_wait3A_112] : memref<100096x16xf32, #tpu.memory_space<vmem_shared>> -> memref<100096x16xf32, #tpu.memory_space<vmem_shared>>
      tpu.wait_indirect_dma semaphore(%arg13 : memref<!tpu.dma_semaphore, #tpu.memory_space<semaphore_mem>>) src(%dma_wait3A_107 : memref<128x16xf32, #tpu.memory_space<vmem>>) dst(%dma_wait3A_113 : memref<100096x16xf32, #tpu.memory_space<vmem_shared>>)
    }
    %scan3A_49 = arith.constant 28 : i32
    %barrier3A_50 = arith.constant 0 : index
    tpu.barrier barrier_id(%barrier3A_50)
    "tpu.region"() ({
      %run_scoped3A = tpu.sem_alloc : memref<!tpu.dma_semaphore, #tpu.memory_space<semaphore_mem>>
      %dma_start3A = arith.constant 0 : i32
      %dma_start3A_52 = tpu.memref_slice %arg6[%add3A_42, %mul3A_0, %dma_start3A] : memref<8x100096x16xf32, #tpu.memory_space<hbm>> -> memref<1x3128x16xf32, #tpu.memory_space<hbm>>
      %dma_start3A_53 = tpu.memref_squeeze %dma_start3A_52 : memref<1x3128x16xf32, #tpu.memory_space<hbm>> -> memref<3128x16xf32, #tpu.memory_space<hbm>>
      %dma_start3A_54 = arith.constant 0 : i32
      %dma_start3A_55 = tpu.memref_slice %arg7[%mul3A_0, %dma_start3A_54] : memref<100096x16xf32, #tpu.memory_space<vmem_shared>> -> memref<3128x16xf32, #tpu.memory_space<vmem_shared>>
      tpu.enqueue_dma source(%dma_start3A_55 : memref<3128x16xf32, #tpu.memory_space<vmem_shared>>) target(%dma_start3A_53 : memref<3128x16xf32, #tpu.memory_space<hbm>>) target_semaphore(%run_scoped3A : memref<!tpu.dma_semaphore, #tpu.memory_space<semaphore_mem>>)
      %dma_wait3A = arith.constant 0 : i32
      %dma_wait3A_56 = tpu.memref_slice %arg6[%add3A_42, %mul3A_0, %dma_wait3A] : memref<8x100096x16xf32, #tpu.memory_space<hbm>> -> memref<1x3128x16xf32, #tpu.memory_space<hbm>>
      %dma_wait3A_57 = tpu.memref_squeeze %dma_wait3A_56 : memref<1x3128x16xf32, #tpu.memory_space<hbm>> -> memref<3128x16xf32, #tpu.memory_space<hbm>>
      %dma_wait3A_58 = arith.constant 0 : i32
      %dma_wait3A_59 = tpu.memref_slice %arg7[%mul3A_0, %dma_wait3A_58] : memref<100096x16xf32, #tpu.memory_space<vmem_shared>> -> memref<3128x16xf32, #tpu.memory_space<vmem_shared>>
      tpu.wait_dma2 semaphore(%run_scoped3A : memref<!tpu.dma_semaphore, #tpu.memory_space<semaphore_mem>>) src(%dma_wait3A_59 : memref<3128x16xf32, #tpu.memory_space<vmem_shared>>) dst(%dma_wait3A_57 : memref<3128x16xf32, #tpu.memory_space<hbm>>)
      tpu.yield
    }) : () -> ()
    %barrier3A_51 = arith.constant 0 : index
    tpu.barrier barrier_id(%barrier3A_51)
    return
  }
}

#map = affine_map<(d0, d1) -> (0, 0)>
#map1 = affine_map<(d0, d1) -> (0, 0, 0)>
module attributes {stable_mosaic.version = 14 : i64} {
  func.func @_deg_body(%arg0: i32, %arg1: i32, %arg2: memref<25088x128xi32, #tpu.memory_space<hbm>>, %arg3: memref<128x1xf32, #tpu.memory_space<hbm>>, %arg4: memref<3128x1xf32, #tpu.memory_space<hbm>>, %arg5: memref<2x100096x1xf32, #tpu.memory_space<hbm>>, %arg6: memref<100096x1xf32, #tpu.memory_space<vmem_shared>>, %arg7: memref<56x128xi32, #tpu.memory_space<vmem>>, %arg8: memref<128x1xf32, #tpu.memory_space<vmem>>, %arg9: memref<!tpu.dma_semaphore, #tpu.memory_space<semaphore_mem>>) attributes {dimension_semantics = [#tpu.dimension_semantics<core_parallel>, #tpu.dimension_semantics<subcore_parallel>], iteration_bounds = array<i64: 2, 16>, scalar_prefetch = 0 : i64, scratch_operands = 4 : i64, tpu.core_type = #tpu.core_type<sc_vector_subcore>, window_params = [{transform_indices = #map}, {transform_indices = #map}, {transform_indices = #map}, {transform_indices = #map1}]} {
    %mul3A = arith.constant 16 : i32
    %mul3A_0 = arith.muli %arg0, %mul3A : i32
    %add3A = arith.addi %mul3A_0, %arg1 : i32
    %mul3A_1 = arith.constant 3128 : i32
    %mul3A_2 = arith.muli %arg1, %mul3A_1 : i32
    "tpu.region"() ({
      %run_scoped3A = tpu.sem_alloc : memref<!tpu.dma_semaphore, #tpu.memory_space<semaphore_mem>>
      tpu.enqueue_dma source(%arg3 : memref<128x1xf32, #tpu.memory_space<hbm>>) target(%arg8 : memref<128x1xf32, #tpu.memory_space<vmem>>) target_semaphore(%run_scoped3A : memref<!tpu.dma_semaphore, #tpu.memory_space<semaphore_mem>>)
      tpu.wait_dma2 semaphore(%run_scoped3A : memref<!tpu.dma_semaphore, #tpu.memory_space<semaphore_mem>>) src(%arg3 : memref<128x1xf32, #tpu.memory_space<hbm>>) dst(%arg8 : memref<128x1xf32, #tpu.memory_space<vmem>>)
      tpu.yield
    }) : () -> ()
    "tpu.region"() ({
      %run_scoped3A = tpu.sem_alloc : memref<!tpu.dma_semaphore, #tpu.memory_space<semaphore_mem>>
      %dma_start3A = arith.constant 0 : i32
      %dma_start3A_11 = tpu.memref_slice %arg6[%mul3A_2, %dma_start3A] : memref<100096x1xf32, #tpu.memory_space<vmem_shared>> -> memref<3128x1xf32, #tpu.memory_space<vmem_shared>>
      tpu.enqueue_dma source(%arg4 : memref<3128x1xf32, #tpu.memory_space<hbm>>) target(%dma_start3A_11 : memref<3128x1xf32, #tpu.memory_space<vmem_shared>>) target_semaphore(%run_scoped3A : memref<!tpu.dma_semaphore, #tpu.memory_space<semaphore_mem>>)
      %dma_wait3A = arith.constant 0 : i32
      %dma_wait3A_12 = tpu.memref_slice %arg6[%mul3A_2, %dma_wait3A] : memref<100096x1xf32, #tpu.memory_space<vmem_shared>> -> memref<3128x1xf32, #tpu.memory_space<vmem_shared>>
      tpu.wait_dma2 semaphore(%run_scoped3A : memref<!tpu.dma_semaphore, #tpu.memory_space<semaphore_mem>>) src(%arg4 : memref<3128x1xf32, #tpu.memory_space<hbm>>) dst(%dma_wait3A_12 : memref<3128x1xf32, #tpu.memory_space<vmem_shared>>)
      tpu.yield
    }) : () -> ()
    %barrier3A = arith.constant 0 : index
    tpu.barrier barrier_id(%barrier3A)
    %mul3A_3 = arith.constant 784 : i32
    %mul3A_4 = arith.muli %add3A, %mul3A_3 : i32
    %scan3A = arith.constant 0 : i32
    %scan3A_5 = arith.constant 0 : i32
    %scan3A_6 = arith.constant 14 : i32
    %scan3A_7 = arith.addi %scan3A_5, %scan3A_6 : i32
    %scan3A_8 = arith.constant 1 : i32
    scf.for %scan3A_11 = %scan3A_5 to %scan3A_7 step %scan3A_8  : i32 {
      %mul3A_12 = arith.constant 56 : i32
      %mul3A_13 = arith.muli %scan3A_11, %mul3A_12 : i32
      %add3A_14 = arith.addi %mul3A_4, %mul3A_13 : i32
      "tpu.region"() ({
        %run_scoped3A = tpu.sem_alloc : memref<!tpu.dma_semaphore, #tpu.memory_space<semaphore_mem>>
        %dma_start3A = arith.constant 0 : i32
        %dma_start3A_20 = tpu.memref_slice %arg2[%add3A_14, %dma_start3A] : memref<25088x128xi32, #tpu.memory_space<hbm>> -> memref<56x128xi32, #tpu.memory_space<hbm>>
        %dma_start3A_21 = arith.constant 0 : i32
        %dma_start3A_22 = tpu.memref_slice %arg2[%add3A_14, %dma_start3A_21] : memref<25088x128xi32, #tpu.memory_space<hbm>> -> memref<56x128xi32, #tpu.memory_space<hbm>>
        tpu.enqueue_dma source(%dma_start3A_22 : memref<56x128xi32, #tpu.memory_space<hbm>>) target(%arg7 : memref<56x128xi32, #tpu.memory_space<vmem>>) target_semaphore(%run_scoped3A : memref<!tpu.dma_semaphore, #tpu.memory_space<semaphore_mem>>)
        %dma_wait3A = arith.constant 0 : i32
        %dma_wait3A_23 = tpu.memref_slice %arg2[%add3A_14, %dma_wait3A] : memref<25088x128xi32, #tpu.memory_space<hbm>> -> memref<56x128xi32, #tpu.memory_space<hbm>>
        %dma_wait3A_24 = arith.constant 0 : i32
        %dma_wait3A_25 = tpu.memref_slice %arg2[%add3A_14, %dma_wait3A_24] : memref<25088x128xi32, #tpu.memory_space<hbm>> -> memref<56x128xi32, #tpu.memory_space<hbm>>
        tpu.wait_dma2 semaphore(%run_scoped3A : memref<!tpu.dma_semaphore, #tpu.memory_space<semaphore_mem>>) src(%dma_wait3A_25 : memref<56x128xi32, #tpu.memory_space<hbm>>) dst(%arg7 : memref<56x128xi32, #tpu.memory_space<vmem>>)
        tpu.yield
      }) : () -> ()
      %scan3A_15 = arith.constant 0 : i32
      %scan3A_16 = arith.constant 56 : i32
      %scan3A_17 = arith.addi %scan3A_15, %scan3A_16 : i32
      %scan3A_18 = arith.constant 1 : i32
      scf.for %scan3A_20 = %scan3A_15 to %scan3A_17 step %scan3A_18  : i32 {
        "tpu.region"() ({
          %run_scoped3A = tpu.sem_alloc : memref<!tpu.dma_semaphore, #tpu.memory_space<semaphore_mem>>
          %dma_start3A = arith.constant 0 : i32
          %dma_start3A_21 = tpu.memref_slice %arg7[%scan3A_20, %dma_start3A] : memref<56x128xi32, #tpu.memory_space<vmem>> -> memref<1x128xi32, #tpu.memory_space<vmem>>
          %dma_start3A_22 = tpu.memref_squeeze %dma_start3A_21 : memref<1x128xi32, #tpu.memory_space<vmem>> -> memref<128xi32, #tpu.memory_space<vmem>>
          %dma_start3A_23 = arith.constant 0 : i32
          %dma_start3A_24 = arith.constant 0 : i32
          %dma_start3A_25 = tpu.memref_slice %arg6[%dma_start3A_23, %dma_start3A_24] : memref<100096x1xf32, #tpu.memory_space<vmem_shared>> -> memref<100096x1xf32, #tpu.memory_space<vmem_shared>>
          tpu.enqueue_indirect_dma source(%arg8 : memref<128x1xf32, #tpu.memory_space<vmem>>) target(%dma_start3A_25 : memref<100096x1xf32, #tpu.memory_space<vmem_shared>>) offsets(%dma_start3A_22 : memref<128xi32, #tpu.memory_space<vmem>>) semaphore(%run_scoped3A : memref<!tpu.dma_semaphore, #tpu.memory_space<semaphore_mem>>) {add = true}
          %dma_wait3A = arith.constant 0 : i32
          %dma_wait3A_26 = tpu.memref_slice %arg7[%scan3A_20, %dma_wait3A] : memref<56x128xi32, #tpu.memory_space<vmem>> -> memref<1x128xi32, #tpu.memory_space<vmem>>
          %dma_wait3A_27 = tpu.memref_squeeze %dma_wait3A_26 : memref<1x128xi32, #tpu.memory_space<vmem>> -> memref<128xi32, #tpu.memory_space<vmem>>
          %dma_wait3A_28 = arith.constant 0 : i32
          %dma_wait3A_29 = arith.constant 0 : i32
          %dma_wait3A_30 = tpu.memref_slice %arg6[%dma_wait3A_28, %dma_wait3A_29] : memref<100096x1xf32, #tpu.memory_space<vmem_shared>> -> memref<100096x1xf32, #tpu.memory_space<vmem_shared>>
          tpu.wait_indirect_dma semaphore(%run_scoped3A : memref<!tpu.dma_semaphore, #tpu.memory_space<semaphore_mem>>) src(%arg8 : memref<128x1xf32, #tpu.memory_space<vmem>>) dst(%dma_wait3A_30 : memref<100096x1xf32, #tpu.memory_space<vmem_shared>>)
          tpu.yield
        }) : () -> ()
      }
      %scan3A_19 = arith.constant 56 : i32
    }
    %scan3A_9 = arith.constant 14 : i32
    %barrier3A_10 = arith.constant 0 : index
    tpu.barrier barrier_id(%barrier3A_10)
    "tpu.region"() ({
      %run_scoped3A = tpu.sem_alloc : memref<!tpu.dma_semaphore, #tpu.memory_space<semaphore_mem>>
      %dma_start3A = arith.constant 0 : i32
      %dma_start3A_11 = tpu.memref_slice %arg5[%arg0, %mul3A_2, %dma_start3A] : memref<2x100096x1xf32, #tpu.memory_space<hbm>> -> memref<1x3128x1xf32, #tpu.memory_space<hbm>>
      %dma_start3A_12 = tpu.memref_squeeze %dma_start3A_11 : memref<1x3128x1xf32, #tpu.memory_space<hbm>> -> memref<3128x1xf32, #tpu.memory_space<hbm>>
      %dma_start3A_13 = arith.constant 0 : i32
      %dma_start3A_14 = tpu.memref_slice %arg6[%mul3A_2, %dma_start3A_13] : memref<100096x1xf32, #tpu.memory_space<vmem_shared>> -> memref<3128x1xf32, #tpu.memory_space<vmem_shared>>
      tpu.enqueue_dma source(%dma_start3A_14 : memref<3128x1xf32, #tpu.memory_space<vmem_shared>>) target(%dma_start3A_12 : memref<3128x1xf32, #tpu.memory_space<hbm>>) target_semaphore(%run_scoped3A : memref<!tpu.dma_semaphore, #tpu.memory_space<semaphore_mem>>)
      %dma_wait3A = arith.constant 0 : i32
      %dma_wait3A_15 = tpu.memref_slice %arg5[%arg0, %mul3A_2, %dma_wait3A] : memref<2x100096x1xf32, #tpu.memory_space<hbm>> -> memref<1x3128x1xf32, #tpu.memory_space<hbm>>
      %dma_wait3A_16 = tpu.memref_squeeze %dma_wait3A_15 : memref<1x3128x1xf32, #tpu.memory_space<hbm>> -> memref<3128x1xf32, #tpu.memory_space<hbm>>
      %dma_wait3A_17 = arith.constant 0 : i32
      %dma_wait3A_18 = tpu.memref_slice %arg6[%mul3A_2, %dma_wait3A_17] : memref<100096x1xf32, #tpu.memory_space<vmem_shared>> -> memref<3128x1xf32, #tpu.memory_space<vmem_shared>>
      tpu.wait_dma2 semaphore(%run_scoped3A : memref<!tpu.dma_semaphore, #tpu.memory_space<semaphore_mem>>) src(%dma_wait3A_18 : memref<3128x1xf32, #tpu.memory_space<vmem_shared>>) dst(%dma_wait3A_16 : memref<3128x1xf32, #tpu.memory_space<hbm>>)
      tpu.yield
    }) : () -> ()
    return
  }
}

module attributes {stable_mosaic.version = 14 : i64} {
  func.func @_layer1_body(%arg0: i32, %arg1: memref<512x128xf32, #tpu.memory_space<vmem>>, %arg2: memref<128x64xf32, #tpu.memory_space<vmem>>, %arg3: memref<1x64xf32, #tpu.memory_space<vmem>>, %arg4: memref<128x64xf32, #tpu.memory_space<vmem>>, %arg5: memref<1x64xf32, #tpu.memory_space<vmem>>, %arg6: memref<2x512xf32, #tpu.memory_space<vmem>>, %arg7: memref<512x128xf32, #tpu.memory_space<vmem>>, %arg8: memref<512x1xf32, #tpu.memory_space<vmem>>) attributes {dimension_semantics = [#tpu.dimension_semantics<arbitrary>], iteration_bounds = array<i64: 196>, scalar_prefetch = 0 : i64, scratch_operands = 0 : i64, tpu.core_type = #tpu.core_type<tc>, window_params = [{transform_indices = @transform_0, window_bounds = array<i64: 512, 128>}, {pipeline_mode = #tpu.pipeline_mode<synchronous>, transform_indices = @transform_1, window_bounds = array<i64: 128, 64>}, {pipeline_mode = #tpu.pipeline_mode<synchronous>, transform_indices = @transform_2, window_bounds = array<i64: 1, 64>}, {pipeline_mode = #tpu.pipeline_mode<synchronous>, transform_indices = @transform_3, window_bounds = array<i64: 128, 64>}, {pipeline_mode = #tpu.pipeline_mode<synchronous>, transform_indices = @transform_4, window_bounds = array<i64: 1, 64>}, {transform_indices = @transform_5, window_bounds = array<i64: 2, 512>}, {transform_indices = @transform_6, window_bounds = array<i64: 512, 128>}, {transform_indices = @transform_7, window_bounds = array<i64: 512, 1>}]} {
    %get3A = arith.constant 0 : index
    %get3A_0 = arith.constant 0 : index
    %get3A_1 = vector.load %arg1[%get3A, %get3A_0] : memref<512x128xf32, #tpu.memory_space<vmem>>, vector<512x128xf32>
    %get3A_2 = arith.constant 0 : index
    %get3A_3 = arith.constant 0 : index
    %get3A_4 = vector.load %arg2[%get3A_2, %get3A_3] : memref<128x64xf32, #tpu.memory_space<vmem>>, vector<128x64xf32>
    %dot_general3A = arith.constant dense<0.000000e+00> : vector<512x64xf32>
    %dot_general3A_5 = tpu.matmul %get3A_1, %get3A_4, %dot_general3A {dimension_numbers = #tpu.dot_dimension_numbers<[1], [0], [0], [1], [0, 0, 1, 1], [], []>, transpose_lhs_hint = false} : vector<512x128xf32>, vector<128x64xf32>, vector<512x64xf32> -> vector<512x64xf32>
    %get3A_6 = arith.constant 0 : index
    %get3A_7 = arith.constant 0 : index
    %get3A_8 = vector.load %arg3[%get3A_6, %get3A_7] : memref<1x64xf32, #tpu.memory_space<vmem>>, vector<1x64xf32>
    %add3A = vector.broadcast %get3A_8 : vector<1x64xf32> to vector<512x64xf32>
    %add3A_9 = arith.addf %dot_general3A_5, %add3A : vector<512x64xf32>
    %max3A = arith.constant 0.000000e+00 : f32
    %max3A_10 = vector.broadcast %max3A : f32 to vector<512x64xf32>
    %max3A_11 = arith.maximumf %add3A_9, %max3A_10 : vector<512x64xf32>
    %get3A_12 = arith.constant 0 : index
    %get3A_13 = arith.constant 0 : index
    %get3A_14 = vector.load %arg4[%get3A_12, %get3A_13] : memref<128x64xf32, #tpu.memory_space<vmem>>, vector<128x64xf32>
    %dot_general3A_15 = arith.constant dense<0.000000e+00> : vector<512x64xf32>
    %dot_general3A_16 = tpu.matmul %get3A_1, %get3A_14, %dot_general3A_15 {dimension_numbers = #tpu.dot_dimension_numbers<[1], [0], [0], [1], [0, 0, 1, 1], [], []>, transpose_lhs_hint = false} : vector<512x128xf32>, vector<128x64xf32>, vector<512x64xf32> -> vector<512x64xf32>
    %get3A_17 = arith.constant 0 : index
    %get3A_18 = arith.constant 0 : index
    %get3A_19 = vector.load %arg5[%get3A_17, %get3A_18] : memref<1x64xf32, #tpu.memory_space<vmem>>, vector<1x64xf32>
    %add3A_20 = vector.broadcast %get3A_19 : vector<1x64xf32> to vector<512x64xf32>
    %add3A_21 = arith.addf %dot_general3A_16, %add3A_20 : vector<512x64xf32>
    %max3A_22 = arith.constant 0.000000e+00 : f32
    %max3A_23 = vector.broadcast %max3A_22 : f32 to vector<512x64xf32>
    %max3A_24 = arith.maximumf %add3A_21, %max3A_23 : vector<512x64xf32>
    %get3A_25 = arith.constant 0 : index
    %get3A_26 = arith.constant 0 : index
    %get3A_27 = vector.load %arg6[%get3A_25, %get3A_26] : memref<2x512xf32, #tpu.memory_space<vmem>>, vector<1x512xf32>
    %get3A_28 = vector.shape_cast %get3A_27 : vector<1x512xf32> to vector<512xf32>
    %get3A_29 = arith.constant 1 : index
    %get3A_30 = arith.constant 0 : index
    %get3A_31 = vector.load %arg6[%get3A_29, %get3A_30] : memref<2x512xf32, #tpu.memory_space<vmem>>, vector<1x512xf32>
    %get3A_32 = vector.shape_cast %get3A_31 : vector<1x512xf32> to vector<512xf32>
    %add3A_33 = arith.addf %get3A_28, %get3A_32 : vector<512xf32>
    %max3A_34 = arith.constant 1.000000e+00 : f32
    %max3A_35 = vector.broadcast %max3A_34 : f32 to vector<512xf32>
    %max3A_36 = arith.maximumf %add3A_33, %max3A_35 : vector<512xf32>
    %rsqrt3A = math.rsqrt %max3A_36 : vector<512xf32>
    %broadcast_in_dim3A = vector.shape_cast %rsqrt3A : vector<512xf32> to vector<512x1xf32>
    %neg3A = arith.constant 0.000000e+00 : f32
    %neg3A_37 = vector.broadcast %neg3A : f32 to vector<512x64xf32>
    %neg3A_38 = arith.subf %neg3A_37, %max3A_24 : vector<512x64xf32>
    %exp3A = math.exp %neg3A_38 : vector<512x64xf32>
    %mul3A = arith.mulf %max3A_11, %exp3A : vector<512x64xf32>
    %mul3A_39 = vector.broadcast %broadcast_in_dim3A : vector<512x1xf32> to vector<512x64xf32>
    %mul3A_40 = arith.mulf %mul3A, %mul3A_39 : vector<512x64xf32>
    %mul3A_41 = arith.mulf %exp3A, %exp3A : vector<512x64xf32>
    %mul3A_42 = arith.mulf %max3A_24, %mul3A_41 : vector<512x64xf32>
    %mul3A_43 = arith.mulf %broadcast_in_dim3A, %broadcast_in_dim3A : vector<512x1xf32>
    %mul3A_44 = vector.broadcast %mul3A_43 : vector<512x1xf32> to vector<512x64xf32>
    %mul3A_45 = arith.mulf %mul3A_42, %mul3A_44 : vector<512x64xf32>
    %concatenate3A = tpu.concatenate %mul3A_40, %mul3A_45 in 1 : vector<512x64xf32>, vector<512x64xf32> -> vector<512x128xf32>
    %swap3A = arith.constant 0 : index
    %swap3A_46 = arith.constant 0 : index
    %swap3A_47 = vector.load %arg7[%swap3A, %swap3A_46] : memref<512x128xf32, #tpu.memory_space<vmem>>, vector<512x128xf32>
    tpu.vector_store %arg7[%swap3A, %swap3A_46], %concatenate3A {strides = array<i32>} : memref<512x128xf32, #tpu.memory_space<vmem>>, vector<512x128xf32>,
    %swap3A_48 = arith.constant 0 : index
    %swap3A_49 = arith.constant 0 : index
    %swap3A_50 = vector.load %arg8[%swap3A_48, %swap3A_49] : memref<512x1xf32, #tpu.memory_space<vmem>>, vector<512x1xf32>
    tpu.vector_store %arg8[%swap3A_48, %swap3A_49], %broadcast_in_dim3A {strides = array<i32>} : memref<512x1xf32, #tpu.memory_space<vmem>>, vector<512x1xf32>,
    return
  }
  func.func @transform_0(%arg0: i32) -> (i32, i32) {
    %c0_i32 = arith.constant 0 : i32
    %c0_i32_0 = arith.constant 0 : i32
    return %arg0, %c0_i32 : i32, i32
  }
  func.func @transform_1(%arg0: i32) -> (i32, i32) {
    %c0_i32 = arith.constant 0 : i32
    %c0_i32_0 = arith.constant 0 : i32
    %c0_i32_1 = arith.constant 0 : i32
    return %c0_i32, %c0_i32_0 : i32, i32
  }
  func.func @transform_2(%arg0: i32) -> (i32, i32) {
    %c0_i32 = arith.constant 0 : i32
    %c0_i32_0 = arith.constant 0 : i32
    %c0_i32_1 = arith.constant 0 : i32
    return %c0_i32, %c0_i32_0 : i32, i32
  }
  func.func @transform_3(%arg0: i32) -> (i32, i32) {
    %c0_i32 = arith.constant 0 : i32
    %c0_i32_0 = arith.constant 0 : i32
    %c0_i32_1 = arith.constant 0 : i32
    return %c0_i32, %c0_i32_0 : i32, i32
  }
  func.func @transform_4(%arg0: i32) -> (i32, i32) {
    %c0_i32 = arith.constant 0 : i32
    %c0_i32_0 = arith.constant 0 : i32
    %c0_i32_1 = arith.constant 0 : i32
    return %c0_i32, %c0_i32_0 : i32, i32
  }
  func.func @transform_5(%arg0: i32) -> (i32, i32) {
    %c0_i32 = arith.constant 0 : i32
    %c0_i32_0 = arith.constant 0 : i32
    return %c0_i32, %arg0 : i32, i32
  }
  func.func @transform_6(%arg0: i32) -> (i32, i32) {
    %c0_i32 = arith.constant 0 : i32
    %c0_i32_0 = arith.constant 0 : i32
    return %arg0, %c0_i32 : i32, i32
  }
  func.func @transform_7(%arg0: i32) -> (i32, i32) {
    %c0_i32 = arith.constant 0 : i32
    %c0_i32_0 = arith.constant 0 : i32
    return %arg0, %c0_i32 : i32, i32
  }
}

module attributes {stable_mosaic.version = 14 : i64} {
  func.func @_layer2_body(%arg0: i32, %arg1: memref<512x128xf32, #tpu.memory_space<vmem>>, %arg2: memref<512x1xf32, #tpu.memory_space<vmem>>, %arg3: memref<64x64xf32, #tpu.memory_space<vmem>>, %arg4: memref<1x64xf32, #tpu.memory_space<vmem>>, %arg5: memref<64x64xf32, #tpu.memory_space<vmem>>, %arg6: memref<1x64xf32, #tpu.memory_space<vmem>>, %arg7: memref<512x128xf32, #tpu.memory_space<vmem>>) attributes {dimension_semantics = [#tpu.dimension_semantics<arbitrary>], iteration_bounds = array<i64: 196>, scalar_prefetch = 0 : i64, scratch_operands = 0 : i64, tpu.core_type = #tpu.core_type<tc>, window_params = [{transform_indices = @transform_0, window_bounds = array<i64: 512, 128>}, {transform_indices = @transform_1, window_bounds = array<i64: 512, 1>}, {pipeline_mode = #tpu.pipeline_mode<synchronous>, transform_indices = @transform_2, window_bounds = array<i64: 64, 64>}, {pipeline_mode = #tpu.pipeline_mode<synchronous>, transform_indices = @transform_3, window_bounds = array<i64: 1, 64>}, {pipeline_mode = #tpu.pipeline_mode<synchronous>, transform_indices = @transform_4, window_bounds = array<i64: 64, 64>}, {pipeline_mode = #tpu.pipeline_mode<synchronous>, transform_indices = @transform_5, window_bounds = array<i64: 1, 64>}, {transform_indices = @transform_6, window_bounds = array<i64: 512, 128>}]} {
    %get3A = arith.constant 0 : index
    %get3A_0 = arith.constant 0 : index
    %get3A_1 = vector.load %arg2[%get3A, %get3A_0] : memref<512x1xf32, #tpu.memory_space<vmem>>, vector<512x1xf32>
    %get3A_2 = arith.constant 0 : index
    %get3A_3 = arith.constant 0 : index
    %get3A_4 = vector.load %arg1[%get3A_2, %get3A_3] : memref<512x128xf32, #tpu.memory_space<vmem>>, vector<512x64xf32>
    %mul3A = vector.broadcast %get3A_1 : vector<512x1xf32> to vector<512x64xf32>
    %mul3A_5 = arith.mulf %get3A_4, %mul3A : vector<512x64xf32>
    %get3A_6 = arith.constant 0 : index
    %get3A_7 = arith.constant 64 : index
    %get3A_8 = vector.load %arg1[%get3A_6, %get3A_7] : memref<512x128xf32, #tpu.memory_space<vmem>>, vector<512x64xf32>
    %mul3A_9 = arith.mulf %get3A_1, %get3A_1 : vector<512x1xf32>
    %mul3A_10 = vector.broadcast %mul3A_9 : vector<512x1xf32> to vector<512x64xf32>
    %mul3A_11 = arith.mulf %get3A_8, %mul3A_10 : vector<512x64xf32>
    %get3A_12 = arith.constant 0 : index
    %get3A_13 = arith.constant 0 : index
    %get3A_14 = vector.load %arg3[%get3A_12, %get3A_13] : memref<64x64xf32, #tpu.memory_space<vmem>>, vector<64x64xf32>
    %dot_general3A = arith.constant dense<0.000000e+00> : vector<512x64xf32>
    %dot_general3A_15 = tpu.matmul %mul3A_5, %get3A_14, %dot_general3A {dimension_numbers = #tpu.dot_dimension_numbers<[1], [0], [0], [1], [0, 0, 1, 1], [], []>, transpose_lhs_hint = false} : vector<512x64xf32>, vector<64x64xf32>, vector<512x64xf32> -> vector<512x64xf32>
    %get3A_16 = arith.constant 0 : index
    %get3A_17 = arith.constant 0 : index
    %get3A_18 = vector.load %arg4[%get3A_16, %get3A_17] : memref<1x64xf32, #tpu.memory_space<vmem>>, vector<1x64xf32>
    %add3A = vector.broadcast %get3A_18 : vector<1x64xf32> to vector<512x64xf32>
    %add3A_19 = arith.addf %dot_general3A_15, %add3A : vector<512x64xf32>
    %get3A_20 = arith.constant 0 : index
    %get3A_21 = arith.constant 0 : index
    %get3A_22 = vector.load %arg5[%get3A_20, %get3A_21] : memref<64x64xf32, #tpu.memory_space<vmem>>, vector<64x64xf32>
    %dot_general3A_23 = arith.constant dense<0.000000e+00> : vector<512x64xf32>
    %dot_general3A_24 = tpu.matmul %mul3A_11, %get3A_22, %dot_general3A_23 {dimension_numbers = #tpu.dot_dimension_numbers<[1], [0], [0], [1], [0, 0, 1, 1], [], []>, transpose_lhs_hint = false} : vector<512x64xf32>, vector<64x64xf32>, vector<512x64xf32> -> vector<512x64xf32>
    %get3A_25 = arith.constant 0 : index
    %get3A_26 = arith.constant 0 : index
    %get3A_27 = vector.load %arg6[%get3A_25, %get3A_26] : memref<1x64xf32, #tpu.memory_space<vmem>>, vector<1x64xf32>
    %add3A_28 = vector.broadcast %get3A_27 : vector<1x64xf32> to vector<512x64xf32>
    %add3A_29 = arith.addf %dot_general3A_24, %add3A_28 : vector<512x64xf32>
    %neg3A = arith.constant 0.000000e+00 : f32
    %neg3A_30 = vector.broadcast %neg3A : f32 to vector<512x64xf32>
    %neg3A_31 = arith.subf %neg3A_30, %add3A_29 : vector<512x64xf32>
    %exp3A = math.exp %neg3A_31 : vector<512x64xf32>
    %mul3A_32 = arith.mulf %add3A_19, %exp3A : vector<512x64xf32>
    %mul3A_33 = vector.broadcast %get3A_1 : vector<512x1xf32> to vector<512x64xf32>
    %mul3A_34 = arith.mulf %mul3A_32, %mul3A_33 : vector<512x64xf32>
    %mul3A_35 = arith.mulf %exp3A, %exp3A : vector<512x64xf32>
    %mul3A_36 = arith.mulf %add3A_29, %mul3A_35 : vector<512x64xf32>
    %mul3A_37 = arith.mulf %get3A_1, %get3A_1 : vector<512x1xf32>
    %mul3A_38 = vector.broadcast %mul3A_37 : vector<512x1xf32> to vector<512x64xf32>
    %mul3A_39 = arith.mulf %mul3A_36, %mul3A_38 : vector<512x64xf32>
    %concatenate3A = tpu.concatenate %mul3A_34, %mul3A_39 in 1 : vector<512x64xf32>, vector<512x64xf32> -> vector<512x128xf32>
    %swap3A = arith.constant 0 : index
    %swap3A_40 = arith.constant 0 : index
    %swap3A_41 = vector.load %arg7[%swap3A, %swap3A_40] : memref<512x128xf32, #tpu.memory_space<vmem>>, vector<512x128xf32>
    tpu.vector_store %arg7[%swap3A, %swap3A_40], %concatenate3A {strides = array<i32>} : memref<512x128xf32, #tpu.memory_space<vmem>>, vector<512x128xf32>,
    return
  }
  func.func @transform_0(%arg0: i32) -> (i32, i32) {
    %c0_i32 = arith.constant 0 : i32
    %c0_i32_0 = arith.constant 0 : i32
    return %arg0, %c0_i32 : i32, i32
  }
  func.func @transform_1(%arg0: i32) -> (i32, i32) {
    %c0_i32 = arith.constant 0 : i32
    %c0_i32_0 = arith.constant 0 : i32
    return %arg0, %c0_i32 : i32, i32
  }
  func.func @transform_2(%arg0: i32) -> (i32, i32) {
    %c0_i32 = arith.constant 0 : i32
    %c0_i32_0 = arith.constant 0 : i32
    %c0_i32_1 = arith.constant 0 : i32
    return %c0_i32, %c0_i32_0 : i32, i32
  }
  func.func @transform_3(%arg0: i32) -> (i32, i32) {
    %c0_i32 = arith.constant 0 : i32
    %c0_i32_0 = arith.constant 0 : i32
    %c0_i32_1 = arith.constant 0 : i32
    return %c0_i32, %c0_i32_0 : i32, i32
  }
  func.func @transform_4(%arg0: i32) -> (i32, i32) {
    %c0_i32 = arith.constant 0 : i32
    %c0_i32_0 = arith.constant 0 : i32
    %c0_i32_1 = arith.constant 0 : i32
    return %c0_i32, %c0_i32_0 : i32, i32
  }
  func.func @transform_5(%arg0: i32) -> (i32, i32) {
    %c0_i32 = arith.constant 0 : i32
    %c0_i32_0 = arith.constant 0 : i32
    %c0_i32_1 = arith.constant 0 : i32
    return %c0_i32, %c0_i32_0 : i32, i32
  }
  func.func @transform_6(%arg0: i32) -> (i32, i32) {
    %c0_i32 = arith.constant 0 : i32
    %c0_i32_0 = arith.constant 0 : i32
    return %arg0, %c0_i32 : i32, i32
  }
}

module attributes {stable_mosaic.version = 14 : i64} {
  func.func @_final_body(%arg0: i32, %arg1: memref<512x128xf32, #tpu.memory_space<vmem>>, %arg2: memref<512x1xf32, #tpu.memory_space<vmem>>, %arg3: memref<512x64xf32, #tpu.memory_space<vmem>>, %arg4: memref<512x64xf32, #tpu.memory_space<vmem>>) attributes {dimension_semantics = [#tpu.dimension_semantics<arbitrary>], iteration_bounds = array<i64: 196>, scalar_prefetch = 0 : i64, scratch_operands = 0 : i64, tpu.core_type = #tpu.core_type<tc>, window_params = [{transform_indices = @transform_0, window_bounds = array<i64: 512, 128>}, {transform_indices = @transform_1, window_bounds = array<i64: 512, 1>}, {transform_indices = @transform_2, window_bounds = array<i64: 512, 64>}, {transform_indices = @transform_3, window_bounds = array<i64: 512, 64>}]} {
    %get3A = arith.constant 0 : index
    %get3A_0 = arith.constant 0 : index
    %get3A_1 = vector.load %arg2[%get3A, %get3A_0] : memref<512x1xf32, #tpu.memory_space<vmem>>, vector<512x1xf32>
    %get3A_2 = arith.constant 0 : index
    %get3A_3 = arith.constant 0 : index
    %get3A_4 = vector.load %arg1[%get3A_2, %get3A_3] : memref<512x128xf32, #tpu.memory_space<vmem>>, vector<512x64xf32>
    %mul3A = vector.broadcast %get3A_1 : vector<512x1xf32> to vector<512x64xf32>
    %mul3A_5 = arith.mulf %get3A_4, %mul3A : vector<512x64xf32>
    %get3A_6 = arith.constant 0 : index
    %get3A_7 = arith.constant 64 : index
    %get3A_8 = vector.load %arg1[%get3A_6, %get3A_7] : memref<512x128xf32, #tpu.memory_space<vmem>>, vector<512x64xf32>
    %mul3A_9 = arith.mulf %get3A_1, %get3A_1 : vector<512x1xf32>
    %mul3A_10 = vector.broadcast %mul3A_9 : vector<512x1xf32> to vector<512x64xf32>
    %mul3A_11 = arith.mulf %get3A_8, %mul3A_10 : vector<512x64xf32>
    %get3A_12 = arith.constant 0 : index
    %get3A_13 = arith.constant 0 : index
    %get3A_14 = vector.load %arg3[%get3A_12, %get3A_13] : memref<512x64xf32, #tpu.memory_space<vmem>>, vector<512x64xf32>
    %add3A = arith.constant 9.99999993E-9 : f32
    %add3A_15 = vector.broadcast %add3A : f32 to vector<512x64xf32>
    %add3A_16 = arith.addf %mul3A_11, %add3A_15 : vector<512x64xf32>
    %sqrt3A = math.sqrt %add3A_16 : vector<512x64xf32>
    %mul3A_17 = arith.mulf %get3A_14, %sqrt3A : vector<512x64xf32>
    %add3A_18 = arith.addf %mul3A_17, %mul3A_5 : vector<512x64xf32>
    %swap3A = arith.constant 0 : index
    %swap3A_19 = arith.constant 0 : index
    %swap3A_20 = vector.load %arg4[%swap3A, %swap3A_19] : memref<512x64xf32, #tpu.memory_space<vmem>>, vector<512x64xf32>
    tpu.vector_store %arg4[%swap3A, %swap3A_19], %add3A_18 {strides = array<i32>} : memref<512x64xf32, #tpu.memory_space<vmem>>, vector<512x64xf32>,
    return
  }
  func.func @transform_0(%arg0: i32) -> (i32, i32) {
    %c0_i32 = arith.constant 0 : i32
    %c0_i32_0 = arith.constant 0 : i32
    return %arg0, %c0_i32 : i32, i32
  }
  func.func @transform_1(%arg0: i32) -> (i32, i32) {
    %c0_i32 = arith.constant 0 : i32
    %c0_i32_0 = arith.constant 0 : i32
    return %arg0, %c0_i32 : i32, i32
  }
  func.func @transform_2(%arg0: i32) -> (i32, i32) {
    %c0_i32 = arith.constant 0 : i32
    %c0_i32_0 = arith.constant 0 : i32
    return %arg0, %c0_i32 : i32, i32
  }
  func.func @transform_3(%arg0: i32) -> (i32, i32) {
    %c0_i32 = arith.constant 0 : i32
    %c0_i32_0 = arith.constant 0 : i32
    return %arg0, %c0_i32 : i32, i32
  }
}

</mosaic_0001>

<sc_bundles>
// kernel: kernel.11.cloned.1.call-start
scs
__scs_entry_jumppad:
0x0: {  	(pc) =	sbr.rel $0x88, $3  }
0x1: {  	(tag) =	ssettag $0x0;
	lr =	simm.s32 $0x1  }
0x2: {  	[smem:$0x3F97] =	sst lr;
	_ =	strace $0xD0000000  }
0x3: {  	_ = 	snop  }
0x4: {  	_ = 	snop  }
0x5: {  	_ = 	snop  }
0x6: {  	_ = 	snop  }
0x7: {  	_ = 	snop  }
__scs_overlays_trampoline_lowered:
0x8: {  	[smem:$0x3FA6] =	sst s0  }
0x9: {  	[smem:$0x3FA7] =	sst s1  }
0xa: {  	[smem:$0x3FA8] =	sst s2  }
0xb: {  	[smem:$0x3FA9] =	sst s3  }
0xc: {  	[smem:$0x3FAA] =	sst s4  }
0xd: {  	[smem:$0x3FAB] =	sst s5  }
0xe: {  	[smem:$0x3FAC] =	sst s6  }
0xf: {  	[smem:$0x3FAD] =	sst s7  }
0x10: {  	[smem:$0x3FAE] =	sst s8  }
0x11: {  	[smem:$0x3FAF] =	sst s9;
	s0 =	simm.s32 @!p0 $0x0  }
0x12: {  	s1 =	sld [smem:$0x3F95];
	s0 =	simm.s32 @p0 $0x1  }
0x13: {  	[smem:$0x3FB0] =	sst s0;
	s0 =	simm.s32 @!p1 $0x0  }
0x14: {  	s2 =	sld [smem:$0x3F94];
	s0 =	simm.s32 @p1 $0x1  }
0x15: {  	[smem:$0x3FB1] =	sst s0;
	s0 =	simm.s32 @!p2 $0x0  }
0x16: {  	s3 =	sld [smem:$0x3FDB];
	s0 =	simm.s32 @p2 $0x1  }
0x17: {  	s4 =	simm.s32 $0x1BF5;
	[smem:$0x3FB3] =	sst s0  }
0x18: {  	s0 =	sld [smem:$0x3F96];
	_ =	swait.ge [sflag:s4], $0x0  }
0x19: {  	s7 =	sld [smem:$0x3F97]  }
0x1a: {  	s8 =	sadd.s32 $0xFFFFE003, lr  }
0x1b: {  	s9 =	sadd.s32 $0xFFFFFEF7, lr;
	s5 =	simm.s32 $0xFFFFFFFF;
	p2 =	slt.u32 s8, $0xFFFFF086  }
0x1c: {  	p1 =	slt.u32 s9, $0xF7A;
	s5 =	simm.s32 @!p2 $0x0  }
0x1d: {  	s5 =	simm.s32 @p1 $0x1;
	p0 =	seq.s32 s7, s2  }
0x1e: {  	s7 =	smul.u32 @!p0 $0xF7A, s2;
	p2 =	seq.s32 @!p0 s5, $0x0  }
0x1f: {  	s9 =	smul.u32 $0xF7A, s1;
	s8 =	simm.s32 @!p0 $0x1BF5;
	p2 =	por !p2, p0  }
0x20: {  	[sflag:s8] =	ssyncset.s32 @!p0 $0xFFFFF086;
	s6 =	sadd.s32 @!p0 s3, s7;
	s7 =	simm.s32 @!p0 $0x108  }
0x21: {  	s3 =	sadd.s32 s3, s9;
	s6 =	sadd.s32 @!p0 $0x88, s6;
	s7 =	simm.s32 @p2 $0x1082  }
0x22: {  	[simem:s7], [sflag:s8] =	dma.local @!p0 [hbm:s6], $0xF7A  }
0x23: {  	s9 =	sor.u32 $0xD0000000, s2;
	s6 =	simm.s32 $0x108;
	_ =	swait.ge @!p0 [sflag:s8], $0x0  }
0x24: {  	s3 =	sadd.s32 $0x88, s3;
	s6 =	simm.s32 @!p1 $0x1082;
	[sflag:s4] =	ssyncset.s32 $0xFFFFF086  }
0x25: {  	[simem:s6], [sflag:s4] =	dma.local [hbm:s3], $0xF7A  }
0x26: {  	[smem:$0x3F97] =	sst s1;
	(tag) =	ssettag s2;
	_ =	strace s9  }
0x27: {  	s1 =	sld [smem:$0x3FA7]  }
0x28: {  	s2 =	sld [smem:$0x3FA8]  }
0x29: {  	s4 =	sld [smem:$0x3FAA]  }
0x2a: {  	p0 =	seq.s32 s5, $0x0;
	s5 =	sld [smem:$0x3FAB]  }
0x2b: {  	s6 =	sld [smem:$0x3FAC]  }
0x2c: {  	s7 =	sld [smem:$0x3FAD]  }
0x2d: {  	s3 =	simm.s32 $0x108;
	s8 =	sld [smem:$0x3FAE]  }
0x2e: {  	s3 =	simm.s32 @!p0 $0x1082;
	s9 =	sld [smem:$0x3FAF]  }
0x2f: {  	lr =	sadd.s32 s0, s3;
	s0 =	sld [smem:$0x3FA6]  }
0x30: {  	s3 =	sld [smem:$0x3FA9]  }
0x31: {  	[smem:$0x3FB2] =	sst s10  }
0x32: {  	s10 =	sld [smem:$0x3FB0];
	_ =	sdelay $0x3  }
0x33: {  	p0 =	seq.s32 s10, $0x1;
	s10 =	sld [smem:$0x3FB2];
	_ =	sdelay $0x3  }
0x34: {  	[smem:$0x3FB2] =	sst s10  }
0x35: {  	s10 =	sld [smem:$0x3FB1];
	_ =	sdelay $0x3  }
0x36: {  	p1 =	seq.s32 s10, $0x1;
	s10 =	sld [smem:$0x3FB2];
	_ =	sdelay $0x3  }
0x37: {  	[smem:$0x3FB2] =	sst s10  }
0x38: {  	s10 =	sld [smem:$0x3FB3]  }
0x39: {  	_ = 	snop;
	(pc) =	sbr.ind lr, $3  }
0x3a: {  	_ = 	snop  }
0x3b: {  	_ = 	snop  }
0x3c: {  	p2 =	seq.s32 s10, $0x1;
	s10 =	sld [smem:$0x3FB2]  }
0x3d: {  	_ =	shalt  }
0x3e: {  	_ =	shalt  }
0x3f: {  	_ =	shalt  }
0x40: {  	_ =	shalt  }
0x41: {  	_ =	shalt  }
0x42: {  	_ =	shalt  }
0x43: {  	_ =	shalt  }
0x44: {  	_ =	shalt  }
0x45: {  	_ =	shalt  }
0x46: {  	_ =	shalt  }
0x47: {  	_ =	shalt  }
0x48: {  	_ =	shalt  }
0x49: {  	_ =	shalt  }
0x4a: {  	_ =	shalt  }
0x4b: {  	_ =	shalt  }
0x4c: {  	_ =	shalt  }
0x4d: {  	_ =	shalt  }
0x4e: {  	_ =	shalt  }
0x4f: {  	_ =	shalt  }
0x50: {  	_ =	shalt  }
0x51: {  	_ =	shalt  }
0x52: {  	_ =	shalt  }
0x53: {  	_ =	shalt  }
0x54: {  	_ =	shalt  }
0x55: {  	_ =	shalt  }
0x56: {  	_ =	shalt  }
0x57: {  	_ =	shalt  }
0x58: {  	_ =	shalt  }
0x59: {  	_ =	shalt  }
0x5a: {  	_ =	shalt  }
0x5b: {  	_ =	shalt  }
0x5c: {  	_ =	shalt  }
0x5d: {  	_ =	shalt  }
0x5e: {  	_ =	shalt  }
0x5f: {  	_ =	shalt  }
0x60: {  	_ =	shalt  }
0x61: {  	_ =	shalt  }
0x62: {  	_ =	shalt  }
0x63: {  	_ =	shalt  }
0x64: {  	_ =	shalt  }
0x65: {  	_ =	shalt  }
0x66: {  	_ =	shalt  }
0x67: {  	_ =	shalt  }
0x68: {  	_ =	shalt  }
0x69: {  	_ =	shalt  }
0x6a: {  	_ =	shalt  }
0x6b: {  	_ =	shalt  }
0x6c: {  	_ =	shalt  }
0x6d: {  	_ =	shalt  }
0x6e: {  	_ =	shalt  }
0x6f: {  	_ =	shalt  }
0x70: {  	_ =	shalt  }
0x71: {  	_ =	shalt  }
0x72: {  	_ =	shalt  }
0x73: {  	_ =	shalt  }
0x74: {  	_ =	shalt  }
0x75: {  	_ =	shalt  }
0x76: {  	_ =	shalt  }
0x77: {  	_ =	shalt  }
0x78: {  	_ =	shalt  }
0x79: {  	_ =	shalt  }
0x7a: {  	_ =	shalt  }
0x7b: {  	_ =	shalt  }
0x7c: {  	_ =	shalt  }
0x7d: {  	_ =	shalt  }
0x7e: {  	_ =	shalt  }
0x7f: {  	_ =	shalt  }
0x80: {  	_ =	shalt  }
0x81: {  	_ =	shalt  }
0x82: {  	_ =	shalt  }
0x83: {  	_ =	shalt  }
0x84: {  	_ =	shalt  }
0x85: {  	_ =	shalt  }
0x86: {  	_ =	shalt  }
0x87: {  	_ =	shalt  }
.Lfunc_end0:
.L_simem_size_0:
called_computation.3_lowered:
.L_overlay_start_0:
0x88: {  	s2 =	sld [smem:$0x3FD9]  }
0x89: {  	s3 =	sld [smem:$0x3FFE];
	_ =	sdelay $0x1  }
0x8a: {  	s1 =	srdreg.scid  }
0x8b: {  	s0 =	sand.u32 $0x1, s1  }
0x8c: {  	s17 =	sshll.u32 s0, $0xA;
	s2 =	sadd.s32 s3, s2  }
0x8d: {  	s2 =	sadd.s32 s2, s17  }
0x8e: {  	[smem:$0x3FBE] =	sst s2  }
0x8f: {  	_ = 	snop  }
0x90: {  	s2 =	sld [smem:$0x3FD0];
	(tm) =	ssettm $0x1  }
0x91: {  	s18 =	sld [smem:$0x3FFB];
	_ =	sdelay $0x3  }
0x92: {  	_ =	strace s18  }
0x93: {  	s3 =	sld [smem:$0x3FFC];
	_ =	sdelay $0x3  }
0x94: {  	_ =	strace s3  }
0x95: {  	s3 =	sld [smem:$0x3FFD];
	_ =	sdelay $0x3  }
0x96: {  	_ =	strace s3  }
0x97: {  	_ =	strace $0x8FFFFFFF  }
0x98: {  	s19 =	sld [smem:$0x3FDB];
	_ =	sdelay $0x1  }
0x99: {  	s4 =	simm.s32 $_scs_section_size  }
0x9a: {  	s5 =	simm.s32 $_size__tile_overlayer_lowered;
	s6 =	simm.s32 $_tile_overlayer_lowered  }
0x9b: {  	s22 =	simm.s32 $0x1BFF;
	s21 =	sshll.u32 s6, $0x1;
	s3 =	sadd.s32 s4, s19  }
0x9c: {  	s7 =	simm.s32 $0x0;
	s20 =	sshll.u32 s5, $0x1;
	s5 =	sadd.s32 s21, s3  }
0x9d: {  	[timem:s7], [sflag:s22] =	dma.local [hbm:s5], s20  }
0x9e: {  	_ =	swait.ge [sflag:s22], s20  }
0x9f: {  	s4 =	ssub.s32 $0x0, s20;
	[sflag:s22] =	ssyncset.done $0x0  }
0xa0: {  	[sflag:s22] =	ssyncadd.s32 s4;
	_ =	sdelay $0x1  }
0xa1: {  	s23 =	simm.s32 $0x1B8B  }
0xa2: {  	_ =	swait.ge [sflag:s23], $0x1  }
0xa3: {  	[sflag:s23] =	ssyncset.done $0x0  }
0xa4: {  	s25 =	simm.s32 $0x1B8E;
	s24 =	sld [smem:$0x3FFE];
	[sflag:s23] =	ssyncadd.s32 $0xFFFFFFFF  }
0xa5: {  	s26 =	simm.s32 $execute0_lowered;
	[smem:$0x3FD2] =	sst s25  }
0xa6: {  	s5 =	sshll.u32 s26, $0x1;
	_ =	strace $0x80000049;
	[dreg:$0x1] =	wrdreg $0xFFFFFFFF  }
0xa7: {  	s28 =	simm.s32 $_size_execute0_lowered;
	s3 =	sadd.s32 s3, s5;
	[dreg:$0x0] =	wrdreg $0x0  }
0xa8: {  	s5 =	sshll.u32 s28, $0x1;
	[dreg:$0x2] =	wrdreg s3  }
0xa9: {  	[dreg:$0x3] =	wrdreg s5  }
0xaa: {  	[dreg:$0x4] =	wrdreg $0xC0  }
0xab: {  	_ =	task [dreg:s7], $0x5FFFF  }
0xac: {  	[dreg:$0x1] =	wrdreg $0xFFFFFFFF  }
0xad: {  	[dreg:$0x0] =	wrdreg $0x60  }
0xae: {  	[dreg:$0x2] =	wrdreg s24  }
0xaf: {  	[dreg:$0x3] =	wrdreg s2  }
0xb0: {  	[dreg:$0x4] =	wrdreg $0x0  }
0xb1: {  	[dreg:$0x5] =	wrdreg $0x9  }
0xb2: {  	_ =	task.clear_ibuf [dreg:s7], $0x6FFFF;
	_ =	strace $0x90000049  }
0xb3: {  	s29 =	simm.s32 $0x9;
	_ =	strace $0x8000004B  }
0xb4: {  	_ =	swait.ge [sflag:s29], $0x1  }
0xb5: {  	[sflag:s29] =	ssyncadd.s32 $0xFFFFFFFF  }
0xb6: {  	_ =	strace $0x9000004B  }
0xb7: {  	_ =	sfence  }
0xb8: {  	s30 =	sld [smem:$0x0];
	_ =	sdelay $0x2  }
0xb9: {  	s31 =	sshll.u32 s1, $0xD;
	s1 =	sshrl.u32 s1, $0x2  }
0xba: {  	s3 =	sand.u32 $0x4000, s31;
	s1 =	sadd.s32 s1, s30  }
0xbb: {  	s0 =	sor.u32 s3, s0;
	s1 =	sshll.u32 s1, $0x11  }
0xbc: {  	s0 =	sor.u32 s1, s0  }
0xbd: {  	s0 =	sadd.s32 $0x8F2B, s0  }
0xbe: {  	[sflag:s0] =	ssyncadd.remote.s32 $0x1  }
0xbf: {  	_ =	sfence.sel $0xFFFF  }
0xc0: {  	[dreg:$0x0] =	wrdreg $0xFFFFFFFF;
	(pc) =	sbr.abs _section_cstart, $3  }
0xc1: {  	[dreg:$0x1] =	wrdreg $0xFFFFFFFF  }
0xc2: {  	_ =	task.clear_ibuf [dreg:s7], $0x2FFFF;
	_ =	strace $0x9FFFFFFF  }
0xc3: {  	(tm) =	ssettm $0x7FFFFFFF  }
tec
execute0_lowered:
.L_overlay_start_1:
0x0: {  	(tag) =	ssettag $0x1  }
0x1: {  	s0 =	rddreg [dreg:$0x0]  }
0x2: {  	s1 =	rddreg [dreg:$0x1]  }
0x3: {  	s2 =	rddreg [dreg:$0x2];
	s3 =	simm.s32 $0x0  }
0x4: {  	s4 =	srdreg.scid;
	s14 =	stileid.u32;
	s18 =	simm.s32 $0x1A300  }
0x5: {  	s19 =	simm.s32 $0x80;
	s28 =	simm.s32 $0x1C080;
	s30 =	simm.s32 $0x1A380  }
0x6: {  	s31 =	simm.s32 $0x2;
	[smem:$0x7FF] =	sst s3;
	s5 =	sadd.s32 $0x96E00, s0  }
0x7: {  	s6 =	sadd.s32 $0x34E00, s0;
	s7 =	sadd.s32 $0x3000, s0;
	s0 =	sadd.s32 $0x3A4200, s0  }
0x8: {  	s4 =	sand.u32 $0x1, s4;
	s10 =	smul.u32 $0xC380, s14;
	_ =	strace $0x8000004A  }
0x9: {  	[dreg:$0x5] =	wrdreg s7;
	s20 =	ssub.s32 $0x2, s4;
	s11 =	sshll.u32 s4, $0x2  }
0xa: {  	s9 =	smul.u32 $0x61C000, s4;
	s4 =	sshllo.u32 s4, $0x2;
	s8 =	sshrl.u32 s20, $0x1  }
0xb: {  	s12 =	sadd.s32 s10, s2;
	s13 =	sor.u32 $0x1, s11;
	s22 =	smul.u32 $0x187000, s4  }
0xc: {  	s29 =	sor.u32 $0x2, s11;
	s7 =	ssub.s32 s20, s8;
	s8 =	smul.u32 $0x620, s14  }
0xd: {  	s14 =	sshll.u32 s14, $0x6;
	s15 =	smul.u32 $0x187000, s13;
	s16 =	sadd.s32 s10, s9  }
0xe: {  	s17 =	smul.u32 $0x187000, s29;
	s20 =	simm.s32 $0x1BF00;
	v2 =	vmov s29;
	s29 =	simm.s32 $0x1F300  }
0xf: {  	s9 =	sor.u32 $0x1C03, s14;
	s21 =	sshrl.u32 s16, $0x3;
	s26 =	smax.u32 s7, $0x1  }
0x10: {  	s16 =	simm.s32 $0x3;
	s14 =	sadd.s32 s0, s21;
	s23 =	sadd.s32 s10, s15  }
0x11: {  	s24 =	sadd.s32 s10, s17;
	s10 =	sadd.s32 s10, s22;
	[dreg:$0xa] =	wrdreg s26  }
0x12: {  	s17 =	simm.s32 $0x18700;
	s21 =	simm.s32 $0x1DB00;
	s22 =	simm.s32 $0x1BF80  }
0x13: {  	s26 =	simm.s32 $0x1;
	[dreg:$0x6] =	wrdreg s14;
	s14 =	sshrl.u32 s23, $0x3  }
0x14: {  	s15 =	sshrl.u32 s24, $0x3;
	s10 =	sshrl.u32 s10, $0x3;
	s14 =	sadd.s32 s0, s14  }
0x15: {  	s23 =	simm.s32 $0x1E300;
	s25 =	sadd.s32 s0, s15;
	[dreg:$0x7] =	wrdreg s14  }
0x16: {  	s24 =	simm.s32 $0x1C000;
	s0 =	sadd.s32 s0, s10;
	[dreg:$0x8] =	wrdreg s25  }
0x17: {  	v0 =	vmov s11;
	v3 =	vmov s4;
	v1 =	vmov s13;
	s15 =	sshrl.u32 s12, $0x3;
	[dreg:$0x9] =	wrdreg s0;
	s25 =	simm.s32 $0x1EB00  }
.LBB2_1:
0x18: {  	s0 =	rddreg [dreg:$0x5]  }
0x19: {  	[spmem:s15], [sflag:s9] =	dma.local [hbm:s0], $0x1870  }
0x1a: {  	_ =	swait.ge [sflag:s16], $0x1870  }
0x1b: {  	[sflag:s16] =	ssyncset.done $0x0  }
0x1c: {  	[sflag:s16] =	ssyncadd.s32 $0xFFFFE790  }
0x1d: {  	s0 =	simm.s32 $0x0;
	[bflag:$0x0] =	sbarrier.arrive $0xFFFF  }
.LBB2_2:
0x1e: {  	s4 =	smul.u32 $0x38, s0;
	_ =	sdelay $0x1  }
0x1f: {  	s4 =	sadd.s32 s8, s4  }
0x20: {  	s4 =	sshll.u32 s4, $0x4  }
0x21: {  	s10 =	simm.s32 $0x0;
	s7 =	sadd.s32 s6, s4  }
0x22: {  	[tilespmem:s17], [sflag:$0x3] =	stream.linear.gather [hbm4b:s7+s10], $0x1C00, $0x38;
	[tilespmem:$0x1FB00] =	vst v63  }
0x23: {  	_ =	swait.ge [sflag:s16], $0x1C00  }
0x24: {  	[sflag:s16] =	ssyncset.done $0x0  }
0x25: {  	s4 =	sadd.s32 s1, s4;
	[sflag:s16] =	ssyncadd.s32 $0xFFFFE400  }
0x26: {  	[tilespmem:s18], [sflag:$0x3] =	stream.linear.gather [hbm4b:s4+s10], $0x1C00, $0x38;
	[tilespmem:$0x1FB00] =	vst v63  }
0x27: {  	_ =	swait.ge [sflag:s16], $0x1C00  }
0x28: {  	[sflag:s16] =	ssyncset.done $0x0  }
0x29: {  	s10 =	simm.s32 $0x0;
	[sflag:s16] =	ssyncadd.s32 $0xFFFFE400  }
0x2a: {  	v4 =	vld [tilespmem:s10+$0x18770]  }
0x2b: {  	v6 =	vld [tilespmem:s10+$0x18700]  }
0x2c: {  	v10 =	vld [tilespmem:s10+$0x18710]  }
0x2d: {  	v8 =	vld [tilespmem:s10+$0x18720]  }
0x2e: {  	v7 =	vld [tilespmem:s10+$0x18730]  }
0x2f: {  	v5 =	vld [tilespmem:s10+$0x18740];
	v9 =	vshll.u32 v4, $0x3  }
0x30: {  	v4 =	vld [tilespmem:s10+$0x18750];
	v11 =	vshll.u32 v6, $0x3;
	v12 =	vor.u32 v0, v9  }
0x31: {  	s11 =	simm.s32 $0x400;
	s4 =	simm.s32 $0x80;
	v6 =	vld [tilespmem:s10+$0x18760];
	v10 =	vshll.u32 v10, $0x3;
	v9 =	vor.u32 v0, v11;
	[tilespmem:s10+$0x1BF70] =	vst v12  }
.LBB2_3:
0x32: {  	p0 =	sne.s32 s11, $0x6E00;
	v11 =	vld [tilespmem:s4+$0x18770];
	[tilespmem:s10+$0x1BF00] =	vst v9;
	v9 =	vor.u32 v0, v10;
	v8 =	vshll.u32 v8, $0x3  }
0x33: {  	v10 =	vld [tilespmem:s4+$0x18700];
	[tilespmem:s10+$0x1BF10] =	vst v9;
	v8 =	vor.u32 v0, v8;
	v7 =	vshll.u32 v7, $0x3  }
0x34: {  	v12 =	vld [tilespmem:s4+$0x18710];
	[tilespmem:s10+$0x1BF20] =	vst v8;
	v7 =	vor.u32 v0, v7;
	v5 =	vshll.u32 v5, $0x3  }
.Ltmp0:
0x35: {  	v8 =	vld [tilespmem:s4+$0x18720];
	[tilespmem:s10+$0x1BF30] =	vst v7;
	v5 =	vor.u32 v0, v5;
	v4 =	vshll.u32 v4, $0x3;
	(pc) =	sbr.rel @p0 .LBB2_3-.Ltmp0, $4  }
0x36: {  	v7 =	vld [tilespmem:s4+$0x18730];
	[tilespmem:s10+$0x1BF40] =	vst v5;
	v4 =	vor.u32 v0, v4;
	v6 =	vshll.u32 v6, $0x3  }
0x37: {  	v5 =	vld [tilespmem:s4+$0x18740];
	v9 =	vshll.u32 v11, $0x3;
	[tilespmem:s10+$0x1BF50] =	vst v4;
	v6 =	vor.u32 v0, v6  }
0x38: {  	v10 =	vshll.u32 v10, $0x3;
	v4 =	vld [tilespmem:s4+$0x18750];
	v11 =	vor.u32 v0, v9;
	[tilespmem:s10+$0x1BF60] =	vst v6;
	s10 =	smov.u32 s4  }
0x39: {  	s4 =	sshra.s32 s11, $0x2;
	s11 =	sadd.s32 $0x200, s11;
	v9 =	vor.u32 v0, v10;
	v10 =	vshll.u32 v12, $0x3;
	v6 =	vld [tilespmem:s10+$0x18760];
	[tilespmem:s10+$0x1BF70] =	vst v11  }
0x3a: {  	v11 =	vld [tilespmem:s4+$0x18770];
	[tilespmem:s10+$0x1BF00] =	vst v9;
	v59 =	vor.u32 v0, v10;
	v8 =	vshll.u32 v8, $0x3  }
0x3b: {  	v60 =	vld [tilespmem:s4+$0x18700];
	[tilespmem:s10+$0x1BF10] =	vst v59;
	v8 =	vor.u32 v0, v8;
	v7 =	vshll.u32 v7, $0x3  }
0x3c: {  	v9 =	vld [tilespmem:s4+$0x18710];
	[tilespmem:s10+$0x1BF20] =	vst v8;
	v7 =	vor.u32 v0, v7;
	v5 =	vshll.u32 v5, $0x3  }
0x3d: {  	v8 =	vld [tilespmem:s4+$0x18720];
	[tilespmem:s10+$0x1BF30] =	vst v7;
	v5 =	vor.u32 v0, v5;
	v4 =	vshll.u32 v4, $0x3  }
0x3e: {  	v7 =	vld [tilespmem:s4+$0x18730];
	[tilespmem:s10+$0x1BF40] =	vst v5;
	v4 =	vor.u32 v0, v4;
	v6 =	vshll.u32 v6, $0x3  }
0x3f: {  	v5 =	vld [tilespmem:s4+$0x18740];
	[tilespmem:s10+$0x1BF50] =	vst v4;
	v4 =	vor.u32 v0, v6;
	v11 =	vshll.u32 v11, $0x3  }
0x40: {  	v61 =	vld [tilespmem:s4+$0x18750];
	[tilespmem:s10+$0x1BF60] =	vst v4;
	v4 =	vshll.u32 v60, $0x3;
	v62 =	vor.u32 v0, v11  }
0x41: {  	v63 =	vld [tilespmem:s4+$0x18760];
	v4 =	vor.u32 v0, v4;
	v9 =	vshll.u32 v9, $0x3;
	[tilespmem:s4+$0x1BF70] =	vst v62  }
0x42: {  	[tilespmem:s4+$0x1BF00] =	vst v4;
	v4 =	vor.u32 v0, v9;
	v8 =	vshll.u32 v8, $0x3  }
0x43: {  	[tilespmem:s4+$0x1BF10] =	vst v4;
	v4 =	vor.u32 v0, v8;
	v7 =	vshll.u32 v7, $0x3  }
0x44: {  	[tilespmem:s4+$0x1BF20] =	vst v4;
	v4 =	vor.u32 v0, v7;
	v5 =	vshll.u32 v5, $0x3  }
0x45: {  	[tilespmem:s4+$0x1BF30] =	vst v4;
	v4 =	vor.u32 v0, v5;
	v5 =	vshll.u32 v61, $0x3  }
0x46: {  	[tilespmem:s4+$0x1BF40] =	vst v4;
	v4 =	vor.u32 v0, v5;
	v5 =	vshll.u32 v63, $0x3  }
0x47: {  	[tilespmem:s4+$0x1BF50] =	vst v4;
	v4 =	vor.u32 v0, v5  }
0x48: {  	[tilespmem:s4+$0x1BF60] =	vst v4  }
0x49: {  	[tilespmem:s21], [sflag:$0x1] =	stream.indirect.gather [hbm4b:s5+s19], $0x10, s20, s19, $0xb8;
	[tilespmem:$0x1FB00] =	vst v63  }
0x4a: {  	_ = 	snop  }
0x4b: {  	[tilespmem:s23], [sflag:$0x1] =	stream.indirect.gather [hbm4b:s5+s19], $0x10, s22, s19, $0xb8;
	[tilespmem:$0x1FB00] =	vst v63  }
0x4c: {  	_ = 	snop  }
0x4d: {  	[tilespmem:s25], [sflag:$0x1] =	stream.indirect.gather [hbm4b:s5+s19], $0x10, s24, s19, $0xb8;
	[tilespmem:$0x1FB00] =	vst v63  }
0x4e: {  	_ =	swait.ge [sflag:s26], $0x800  }
0x4f: {  	[sflag:s26] =	ssyncset.done $0x0  }
0x50: {  	[sflag:s26] =	ssyncadd.s32 $0xFFFFF800  }
0x51: {  	[spmem:s2] =	stream.indirect.scatter.add.f32 [tilespmem:s21], [sflag:$0x2], $0x10, s18, s19, $0xb8;
	[tilespmem:$0x1FB00] =	vst v63  }
0x52: {  	_ = 	snop  }
0x53: {  	[tilespmem:s29], [sflag:$0x1] =	stream.indirect.gather [hbm4b:s5+s19], $0x10, s28, s19, $0xb8;
	[tilespmem:$0x1FB00] =	vst v63  }
0x54: {  	_ =	swait.ge [sflag:s26], $0x800  }
0x55: {  	[sflag:s26] =	ssyncset.done $0x0  }
0x56: {  	s7 =	simm.s32 $0x2000;
	s11 =	simm.s32 $0x1C100;
	[sflag:s26] =	ssyncadd.s32 $0xFFFFF800  }
0x57: {  	[spmem:s2] =	stream.indirect.scatter.add.f32 [tilespmem:s23], [sflag:$0x2], $0x10, s30, s19, $0xb8;
	[tilespmem:$0x1FB00] =	vst v63  }
0x58: {  	p0 =	por $0x0, $0x0;
	s14 =	simm.s32 $0x1000;
	_ =	swait.ge [sflag:s31], $0x800  }
0x59: {  	s13 =	simm.s32 $0x1A480;
	s7 =	sand.u32 @!p0 $0x1800, s7;
	[sflag:s31] =	ssyncset.done $0x0  }
0x5a: {  	s12 =	simm.s32 @!p0 $0x80;
	s7 =	sadd.s32 @!p0 $0x1DB00, s7;
	[sflag:s31] =	ssyncadd.s32 $0xFFFFF800  }
0x5b: {  	[tilespmem:s7], [sflag:$0x1] =	stream.indirect.gather @!p0 [hbm4b:s5+s12], $0x10, s11, s12, $0xb8;
	[tilespmem:$0x1FB00] =	vst v63  }
0x5c: {  	s10 =	simm.s32 $0x3;
	s4 =	simm.s32 $0x1A400;
	_ =	swait.ge [sflag:s26], $0x800  }
0x5d: {  	s11 =	simm.s32 $0x1C180;
	s7 =	sand.u32 $0x1800, s14;
	[sflag:s26] =	ssyncset.done $0x0  }
0x5e: {  	s12 =	simm.s32 $0x2800;
	s14 =	sadd.s32 $0x1DB00, s7;
	[sflag:s26] =	ssyncadd.s32 $0xFFFFF800  }
.LBB2_5:
0x5f: {  	[spmem:s2] =	stream.indirect.scatter.add.f32 [tilespmem:s14], [sflag:$0x2], $0x10, s4, s19, $0xb8;
	[tilespmem:$0x1FB00] =	vst v63  }
0x60: {  	s7 =	smov.u32 s10;
	s10 =	sadd.s32 $0x1, s10;
	s4 =	smov.u32 s13  }
0x61: {  	p1 =	sgt.u32 s7, $0x35;
	p0 =	sne.s32 s10, $0x38;
	_ =	swait.ge [sflag:s31], $0x800  }
0x62: {  	s7 =	sand.u32 @!p1 $0x1800, s12;
	s14 =	simm.s32 @!p1 $0x80;
	[sflag:s31] =	ssyncset.done $0x0  }
.Ltmp1:
0x63: {  	s7 =	sadd.s32 @!p1 $0x1DB00, s7;
	[sflag:s31] =	ssyncadd.s32 $0xFFFFF800;
	(pc) =	sbr.rel @p0 .LBB2_5-.Ltmp1, $4  }
0x64: {  	[tilespmem:s7], [sflag:$0x1] =	stream.indirect.gather @!p1 [hbm4b:s5+s14], $0x10, s11, s14, $0xb8;
	[tilespmem:$0x1FB00] =	vst v63  }
0x65: {  	s7 =	sadd.s32 $0xFFFFF000, s12;
	s11 =	sadd.s32 $0x80, s11;
	_ =	swait.ge [sflag:s26], $0x800  }
0x66: {  	s12 =	sadd.s32 $0x800, s12;
	s7 =	sand.u32 $0x1800, s7;
	[sflag:s26] =	ssyncset.done $0x0  }
0x67: {  	s13 =	sadd.s32 $0x80, s13;
	s14 =	sadd.s32 $0x1DB00, s7;
	[sflag:s26] =	ssyncadd.s32 $0xFFFFF800  }
0x68: {  	[spmem:s2] =	stream.indirect.scatter.add.f32 [tilespmem:s14], [sflag:$0x2], $0x10, s4, s19, $0xb8;
	[tilespmem:$0x1FB00] =	vst v63  }
0x69: {  	s0 =	sadd.s32 $0x1, s0  }
0x6a: {  	_ =	swait.ge [sflag:s31], $0x800;
	p0 =	sne.s32 s0, $0x1C  }
.Ltmp2:
0x6b: {  	[sflag:s31] =	ssyncset.done $0x0;
	(pc) =	sbr.rel @p0 .LBB2_2-.Ltmp2, $4  }
0x6c: {  	[sflag:s31] =	ssyncadd.s32 $0xFFFFF800  }
0x6d: {  	_ =	swait.ge [sflag:s31], $0x800  }
0x6e: {  	[sflag:s31] =	ssyncset.done $0x0  }
0x6f: {  	[sflag:s31] =	ssyncadd.s32 $0xFFFFF800  }
0x70: {  	[dreg:$0x4] =	wrdreg s3  }
0x71: {  	[bflag:$0x0] =	sbarrier.arrive $0xFFFF  }
0x72: {  	s0 =	rddreg [dreg:$0x6]  }
0x73: {  	[hbm:s0], [sflag:s9] =	dma.local [spmem:s15], $0x1870  }
0x74: {  	_ =	swait.ge [sflag:s16], $0x1870  }
0x75: {  	[sflag:s16] =	ssyncset.done $0x0  }
0x76: {  	[sflag:s16] =	ssyncadd.s32 $0xFFFFE790  }
0x77: {  	[bflag:$0x0] =	sbarrier.arrive $0xFFFF  }
0x78: {  	s14 =	rddreg [dreg:$0x5]  }
0x79: {  	[spmem:s15], [sflag:s9] =	dma.local [hbm:s14], $0x1870  }
0x7a: {  	_ =	swait.ge [sflag:s16], $0x1870  }
0x7b: {  	[sflag:s16] =	ssyncset.done $0x0  }
0x7c: {  	[sflag:s16] =	ssyncadd.s32 $0xFFFFE790  }
0x7d: {  	s4 =	simm.s32 $0x0;
	s0 =	simm.s32 $0x0;
	[bflag:$0x0] =	sbarrier.arrive $0xFFFF  }
.LBB2_8:
0x7e: {  	s7 =	smul.u32 $0x38, s4;
	_ =	sdelay $0x1  }
0x7f: {  	s7 =	sadd.s32 s8, s7  }
0x80: {  	s7 =	sshll.u32 s7, $0x4  }
0x81: {  	s10 =	sadd.s32 s6, s7  }
0x82: {  	[tilespmem:s17], [sflag:$0x3] =	stream.linear.gather [hbm4b:s10+s0], $0x1C00, $0x38;
	[tilespmem:$0x1FB00] =	vst v63  }
0x83: {  	_ =	swait.ge [sflag:s16], $0x1C00  }
0x84: {  	[sflag:s16] =	ssyncset.done $0x0  }
0x85: {  	s7 =	sadd.s32 s1, s7;
	[sflag:s16] =	ssyncadd.s32 $0xFFFFE400  }
0x86: {  	[tilespmem:s18], [sflag:$0x3] =	stream.linear.gather [hbm4b:s7+s0], $0x1C00, $0x38;
	[tilespmem:$0x1FB00] =	vst v63  }
0x87: {  	_ =	swait.ge [sflag:s16], $0x1C00  }
0x88: {  	[sflag:s16] =	ssyncset.done $0x0  }
0x89: {  	s11 =	simm.s32 $0x0;
	[sflag:s16] =	ssyncadd.s32 $0xFFFFE400  }
0x8a: {  	v4 =	vld [tilespmem:s11+$0x18770]  }
0x8b: {  	v6 =	vld [tilespmem:s11+$0x18700]  }
0x8c: {  	v10 =	vld [tilespmem:s11+$0x18710]  }
0x8d: {  	v8 =	vld [tilespmem:s11+$0x18720]  }
0x8e: {  	v7 =	vld [tilespmem:s11+$0x18730]  }
0x8f: {  	v5 =	vld [tilespmem:s11+$0x18740];
	v9 =	vshll.u32 v4, $0x3  }
0x90: {  	v4 =	vld [tilespmem:s11+$0x18750];
	v11 =	vshll.u32 v6, $0x3;
	v12 =	vor.u32 v1, v9  }
0x91: {  	s12 =	simm.s32 $0x400;
	s10 =	simm.s32 $0x80;
	v6 =	vld [tilespmem:s11+$0x18760];
	v10 =	vshll.u32 v10, $0x3;
	v9 =	vor.u32 v1, v11;
	[tilespmem:s11+$0x1BF70] =	vst v12  }
.LBB2_9:
0x92: {  	p0 =	sne.s32 s12, $0x6E00;
	v11 =	vld [tilespmem:s10+$0x18770];
	[tilespmem:s11+$0x1BF00] =	vst v9;
	v9 =	vor.u32 v1, v10;
	v8 =	vshll.u32 v8, $0x3  }
0x93: {  	v10 =	vld [tilespmem:s10+$0x18700];
	[tilespmem:s11+$0x1BF10] =	vst v9;
	v8 =	vor.u32 v1, v8;
	v7 =	vshll.u32 v7, $0x3  }
0x94: {  	v12 =	vld [tilespmem:s10+$0x18710];
	[tilespmem:s11+$0x1BF20] =	vst v8;
	v7 =	vor.u32 v1, v7;
	v5 =	vshll.u32 v5, $0x3  }
.Ltmp3:
0x95: {  	v8 =	vld [tilespmem:s10+$0x18720];
	[tilespmem:s11+$0x1BF30] =	vst v7;
	v5 =	vor.u32 v1, v5;
	v4 =	vshll.u32 v4, $0x3;
	(pc) =	sbr.rel @p0 .LBB2_9-.Ltmp3, $4  }
0x96: {  	v7 =	vld [tilespmem:s10+$0x18730];
	[tilespmem:s11+$0x1BF40] =	vst v5;
	v4 =	vor.u32 v1, v4;
	v6 =	vshll.u32 v6, $0x3  }
0x97: {  	v5 =	vld [tilespmem:s10+$0x18740];
	v9 =	vshll.u32 v11, $0x3;
	[tilespmem:s11+$0x1BF50] =	vst v4;
	v6 =	vor.u32 v1, v6  }
0x98: {  	v10 =	vshll.u32 v10, $0x3;
	v4 =	vld [tilespmem:s10+$0x18750];
	v11 =	vor.u32 v1, v9;
	[tilespmem:s11+$0x1BF60] =	vst v6;
	s11 =	smov.u32 s10  }
0x99: {  	s10 =	sshra.s32 s12, $0x2;
	s12 =	sadd.s32 $0x200, s12;
	v9 =	vor.u32 v1, v10;
	v10 =	vshll.u32 v12, $0x3;
	v6 =	vld [tilespmem:s11+$0x18760];
	[tilespmem:s11+$0x1BF70] =	vst v11  }
0x9a: {  	v11 =	vld [tilespmem:s10+$0x18770];
	[tilespmem:s11+$0x1BF00] =	vst v9;
	v59 =	vor.u32 v1, v10;
	v8 =	vshll.u32 v8, $0x3  }
0x9b: {  	v60 =	vld [tilespmem:s10+$0x18700];
	[tilespmem:s11+$0x1BF10] =	vst v59;
	v8 =	vor.u32 v1, v8;
	v7 =	vshll.u32 v7, $0x3  }
0x9c: {  	v9 =	vld [tilespmem:s10+$0x18710];
	[tilespmem:s11+$0x1BF20] =	vst v8;
	v7 =	vor.u32 v1, v7;
	v5 =	vshll.u32 v5, $0x3  }
0x9d: {  	v8 =	vld [tilespmem:s10+$0x18720];
	[tilespmem:s11+$0x1BF30] =	vst v7;
	v5 =	vor.u32 v1, v5;
	v4 =	vshll.u32 v4, $0x3  }
0x9e: {  	v7 =	vld [tilespmem:s10+$0x18730];
	[tilespmem:s11+$0x1BF40] =	vst v5;
	v4 =	vor.u32 v1, v4;
	v6 =	vshll.u32 v6, $0x3  }
0x9f: {  	v5 =	vld [tilespmem:s10+$0x18740];
	[tilespmem:s11+$0x1BF50] =	vst v4;
	v4 =	vor.u32 v1, v6;
	v11 =	vshll.u32 v11, $0x3  }
0xa0: {  	v61 =	vld [tilespmem:s10+$0x18750];
	[tilespmem:s11+$0x1BF60] =	vst v4;
	v4 =	vshll.u32 v60, $0x3;
	v62 =	vor.u32 v1, v11  }
0xa1: {  	v63 =	vld [tilespmem:s10+$0x18760];
	v4 =	vor.u32 v1, v4;
	v9 =	vshll.u32 v9, $0x3;
	[tilespmem:s10+$0x1BF70] =	vst v62  }
0xa2: {  	[tilespmem:s10+$0x1BF00] =	vst v4;
	v4 =	vor.u32 v1, v9;
	v8 =	vshll.u32 v8, $0x3  }
0xa3: {  	[tilespmem:s10+$0x1BF10] =	vst v4;
	v4 =	vor.u32 v1, v8;
	v7 =	vshll.u32 v7, $0x3  }
0xa4: {  	[tilespmem:s10+$0x1BF20] =	vst v4;
	v4 =	vor.u32 v1, v7;
	v5 =	vshll.u32 v5, $0x3  }
0xa5: {  	[tilespmem:s10+$0x1BF30] =	vst v4;
	v4 =	vor.u32 v1, v5;
	v5 =	vshll.u32 v61, $0x3  }
0xa6: {  	[tilespmem:s10+$0x1BF40] =	vst v4;
	v4 =	vor.u32 v1, v5;
	v5 =	vshll.u32 v63, $0x3  }
0xa7: {  	[tilespmem:s10+$0x1BF50] =	vst v4;
	v4 =	vor.u32 v1, v5  }
0xa8: {  	[tilespmem:s10+$0x1BF60] =	vst v4  }
0xa9: {  	[tilespmem:s21], [sflag:$0x1] =	stream.indirect.gather [hbm4b:s5+s19], $0x10, s20, s19, $0xb8;
	[tilespmem:$0x1FB00] =	vst v63  }
0xaa: {  	_ = 	snop  }
0xab: {  	[tilespmem:s23], [sflag:$0x1] =	stream.indirect.gather [hbm4b:s5+s19], $0x10, s22, s19, $0xb8;
	[tilespmem:$0x1FB00] =	vst v63  }
0xac: {  	_ = 	snop  }
0xad: {  	[tilespmem:s25], [sflag:$0x1] =	stream.indirect.gather [hbm4b:s5+s19], $0x10, s24, s19, $0xb8;
	[tilespmem:$0x1FB00] =	vst v63  }
0xae: {  	_ =	swait.ge [sflag:s26], $0x800  }
0xaf: {  	[sflag:s26] =	ssyncset.done $0x0  }
0xb0: {  	[sflag:s26] =	ssyncadd.s32 $0xFFFFF800  }
0xb1: {  	[spmem:s2] =	stream.indirect.scatter.add.f32 [tilespmem:s21], [sflag:$0x2], $0x10, s18, s19, $0xb8;
	[tilespmem:$0x1FB00] =	vst v63  }
0xb2: {  	_ = 	snop  }
0xb3: {  	[tilespmem:s29], [sflag:$0x1] =	stream.indirect.gather [hbm4b:s5+s19], $0x10, s28, s19, $0xb8;
	[tilespmem:$0x1FB00] =	vst v63  }
0xb4: {  	_ =	swait.ge [sflag:s26], $0x800  }
0xb5: {  	[sflag:s26] =	ssyncset.done $0x0  }
0xb6: {  	s7 =	simm.s32 $0x2000;
	s12 =	simm.s32 $0x1C100;
	[sflag:s26] =	ssyncadd.s32 $0xFFFFF800  }
0xb7: {  	[spmem:s2] =	stream.indirect.scatter.add.f32 [tilespmem:s23], [sflag:$0x2], $0x10, s30, s19, $0xb8;
	[tilespmem:$0x1FB00] =	vst v63  }
0xb8: {  	p0 =	por $0x0, $0x0;
	s14 =	simm.s32 $0x1000;
	_ =	swait.ge [sflag:s31], $0x800  }
0xb9: {  	s7 =	sand.u32 @!p0 $0x1800, s7;
	s13 =	simm.s32 @!p0 $0x80;
	[sflag:s31] =	ssyncset.done $0x0  }
0xba: {  	s7 =	sadd.s32 @!p0 $0x1DB00, s7;
	s11 =	simm.s32 $0x3;
	[sflag:s31] =	ssyncadd.s32 $0xFFFFF800  }
0xbb: {  	[tilespmem:s7], [sflag:$0x1] =	stream.indirect.gather @!p0 [hbm4b:s5+s13], $0x10, s12, s13, $0xb8;
	[tilespmem:$0x1FB00] =	vst v63  }
0xbc: {  	s10 =	simm.s32 $0x1A400;
	s12 =	simm.s32 $0x1C180;
	_ =	swait.ge [sflag:s26], $0x800  }
0xbd: {  	s7 =	sand.u32 $0x1800, s14;
	s13 =	simm.s32 $0x2800;
	[sflag:s26] =	ssyncset.done $0x0  }
0xbe: {  	s14 =	simm.s32 $0x1A480;
	s7 =	sadd.s32 $0x1DB00, s7;
	[sflag:s26] =	ssyncadd.s32 $0xFFFFF800  }
.LBB2_11:
0xbf: {  	[spmem:s2] =	stream.indirect.scatter.add.f32 [tilespmem:s7], [sflag:$0x2], $0x10, s10, s19, $0xb8;
	[tilespmem:$0x1FB00] =	vst v63  }
0xc0: {  	s7 =	smov.u32 s11;
	s11 =	sadd.s32 $0x1, s11;
	s10 =	smov.u32 s14  }
0xc1: {  	p1 =	sgt.u32 s7, $0x35;
	p0 =	sne.s32 s11, $0x38;
	_ =	swait.ge [sflag:s31], $0x800  }
0xc2: {  	s7 =	sand.u32 @!p1 $0x1800, s13;
	s3 =	simm.s32 @!p1 $0x80;
	[sflag:s31] =	ssyncset.done $0x0  }
.Ltmp4:
0xc3: {  	s7 =	sadd.s32 @!p1 $0x1DB00, s7;
	[sflag:s31] =	ssyncadd.s32 $0xFFFFF800;
	(pc) =	sbr.rel @p0 .LBB2_11-.Ltmp4, $4  }
0xc4: {  	[tilespmem:s7], [sflag:$0x1] =	stream.indirect.gather @!p1 [hbm4b:s5+s3], $0x10, s12, s3, $0xb8;
	[tilespmem:$0x1FB00] =	vst v63  }
0xc5: {  	s3 =	sadd.s32 $0xFFFFF000, s13;
	s12 =	sadd.s32 $0x80, s12;
	_ =	swait.ge [sflag:s26], $0x800  }
0xc6: {  	s13 =	sadd.s32 $0x800, s13;
	s3 =	sand.u32 $0x1800, s3;
	[sflag:s26] =	ssyncset.done $0x0  }
0xc7: {  	s14 =	sadd.s32 $0x80, s14;
	s7 =	sadd.s32 $0x1DB00, s3;
	[sflag:s26] =	ssyncadd.s32 $0xFFFFF800  }
0xc8: {  	[spmem:s2] =	stream.indirect.scatter.add.f32 [tilespmem:s7], [sflag:$0x2], $0x10, s10, s19, $0xb8;
	[tilespmem:$0x1FB00] =	vst v63  }
0xc9: {  	s4 =	sadd.s32 $0x1, s4  }
0xca: {  	_ =	swait.ge [sflag:s31], $0x800;
	p0 =	sne.s32 s4, $0x1C  }
.Ltmp5:
0xcb: {  	[sflag:s31] =	ssyncset.done $0x0;
	(pc) =	sbr.rel @p0 .LBB2_8-.Ltmp5, $4  }
0xcc: {  	[sflag:s31] =	ssyncadd.s32 $0xFFFFF800  }
0xcd: {  	_ =	swait.ge [sflag:s31], $0x800  }
0xce: {  	[sflag:s31] =	ssyncset.done $0x0  }
0xcf: {  	[sflag:s31] =	ssyncadd.s32 $0xFFFFF800  }
0xd0: {  	[bflag:$0x0] =	sbarrier.arrive $0xFFFF  }
0xd1: {  	s0 =	rddreg [dreg:$0x7]  }
0xd2: {  	[hbm:s0], [sflag:s9] =	dma.local [spmem:s15], $0x1870  }
0xd3: {  	_ =	swait.ge [sflag:s16], $0x1870  }
0xd4: {  	[sflag:s16] =	ssyncset.done $0x0  }
0xd5: {  	[sflag:s16] =	ssyncadd.s32 $0xFFFFE790  }
0xd6: {  	[bflag:$0x0] =	sbarrier.arrive $0xFFFF  }
0xd7: {  	s14 =	rddreg [dreg:$0x5]  }
0xd8: {  	[spmem:s15], [sflag:s9] =	dma.local [hbm:s14], $0x1870  }
0xd9: {  	_ =	swait.ge [sflag:s16], $0x1870  }
0xda: {  	[sflag:s16] =	ssyncset.done $0x0  }
0xdb: {  	[sflag:s16] =	ssyncadd.s32 $0xFFFFE790  }
0xdc: {  	s4 =	simm.s32 $0x0;
	s0 =	simm.s32 $0x0;
	[bflag:$0x0] =	sbarrier.arrive $0xFFFF  }
.LBB2_14:
0xdd: {  	s3 =	smul.u32 $0x38, s4;
	_ =	sdelay $0x1  }
0xde: {  	s3 =	sadd.s32 s8, s3  }
0xdf: {  	s3 =	sshll.u32 s3, $0x4  }
0xe0: {  	s7 =	sadd.s32 s6, s3  }
0xe1: {  	[tilespmem:s17], [sflag:$0x3] =	stream.linear.gather [hbm4b:s7+s0], $0x1C00, $0x38;
	[tilespmem:$0x1FB00] =	vst v63  }
0xe2: {  	_ =	swait.ge [sflag:s16], $0x1C00  }
0xe3: {  	[sflag:s16] =	ssyncset.done $0x0  }
0xe4: {  	s3 =	sadd.s32 s1, s3;
	[sflag:s16] =	ssyncadd.s32 $0xFFFFE400  }
0xe5: {  	[tilespmem:s18], [sflag:$0x3] =	stream.linear.gather [hbm4b:s3+s0], $0x1C00, $0x38;
	[tilespmem:$0x1FB00] =	vst v63  }
0xe6: {  	_ =	swait.ge [sflag:s16], $0x1C00  }
0xe7: {  	[sflag:s16] =	ssyncset.done $0x0  }
0xe8: {  	s11 =	simm.s32 $0x0;
	[sflag:s16] =	ssyncadd.s32 $0xFFFFE400  }
0xe9: {  	v4 =	vld [tilespmem:s11+$0x18770]  }
0xea: {  	v6 =	vld [tilespmem:s11+$0x18700]  }
0xeb: {  	v10 =	vld [tilespmem:s11+$0x18710]  }
0xec: {  	v8 =	vld [tilespmem:s11+$0x18720]  }
0xed: {  	v7 =	vld [tilespmem:s11+$0x18730]  }
0xee: {  	v5 =	vld [tilespmem:s11+$0x18740];
	v9 =	vshll.u32 v4, $0x3  }
0xef: {  	v4 =	vld [tilespmem:s11+$0x18750];
	v11 =	vshll.u32 v6, $0x3;
	v12 =	vor.u32 v2, v9  }
0xf0: {  	s10 =	simm.s32 $0x80;
	s12 =	simm.s32 $0x400;
	v6 =	vld [tilespmem:s11+$0x18760];
	v10 =	vshll.u32 v10, $0x3;
	v9 =	vor.u32 v2, v11;
	[tilespmem:s11+$0x1BF70] =	vst v12  }
.LBB2_15:
0xf1: {  	p0 =	sne.s32 s12, $0x6E00;
	v11 =	vld [tilespmem:s10+$0x18770];
	[tilespmem:s11+$0x1BF00] =	vst v9;
	v9 =	vor.u32 v2, v10;
	v8 =	vshll.u32 v8, $0x3  }
0xf2: {  	v10 =	vld [tilespmem:s10+$0x18700];
	[tilespmem:s11+$0x1BF10] =	vst v9;
	v8 =	vor.u32 v2, v8;
	v7 =	vshll.u32 v7, $0x3  }
0xf3: {  	v12 =	vld [tilespmem:s10+$0x18710];
	[tilespmem:s11+$0x1BF20] =	vst v8;
	v7 =	vor.u32 v2, v7;
	v5 =	vshll.u32 v5, $0x3  }
.Ltmp6:
0xf4: {  	v8 =	vld [tilespmem:s10+$0x18720];
	[tilespmem:s11+$0x1BF30] =	vst v7;
	v5 =	vor.u32 v2, v5;
	v4 =	vshll.u32 v4, $0x3;
	(pc) =	sbr.rel @p0 .LBB2_15-.Ltmp6, $4  }
0xf5: {  	v7 =	vld [tilespmem:s10+$0x18730];
	[tilespmem:s11+$0x1BF40] =	vst v5;
	v4 =	vor.u32 v2, v4;
	v6 =	vshll.u32 v6, $0x3  }
0xf6: {  	v5 =	vld [tilespmem:s10+$0x18740];
	v9 =	vshll.u32 v11, $0x3;
	[tilespmem:s11+$0x1BF50] =	vst v4;
	v6 =	vor.u32 v2, v6  }
0xf7: {  	v10 =	vshll.u32 v10, $0x3;
	v4 =	vld [tilespmem:s10+$0x18750];
	v11 =	vor.u32 v2, v9;
	[tilespmem:s11+$0x1BF60] =	vst v6;
	s11 =	smov.u32 s10  }
0xf8: {  	s10 =	sshra.s32 s12, $0x2;
	s12 =	sadd.s32 $0x200, s12;
	v9 =	vor.u32 v2, v10;
	v10 =	vshll.u32 v12, $0x3;
	v6 =	vld [tilespmem:s11+$0x18760];
	[tilespmem:s11+$0x1BF70] =	vst v11  }
0xf9: {  	v11 =	vld [tilespmem:s10+$0x18770];
	[tilespmem:s11+$0x1BF00] =	vst v9;
	v59 =	vor.u32 v2, v10;
	v8 =	vshll.u32 v8, $0x3  }
0xfa: {  	v60 =	vld [tilespmem:s10+$0x18700];
	[tilespmem:s11+$0x1BF10] =	vst v59;
	v8 =	vor.u32 v2, v8;
	v7 =	vshll.u32 v7, $0x3  }
0xfb: {  	v9 =	vld [tilespmem:s10+$0x18710];
	[tilespmem:s11+$0x1BF20] =	vst v8;
	v7 =	vor.u32 v2, v7;
	v5 =	vshll.u32 v5, $0x3  }
0xfc: {  	v8 =	vld [tilespmem:s10+$0x18720];
	[tilespmem:s11+$0x1BF30] =	vst v7;
	v5 =	vor.u32 v2, v5;
	v4 =	vshll.u32 v4, $0x3  }
0xfd: {  	v7 =	vld [tilespmem:s10+$0x18730];
	[tilespmem:s11+$0x1BF40] =	vst v5;
	v4 =	vor.u32 v2, v4;
	v6 =	vshll.u32 v6, $0x3  }
0xfe: {  	v5 =	vld [tilespmem:s10+$0x18740];
	[tilespmem:s11+$0x1BF50] =	vst v4;
	v4 =	vor.u32 v2, v6;
	v11 =	vshll.u32 v11, $0x3  }
0xff: {  	v61 =	vld [tilespmem:s10+$0x18750];
	[tilespmem:s11+$0x1BF60] =	vst v4;
	v4 =	vshll.u32 v60, $0x3;
	v62 =	vor.u32 v2, v11  }
0x100: {  	v63 =	vld [tilespmem:s10+$0x18760];
	v4 =	vor.u32 v2, v4;
	v9 =	vshll.u32 v9, $0x3;
	[tilespmem:s10+$0x1BF70] =	vst v62  }
0x101: {  	[tilespmem:s10+$0x1BF00] =	vst v4;
	v4 =	vor.u32 v2, v9;
	v8 =	vshll.u32 v8, $0x3  }
0x102: {  	[tilespmem:s10+$0x1BF10] =	vst v4;
	v4 =	vor.u32 v2, v8;
	v7 =	vshll.u32 v7, $0x3  }
0x103: {  	[tilespmem:s10+$0x1BF20] =	vst v4;
	v4 =	vor.u32 v2, v7;
	v5 =	vshll.u32 v5, $0x3  }
0x104: {  	[tilespmem:s10+$0x1BF30] =	vst v4;
	v4 =	vor.u32 v2, v5;
	v5 =	vshll.u32 v61, $0x3  }
0x105: {  	[tilespmem:s10+$0x1BF40] =	vst v4;
	v4 =	vor.u32 v2, v5;
	v5 =	vshll.u32 v63, $0x3  }
0x106: {  	[tilespmem:s10+$0x1BF50] =	vst v4;
	v4 =	vor.u32 v2, v5  }
0x107: {  	[tilespmem:s10+$0x1BF60] =	vst v4  }
0x108: {  	[tilespmem:s21], [sflag:$0x1] =	stream.indirect.gather [hbm4b:s5+s19], $0x10, s20, s19, $0xb8;
	[tilespmem:$0x1FB00] =	vst v63  }
0x109: {  	_ = 	snop  }
0x10a: {  	[tilespmem:s23], [sflag:$0x1] =	stream.indirect.gather [hbm4b:s5+s19], $0x10, s22, s19, $0xb8;
	[tilespmem:$0x1FB00] =	vst v63  }
0x10b: {  	_ = 	snop  }
0x10c: {  	[tilespmem:s25], [sflag:$0x1] =	stream.indirect.gather [hbm4b:s5+s19], $0x10, s24, s19, $0xb8;
	[tilespmem:$0x1FB00] =	vst v63  }
0x10d: {  	_ =	swait.ge [sflag:s26], $0x800  }
0x10e: {  	[sflag:s26] =	ssyncset.done $0x0  }
0x10f: {  	[sflag:s26] =	ssyncadd.s32 $0xFFFFF800  }
0x110: {  	[spmem:s2] =	stream.indirect.scatter.add.f32 [tilespmem:s21], [sflag:$0x2], $0x10, s18, s19, $0xb8;
	[tilespmem:$0x1FB00] =	vst v63  }
0x111: {  	_ = 	snop  }
0x112: {  	[tilespmem:s29], [sflag:$0x1] =	stream.indirect.gather [hbm4b:s5+s19], $0x10, s28, s19, $0xb8;
	[tilespmem:$0x1FB00] =	vst v63  }
0x113: {  	_ =	swait.ge [sflag:s26], $0x800  }
0x114: {  	[sflag:s26] =	ssyncset.done $0x0  }
0x115: {  	s3 =	simm.s32 $0x2000;
	s7 =	simm.s32 $0x1C100;
	[sflag:s26] =	ssyncadd.s32 $0xFFFFF800  }
0x116: {  	[spmem:s2] =	stream.indirect.scatter.add.f32 [tilespmem:s23], [sflag:$0x2], $0x10, s30, s19, $0xb8;
	[tilespmem:$0x1FB00] =	vst v63  }
0x117: {  	p0 =	por $0x0, $0x0;
	s14 =	simm.s32 $0x1000;
	_ =	swait.ge [sflag:s31], $0x800  }
0x118: {  	s13 =	simm.s32 $0x2800;
	s3 =	sand.u32 @!p0 $0x1800, s3;
	[sflag:s31] =	ssyncset.done $0x0  }
0x119: {  	s12 =	simm.s32 @!p0 $0x80;
	s3 =	sadd.s32 @!p0 $0x1DB00, s3;
	[sflag:s31] =	ssyncadd.s32 $0xFFFFF800  }
0x11a: {  	[tilespmem:s3], [sflag:$0x1] =	stream.indirect.gather @!p0 [hbm4b:s5+s12], $0x10, s7, s12, $0xb8;
	[tilespmem:$0x1FB00] =	vst v63  }
0x11b: {  	s11 =	simm.s32 $0x3;
	s10 =	simm.s32 $0x1A400;
	_ =	swait.ge [sflag:s26], $0x800  }
0x11c: {  	s12 =	simm.s32 $0x1C180;
	s3 =	sand.u32 $0x1800, s14;
	[sflag:s26] =	ssyncset.done $0x0  }
0x11d: {  	s14 =	simm.s32 $0x1A480;
	s7 =	sadd.s32 $0x1DB00, s3;
	[sflag:s26] =	ssyncadd.s32 $0xFFFFF800  }
.LBB2_17:
0x11e: {  	[spmem:s2] =	stream.indirect.scatter.add.f32 [tilespmem:s7], [sflag:$0x2], $0x10, s10, s19, $0xb8;
	[tilespmem:$0x1FB00] =	vst v63  }
0x11f: {  	s3 =	smov.u32 s11;
	s11 =	sadd.s32 $0x1, s11;
	s10 =	smov.u32 s14  }
0x120: {  	p1 =	sgt.u32 s3, $0x35;
	p0 =	sne.s32 s11, $0x38;
	_ =	swait.ge [sflag:s31], $0x800  }
0x121: {  	s3 =	sand.u32 @!p1 $0x1800, s13;
	s7 =	simm.s32 @!p1 $0x80;
	[sflag:s31] =	ssyncset.done $0x0  }
.Ltmp7:
0x122: {  	s3 =	sadd.s32 @!p1 $0x1DB00, s3;
	[sflag:s31] =	ssyncadd.s32 $0xFFFFF800;
	(pc) =	sbr.rel @p0 .LBB2_17-.Ltmp7, $4  }
0x123: {  	[tilespmem:s3], [sflag:$0x1] =	stream.indirect.gather @!p1 [hbm4b:s5+s7], $0x10, s12, s7, $0xb8;
	[tilespmem:$0x1FB00] =	vst v63  }
0x124: {  	s3 =	sadd.s32 $0xFFFFF000, s13;
	s12 =	sadd.s32 $0x80, s12;
	_ =	swait.ge [sflag:s26], $0x800  }
0x125: {  	s13 =	sadd.s32 $0x800, s13;
	s3 =	sand.u32 $0x1800, s3;
	[sflag:s26] =	ssyncset.done $0x0  }
0x126: {  	s14 =	sadd.s32 $0x80, s14;
	s7 =	sadd.s32 $0x1DB00, s3;
	[sflag:s26] =	ssyncadd.s32 $0xFFFFF800  }
0x127: {  	[spmem:s2] =	stream.indirect.scatter.add.f32 [tilespmem:s7], [sflag:$0x2], $0x10, s10, s19, $0xb8;
	[tilespmem:$0x1FB00] =	vst v63  }
0x128: {  	s4 =	sadd.s32 $0x1, s4  }
0x129: {  	_ =	swait.ge [sflag:s31], $0x800;
	p0 =	sne.s32 s4, $0x1C  }
.Ltmp8:
0x12a: {  	[sflag:s31] =	ssyncset.done $0x0;
	(pc) =	sbr.rel @p0 .LBB2_14-.Ltmp8, $4  }
0x12b: {  	[sflag:s31] =	ssyncadd.s32 $0xFFFFF800  }
0x12c: {  	_ =	swait.ge [sflag:s31], $0x800  }
0x12d: {  	[sflag:s31] =	ssyncset.done $0x0  }
0x12e: {  	[sflag:s31] =	ssyncadd.s32 $0xFFFFF800  }
0x12f: {  	[bflag:$0x0] =	sbarrier.arrive $0xFFFF  }
0x130: {  	s0 =	rddreg [dreg:$0x8]  }
0x131: {  	[hbm:s0], [sflag:s9] =	dma.local [spmem:s15], $0x1870  }
0x132: {  	_ =	swait.ge [sflag:s16], $0x1870  }
0x133: {  	[sflag:s16] =	ssyncset.done $0x0  }
0x134: {  	[sflag:s16] =	ssyncadd.s32 $0xFFFFE790  }
0x135: {  	[bflag:$0x0] =	sbarrier.arrive $0xFFFF  }
0x136: {  	s14 =	rddreg [dreg:$0x5]  }
0x137: {  	[spmem:s15], [sflag:s9] =	dma.local [hbm:s14], $0x1870  }
0x138: {  	_ =	swait.ge [sflag:s16], $0x1870  }
0x139: {  	[sflag:s16] =	ssyncset.done $0x0  }
0x13a: {  	[sflag:s16] =	ssyncadd.s32 $0xFFFFE790  }
0x13b: {  	s4 =	simm.s32 $0x0;
	s0 =	simm.s32 $0x0;
	[bflag:$0x0] =	sbarrier.arrive $0xFFFF  }
.LBB2_20:
0x13c: {  	s3 =	smul.u32 $0x38, s4;
	_ =	sdelay $0x1  }
0x13d: {  	s3 =	sadd.s32 s8, s3  }
0x13e: {  	s3 =	sshll.u32 s3, $0x4  }
0x13f: {  	s7 =	sadd.s32 s6, s3  }
0x140: {  	[tilespmem:s17], [sflag:$0x3] =	stream.linear.gather [hbm4b:s7+s0], $0x1C00, $0x38;
	[tilespmem:$0x1FB00] =	vst v63  }
0x141: {  	_ =	swait.ge [sflag:s16], $0x1C00  }
0x142: {  	[sflag:s16] =	ssyncset.done $0x0  }
0x143: {  	s3 =	sadd.s32 s1, s3;
	[sflag:s16] =	ssyncadd.s32 $0xFFFFE400  }
0x144: {  	[tilespmem:s18], [sflag:$0x3] =	stream.linear.gather [hbm4b:s3+s0], $0x1C00, $0x38;
	[tilespmem:$0x1FB00] =	vst v63  }
0x145: {  	_ =	swait.ge [sflag:s16], $0x1C00  }
0x146: {  	[sflag:s16] =	ssyncset.done $0x0  }
0x147: {  	s11 =	simm.s32 $0x0;
	[sflag:s16] =	ssyncadd.s32 $0xFFFFE400  }
0x148: {  	v4 =	vld [tilespmem:s11+$0x18770]  }
0x149: {  	v6 =	vld [tilespmem:s11+$0x18700]  }
0x14a: {  	v10 =	vld [tilespmem:s11+$0x18710]  }
0x14b: {  	v8 =	vld [tilespmem:s11+$0x18720]  }
0x14c: {  	v7 =	vld [tilespmem:s11+$0x18730]  }
0x14d: {  	v5 =	vld [tilespmem:s11+$0x18740];
	v9 =	vshll.u32 v4, $0x3  }
0x14e: {  	v4 =	vld [tilespmem:s11+$0x18750];
	v11 =	vshll.u32 v6, $0x3;
	v12 =	vor.u32 v3, v9  }
0x14f: {  	s10 =	simm.s32 $0x80;
	s12 =	simm.s32 $0x400;
	v6 =	vld [tilespmem:s11+$0x18760];
	v10 =	vshll.u32 v10, $0x3;
	v9 =	vor.u32 v3, v11;
	[tilespmem:s11+$0x1BF70] =	vst v12  }
.LBB2_21:
0x150: {  	p0 =	sne.s32 s12, $0x6E00;
	v11 =	vld [tilespmem:s10+$0x18770];
	[tilespmem:s11+$0x1BF00] =	vst v9;
	v9 =	vor.u32 v3, v10;
	v8 =	vshll.u32 v8, $0x3  }
0x151: {  	v10 =	vld [tilespmem:s10+$0x18700];
	[tilespmem:s11+$0x1BF10] =	vst v9;
	v8 =	vor.u32 v3, v8;
	v7 =	vshll.u32 v7, $0x3  }
0x152: {  	v12 =	vld [tilespmem:s10+$0x18710];
	[tilespmem:s11+$0x1BF20] =	vst v8;
	v7 =	vor.u32 v3, v7;
	v5 =	vshll.u32 v5, $0x3  }
.Ltmp9:
0x153: {  	v8 =	vld [tilespmem:s10+$0x18720];
	[tilespmem:s11+$0x1BF30] =	vst v7;
	v5 =	vor.u32 v3, v5;
	v4 =	vshll.u32 v4, $0x3;
	(pc) =	sbr.rel @p0 .LBB2_21-.Ltmp9, $4  }
0x154: {  	v7 =	vld [tilespmem:s10+$0x18730];
	[tilespmem:s11+$0x1BF40] =	vst v5;
	v4 =	vor.u32 v3, v4;
	v6 =	vshll.u32 v6, $0x3  }
0x155: {  	v5 =	vld [tilespmem:s10+$0x18740];
	v9 =	vshll.u32 v11, $0x3;
	[tilespmem:s11+$0x1BF50] =	vst v4;
	v6 =	vor.u32 v3, v6  }
0x156: {  	v10 =	vshll.u32 v10, $0x3;
	v4 =	vld [tilespmem:s10+$0x18750];
	v11 =	vor.u32 v3, v9;
	[tilespmem:s11+$0x1BF60] =	vst v6;
	s11 =	smov.u32 s10  }
0x157: {  	s10 =	sshra.s32 s12, $0x2;
	s12 =	sadd.s32 $0x200, s12;
	v9 =	vor.u32 v3, v10;
	v10 =	vshll.u32 v12, $0x3;
	v6 =	vld [tilespmem:s11+$0x18760];
	[tilespmem:s11+$0x1BF70] =	vst v11  }
0x158: {  	v11 =	vld [tilespmem:s10+$0x18770];
	[tilespmem:s11+$0x1BF00] =	vst v9;
	v59 =	vor.u32 v3, v10;
	v8 =	vshll.u32 v8, $0x3  }
0x159: {  	v60 =	vld [tilespmem:s10+$0x18700];
	[tilespmem:s11+$0x1BF10] =	vst v59;
	v8 =	vor.u32 v3, v8;
	v7 =	vshll.u32 v7, $0x3  }
0x15a: {  	v9 =	vld [tilespmem:s10+$0x18710];
	[tilespmem:s11+$0x1BF20] =	vst v8;
	v7 =	vor.u32 v3, v7;
	v5 =	vshll.u32 v5, $0x3  }
0x15b: {  	v8 =	vld [tilespmem:s10+$0x18720];
	[tilespmem:s11+$0x1BF30] =	vst v7;
	v5 =	vor.u32 v3, v5;
	v4 =	vshll.u32 v4, $0x3  }
0x15c: {  	v7 =	vld [tilespmem:s10+$0x18730];
	[tilespmem:s11+$0x1BF40] =	vst v5;
	v4 =	vor.u32 v3, v4;
	v6 =	vshll.u32 v6, $0x3  }
0x15d: {  	v5 =	vld [tilespmem:s10+$0x18740];
	[tilespmem:s11+$0x1BF50] =	vst v4;
	v4 =	vor.u32 v3, v6;
	v11 =	vshll.u32 v11, $0x3  }
0x15e: {  	v61 =	vld [tilespmem:s10+$0x18750];
	[tilespmem:s11+$0x1BF60] =	vst v4;
	v4 =	vshll.u32 v60, $0x3;
	v62 =	vor.u32 v3, v11  }
0x15f: {  	v63 =	vld [tilespmem:s10+$0x18760];
	v4 =	vor.u32 v3, v4;
	v9 =	vshll.u32 v9, $0x3;
	[tilespmem:s10+$0x1BF70] =	vst v62  }
0x160: {  	[tilespmem:s10+$0x1BF00] =	vst v4;
	v4 =	vor.u32 v3, v9;
	v8 =	vshll.u32 v8, $0x3  }
0x161: {  	[tilespmem:s10+$0x1BF10] =	vst v4;
	v4 =	vor.u32 v3, v8;
	v7 =	vshll.u32 v7, $0x3  }
0x162: {  	[tilespmem:s10+$0x1BF20] =	vst v4;
	v4 =	vor.u32 v3, v7;
	v5 =	vshll.u32 v5, $0x3  }
0x163: {  	[tilespmem:s10+$0x1BF30] =	vst v4;
	v4 =	vor.u32 v3, v5;
	v5 =	vshll.u32 v61, $0x3  }
0x164: {  	[tilespmem:s10+$0x1BF40] =	vst v4;
	v4 =	vor.u32 v3, v5;
	v5 =	vshll.u32 v63, $0x3  }
0x165: {  	[tilespmem:s10+$0x1BF50] =	vst v4;
	v4 =	vor.u32 v3, v5  }
0x166: {  	[tilespmem:s10+$0x1BF60] =	vst v4  }
0x167: {  	[tilespmem:s21], [sflag:$0x1] =	stream.indirect.gather [hbm4b:s5+s19], $0x10, s20, s19, $0xb8;
	[tilespmem:$0x1FB00] =	vst v63  }
0x168: {  	_ = 	snop  }
0x169: {  	[tilespmem:s23], [sflag:$0x1] =	stream.indirect.gather [hbm4b:s5+s19], $0x10, s22, s19, $0xb8;
	[tilespmem:$0x1FB00] =	vst v63  }
0x16a: {  	_ = 	snop  }
0x16b: {  	[tilespmem:s25], [sflag:$0x1] =	stream.indirect.gather [hbm4b:s5+s19], $0x10, s24, s19, $0xb8;
	[tilespmem:$0x1FB00] =	vst v63  }
0x16c: {  	_ =	swait.ge [sflag:s26], $0x800  }
0x16d: {  	[sflag:s26] =	ssyncset.done $0x0  }
0x16e: {  	[sflag:s26] =	ssyncadd.s32 $0xFFFFF800  }
0x16f: {  	[spmem:s2] =	stream.indirect.scatter.add.f32 [tilespmem:s21], [sflag:$0x2], $0x10, s18, s19, $0xb8;
	[tilespmem:$0x1FB00] =	vst v63  }
0x170: {  	_ = 	snop  }
0x171: {  	[tilespmem:s29], [sflag:$0x1] =	stream.indirect.gather [hbm4b:s5+s19], $0x10, s28, s19, $0xb8;
	[tilespmem:$0x1FB00] =	vst v63  }
0x172: {  	_ =	swait.ge [sflag:s26], $0x800  }
0x173: {  	[sflag:s26] =	ssyncset.done $0x0  }
0x174: {  	s3 =	simm.s32 $0x2000;
	s7 =	simm.s32 $0x1C100;
	[sflag:s26] =	ssyncadd.s32 $0xFFFFF800  }
0x175: {  	[spmem:s2] =	stream.indirect.scatter.add.f32 [tilespmem:s23], [sflag:$0x2], $0x10, s30, s19, $0xb8;
	[tilespmem:$0x1FB00] =	vst v63  }
0x176: {  	p0 =	por $0x0, $0x0;
	s14 =	simm.s32 $0x1000;
	_ =	swait.ge [sflag:s31], $0x800  }
0x177: {  	s13 =	simm.s32 $0x2800;
	s3 =	sand.u32 @!p0 $0x1800, s3;
	[sflag:s31] =	ssyncset.done $0x0  }
0x178: {  	s12 =	simm.s32 @!p0 $0x80;
	s3 =	sadd.s32 @!p0 $0x1DB00, s3;
	[sflag:s31] =	ssyncadd.s32 $0xFFFFF800  }
0x179: {  	[tilespmem:s3], [sflag:$0x1] =	stream.indirect.gather @!p0 [hbm4b:s5+s12], $0x10, s7, s12, $0xb8;
	[tilespmem:$0x1FB00] =	vst v63  }
0x17a: {  	s11 =	simm.s32 $0x3;
	s10 =	simm.s32 $0x1A400;
	_ =	swait.ge [sflag:s26], $0x800  }
0x17b: {  	s12 =	simm.s32 $0x1C180;
	s3 =	sand.u32 $0x1800, s14;
	[sflag:s26] =	ssyncset.done $0x0  }
0x17c: {  	s14 =	simm.s32 $0x1A480;
	s7 =	sadd.s32 $0x1DB00, s3;
	[sflag:s26] =	ssyncadd.s32 $0xFFFFF800  }
.LBB2_23:
0x17d: {  	[spmem:s2] =	stream.indirect.scatter.add.f32 [tilespmem:s7], [sflag:$0x2], $0x10, s10, s19, $0xb8;
	[tilespmem:$0x1FB00] =	vst v63  }
0x17e: {  	s3 =	smov.u32 s11;
	s11 =	sadd.s32 $0x1, s11;
	s10 =	smov.u32 s14  }
0x17f: {  	p1 =	sgt.u32 s3, $0x35;
	p0 =	sne.s32 s11, $0x38;
	_ =	swait.ge [sflag:s31], $0x800  }
0x180: {  	s3 =	sand.u32 @!p1 $0x1800, s13;
	s7 =	simm.s32 @!p1 $0x80;
	[sflag:s31] =	ssyncset.done $0x0  }
.Ltmp10:
0x181: {  	s3 =	sadd.s32 @!p1 $0x1DB00, s3;
	[sflag:s31] =	ssyncadd.s32 $0xFFFFF800;
	(pc) =	sbr.rel @p0 .LBB2_23-.Ltmp10, $4  }
0x182: {  	[tilespmem:s3], [sflag:$0x1] =	stream.indirect.gather @!p1 [hbm4b:s5+s7], $0x10, s12, s7, $0xb8;
	[tilespmem:$0x1FB00] =	vst v63  }
0x183: {  	s3 =	sadd.s32 $0xFFFFF000, s13;
	s12 =	sadd.s32 $0x80, s12;
	_ =	swait.ge [sflag:s26], $0x800  }
0x184: {  	s13 =	sadd.s32 $0x800, s13;
	s3 =	sand.u32 $0x1800, s3;
	[sflag:s26] =	ssyncset.done $0x0  }
0x185: {  	s14 =	sadd.s32 $0x80, s14;
	s7 =	sadd.s32 $0x1DB00, s3;
	[sflag:s26] =	ssyncadd.s32 $0xFFFFF800  }
0x186: {  	[spmem:s2] =	stream.indirect.scatter.add.f32 [tilespmem:s7], [sflag:$0x2], $0x10, s10, s19, $0xb8;
	[tilespmem:$0x1FB00] =	vst v63  }
0x187: {  	s4 =	sadd.s32 $0x1, s4  }
0x188: {  	_ =	swait.ge [sflag:s31], $0x800;
	p0 =	sne.s32 s4, $0x1C  }
.Ltmp11:
0x189: {  	[sflag:s31] =	ssyncset.done $0x0;
	(pc) =	sbr.rel @p0 .LBB2_20-.Ltmp11, $4  }
0x18a: {  	[sflag:s31] =	ssyncadd.s32 $0xFFFFF800  }
0x18b: {  	_ =	swait.ge [sflag:s31], $0x800  }
0x18c: {  	[sflag:s31] =	ssyncset.done $0x0  }
0x18d: {  	[sflag:s31] =	ssyncadd.s32 $0xFFFFF800  }
0x18e: {  	[bflag:$0x0] =	sbarrier.arrive $0xFFFF  }
0x18f: {  	s0 =	rddreg [dreg:$0x9]  }
0x190: {  	[hbm:s0], [sflag:s9] =	dma.local [spmem:s15], $0x1870  }
0x191: {  	_ =	swait.ge [sflag:s16], $0x1870  }
0x192: {  	s3 =	rddreg [dreg:$0x4]  }
0x193: {  	s14 =	rddreg [dreg:$0xa];
	s3 =	sadd.s32 $0x1, s3  }
0x194: {  	p0 =	sne.s32 s3, s14  }
.Ltmp12:
0x195: {  	_ = 	snop;
	(pc) =	sbr.rel @p0 .LBB2_1-.Ltmp12, $3  }
0x196: {  	[sflag:s16] =	ssyncset.done $0x0  }
0x197: {  	[sflag:s16] =	ssyncadd.s32 $0xFFFFE790  }
0x198: {  	[bflag:$0x0] =	sbarrier.arrive $0xFFFF;
	_ =	sdelay $0x1  }
0x199: {  	_ =	sfence.sel $0x180000  }
0x19a: {  	[bflag:$0x0] =	sbarrier.arrive $0xFFFF  }
0x19b: {  	_ =	strace $0x9000004A  }
0x19c: {  	s0 =	stileid.u32;
	[bflag:$0x2] =	sbarrier.arrive $0xFFFF  }
0x19d: {  	p0 =	sne.s32 s0, $0x0;
	s0 =	rddreg [dreg:$0x3]  }
0x19e: {  	s0 =	sadd.s32 @!p0 $0x100000, s0  }
0x19f: {  	[sflag:s0] =	ssyncadd.tile.s32 @!p0 $0x1;
	_ =	shalt  }
.Lfunc_end2:
_tile_overlayer_lowered:
.L_overlay_start_2:
0x1a0: {  	(tag) =	ssettag $0x2  }
0x1a1: {  	s0 =	rddreg [dreg:$0x0];
	s2 =	stileid.u32  }
0x1a2: {  	s1 =	rddreg [dreg:$0x1];
	p0 =	sne.s32 s2, $0x0  }
0x1a3: {  	s3 =	rddreg [dreg:$0x2];
	[bflag:$0x3] =	sbarrier.arrive $0xFFFF;
	s2 =	simm.s32 @!p0 $0x1C03  }
0x1a4: {  	[timem:s3], [sflag:s2] =	dma.local @!p0 [hbm:s0], s1  }
0x1a5: {  	s0 =	simm.s32 @!p0 $0x3  }
0x1a6: {  	_ =	swait.ge @!p0 [sflag:s0], s1  }
0x1a7: {  	s1 =	ssub.s32 @!p0 $0x0, s1;
	[sflag:s0] =	ssyncset.done @!p0 $0x0  }
0x1a8: {  	[sflag:s0] =	ssyncadd.s32 @!p0 s1  }
0x1a9: {  	[bflag:$0x3] =	sbarrier.arrive $0xFFFF  }
0x1aa: {  	_ =	shalt  }

// kernel: kernel.14.cloned.1.call-start
scs
__scs_entry_jumppad:
0x0: {  	(pc) =	sbr.rel $0x88, $3  }
0x1: {  	(tag) =	ssettag $0x0;
	lr =	simm.s32 $0x1  }
0x2: {  	[smem:$0x3F97] =	sst lr;
	_ =	strace $0xD0000000  }
0x3: {  	_ = 	snop  }
0x4: {  	_ = 	snop  }
0x5: {  	_ = 	snop  }
0x6: {  	_ = 	snop  }
0x7: {  	_ = 	snop  }
__scs_overlays_trampoline_lowered:
0x8: {  	[smem:$0x3FA6] =	sst s0  }
0x9: {  	[smem:$0x3FA7] =	sst s1  }
0xa: {  	[smem:$0x3FA8] =	sst s2  }
0xb: {  	[smem:$0x3FA9] =	sst s3  }
0xc: {  	[smem:$0x3FAA] =	sst s4  }
0xd: {  	[smem:$0x3FAB] =	sst s5  }
0xe: {  	[smem:$0x3FAC] =	sst s6  }
0xf: {  	[smem:$0x3FAD] =	sst s7  }
0x10: {  	[smem:$0x3FAE] =	sst s8  }
0x11: {  	[smem:$0x3FAF] =	sst s9;
	s0 =	simm.s32 @!p0 $0x0  }
0x12: {  	s1 =	sld [smem:$0x3F95];
	s0 =	simm.s32 @p0 $0x1  }
0x13: {  	[smem:$0x3FB0] =	sst s0;
	s0 =	simm.s32 @!p1 $0x0  }
0x14: {  	s2 =	sld [smem:$0x3F94];
	s0 =	simm.s32 @p1 $0x1  }
0x15: {  	[smem:$0x3FB1] =	sst s0;
	s0 =	simm.s32 @!p2 $0x0  }
0x16: {  	s3 =	sld [smem:$0x3FDB];
	s0 =	simm.s32 @p2 $0x1  }
0x17: {  	s4 =	simm.s32 $0x1BF5;
	[smem:$0x3FB3] =	sst s0  }
0x18: {  	s0 =	sld [smem:$0x3F96];
	_ =	swait.ge [sflag:s4], $0x0  }
0x19: {  	s7 =	sld [smem:$0x3F97]  }
0x1a: {  	s8 =	sadd.s32 $0xFFFFE003, lr  }
0x1b: {  	s9 =	sadd.s32 $0xFFFFFEF7, lr;
	s5 =	simm.s32 $0xFFFFFFFF;
	p2 =	slt.u32 s8, $0xFFFFF086  }
0x1c: {  	p1 =	slt.u32 s9, $0xF7A;
	s5 =	simm.s32 @!p2 $0x0  }
0x1d: {  	s5 =	simm.s32 @p1 $0x1;
	p0 =	seq.s32 s7, s2  }
0x1e: {  	s7 =	smul.u32 @!p0 $0xF7A, s2;
	p2 =	seq.s32 @!p0 s5, $0x0  }
0x1f: {  	s9 =	smul.u32 $0xF7A, s1;
	s8 =	simm.s32 @!p0 $0x1BF5;
	p2 =	por !p2, p0  }
0x20: {  	[sflag:s8] =	ssyncset.s32 @!p0 $0xFFFFF086;
	s6 =	sadd.s32 @!p0 s3, s7;
	s7 =	simm.s32 @!p0 $0x108  }
0x21: {  	s3 =	sadd.s32 s3, s9;
	s6 =	sadd.s32 @!p0 $0x88, s6;
	s7 =	simm.s32 @p2 $0x1082  }
0x22: {  	[simem:s7], [sflag:s8] =	dma.local @!p0 [hbm:s6], $0xF7A  }
0x23: {  	s9 =	sor.u32 $0xD0000000, s2;
	s6 =	simm.s32 $0x108;
	_ =	swait.ge @!p0 [sflag:s8], $0x0  }
0x24: {  	s3 =	sadd.s32 $0x88, s3;
	s6 =	simm.s32 @!p1 $0x1082;
	[sflag:s4] =	ssyncset.s32 $0xFFFFF086  }
0x25: {  	[simem:s6], [sflag:s4] =	dma.local [hbm:s3], $0xF7A  }
0x26: {  	[smem:$0x3F97] =	sst s1;
	(tag) =	ssettag s2;
	_ =	strace s9  }
0x27: {  	s1 =	sld [smem:$0x3FA7]  }
0x28: {  	s2 =	sld [smem:$0x3FA8]  }
0x29: {  	s4 =	sld [smem:$0x3FAA]  }
0x2a: {  	p0 =	seq.s32 s5, $0x0;
	s5 =	sld [smem:$0x3FAB]  }
0x2b: {  	s6 =	sld [smem:$0x3FAC]  }
0x2c: {  	s7 =	sld [smem:$0x3FAD]  }
0x2d: {  	s3 =	simm.s32 $0x108;
	s8 =	sld [smem:$0x3FAE]  }
0x2e: {  	s3 =	simm.s32 @!p0 $0x1082;
	s9 =	sld [smem:$0x3FAF]  }
0x2f: {  	lr =	sadd.s32 s0, s3;
	s0 =	sld [smem:$0x3FA6]  }
0x30: {  	s3 =	sld [smem:$0x3FA9]  }
0x31: {  	[smem:$0x3FB2] =	sst s10  }
0x32: {  	s10 =	sld [smem:$0x3FB0];
	_ =	sdelay $0x3  }
0x33: {  	p0 =	seq.s32 s10, $0x1;
	s10 =	sld [smem:$0x3FB2];
	_ =	sdelay $0x3  }
0x34: {  	[smem:$0x3FB2] =	sst s10  }
0x35: {  	s10 =	sld [smem:$0x3FB1];
	_ =	sdelay $0x3  }
0x36: {  	p1 =	seq.s32 s10, $0x1;
	s10 =	sld [smem:$0x3FB2];
	_ =	sdelay $0x3  }
0x37: {  	[smem:$0x3FB2] =	sst s10  }
0x38: {  	s10 =	sld [smem:$0x3FB3]  }
0x39: {  	_ = 	snop;
	(pc) =	sbr.ind lr, $3  }
0x3a: {  	_ = 	snop  }
0x3b: {  	_ = 	snop  }
0x3c: {  	p2 =	seq.s32 s10, $0x1;
	s10 =	sld [smem:$0x3FB2]  }
0x3d: {  	_ =	shalt  }
0x3e: {  	_ =	shalt  }
0x3f: {  	_ =	shalt  }
0x40: {  	_ =	shalt  }
0x41: {  	_ =	shalt  }
0x42: {  	_ =	shalt  }
0x43: {  	_ =	shalt  }
0x44: {  	_ =	shalt  }
0x45: {  	_ =	shalt  }
0x46: {  	_ =	shalt  }
0x47: {  	_ =	shalt  }
0x48: {  	_ =	shalt  }
0x49: {  	_ =	shalt  }
0x4a: {  	_ =	shalt  }
0x4b: {  	_ =	shalt  }
0x4c: {  	_ =	shalt  }
0x4d: {  	_ =	shalt  }
0x4e: {  	_ =	shalt  }
0x4f: {  	_ =	shalt  }
0x50: {  	_ =	shalt  }
0x51: {  	_ =	shalt  }
0x52: {  	_ =	shalt  }
0x53: {  	_ =	shalt  }
0x54: {  	_ =	shalt  }
0x55: {  	_ =	shalt  }
0x56: {  	_ =	shalt  }
0x57: {  	_ =	shalt  }
0x58: {  	_ =	shalt  }
0x59: {  	_ =	shalt  }
0x5a: {  	_ =	shalt  }
0x5b: {  	_ =	shalt  }
0x5c: {  	_ =	shalt  }
0x5d: {  	_ =	shalt  }
0x5e: {  	_ =	shalt  }
0x5f: {  	_ =	shalt  }
0x60: {  	_ =	shalt  }
0x61: {  	_ =	shalt  }
0x62: {  	_ =	shalt  }
0x63: {  	_ =	shalt  }
0x64: {  	_ =	shalt  }
0x65: {  	_ =	shalt  }
0x66: {  	_ =	shalt  }
0x67: {  	_ =	shalt  }
0x68: {  	_ =	shalt  }
0x69: {  	_ =	shalt  }
0x6a: {  	_ =	shalt  }
0x6b: {  	_ =	shalt  }
0x6c: {  	_ =	shalt  }
0x6d: {  	_ =	shalt  }
0x6e: {  	_ =	shalt  }
0x6f: {  	_ =	shalt  }
0x70: {  	_ =	shalt  }
0x71: {  	_ =	shalt  }
0x72: {  	_ =	shalt  }
0x73: {  	_ =	shalt  }
0x74: {  	_ =	shalt  }
0x75: {  	_ =	shalt  }
0x76: {  	_ =	shalt  }
0x77: {  	_ =	shalt  }
0x78: {  	_ =	shalt  }
0x79: {  	_ =	shalt  }
0x7a: {  	_ =	shalt  }
0x7b: {  	_ =	shalt  }
0x7c: {  	_ =	shalt  }
0x7d: {  	_ =	shalt  }
0x7e: {  	_ =	shalt  }
0x7f: {  	_ =	shalt  }
0x80: {  	_ =	shalt  }
0x81: {  	_ =	shalt  }
0x82: {  	_ =	shalt  }
0x83: {  	_ =	shalt  }
0x84: {  	_ =	shalt  }
0x85: {  	_ =	shalt  }
0x86: {  	_ =	shalt  }
0x87: {  	_ =	shalt  }
.Lfunc_end0:
.L_simem_size_0:
called_computation.4_lowered:
.L_overlay_start_0:
0x88: {  	s2 =	sld [smem:$0x3FD9]  }
0x89: {  	s3 =	sld [smem:$0x3FFE];
	_ =	sdelay $0x1  }
0x8a: {  	s1 =	srdreg.scid  }
0x8b: {  	s0 =	sand.u32 $0x1, s1  }
0x8c: {  	s17 =	sshll.u32 s0, $0xA;
	s2 =	sadd.s32 s3, s2  }
0x8d: {  	s2 =	sadd.s32 s2, s17  }
0x8e: {  	[smem:$0x3FBE] =	sst s2  }
0x8f: {  	_ = 	snop  }
0x90: {  	s2 =	sld [smem:$0x3FD0];
	(tm) =	ssettm $0x1  }
0x91: {  	s18 =	sld [smem:$0x3FFB];
	_ =	sdelay $0x3  }
0x92: {  	_ =	strace s18  }
0x93: {  	s3 =	sld [smem:$0x3FFC];
	_ =	sdelay $0x3  }
0x94: {  	_ =	strace s3  }
0x95: {  	s3 =	sld [smem:$0x3FFD];
	_ =	sdelay $0x3  }
0x96: {  	_ =	strace s3  }
0x97: {  	_ =	strace $0x8FFFFFFF  }
0x98: {  	s19 =	sld [smem:$0x3FDB];
	_ =	sdelay $0x1  }
0x99: {  	s4 =	simm.s32 $_scs_section_size  }
0x9a: {  	s5 =	simm.s32 $_size__tile_overlayer_lowered;
	s6 =	simm.s32 $_tile_overlayer_lowered  }
0x9b: {  	s22 =	simm.s32 $0x1BFF;
	s21 =	sshll.u32 s6, $0x1;
	s3 =	sadd.s32 s4, s19  }
0x9c: {  	s7 =	simm.s32 $0x0;
	s20 =	sshll.u32 s5, $0x1;
	s5 =	sadd.s32 s21, s3  }
0x9d: {  	[timem:s7], [sflag:s22] =	dma.local [hbm:s5], s20  }
0x9e: {  	_ =	swait.ge [sflag:s22], s20  }
0x9f: {  	s4 =	ssub.s32 $0x0, s20;
	[sflag:s22] =	ssyncset.done $0x0  }
0xa0: {  	[sflag:s22] =	ssyncadd.s32 s4;
	_ =	sdelay $0x1  }
0xa1: {  	s23 =	simm.s32 $0x1B8B  }
0xa2: {  	_ =	swait.ge [sflag:s23], $0x1  }
0xa3: {  	[sflag:s23] =	ssyncset.done $0x0  }
0xa4: {  	s25 =	simm.s32 $0x1B8E;
	s24 =	sld [smem:$0x3FFE];
	[sflag:s23] =	ssyncadd.s32 $0xFFFFFFFF  }
0xa5: {  	s26 =	simm.s32 $execute0_lowered;
	[smem:$0x3FD2] =	sst s25  }
0xa6: {  	s5 =	sshll.u32 s26, $0x1;
	_ =	strace $0x8000004F;
	[dreg:$0x1] =	wrdreg $0xFFFFFFFF  }
0xa7: {  	s28 =	simm.s32 $_size_execute0_lowered;
	s3 =	sadd.s32 s3, s5;
	[dreg:$0x0] =	wrdreg $0x0  }
0xa8: {  	s5 =	sshll.u32 s28, $0x1;
	[dreg:$0x2] =	wrdreg s3  }
0xa9: {  	[dreg:$0x3] =	wrdreg s5  }
0xaa: {  	[dreg:$0x4] =	wrdreg $0xC0  }
0xab: {  	_ =	task [dreg:s7], $0x5FFFF  }
0xac: {  	[dreg:$0x1] =	wrdreg $0xFFFFFFFF  }
0xad: {  	[dreg:$0x0] =	wrdreg $0x60  }
0xae: {  	[dreg:$0x2] =	wrdreg s24  }
0xaf: {  	[dreg:$0x3] =	wrdreg s2  }
0xb0: {  	[dreg:$0x4] =	wrdreg $0x0  }
0xb1: {  	[dreg:$0x5] =	wrdreg $0x9  }
0xb2: {  	_ =	task.clear_ibuf [dreg:s7], $0x6FFFF;
	_ =	strace $0x9000004F  }
0xb3: {  	s29 =	simm.s32 $0x9;
	_ =	strace $0x80000051  }
0xb4: {  	_ =	swait.ge [sflag:s29], $0x1  }
0xb5: {  	[sflag:s29] =	ssyncadd.s32 $0xFFFFFFFF  }
0xb6: {  	_ =	strace $0x90000051  }
0xb7: {  	_ =	sfence  }
0xb8: {  	s30 =	sld [smem:$0x0];
	_ =	sdelay $0x2  }
0xb9: {  	s31 =	sshll.u32 s1, $0xD;
	s1 =	sshrl.u32 s1, $0x2  }
0xba: {  	s3 =	sand.u32 $0x4000, s31;
	s1 =	sadd.s32 s1, s30  }
0xbb: {  	s0 =	sor.u32 s3, s0;
	s1 =	sshll.u32 s1, $0x11  }
0xbc: {  	s0 =	sor.u32 s1, s0  }
0xbd: {  	s0 =	sadd.s32 $0x8F2B, s0  }
0xbe: {  	[sflag:s0] =	ssyncadd.remote.s32 $0x1  }
0xbf: {  	_ =	sfence.sel $0xFFFF  }
0xc0: {  	[dreg:$0x0] =	wrdreg $0xFFFFFFFF;
	(pc) =	sbr.abs _section_cstart, $3  }
0xc1: {  	[dreg:$0x1] =	wrdreg $0xFFFFFFFF  }
0xc2: {  	_ =	task.clear_ibuf [dreg:s7], $0x2FFFF;
	_ =	strace $0x9FFFFFFF  }
0xc3: {  	(tm) =	ssettm $0x7FFFFFFF  }
tec
execute0_lowered:
.L_overlay_start_1:
0x0: {  	(tag) =	ssettag $0x1  }
0x1: {  	s0 =	rddreg [dreg:$0x0]  }
0x2: {  	s1 =	rddreg [dreg:$0x1]  }
0x3: {  	s2 =	rddreg [dreg:$0x2];
	s3 =	simm.s32 $0x0  }
0x4: {  	s4 =	srdreg.scid;
	s14 =	stileid.u32;
	s18 =	simm.s32 $0x1A300  }
0x5: {  	s19 =	simm.s32 $0x80;
	s28 =	simm.s32 $0x1C080;
	s30 =	simm.s32 $0x1A380  }
0x6: {  	s31 =	simm.s32 $0x2;
	[smem:$0x7FF] =	sst s3;
	s5 =	sadd.s32 $0x3A4200, s0  }
0x7: {  	s6 =	sadd.s32 $0x34E00, s0;
	s7 =	sadd.s32 $0x3000, s0;
	s0 =	sadd.s32 $0x52AC00, s0  }
0x8: {  	s4 =	sand.u32 $0x1, s4;
	s10 =	smul.u32 $0xC380, s14;
	_ =	strace $0x80000050  }
0x9: {  	[dreg:$0x5] =	wrdreg s7;
	s20 =	ssub.s32 $0x2, s4;
	s11 =	sshll.u32 s4, $0x2  }
0xa: {  	s9 =	smul.u32 $0x61C000, s4;
	s4 =	sshllo.u32 s4, $0x2;
	s8 =	sshrl.u32 s20, $0x1  }
0xb: {  	s12 =	sadd.s32 s10, s2;
	s13 =	sor.u32 $0x1, s11;
	s22 =	smul.u32 $0x187000, s4  }
0xc: {  	s29 =	sor.u32 $0x2, s11;
	s7 =	ssub.s32 s20, s8;
	s8 =	smul.u32 $0x620, s14  }
0xd: {  	s14 =	sshll.u32 s14, $0x6;
	s15 =	smul.u32 $0x187000, s13;
	s16 =	sadd.s32 s10, s9  }
0xe: {  	s17 =	smul.u32 $0x187000, s29;
	s20 =	simm.s32 $0x1BF00;
	v2 =	vmov s29;
	s29 =	simm.s32 $0x1F300  }
0xf: {  	s9 =	sor.u32 $0x1C03, s14;
	s21 =	sshrl.u32 s16, $0x3;
	s26 =	smax.u32 s7, $0x1  }
0x10: {  	s16 =	simm.s32 $0x3;
	s14 =	sadd.s32 s0, s21;
	s23 =	sadd.s32 s10, s15  }
0x11: {  	s24 =	sadd.s32 s10, s17;
	s10 =	sadd.s32 s10, s22;
	[dreg:$0xa] =	wrdreg s26  }
0x12: {  	s17 =	simm.s32 $0x18700;
	s21 =	simm.s32 $0x1DB00;
	s22 =	simm.s32 $0x1BF80  }
0x13: {  	s26 =	simm.s32 $0x1;
	[dreg:$0x6] =	wrdreg s14;
	s14 =	sshrl.u32 s23, $0x3  }
0x14: {  	s15 =	sshrl.u32 s24, $0x3;
	s10 =	sshrl.u32 s10, $0x3;
	s14 =	sadd.s32 s0, s14  }
0x15: {  	s23 =	simm.s32 $0x1E300;
	s25 =	sadd.s32 s0, s15;
	[dreg:$0x7] =	wrdreg s14  }
0x16: {  	s24 =	simm.s32 $0x1C000;
	s0 =	sadd.s32 s0, s10;
	[dreg:$0x8] =	wrdreg s25  }
0x17: {  	v0 =	vmov s11;
	v3 =	vmov s4;
	v1 =	vmov s13;
	s15 =	sshrl.u32 s12, $0x3;
	[dreg:$0x9] =	wrdreg s0;
	s25 =	simm.s32 $0x1EB00  }
.LBB2_1:
0x18: {  	s0 =	rddreg [dreg:$0x5]  }
0x19: {  	[spmem:s15], [sflag:s9] =	dma.local [hbm:s0], $0x1870  }
0x1a: {  	_ =	swait.ge [sflag:s16], $0x1870  }
0x1b: {  	[sflag:s16] =	ssyncset.done $0x0  }
0x1c: {  	[sflag:s16] =	ssyncadd.s32 $0xFFFFE790  }
0x1d: {  	s0 =	simm.s32 $0x0;
	[bflag:$0x0] =	sbarrier.arrive $0xFFFF  }
.LBB2_2:
0x1e: {  	s4 =	smul.u32 $0x38, s0;
	_ =	sdelay $0x1  }
0x1f: {  	s4 =	sadd.s32 s8, s4  }
0x20: {  	s4 =	sshll.u32 s4, $0x4  }
0x21: {  	s10 =	simm.s32 $0x0;
	s7 =	sadd.s32 s6, s4  }
0x22: {  	[tilespmem:s17], [sflag:$0x3] =	stream.linear.gather [hbm4b:s7+s10], $0x1C00, $0x38;
	[tilespmem:$0x1FB00] =	vst v63  }
0x23: {  	_ =	swait.ge [sflag:s16], $0x1C00  }
0x24: {  	[sflag:s16] =	ssyncset.done $0x0  }
0x25: {  	s4 =	sadd.s32 s1, s4;
	[sflag:s16] =	ssyncadd.s32 $0xFFFFE400  }
0x26: {  	[tilespmem:s18], [sflag:$0x3] =	stream.linear.gather [hbm4b:s4+s10], $0x1C00, $0x38;
	[tilespmem:$0x1FB00] =	vst v63  }
0x27: {  	_ =	swait.ge [sflag:s16], $0x1C00  }
0x28: {  	[sflag:s16] =	ssyncset.done $0x0  }
0x29: {  	s10 =	simm.s32 $0x0;
	[sflag:s16] =	ssyncadd.s32 $0xFFFFE400  }
0x2a: {  	v4 =	vld [tilespmem:s10+$0x18770]  }
0x2b: {  	v6 =	vld [tilespmem:s10+$0x18700]  }
0x2c: {  	v10 =	vld [tilespmem:s10+$0x18710]  }
0x2d: {  	v8 =	vld [tilespmem:s10+$0x18720]  }
0x2e: {  	v7 =	vld [tilespmem:s10+$0x18730]  }
0x2f: {  	v5 =	vld [tilespmem:s10+$0x18740];
	v9 =	vshll.u32 v4, $0x3  }
0x30: {  	v4 =	vld [tilespmem:s10+$0x18750];
	v11 =	vshll.u32 v6, $0x3;
	v12 =	vor.u32 v0, v9  }
0x31: {  	s11 =	simm.s32 $0x400;
	s4 =	simm.s32 $0x80;
	v6 =	vld [tilespmem:s10+$0x18760];
	v10 =	vshll.u32 v10, $0x3;
	v9 =	vor.u32 v0, v11;
	[tilespmem:s10+$0x1BF70] =	vst v12  }
.LBB2_3:
0x32: {  	p0 =	sne.s32 s11, $0x6E00;
	v11 =	vld [tilespmem:s4+$0x18770];
	[tilespmem:s10+$0x1BF00] =	vst v9;
	v9 =	vor.u32 v0, v10;
	v8 =	vshll.u32 v8, $0x3  }
0x33: {  	v10 =	vld [tilespmem:s4+$0x18700];
	[tilespmem:s10+$0x1BF10] =	vst v9;
	v8 =	vor.u32 v0, v8;
	v7 =	vshll.u32 v7, $0x3  }
0x34: {  	v12 =	vld [tilespmem:s4+$0x18710];
	[tilespmem:s10+$0x1BF20] =	vst v8;
	v7 =	vor.u32 v0, v7;
	v5 =	vshll.u32 v5, $0x3  }
.Ltmp0:
0x35: {  	v8 =	vld [tilespmem:s4+$0x18720];
	[tilespmem:s10+$0x1BF30] =	vst v7;
	v5 =	vor.u32 v0, v5;
	v4 =	vshll.u32 v4, $0x3;
	(pc) =	sbr.rel @p0 .LBB2_3-.Ltmp0, $4  }
0x36: {  	v7 =	vld [tilespmem:s4+$0x18730];
	[tilespmem:s10+$0x1BF40] =	vst v5;
	v4 =	vor.u32 v0, v4;
	v6 =	vshll.u32 v6, $0x3  }
0x37: {  	v5 =	vld [tilespmem:s4+$0x18740];
	v9 =	vshll.u32 v11, $0x3;
	[tilespmem:s10+$0x1BF50] =	vst v4;
	v6 =	vor.u32 v0, v6  }
0x38: {  	v10 =	vshll.u32 v10, $0x3;
	v4 =	vld [tilespmem:s4+$0x18750];
	v11 =	vor.u32 v0, v9;
	[tilespmem:s10+$0x1BF60] =	vst v6;
	s10 =	smov.u32 s4  }
0x39: {  	s4 =	sshra.s32 s11, $0x2;
	s11 =	sadd.s32 $0x200, s11;
	v9 =	vor.u32 v0, v10;
	v10 =	vshll.u32 v12, $0x3;
	v6 =	vld [tilespmem:s10+$0x18760];
	[tilespmem:s10+$0x1BF70] =	vst v11  }
0x3a: {  	v11 =	vld [tilespmem:s4+$0x18770];
	[tilespmem:s10+$0x1BF00] =	vst v9;
	v59 =	vor.u32 v0, v10;
	v8 =	vshll.u32 v8, $0x3  }
0x3b: {  	v60 =	vld [tilespmem:s4+$0x18700];
	[tilespmem:s10+$0x1BF10] =	vst v59;
	v8 =	vor.u32 v0, v8;
	v7 =	vshll.u32 v7, $0x3  }
0x3c: {  	v9 =	vld [tilespmem:s4+$0x18710];
	[tilespmem:s10+$0x1BF20] =	vst v8;
	v7 =	vor.u32 v0, v7;
	v5 =	vshll.u32 v5, $0x3  }
0x3d: {  	v8 =	vld [tilespmem:s4+$0x18720];
	[tilespmem:s10+$0x1BF30] =	vst v7;
	v5 =	vor.u32 v0, v5;
	v4 =	vshll.u32 v4, $0x3  }
0x3e: {  	v7 =	vld [tilespmem:s4+$0x18730];
	[tilespmem:s10+$0x1BF40] =	vst v5;
	v4 =	vor.u32 v0, v4;
	v6 =	vshll.u32 v6, $0x3  }
0x3f: {  	v5 =	vld [tilespmem:s4+$0x18740];
	[tilespmem:s10+$0x1BF50] =	vst v4;
	v4 =	vor.u32 v0, v6;
	v11 =	vshll.u32 v11, $0x3  }
0x40: {  	v61 =	vld [tilespmem:s4+$0x18750];
	[tilespmem:s10+$0x1BF60] =	vst v4;
	v4 =	vshll.u32 v60, $0x3;
	v62 =	vor.u32 v0, v11  }
0x41: {  	v63 =	vld [tilespmem:s4+$0x18760];
	v4 =	vor.u32 v0, v4;
	v9 =	vshll.u32 v9, $0x3;
	[tilespmem:s4+$0x1BF70] =	vst v62  }
0x42: {  	[tilespmem:s4+$0x1BF00] =	vst v4;
	v4 =	vor.u32 v0, v9;
	v8 =	vshll.u32 v8, $0x3  }
0x43: {  	[tilespmem:s4+$0x1BF10] =	vst v4;
	v4 =	vor.u32 v0, v8;
	v7 =	vshll.u32 v7, $0x3  }
0x44: {  	[tilespmem:s4+$0x1BF20] =	vst v4;
	v4 =	vor.u32 v0, v7;
	v5 =	vshll.u32 v5, $0x3  }
0x45: {  	[tilespmem:s4+$0x1BF30] =	vst v4;
	v4 =	vor.u32 v0, v5;
	v5 =	vshll.u32 v61, $0x3  }
0x46: {  	[tilespmem:s4+$0x1BF40] =	vst v4;
	v4 =	vor.u32 v0, v5;
	v5 =	vshll.u32 v63, $0x3  }
0x47: {  	[tilespmem:s4+$0x1BF50] =	vst v4;
	v4 =	vor.u32 v0, v5  }
0x48: {  	[tilespmem:s4+$0x1BF60] =	vst v4  }
0x49: {  	[tilespmem:s21], [sflag:$0x1] =	stream.indirect.gather [hbm4b:s5+s19], $0x10, s20, s19, $0xb8;
	[tilespmem:$0x1FB00] =	vst v63  }
0x4a: {  	_ = 	snop  }
0x4b: {  	[tilespmem:s23], [sflag:$0x1] =	stream.indirect.gather [hbm4b:s5+s19], $0x10, s22, s19, $0xb8;
	[tilespmem:$0x1FB00] =	vst v63  }
0x4c: {  	_ = 	snop  }
0x4d: {  	[tilespmem:s25], [sflag:$0x1] =	stream.indirect.gather [hbm4b:s5+s19], $0x10, s24, s19, $0xb8;
	[tilespmem:$0x1FB00] =	vst v63  }
0x4e: {  	_ =	swait.ge [sflag:s26], $0x800  }
0x4f: {  	[sflag:s26] =	ssyncset.done $0x0  }
0x50: {  	[sflag:s26] =	ssyncadd.s32 $0xFFFFF800  }
0x51: {  	[spmem:s2] =	stream.indirect.scatter.add.f32 [tilespmem:s21], [sflag:$0x2], $0x10, s18, s19, $0xb8;
	[tilespmem:$0x1FB00] =	vst v63  }
0x52: {  	_ = 	snop  }
0x53: {  	[tilespmem:s29], [sflag:$0x1] =	stream.indirect.gather [hbm4b:s5+s19], $0x10, s28, s19, $0xb8;
	[tilespmem:$0x1FB00] =	vst v63  }
0x54: {  	_ =	swait.ge [sflag:s26], $0x800  }
0x55: {  	[sflag:s26] =	ssyncset.done $0x0  }
0x56: {  	s7 =	simm.s32 $0x2000;
	s11 =	simm.s32 $0x1C100;
	[sflag:s26] =	ssyncadd.s32 $0xFFFFF800  }
0x57: {  	[spmem:s2] =	stream.indirect.scatter.add.f32 [tilespmem:s23], [sflag:$0x2], $0x10, s30, s19, $0xb8;
	[tilespmem:$0x1FB00] =	vst v63  }
0x58: {  	p0 =	por $0x0, $0x0;
	s14 =	simm.s32 $0x1000;
	_ =	swait.ge [sflag:s31], $0x800  }
0x59: {  	s13 =	simm.s32 $0x1A480;
	s7 =	sand.u32 @!p0 $0x1800, s7;
	[sflag:s31] =	ssyncset.done $0x0  }
0x5a: {  	s12 =	simm.s32 @!p0 $0x80;
	s7 =	sadd.s32 @!p0 $0x1DB00, s7;
	[sflag:s31] =	ssyncadd.s32 $0xFFFFF800  }
0x5b: {  	[tilespmem:s7], [sflag:$0x1] =	stream.indirect.gather @!p0 [hbm4b:s5+s12], $0x10, s11, s12, $0xb8;
	[tilespmem:$0x1FB00] =	vst v63  }
0x5c: {  	s10 =	simm.s32 $0x3;
	s4 =	simm.s32 $0x1A400;
	_ =	swait.ge [sflag:s26], $0x800  }
0x5d: {  	s11 =	simm.s32 $0x1C180;
	s7 =	sand.u32 $0x1800, s14;
	[sflag:s26] =	ssyncset.done $0x0  }
0x5e: {  	s12 =	simm.s32 $0x2800;
	s14 =	sadd.s32 $0x1DB00, s7;
	[sflag:s26] =	ssyncadd.s32 $0xFFFFF800  }
.LBB2_5:
0x5f: {  	[spmem:s2] =	stream.indirect.scatter.add.f32 [tilespmem:s14], [sflag:$0x2], $0x10, s4, s19, $0xb8;
	[tilespmem:$0x1FB00] =	vst v63  }
0x60: {  	s7 =	smov.u32 s10;
	s10 =	sadd.s32 $0x1, s10;
	s4 =	smov.u32 s13  }
0x61: {  	p1 =	sgt.u32 s7, $0x35;
	p0 =	sne.s32 s10, $0x38;
	_ =	swait.ge [sflag:s31], $0x800  }
0x62: {  	s7 =	sand.u32 @!p1 $0x1800, s12;
	s14 =	simm.s32 @!p1 $0x80;
	[sflag:s31] =	ssyncset.done $0x0  }
.Ltmp1:
0x63: {  	s7 =	sadd.s32 @!p1 $0x1DB00, s7;
	[sflag:s31] =	ssyncadd.s32 $0xFFFFF800;
	(pc) =	sbr.rel @p0 .LBB2_5-.Ltmp1, $4  }
0x64: {  	[tilespmem:s7], [sflag:$0x1] =	stream.indirect.gather @!p1 [hbm4b:s5+s14], $0x10, s11, s14, $0xb8;
	[tilespmem:$0x1FB00] =	vst v63  }
0x65: {  	s7 =	sadd.s32 $0xFFFFF000, s12;
	s11 =	sadd.s32 $0x80, s11;
	_ =	swait.ge [sflag:s26], $0x800  }
0x66: {  	s12 =	sadd.s32 $0x800, s12;
	s7 =	sand.u32 $0x1800, s7;
	[sflag:s26] =	ssyncset.done $0x0  }
0x67: {  	s13 =	sadd.s32 $0x80, s13;
	s14 =	sadd.s32 $0x1DB00, s7;
	[sflag:s26] =	ssyncadd.s32 $0xFFFFF800  }
0x68: {  	[spmem:s2] =	stream.indirect.scatter.add.f32 [tilespmem:s14], [sflag:$0x2], $0x10, s4, s19, $0xb8;
	[tilespmem:$0x1FB00] =	vst v63  }
0x69: {  	s0 =	sadd.s32 $0x1, s0  }
0x6a: {  	_ =	swait.ge [sflag:s31], $0x800;
	p0 =	sne.s32 s0, $0x1C  }
.Ltmp2:
0x6b: {  	[sflag:s31] =	ssyncset.done $0x0;
	(pc) =	sbr.rel @p0 .LBB2_2-.Ltmp2, $4  }
0x6c: {  	[sflag:s31] =	ssyncadd.s32 $0xFFFFF800  }
0x6d: {  	_ =	swait.ge [sflag:s31], $0x800  }
0x6e: {  	[sflag:s31] =	ssyncset.done $0x0  }
0x6f: {  	[sflag:s31] =	ssyncadd.s32 $0xFFFFF800  }
0x70: {  	[dreg:$0x4] =	wrdreg s3  }
0x71: {  	[bflag:$0x0] =	sbarrier.arrive $0xFFFF  }
0x72: {  	s0 =	rddreg [dreg:$0x6]  }
0x73: {  	[hbm:s0], [sflag:s9] =	dma.local [spmem:s15], $0x1870  }
0x74: {  	_ =	swait.ge [sflag:s16], $0x1870  }
0x75: {  	[sflag:s16] =	ssyncset.done $0x0  }
0x76: {  	[sflag:s16] =	ssyncadd.s32 $0xFFFFE790  }
0x77: {  	[bflag:$0x0] =	sbarrier.arrive $0xFFFF  }
0x78: {  	s14 =	rddreg [dreg:$0x5]  }
0x79: {  	[spmem:s15], [sflag:s9] =	dma.local [hbm:s14], $0x1870  }
0x7a: {  	_ =	swait.ge [sflag:s16], $0x1870  }
0x7b: {  	[sflag:s16] =	ssyncset.done $0x0  }
0x7c: {  	[sflag:s16] =	ssyncadd.s32 $0xFFFFE790  }
0x7d: {  	s4 =	simm.s32 $0x0;
	s0 =	simm.s32 $0x0;
	[bflag:$0x0] =	sbarrier.arrive $0xFFFF  }
.LBB2_8:
0x7e: {  	s7 =	smul.u32 $0x38, s4;
	_ =	sdelay $0x1  }
0x7f: {  	s7 =	sadd.s32 s8, s7  }
0x80: {  	s7 =	sshll.u32 s7, $0x4  }
0x81: {  	s10 =	sadd.s32 s6, s7  }
0x82: {  	[tilespmem:s17], [sflag:$0x3] =	stream.linear.gather [hbm4b:s10+s0], $0x1C00, $0x38;
	[tilespmem:$0x1FB00] =	vst v63  }
0x83: {  	_ =	swait.ge [sflag:s16], $0x1C00  }
0x84: {  	[sflag:s16] =	ssyncset.done $0x0  }
0x85: {  	s7 =	sadd.s32 s1, s7;
	[sflag:s16] =	ssyncadd.s32 $0xFFFFE400  }
0x86: {  	[tilespmem:s18], [sflag:$0x3] =	stream.linear.gather [hbm4b:s7+s0], $0x1C00, $0x38;
	[tilespmem:$0x1FB00] =	vst v63  }
0x87: {  	_ =	swait.ge [sflag:s16], $0x1C00  }
0x88: {  	[sflag:s16] =	ssyncset.done $0x0  }
0x89: {  	s11 =	simm.s32 $0x0;
	[sflag:s16] =	ssyncadd.s32 $0xFFFFE400  }
0x8a: {  	v4 =	vld [tilespmem:s11+$0x18770]  }
0x8b: {  	v6 =	vld [tilespmem:s11+$0x18700]  }
0x8c: {  	v10 =	vld [tilespmem:s11+$0x18710]  }
0x8d: {  	v8 =	vld [tilespmem:s11+$0x18720]  }
0x8e: {  	v7 =	vld [tilespmem:s11+$0x18730]  }
0x8f: {  	v5 =	vld [tilespmem:s11+$0x18740];
	v9 =	vshll.u32 v4, $0x3  }
0x90: {  	v4 =	vld [tilespmem:s11+$0x18750];
	v11 =	vshll.u32 v6, $0x3;
	v12 =	vor.u32 v1, v9  }
0x91: {  	s12 =	simm.s32 $0x400;
	s10 =	simm.s32 $0x80;
	v6 =	vld [tilespmem:s11+$0x18760];
	v10 =	vshll.u32 v10, $0x3;
	v9 =	vor.u32 v1, v11;
	[tilespmem:s11+$0x1BF70] =	vst v12  }
.LBB2_9:
0x92: {  	p0 =	sne.s32 s12, $0x6E00;
	v11 =	vld [tilespmem:s10+$0x18770];
	[tilespmem:s11+$0x1BF00] =	vst v9;
	v9 =	vor.u32 v1, v10;
	v8 =	vshll.u32 v8, $0x3  }
0x93: {  	v10 =	vld [tilespmem:s10+$0x18700];
	[tilespmem:s11+$0x1BF10] =	vst v9;
	v8 =	vor.u32 v1, v8;
	v7 =	vshll.u32 v7, $0x3  }
0x94: {  	v12 =	vld [tilespmem:s10+$0x18710];
	[tilespmem:s11+$0x1BF20] =	vst v8;
	v7 =	vor.u32 v1, v7;
	v5 =	vshll.u32 v5, $0x3  }
.Ltmp3:
0x95: {  	v8 =	vld [tilespmem:s10+$0x18720];
	[tilespmem:s11+$0x1BF30] =	vst v7;
	v5 =	vor.u32 v1, v5;
	v4 =	vshll.u32 v4, $0x3;
	(pc) =	sbr.rel @p0 .LBB2_9-.Ltmp3, $4  }
0x96: {  	v7 =	vld [tilespmem:s10+$0x18730];
	[tilespmem:s11+$0x1BF40] =	vst v5;
	v4 =	vor.u32 v1, v4;
	v6 =	vshll.u32 v6, $0x3  }
0x97: {  	v5 =	vld [tilespmem:s10+$0x18740];
	v9 =	vshll.u32 v11, $0x3;
	[tilespmem:s11+$0x1BF50] =	vst v4;
	v6 =	vor.u32 v1, v6  }
0x98: {  	v10 =	vshll.u32 v10, $0x3;
	v4 =	vld [tilespmem:s10+$0x18750];
	v11 =	vor.u32 v1, v9;
	[tilespmem:s11+$0x1BF60] =	vst v6;
	s11 =	smov.u32 s10  }
0x99: {  	s10 =	sshra.s32 s12, $0x2;
	s12 =	sadd.s32 $0x200, s12;
	v9 =	vor.u32 v1, v10;
	v10 =	vshll.u32 v12, $0x3;
	v6 =	vld [tilespmem:s11+$0x18760];
	[tilespmem:s11+$0x1BF70] =	vst v11  }
0x9a: {  	v11 =	vld [tilespmem:s10+$0x18770];
	[tilespmem:s11+$0x1BF00] =	vst v9;
	v59 =	vor.u32 v1, v10;
	v8 =	vshll.u32 v8, $0x3  }
0x9b: {  	v60 =	vld [tilespmem:s10+$0x18700];
	[tilespmem:s11+$0x1BF10] =	vst v59;
	v8 =	vor.u32 v1, v8;
	v7 =	vshll.u32 v7, $0x3  }
0x9c: {  	v9 =	vld [tilespmem:s10+$0x18710];
	[tilespmem:s11+$0x1BF20] =	vst v8;
	v7 =	vor.u32 v1, v7;
	v5 =	vshll.u32 v5, $0x3  }
0x9d: {  	v8 =	vld [tilespmem:s10+$0x18720];
	[tilespmem:s11+$0x1BF30] =	vst v7;
	v5 =	vor.u32 v1, v5;
	v4 =	vshll.u32 v4, $0x3  }
0x9e: {  	v7 =	vld [tilespmem:s10+$0x18730];
	[tilespmem:s11+$0x1BF40] =	vst v5;
	v4 =	vor.u32 v1, v4;
	v6 =	vshll.u32 v6, $0x3  }
0x9f: {  	v5 =	vld [tilespmem:s10+$0x18740];
	[tilespmem:s11+$0x1BF50] =	vst v4;
	v4 =	vor.u32 v1, v6;
	v11 =	vshll.u32 v11, $0x3  }
0xa0: {  	v61 =	vld [tilespmem:s10+$0x18750];
	[tilespmem:s11+$0x1BF60] =	vst v4;
	v4 =	vshll.u32 v60, $0x3;
	v62 =	vor.u32 v1, v11  }
0xa1: {  	v63 =	vld [tilespmem:s10+$0x18760];
	v4 =	vor.u32 v1, v4;
	v9 =	vshll.u32 v9, $0x3;
	[tilespmem:s10+$0x1BF70] =	vst v62  }
0xa2: {  	[tilespmem:s10+$0x1BF00] =	vst v4;
	v4 =	vor.u32 v1, v9;
	v8 =	vshll.u32 v8, $0x3  }
0xa3: {  	[tilespmem:s10+$0x1BF10] =	vst v4;
	v4 =	vor.u32 v1, v8;
	v7 =	vshll.u32 v7, $0x3  }
0xa4: {  	[tilespmem:s10+$0x1BF20] =	vst v4;
	v4 =	vor.u32 v1, v7;
	v5 =	vshll.u32 v5, $0x3  }
0xa5: {  	[tilespmem:s10+$0x1BF30] =	vst v4;
	v4 =	vor.u32 v1, v5;
	v5 =	vshll.u32 v61, $0x3  }
0xa6: {  	[tilespmem:s10+$0x1BF40] =	vst v4;
	v4 =	vor.u32 v1, v5;
	v5 =	vshll.u32 v63, $0x3  }
0xa7: {  	[tilespmem:s10+$0x1BF50] =	vst v4;
	v4 =	vor.u32 v1, v5  }
0xa8: {  	[tilespmem:s10+$0x1BF60] =	vst v4  }
0xa9: {  	[tilespmem:s21], [sflag:$0x1] =	stream.indirect.gather [hbm4b:s5+s19], $0x10, s20, s19, $0xb8;
	[tilespmem:$0x1FB00] =	vst v63  }
0xaa: {  	_ = 	snop  }
0xab: {  	[tilespmem:s23], [sflag:$0x1] =	stream.indirect.gather [hbm4b:s5+s19], $0x10, s22, s19, $0xb8;
	[tilespmem:$0x1FB00] =	vst v63  }
0xac: {  	_ = 	snop  }
0xad: {  	[tilespmem:s25], [sflag:$0x1] =	stream.indirect.gather [hbm4b:s5+s19], $0x10, s24, s19, $0xb8;
	[tilespmem:$0x1FB00] =	vst v63  }
0xae: {  	_ =	swait.ge [sflag:s26], $0x800  }
0xaf: {  	[sflag:s26] =	ssyncset.done $0x0  }
0xb0: {  	[sflag:s26] =	ssyncadd.s32 $0xFFFFF800  }
0xb1: {  	[spmem:s2] =	stream.indirect.scatter.add.f32 [tilespmem:s21], [sflag:$0x2], $0x10, s18, s19, $0xb8;
	[tilespmem:$0x1FB00] =	vst v63  }
0xb2: {  	_ = 	snop  }
0xb3: {  	[tilespmem:s29], [sflag:$0x1] =	stream.indirect.gather [hbm4b:s5+s19], $0x10, s28, s19, $0xb8;
	[tilespmem:$0x1FB00] =	vst v63  }
0xb4: {  	_ =	swait.ge [sflag:s26], $0x800  }
0xb5: {  	[sflag:s26] =	ssyncset.done $0x0  }
0xb6: {  	s7 =	simm.s32 $0x2000;
	s12 =	simm.s32 $0x1C100;
	[sflag:s26] =	ssyncadd.s32 $0xFFFFF800  }
0xb7: {  	[spmem:s2] =	stream.indirect.scatter.add.f32 [tilespmem:s23], [sflag:$0x2], $0x10, s30, s19, $0xb8;
	[tilespmem:$0x1FB00] =	vst v63  }
0xb8: {  	p0 =	por $0x0, $0x0;
	s14 =	simm.s32 $0x1000;
	_ =	swait.ge [sflag:s31], $0x800  }
0xb9: {  	s7 =	sand.u32 @!p0 $0x1800, s7;
	s13 =	simm.s32 @!p0 $0x80;
	[sflag:s31] =	ssyncset.done $0x0  }
0xba: {  	s7 =	sadd.s32 @!p0 $0x1DB00, s7;
	s11 =	simm.s32 $0x3;
	[sflag:s31] =	ssyncadd.s32 $0xFFFFF800  }
0xbb: {  	[tilespmem:s7], [sflag:$0x1] =	stream.indirect.gather @!p0 [hbm4b:s5+s13], $0x10, s12, s13, $0xb8;
	[tilespmem:$0x1FB00] =	vst v63  }
0xbc: {  	s10 =	simm.s32 $0x1A400;
	s12 =	simm.s32 $0x1C180;
	_ =	swait.ge [sflag:s26], $0x800  }
0xbd: {  	s7 =	sand.u32 $0x1800, s14;
	s13 =	simm.s32 $0x2800;
	[sflag:s26] =	ssyncset.done $0x0  }
0xbe: {  	s14 =	simm.s32 $0x1A480;
	s7 =	sadd.s32 $0x1DB00, s7;
	[sflag:s26] =	ssyncadd.s32 $0xFFFFF800  }
.LBB2_11:
0xbf: {  	[spmem:s2] =	stream.indirect.scatter.add.f32 [tilespmem:s7], [sflag:$0x2], $0x10, s10, s19, $0xb8;
	[tilespmem:$0x1FB00] =	vst v63  }
0xc0: {  	s7 =	smov.u32 s11;
	s11 =	sadd.s32 $0x1, s11;
	s10 =	smov.u32 s14  }
0xc1: {  	p1 =	sgt.u32 s7, $0x35;
	p0 =	sne.s32 s11, $0x38;
	_ =	swait.ge [sflag:s31], $0x800  }
0xc2: {  	s7 =	sand.u32 @!p1 $0x1800, s13;
	s3 =	simm.s32 @!p1 $0x80;
	[sflag:s31] =	ssyncset.done $0x0  }
.Ltmp4:
0xc3: {  	s7 =	sadd.s32 @!p1 $0x1DB00, s7;
	[sflag:s31] =	ssyncadd.s32 $0xFFFFF800;
	(pc) =	sbr.rel @p0 .LBB2_11-.Ltmp4, $4  }
0xc4: {  	[tilespmem:s7], [sflag:$0x1] =	stream.indirect.gather @!p1 [hbm4b:s5+s3], $0x10, s12, s3, $0xb8;
	[tilespmem:$0x1FB00] =	vst v63  }
0xc5: {  	s3 =	sadd.s32 $0xFFFFF000, s13;
	s12 =	sadd.s32 $0x80, s12;
	_ =	swait.ge [sflag:s26], $0x800  }
0xc6: {  	s13 =	sadd.s32 $0x800, s13;
	s3 =	sand.u32 $0x1800, s3;
	[sflag:s26] =	ssyncset.done $0x0  }
0xc7: {  	s14 =	sadd.s32 $0x80, s14;
	s7 =	sadd.s32 $0x1DB00, s3;
	[sflag:s26] =	ssyncadd.s32 $0xFFFFF800  }
0xc8: {  	[spmem:s2] =	stream.indirect.scatter.add.f32 [tilespmem:s7], [sflag:$0x2], $0x10, s10, s19, $0xb8;
	[tilespmem:$0x1FB00] =	vst v63  }
0xc9: {  	s4 =	sadd.s32 $0x1, s4  }
0xca: {  	_ =	swait.ge [sflag:s31], $0x800;
	p0 =	sne.s32 s4, $0x1C  }
.Ltmp5:
0xcb: {  	[sflag:s31] =	ssyncset.done $0x0;
	(pc) =	sbr.rel @p0 .LBB2_8-.Ltmp5, $4  }
0xcc: {  	[sflag:s31] =	ssyncadd.s32 $0xFFFFF800  }
0xcd: {  	_ =	swait.ge [sflag:s31], $0x800  }
0xce: {  	[sflag:s31] =	ssyncset.done $0x0  }
0xcf: {  	[sflag:s31] =	ssyncadd.s32 $0xFFFFF800  }
0xd0: {  	[bflag:$0x0] =	sbarrier.arrive $0xFFFF  }
0xd1: {  	s0 =	rddreg [dreg:$0x7]  }
0xd2: {  	[hbm:s0], [sflag:s9] =	dma.local [spmem:s15], $0x1870  }
0xd3: {  	_ =	swait.ge [sflag:s16], $0x1870  }
0xd4: {  	[sflag:s16] =	ssyncset.done $0x0  }
0xd5: {  	[sflag:s16] =	ssyncadd.s32 $0xFFFFE790  }
0xd6: {  	[bflag:$0x0] =	sbarrier.arrive $0xFFFF  }
0xd7: {  	s14 =	rddreg [dreg:$0x5]  }
0xd8: {  	[spmem:s15], [sflag:s9] =	dma.local [hbm:s14], $0x1870  }
0xd9: {  	_ =	swait.ge [sflag:s16], $0x1870  }
0xda: {  	[sflag:s16] =	ssyncset.done $0x0  }
0xdb: {  	[sflag:s16] =	ssyncadd.s32 $0xFFFFE790  }
0xdc: {  	s4 =	simm.s32 $0x0;
	s0 =	simm.s32 $0x0;
	[bflag:$0x0] =	sbarrier.arrive $0xFFFF  }
.LBB2_14:
0xdd: {  	s3 =	smul.u32 $0x38, s4;
	_ =	sdelay $0x1  }
0xde: {  	s3 =	sadd.s32 s8, s3  }
0xdf: {  	s3 =	sshll.u32 s3, $0x4  }
0xe0: {  	s7 =	sadd.s32 s6, s3  }
0xe1: {  	[tilespmem:s17], [sflag:$0x3] =	stream.linear.gather [hbm4b:s7+s0], $0x1C00, $0x38;
	[tilespmem:$0x1FB00] =	vst v63  }
0xe2: {  	_ =	swait.ge [sflag:s16], $0x1C00  }
0xe3: {  	[sflag:s16] =	ssyncset.done $0x0  }
0xe4: {  	s3 =	sadd.s32 s1, s3;
	[sflag:s16] =	ssyncadd.s32 $0xFFFFE400  }
0xe5: {  	[tilespmem:s18], [sflag:$0x3] =	stream.linear.gather [hbm4b:s3+s0], $0x1C00, $0x38;
	[tilespmem:$0x1FB00] =	vst v63  }
0xe6: {  	_ =	swait.ge [sflag:s16], $0x1C00  }
0xe7: {  	[sflag:s16] =	ssyncset.done $0x0  }
0xe8: {  	s11 =	simm.s32 $0x0;
	[sflag:s16] =	ssyncadd.s32 $0xFFFFE400  }
0xe9: {  	v4 =	vld [tilespmem:s11+$0x18770]  }
0xea: {  	v6 =	vld [tilespmem:s11+$0x18700]  }
0xeb: {  	v10 =	vld [tilespmem:s11+$0x18710]  }
0xec: {  	v8 =	vld [tilespmem:s11+$0x18720]  }
0xed: {  	v7 =	vld [tilespmem:s11+$0x18730]  }
0xee: {  	v5 =	vld [tilespmem:s11+$0x18740];
	v9 =	vshll.u32 v4, $0x3  }
0xef: {  	v4 =	vld [tilespmem:s11+$0x18750];
	v11 =	vshll.u32 v6, $0x3;
	v12 =	vor.u32 v2, v9  }
0xf0: {  	s10 =	simm.s32 $0x80;
	s12 =	simm.s32 $0x400;
	v6 =	vld [tilespmem:s11+$0x18760];
	v10 =	vshll.u32 v10, $0x3;
	v9 =	vor.u32 v2, v11;
	[tilespmem:s11+$0x1BF70] =	vst v12  }
.LBB2_15:
0xf1: {  	p0 =	sne.s32 s12, $0x6E00;
	v11 =	vld [tilespmem:s10+$0x18770];
	[tilespmem:s11+$0x1BF00] =	vst v9;
	v9 =	vor.u32 v2, v10;
	v8 =	vshll.u32 v8, $0x3  }
0xf2: {  	v10 =	vld [tilespmem:s10+$0x18700];
	[tilespmem:s11+$0x1BF10] =	vst v9;
	v8 =	vor.u32 v2, v8;
	v7 =	vshll.u32 v7, $0x3  }
0xf3: {  	v12 =	vld [tilespmem:s10+$0x18710];
	[tilespmem:s11+$0x1BF20] =	vst v8;
	v7 =	vor.u32 v2, v7;
	v5 =	vshll.u32 v5, $0x3  }
.Ltmp6:
0xf4: {  	v8 =	vld [tilespmem:s10+$0x18720];
	[tilespmem:s11+$0x1BF30] =	vst v7;
	v5 =	vor.u32 v2, v5;
	v4 =	vshll.u32 v4, $0x3;
	(pc) =	sbr.rel @p0 .LBB2_15-.Ltmp6, $4  }
0xf5: {  	v7 =	vld [tilespmem:s10+$0x18730];
	[tilespmem:s11+$0x1BF40] =	vst v5;
	v4 =	vor.u32 v2, v4;
	v6 =	vshll.u32 v6, $0x3  }
0xf6: {  	v5 =	vld [tilespmem:s10+$0x18740];
	v9 =	vshll.u32 v11, $0x3;
	[tilespmem:s11+$0x1BF50] =	vst v4;
	v6 =	vor.u32 v2, v6  }
0xf7: {  	v10 =	vshll.u32 v10, $0x3;
	v4 =	vld [tilespmem:s10+$0x18750];
	v11 =	vor.u32 v2, v9;
	[tilespmem:s11+$0x1BF60] =	vst v6;
	s11 =	smov.u32 s10  }
0xf8: {  	s10 =	sshra.s32 s12, $0x2;
	s12 =	sadd.s32 $0x200, s12;
	v9 =	vor.u32 v2, v10;
	v10 =	vshll.u32 v12, $0x3;
	v6 =	vld [tilespmem:s11+$0x18760];
	[tilespmem:s11+$0x1BF70] =	vst v11  }
0xf9: {  	v11 =	vld [tilespmem:s10+$0x18770];
	[tilespmem:s11+$0x1BF00] =	vst v9;
	v59 =	vor.u32 v2, v10;
	v8 =	vshll.u32 v8, $0x3  }
0xfa: {  	v60 =	vld [tilespmem:s10+$0x18700];
	[tilespmem:s11+$0x1BF10] =	vst v59;
	v8 =	vor.u32 v2, v8;
	v7 =	vshll.u32 v7, $0x3  }
0xfb: {  	v9 =	vld [tilespmem:s10+$0x18710];
	[tilespmem:s11+$0x1BF20] =	vst v8;
	v7 =	vor.u32 v2, v7;
	v5 =	vshll.u32 v5, $0x3  }
0xfc: {  	v8 =	vld [tilespmem:s10+$0x18720];
	[tilespmem:s11+$0x1BF30] =	vst v7;
	v5 =	vor.u32 v2, v5;
	v4 =	vshll.u32 v4, $0x3  }
0xfd: {  	v7 =	vld [tilespmem:s10+$0x18730];
	[tilespmem:s11+$0x1BF40] =	vst v5;
	v4 =	vor.u32 v2, v4;
	v6 =	vshll.u32 v6, $0x3  }
0xfe: {  	v5 =	vld [tilespmem:s10+$0x18740];
	[tilespmem:s11+$0x1BF50] =	vst v4;
	v4 =	vor.u32 v2, v6;
	v11 =	vshll.u32 v11, $0x3  }
0xff: {  	v61 =	vld [tilespmem:s10+$0x18750];
	[tilespmem:s11+$0x1BF60] =	vst v4;
	v4 =	vshll.u32 v60, $0x3;
	v62 =	vor.u32 v2, v11  }
0x100: {  	v63 =	vld [tilespmem:s10+$0x18760];
	v4 =	vor.u32 v2, v4;
	v9 =	vshll.u32 v9, $0x3;
	[tilespmem:s10+$0x1BF70] =	vst v62  }
0x101: {  	[tilespmem:s10+$0x1BF00] =	vst v4;
	v4 =	vor.u32 v2, v9;
	v8 =	vshll.u32 v8, $0x3  }
0x102: {  	[tilespmem:s10+$0x1BF10] =	vst v4;
	v4 =	vor.u32 v2, v8;
	v7 =	vshll.u32 v7, $0x3  }
0x103: {  	[tilespmem:s10+$0x1BF20] =	vst v4;
	v4 =	vor.u32 v2, v7;
	v5 =	vshll.u32 v5, $0x3  }
0x104: {  	[tilespmem:s10+$0x1BF30] =	vst v4;
	v4 =	vor.u32 v2, v5;
	v5 =	vshll.u32 v61, $0x3  }
0x105: {  	[tilespmem:s10+$0x1BF40] =	vst v4;
	v4 =	vor.u32 v2, v5;
	v5 =	vshll.u32 v63, $0x3  }
0x106: {  	[tilespmem:s10+$0x1BF50] =	vst v4;
	v4 =	vor.u32 v2, v5  }
0x107: {  	[tilespmem:s10+$0x1BF60] =	vst v4  }
0x108: {  	[tilespmem:s21], [sflag:$0x1] =	stream.indirect.gather [hbm4b:s5+s19], $0x10, s20, s19, $0xb8;
	[tilespmem:$0x1FB00] =	vst v63  }
0x109: {  	_ = 	snop  }
0x10a: {  	[tilespmem:s23], [sflag:$0x1] =	stream.indirect.gather [hbm4b:s5+s19], $0x10, s22, s19, $0xb8;
	[tilespmem:$0x1FB00] =	vst v63  }
0x10b: {  	_ = 	snop  }
0x10c: {  	[tilespmem:s25], [sflag:$0x1] =	stream.indirect.gather [hbm4b:s5+s19], $0x10, s24, s19, $0xb8;
	[tilespmem:$0x1FB00] =	vst v63  }
0x10d: {  	_ =	swait.ge [sflag:s26], $0x800  }
0x10e: {  	[sflag:s26] =	ssyncset.done $0x0  }
0x10f: {  	[sflag:s26] =	ssyncadd.s32 $0xFFFFF800  }
0x110: {  	[spmem:s2] =	stream.indirect.scatter.add.f32 [tilespmem:s21], [sflag:$0x2], $0x10, s18, s19, $0xb8;
	[tilespmem:$0x1FB00] =	vst v63  }
0x111: {  	_ = 	snop  }
0x112: {  	[tilespmem:s29], [sflag:$0x1] =	stream.indirect.gather [hbm4b:s5+s19], $0x10, s28, s19, $0xb8;
	[tilespmem:$0x1FB00] =	vst v63  }
0x113: {  	_ =	swait.ge [sflag:s26], $0x800  }
0x114: {  	[sflag:s26] =	ssyncset.done $0x0  }
0x115: {  	s3 =	simm.s32 $0x2000;
	s7 =	simm.s32 $0x1C100;
	[sflag:s26] =	ssyncadd.s32 $0xFFFFF800  }
0x116: {  	[spmem:s2] =	stream.indirect.scatter.add.f32 [tilespmem:s23], [sflag:$0x2], $0x10, s30, s19, $0xb8;
	[tilespmem:$0x1FB00] =	vst v63  }
0x117: {  	p0 =	por $0x0, $0x0;
	s14 =	simm.s32 $0x1000;
	_ =	swait.ge [sflag:s31], $0x800  }
0x118: {  	s13 =	simm.s32 $0x2800;
	s3 =	sand.u32 @!p0 $0x1800, s3;
	[sflag:s31] =	ssyncset.done $0x0  }
0x119: {  	s12 =	simm.s32 @!p0 $0x80;
	s3 =	sadd.s32 @!p0 $0x1DB00, s3;
	[sflag:s31] =	ssyncadd.s32 $0xFFFFF800  }
0x11a: {  	[tilespmem:s3], [sflag:$0x1] =	stream.indirect.gather @!p0 [hbm4b:s5+s12], $0x10, s7, s12, $0xb8;
	[tilespmem:$0x1FB00] =	vst v63  }
0x11b: {  	s11 =	simm.s32 $0x3;
	s10 =	simm.s32 $0x1A400;
	_ =	swait.ge [sflag:s26], $0x800  }
0x11c: {  	s12 =	simm.s32 $0x1C180;
	s3 =	sand.u32 $0x1800, s14;
	[sflag:s26] =	ssyncset.done $0x0  }
0x11d: {  	s14 =	simm.s32 $0x1A480;
	s7 =	sadd.s32 $0x1DB00, s3;
	[sflag:s26] =	ssyncadd.s32 $0xFFFFF800  }
.LBB2_17:
0x11e: {  	[spmem:s2] =	stream.indirect.scatter.add.f32 [tilespmem:s7], [sflag:$0x2], $0x10, s10, s19, $0xb8;
	[tilespmem:$0x1FB00] =	vst v63  }
0x11f: {  	s3 =	smov.u32 s11;
	s11 =	sadd.s32 $0x1, s11;
	s10 =	smov.u32 s14  }
0x120: {  	p1 =	sgt.u32 s3, $0x35;
	p0 =	sne.s32 s11, $0x38;
	_ =	swait.ge [sflag:s31], $0x800  }
0x121: {  	s3 =	sand.u32 @!p1 $0x1800, s13;
	s7 =	simm.s32 @!p1 $0x80;
	[sflag:s31] =	ssyncset.done $0x0  }
.Ltmp7:
0x122: {  	s3 =	sadd.s32 @!p1 $0x1DB00, s3;
	[sflag:s31] =	ssyncadd.s32 $0xFFFFF800;
	(pc) =	sbr.rel @p0 .LBB2_17-.Ltmp7, $4  }
0x123: {  	[tilespmem:s3], [sflag:$0x1] =	stream.indirect.gather @!p1 [hbm4b:s5+s7], $0x10, s12, s7, $0xb8;
	[tilespmem:$0x1FB00] =	vst v63  }
0x124: {  	s3 =	sadd.s32 $0xFFFFF000, s13;
	s12 =	sadd.s32 $0x80, s12;
	_ =	swait.ge [sflag:s26], $0x800  }
0x125: {  	s13 =	sadd.s32 $0x800, s13;
	s3 =	sand.u32 $0x1800, s3;
	[sflag:s26] =	ssyncset.done $0x0  }
0x126: {  	s14 =	sadd.s32 $0x80, s14;
	s7 =	sadd.s32 $0x1DB00, s3;
	[sflag:s26] =	ssyncadd.s32 $0xFFFFF800  }
0x127: {  	[spmem:s2] =	stream.indirect.scatter.add.f32 [tilespmem:s7], [sflag:$0x2], $0x10, s10, s19, $0xb8;
	[tilespmem:$0x1FB00] =	vst v63  }
0x128: {  	s4 =	sadd.s32 $0x1, s4  }
0x129: {  	_ =	swait.ge [sflag:s31], $0x800;
	p0 =	sne.s32 s4, $0x1C  }
.Ltmp8:
0x12a: {  	[sflag:s31] =	ssyncset.done $0x0;
	(pc) =	sbr.rel @p0 .LBB2_14-.Ltmp8, $4  }
0x12b: {  	[sflag:s31] =	ssyncadd.s32 $0xFFFFF800  }
0x12c: {  	_ =	swait.ge [sflag:s31], $0x800  }
0x12d: {  	[sflag:s31] =	ssyncset.done $0x0  }
0x12e: {  	[sflag:s31] =	ssyncadd.s32 $0xFFFFF800  }
0x12f: {  	[bflag:$0x0] =	sbarrier.arrive $0xFFFF  }
0x130: {  	s0 =	rddreg [dreg:$0x8]  }
0x131: {  	[hbm:s0], [sflag:s9] =	dma.local [spmem:s15], $0x1870  }
0x132: {  	_ =	swait.ge [sflag:s16], $0x1870  }
0x133: {  	[sflag:s16] =	ssyncset.done $0x0  }
0x134: {  	[sflag:s16] =	ssyncadd.s32 $0xFFFFE790  }
0x135: {  	[bflag:$0x0] =	sbarrier.arrive $0xFFFF  }
0x136: {  	s14 =	rddreg [dreg:$0x5]  }
0x137: {  	[spmem:s15], [sflag:s9] =	dma.local [hbm:s14], $0x1870  }
0x138: {  	_ =	swait.ge [sflag:s16], $0x1870  }
0x139: {  	[sflag:s16] =	ssyncset.done $0x0  }
0x13a: {  	[sflag:s16] =	ssyncadd.s32 $0xFFFFE790  }
0x13b: {  	s4 =	simm.s32 $0x0;
	s0 =	simm.s32 $0x0;
	[bflag:$0x0] =	sbarrier.arrive $0xFFFF  }
.LBB2_20:
0x13c: {  	s3 =	smul.u32 $0x38, s4;
	_ =	sdelay $0x1  }
0x13d: {  	s3 =	sadd.s32 s8, s3  }
0x13e: {  	s3 =	sshll.u32 s3, $0x4  }
0x13f: {  	s7 =	sadd.s32 s6, s3  }
0x140: {  	[tilespmem:s17], [sflag:$0x3] =	stream.linear.gather [hbm4b:s7+s0], $0x1C00, $0x38;
	[tilespmem:$0x1FB00] =	vst v63  }
0x141: {  	_ =	swait.ge [sflag:s16], $0x1C00  }
0x142: {  	[sflag:s16] =	ssyncset.done $0x0  }
0x143: {  	s3 =	sadd.s32 s1, s3;
	[sflag:s16] =	ssyncadd.s32 $0xFFFFE400  }
0x144: {  	[tilespmem:s18], [sflag:$0x3] =	stream.linear.gather [hbm4b:s3+s0], $0x1C00, $0x38;
	[tilespmem:$0x1FB00] =	vst v63  }
0x145: {  	_ =	swait.ge [sflag:s16], $0x1C00  }
0x146: {  	[sflag:s16] =	ssyncset.done $0x0  }
0x147: {  	s11 =	simm.s32 $0x0;
	[sflag:s16] =	ssyncadd.s32 $0xFFFFE400  }
0x148: {  	v4 =	vld [tilespmem:s11+$0x18770]  }
0x149: {  	v6 =	vld [tilespmem:s11+$0x18700]  }
0x14a: {  	v10 =	vld [tilespmem:s11+$0x18710]  }
0x14b: {  	v8 =	vld [tilespmem:s11+$0x18720]  }
0x14c: {  	v7 =	vld [tilespmem:s11+$0x18730]  }
0x14d: {  	v5 =	vld [tilespmem:s11+$0x18740];
	v9 =	vshll.u32 v4, $0x3  }
0x14e: {  	v4 =	vld [tilespmem:s11+$0x18750];
	v11 =	vshll.u32 v6, $0x3;
	v12 =	vor.u32 v3, v9  }
0x14f: {  	s10 =	simm.s32 $0x80;
	s12 =	simm.s32 $0x400;
	v6 =	vld [tilespmem:s11+$0x18760];
	v10 =	vshll.u32 v10, $0x3;
	v9 =	vor.u32 v3, v11;
	[tilespmem:s11+$0x1BF70] =	vst v12  }
.LBB2_21:
0x150: {  	p0 =	sne.s32 s12, $0x6E00;
	v11 =	vld [tilespmem:s10+$0x18770];
	[tilespmem:s11+$0x1BF00] =	vst v9;
	v9 =	vor.u32 v3, v10;
	v8 =	vshll.u32 v8, $0x3  }
0x151: {  	v10 =	vld [tilespmem:s10+$0x18700];
	[tilespmem:s11+$0x1BF10] =	vst v9;
	v8 =	vor.u32 v3, v8;
	v7 =	vshll.u32 v7, $0x3  }
0x152: {  	v12 =	vld [tilespmem:s10+$0x18710];
	[tilespmem:s11+$0x1BF20] =	vst v8;
	v7 =	vor.u32 v3, v7;
	v5 =	vshll.u32 v5, $0x3  }
.Ltmp9:
0x153: {  	v8 =	vld [tilespmem:s10+$0x18720];
	[tilespmem:s11+$0x1BF30] =	vst v7;
	v5 =	vor.u32 v3, v5;
	v4 =	vshll.u32 v4, $0x3;
	(pc) =	sbr.rel @p0 .LBB2_21-.Ltmp9, $4  }
0x154: {  	v7 =	vld [tilespmem:s10+$0x18730];
	[tilespmem:s11+$0x1BF40] =	vst v5;
	v4 =	vor.u32 v3, v4;
	v6 =	vshll.u32 v6, $0x3  }
0x155: {  	v5 =	vld [tilespmem:s10+$0x18740];
	v9 =	vshll.u32 v11, $0x3;
	[tilespmem:s11+$0x1BF50] =	vst v4;
	v6 =	vor.u32 v3, v6  }
0x156: {  	v10 =	vshll.u32 v10, $0x3;
	v4 =	vld [tilespmem:s10+$0x18750];
	v11 =	vor.u32 v3, v9;
	[tilespmem:s11+$0x1BF60] =	vst v6;
	s11 =	smov.u32 s10  }
0x157: {  	s10 =	sshra.s32 s12, $0x2;
	s12 =	sadd.s32 $0x200, s12;
	v9 =	vor.u32 v3, v10;
	v10 =	vshll.u32 v12, $0x3;
	v6 =	vld [tilespmem:s11+$0x18760];
	[tilespmem:s11+$0x1BF70] =	vst v11  }
0x158: {  	v11 =	vld [tilespmem:s10+$0x18770];
	[tilespmem:s11+$0x1BF00] =	vst v9;
	v59 =	vor.u32 v3, v10;
	v8 =	vshll.u32 v8, $0x3  }
0x159: {  	v60 =	vld [tilespmem:s10+$0x18700];
	[tilespmem:s11+$0x1BF10] =	vst v59;
	v8 =	vor.u32 v3, v8;
	v7 =	vshll.u32 v7, $0x3  }
0x15a: {  	v9 =	vld [tilespmem:s10+$0x18710];
	[tilespmem:s11+$0x1BF20] =	vst v8;
	v7 =	vor.u32 v3, v7;
	v5 =	vshll.u32 v5, $0x3  }
0x15b: {  	v8 =	vld [tilespmem:s10+$0x18720];
	[tilespmem:s11+$0x1BF30] =	vst v7;
	v5 =	vor.u32 v3, v5;
	v4 =	vshll.u32 v4, $0x3  }
0x15c: {  	v7 =	vld [tilespmem:s10+$0x18730];
	[tilespmem:s11+$0x1BF40] =	vst v5;
	v4 =	vor.u32 v3, v4;
	v6 =	vshll.u32 v6, $0x3  }
0x15d: {  	v5 =	vld [tilespmem:s10+$0x18740];
	[tilespmem:s11+$0x1BF50] =	vst v4;
	v4 =	vor.u32 v3, v6;
	v11 =	vshll.u32 v11, $0x3  }
0x15e: {  	v61 =	vld [tilespmem:s10+$0x18750];
	[tilespmem:s11+$0x1BF60] =	vst v4;
	v4 =	vshll.u32 v60, $0x3;
	v62 =	vor.u32 v3, v11  }
0x15f: {  	v63 =	vld [tilespmem:s10+$0x18760];
	v4 =	vor.u32 v3, v4;
	v9 =	vshll.u32 v9, $0x3;
	[tilespmem:s10+$0x1BF70] =	vst v62  }
0x160: {  	[tilespmem:s10+$0x1BF00] =	vst v4;
	v4 =	vor.u32 v3, v9;
	v8 =	vshll.u32 v8, $0x3  }
0x161: {  	[tilespmem:s10+$0x1BF10] =	vst v4;
	v4 =	vor.u32 v3, v8;
	v7 =	vshll.u32 v7, $0x3  }
0x162: {  	[tilespmem:s10+$0x1BF20] =	vst v4;
	v4 =	vor.u32 v3, v7;
	v5 =	vshll.u32 v5, $0x3  }
0x163: {  	[tilespmem:s10+$0x1BF30] =	vst v4;
	v4 =	vor.u32 v3, v5;
	v5 =	vshll.u32 v61, $0x3  }
0x164: {  	[tilespmem:s10+$0x1BF40] =	vst v4;
	v4 =	vor.u32 v3, v5;
	v5 =	vshll.u32 v63, $0x3  }
0x165: {  	[tilespmem:s10+$0x1BF50] =	vst v4;
	v4 =	vor.u32 v3, v5  }
0x166: {  	[tilespmem:s10+$0x1BF60] =	vst v4  }
0x167: {  	[tilespmem:s21], [sflag:$0x1] =	stream.indirect.gather [hbm4b:s5+s19], $0x10, s20, s19, $0xb8;
	[tilespmem:$0x1FB00] =	vst v63  }
0x168: {  	_ = 	snop  }
0x169: {  	[tilespmem:s23], [sflag:$0x1] =	stream.indirect.gather [hbm4b:s5+s19], $0x10, s22, s19, $0xb8;
	[tilespmem:$0x1FB00] =	vst v63  }
0x16a: {  	_ = 	snop  }
0x16b: {  	[tilespmem:s25], [sflag:$0x1] =	stream.indirect.gather [hbm4b:s5+s19], $0x10, s24, s19, $0xb8;
	[tilespmem:$0x1FB00] =	vst v63  }
0x16c: {  	_ =	swait.ge [sflag:s26], $0x800  }
0x16d: {  	[sflag:s26] =	ssyncset.done $0x0  }
0x16e: {  	[sflag:s26] =	ssyncadd.s32 $0xFFFFF800  }
0x16f: {  	[spmem:s2] =	stream.indirect.scatter.add.f32 [tilespmem:s21], [sflag:$0x2], $0x10, s18, s19, $0xb8;
	[tilespmem:$0x1FB00] =	vst v63  }
0x170: {  	_ = 	snop  }
0x171: {  	[tilespmem:s29], [sflag:$0x1] =	stream.indirect.gather [hbm4b:s5+s19], $0x10, s28, s19, $0xb8;
	[tilespmem:$0x1FB00] =	vst v63  }
0x172: {  	_ =	swait.ge [sflag:s26], $0x800  }
0x173: {  	[sflag:s26] =	ssyncset.done $0x0  }
0x174: {  	s3 =	simm.s32 $0x2000;
	s7 =	simm.s32 $0x1C100;
	[sflag:s26] =	ssyncadd.s32 $0xFFFFF800  }
0x175: {  	[spmem:s2] =	stream.indirect.scatter.add.f32 [tilespmem:s23], [sflag:$0x2], $0x10, s30, s19, $0xb8;
	[tilespmem:$0x1FB00] =	vst v63  }
0x176: {  	p0 =	por $0x0, $0x0;
	s14 =	simm.s32 $0x1000;
	_ =	swait.ge [sflag:s31], $0x800  }
0x177: {  	s13 =	simm.s32 $0x2800;
	s3 =	sand.u32 @!p0 $0x1800, s3;
	[sflag:s31] =	ssyncset.done $0x0  }
0x178: {  	s12 =	simm.s32 @!p0 $0x80;
	s3 =	sadd.s32 @!p0 $0x1DB00, s3;
	[sflag:s31] =	ssyncadd.s32 $0xFFFFF800  }
0x179: {  	[tilespmem:s3], [sflag:$0x1] =	stream.indirect.gather @!p0 [hbm4b:s5+s12], $0x10, s7, s12, $0xb8;
	[tilespmem:$0x1FB00] =	vst v63  }
0x17a: {  	s11 =	simm.s32 $0x3;
	s10 =	simm.s32 $0x1A400;
	_ =	swait.ge [sflag:s26], $0x800  }
0x17b: {  	s12 =	simm.s32 $0x1C180;
	s3 =	sand.u32 $0x1800, s14;
	[sflag:s26] =	ssyncset.done $0x0  }
0x17c: {  	s14 =	simm.s32 $0x1A480;
	s7 =	sadd.s32 $0x1DB00, s3;
	[sflag:s26] =	ssyncadd.s32 $0xFFFFF800  }
.LBB2_23:
0x17d: {  	[spmem:s2] =	stream.indirect.scatter.add.f32 [tilespmem:s7], [sflag:$0x2], $0x10, s10, s19, $0xb8;
	[tilespmem:$0x1FB00] =	vst v63  }
0x17e: {  	s3 =	smov.u32 s11;
	s11 =	sadd.s32 $0x1, s11;
	s10 =	smov.u32 s14  }
0x17f: {  	p1 =	sgt.u32 s3, $0x35;
	p0 =	sne.s32 s11, $0x38;
	_ =	swait.ge [sflag:s31], $0x800  }
0x180: {  	s3 =	sand.u32 @!p1 $0x1800, s13;
	s7 =	simm.s32 @!p1 $0x80;
	[sflag:s31] =	ssyncset.done $0x0  }
.Ltmp10:
0x181: {  	s3 =	sadd.s32 @!p1 $0x1DB00, s3;
	[sflag:s31] =	ssyncadd.s32 $0xFFFFF800;
	(pc) =	sbr.rel @p0 .LBB2_23-.Ltmp10, $4  }
0x182: {  	[tilespmem:s3], [sflag:$0x1] =	stream.indirect.gather @!p1 [hbm4b:s5+s7], $0x10, s12, s7, $0xb8;
	[tilespmem:$0x1FB00] =	vst v63  }
0x183: {  	s3 =	sadd.s32 $0xFFFFF000, s13;
	s12 =	sadd.s32 $0x80, s12;
	_ =	swait.ge [sflag:s26], $0x800  }
0x184: {  	s13 =	sadd.s32 $0x800, s13;
	s3 =	sand.u32 $0x1800, s3;
	[sflag:s26] =	ssyncset.done $0x0  }
0x185: {  	s14 =	sadd.s32 $0x80, s14;
	s7 =	sadd.s32 $0x1DB00, s3;
	[sflag:s26] =	ssyncadd.s32 $0xFFFFF800  }
0x186: {  	[spmem:s2] =	stream.indirect.scatter.add.f32 [tilespmem:s7], [sflag:$0x2], $0x10, s10, s19, $0xb8;
	[tilespmem:$0x1FB00] =	vst v63  }
0x187: {  	s4 =	sadd.s32 $0x1, s4  }
0x188: {  	_ =	swait.ge [sflag:s31], $0x800;
	p0 =	sne.s32 s4, $0x1C  }
.Ltmp11:
0x189: {  	[sflag:s31] =	ssyncset.done $0x0;
	(pc) =	sbr.rel @p0 .LBB2_20-.Ltmp11, $4  }
0x18a: {  	[sflag:s31] =	ssyncadd.s32 $0xFFFFF800  }
0x18b: {  	_ =	swait.ge [sflag:s31], $0x800  }
0x18c: {  	[sflag:s31] =	ssyncset.done $0x0  }
0x18d: {  	[sflag:s31] =	ssyncadd.s32 $0xFFFFF800  }
0x18e: {  	[bflag:$0x0] =	sbarrier.arrive $0xFFFF  }
0x18f: {  	s0 =	rddreg [dreg:$0x9]  }
0x190: {  	[hbm:s0], [sflag:s9] =	dma.local [spmem:s15], $0x1870  }
0x191: {  	_ =	swait.ge [sflag:s16], $0x1870  }
0x192: {  	s3 =	rddreg [dreg:$0x4]  }
0x193: {  	s14 =	rddreg [dreg:$0xa];
	s3 =	sadd.s32 $0x1, s3  }
0x194: {  	p0 =	sne.s32 s3, s14  }
.Ltmp12:
0x195: {  	_ = 	snop;
	(pc) =	sbr.rel @p0 .LBB2_1-.Ltmp12, $3  }
0x196: {  	[sflag:s16] =	ssyncset.done $0x0  }
0x197: {  	[sflag:s16] =	ssyncadd.s32 $0xFFFFE790  }
0x198: {  	[bflag:$0x0] =	sbarrier.arrive $0xFFFF;
	_ =	sdelay $0x1  }
0x199: {  	_ =	sfence.sel $0x180000  }
0x19a: {  	[bflag:$0x0] =	sbarrier.arrive $0xFFFF  }
0x19b: {  	_ =	strace $0x90000050  }
0x19c: {  	s0 =	stileid.u32;
	[bflag:$0x2] =	sbarrier.arrive $0xFFFF  }
0x19d: {  	p0 =	sne.s32 s0, $0x0;
	s0 =	rddreg [dreg:$0x3]  }
0x19e: {  	s0 =	sadd.s32 @!p0 $0x100000, s0  }
0x19f: {  	[sflag:s0] =	ssyncadd.tile.s32 @!p0 $0x1;
	_ =	shalt  }
.Lfunc_end2:
_tile_overlayer_lowered:
.L_overlay_start_2:
0x1a0: {  	(tag) =	ssettag $0x2  }
0x1a1: {  	s0 =	rddreg [dreg:$0x0];
	s2 =	stileid.u32  }
0x1a2: {  	s1 =	rddreg [dreg:$0x1];
	p0 =	sne.s32 s2, $0x0  }
0x1a3: {  	s3 =	rddreg [dreg:$0x2];
	[bflag:$0x3] =	sbarrier.arrive $0xFFFF;
	s2 =	simm.s32 @!p0 $0x1C03  }
0x1a4: {  	[timem:s3], [sflag:s2] =	dma.local @!p0 [hbm:s0], s1  }
0x1a5: {  	s0 =	simm.s32 @!p0 $0x3  }
0x1a6: {  	_ =	swait.ge @!p0 [sflag:s0], s1  }
0x1a7: {  	s1 =	ssub.s32 @!p0 $0x0, s1;
	[sflag:s0] =	ssyncset.done @!p0 $0x0  }
0x1a8: {  	[sflag:s0] =	ssyncadd.s32 @!p0 s1  }
0x1a9: {  	[bflag:$0x3] =	sbarrier.arrive $0xFFFF  }
0x1aa: {  	_ =	shalt  }

// kernel: kernel.8.cloned.1.call-start
scs
__scs_entry_jumppad:
0x0: {  	(pc) =	sbr.rel $0x88, $3  }
0x1: {  	(tag) =	ssettag $0x0;
	lr =	simm.s32 $0x1  }
0x2: {  	[smem:$0x3F97] =	sst lr;
	_ =	strace $0xD0000000  }
0x3: {  	_ = 	snop  }
0x4: {  	_ = 	snop  }
0x5: {  	_ = 	snop  }
0x6: {  	_ = 	snop  }
0x7: {  	_ = 	snop  }
__scs_overlays_trampoline_lowered:
0x8: {  	[smem:$0x3FA6] =	sst s0  }
0x9: {  	[smem:$0x3FA7] =	sst s1  }
0xa: {  	[smem:$0x3FA8] =	sst s2  }
0xb: {  	[smem:$0x3FA9] =	sst s3  }
0xc: {  	[smem:$0x3FAA] =	sst s4  }
0xd: {  	[smem:$0x3FAB] =	sst s5  }
0xe: {  	[smem:$0x3FAC] =	sst s6  }
0xf: {  	[smem:$0x3FAD] =	sst s7  }
0x10: {  	[smem:$0x3FAE] =	sst s8  }
0x11: {  	[smem:$0x3FAF] =	sst s9;
	s0 =	simm.s32 @!p0 $0x0  }
0x12: {  	s1 =	sld [smem:$0x3F95];
	s0 =	simm.s32 @p0 $0x1  }
0x13: {  	[smem:$0x3FB0] =	sst s0;
	s0 =	simm.s32 @!p1 $0x0  }
0x14: {  	s2 =	sld [smem:$0x3F94];
	s0 =	simm.s32 @p1 $0x1  }
0x15: {  	[smem:$0x3FB1] =	sst s0;
	s0 =	simm.s32 @!p2 $0x0  }
0x16: {  	s3 =	sld [smem:$0x3FDB];
	s0 =	simm.s32 @p2 $0x1  }
0x17: {  	s4 =	simm.s32 $0x1BF5;
	[smem:$0x3FB3] =	sst s0  }
0x18: {  	s0 =	sld [smem:$0x3F96];
	_ =	swait.ge [sflag:s4], $0x0  }
0x19: {  	s7 =	sld [smem:$0x3F97]  }
0x1a: {  	s8 =	sadd.s32 $0xFFFFE003, lr  }
0x1b: {  	s9 =	sadd.s32 $0xFFFFFEF7, lr;
	s5 =	simm.s32 $0xFFFFFFFF;
	p2 =	slt.u32 s8, $0xFFFFF086  }
0x1c: {  	p1 =	slt.u32 s9, $0xF7A;
	s5 =	simm.s32 @!p2 $0x0  }
0x1d: {  	s5 =	simm.s32 @p1 $0x1;
	p0 =	seq.s32 s7, s2  }
0x1e: {  	s7 =	smul.u32 @!p0 $0xF7A, s2;
	p2 =	seq.s32 @!p0 s5, $0x0  }
0x1f: {  	s9 =	smul.u32 $0xF7A, s1;
	s8 =	simm.s32 @!p0 $0x1BF5;
	p2 =	por !p2, p0  }
0x20: {  	[sflag:s8] =	ssyncset.s32 @!p0 $0xFFFFF086;
	s6 =	sadd.s32 @!p0 s3, s7;
	s7 =	simm.s32 @!p0 $0x108  }
0x21: {  	s3 =	sadd.s32 s3, s9;
	s6 =	sadd.s32 @!p0 $0x88, s6;
	s7 =	simm.s32 @p2 $0x1082  }
0x22: {  	[simem:s7], [sflag:s8] =	dma.local @!p0 [hbm:s6], $0xF7A  }
0x23: {  	s9 =	sor.u32 $0xD0000000, s2;
	s6 =	simm.s32 $0x108;
	_ =	swait.ge @!p0 [sflag:s8], $0x0  }
0x24: {  	s3 =	sadd.s32 $0x88, s3;
	s6 =	simm.s32 @!p1 $0x1082;
	[sflag:s4] =	ssyncset.s32 $0xFFFFF086  }
0x25: {  	[simem:s6], [sflag:s4] =	dma.local [hbm:s3], $0xF7A  }
0x26: {  	[smem:$0x3F97] =	sst s1;
	(tag) =	ssettag s2;
	_ =	strace s9  }
0x27: {  	s1 =	sld [smem:$0x3FA7]  }
0x28: {  	s2 =	sld [smem:$0x3FA8]  }
0x29: {  	s4 =	sld [smem:$0x3FAA]  }
0x2a: {  	p0 =	seq.s32 s5, $0x0;
	s5 =	sld [smem:$0x3FAB]  }
0x2b: {  	s6 =	sld [smem:$0x3FAC]  }
0x2c: {  	s7 =	sld [smem:$0x3FAD]  }
0x2d: {  	s3 =	simm.s32 $0x108;
	s8 =	sld [smem:$0x3FAE]  }
0x2e: {  	s3 =	simm.s32 @!p0 $0x1082;
	s9 =	sld [smem:$0x3FAF]  }
0x2f: {  	lr =	sadd.s32 s0, s3;
	s0 =	sld [smem:$0x3FA6]  }
0x30: {  	s3 =	sld [smem:$0x3FA9]  }
0x31: {  	[smem:$0x3FB2] =	sst s10  }
0x32: {  	s10 =	sld [smem:$0x3FB0];
	_ =	sdelay $0x3  }
0x33: {  	p0 =	seq.s32 s10, $0x1;
	s10 =	sld [smem:$0x3FB2];
	_ =	sdelay $0x3  }
0x34: {  	[smem:$0x3FB2] =	sst s10  }
0x35: {  	s10 =	sld [smem:$0x3FB1];
	_ =	sdelay $0x3  }
0x36: {  	p1 =	seq.s32 s10, $0x1;
	s10 =	sld [smem:$0x3FB2];
	_ =	sdelay $0x3  }
0x37: {  	[smem:$0x3FB2] =	sst s10  }
0x38: {  	s10 =	sld [smem:$0x3FB3]  }
0x39: {  	_ = 	snop;
	(pc) =	sbr.ind lr, $3  }
0x3a: {  	_ = 	snop  }
0x3b: {  	_ = 	snop  }
0x3c: {  	p2 =	seq.s32 s10, $0x1;
	s10 =	sld [smem:$0x3FB2]  }
0x3d: {  	_ =	shalt  }
0x3e: {  	_ =	shalt  }
0x3f: {  	_ =	shalt  }
0x40: {  	_ =	shalt  }
0x41: {  	_ =	shalt  }
0x42: {  	_ =	shalt  }
0x43: {  	_ =	shalt  }
0x44: {  	_ =	shalt  }
0x45: {  	_ =	shalt  }
0x46: {  	_ =	shalt  }
0x47: {  	_ =	shalt  }
0x48: {  	_ =	shalt  }
0x49: {  	_ =	shalt  }
0x4a: {  	_ =	shalt  }
0x4b: {  	_ =	shalt  }
0x4c: {  	_ =	shalt  }
0x4d: {  	_ =	shalt  }
0x4e: {  	_ =	shalt  }
0x4f: {  	_ =	shalt  }
0x50: {  	_ =	shalt  }
0x51: {  	_ =	shalt  }
0x52: {  	_ =	shalt  }
0x53: {  	_ =	shalt  }
0x54: {  	_ =	shalt  }
0x55: {  	_ =	shalt  }
0x56: {  	_ =	shalt  }
0x57: {  	_ =	shalt  }
0x58: {  	_ =	shalt  }
0x59: {  	_ =	shalt  }
0x5a: {  	_ =	shalt  }
0x5b: {  	_ =	shalt  }
0x5c: {  	_ =	shalt  }
0x5d: {  	_ =	shalt  }
0x5e: {  	_ =	shalt  }
0x5f: {  	_ =	shalt  }
0x60: {  	_ =	shalt  }
0x61: {  	_ =	shalt  }
0x62: {  	_ =	shalt  }
0x63: {  	_ =	shalt  }
0x64: {  	_ =	shalt  }
0x65: {  	_ =	shalt  }
0x66: {  	_ =	shalt  }
0x67: {  	_ =	shalt  }
0x68: {  	_ =	shalt  }
0x69: {  	_ =	shalt  }
0x6a: {  	_ =	shalt  }
0x6b: {  	_ =	shalt  }
0x6c: {  	_ =	shalt  }
0x6d: {  	_ =	shalt  }
0x6e: {  	_ =	shalt  }
0x6f: {  	_ =	shalt  }
0x70: {  	_ =	shalt  }
0x71: {  	_ =	shalt  }
0x72: {  	_ =	shalt  }
0x73: {  	_ =	shalt  }
0x74: {  	_ =	shalt  }
0x75: {  	_ =	shalt  }
0x76: {  	_ =	shalt  }
0x77: {  	_ =	shalt  }
0x78: {  	_ =	shalt  }
0x79: {  	_ =	shalt  }
0x7a: {  	_ =	shalt  }
0x7b: {  	_ =	shalt  }
0x7c: {  	_ =	shalt  }
0x7d: {  	_ =	shalt  }
0x7e: {  	_ =	shalt  }
0x7f: {  	_ =	shalt  }
0x80: {  	_ =	shalt  }
0x81: {  	_ =	shalt  }
0x82: {  	_ =	shalt  }
0x83: {  	_ =	shalt  }
0x84: {  	_ =	shalt  }
0x85: {  	_ =	shalt  }
0x86: {  	_ =	shalt  }
0x87: {  	_ =	shalt  }
.Lfunc_end0:
.L_simem_size_0:
called_computation.2_lowered:
.L_overlay_start_0:
0x88: {  	s2 =	sld [smem:$0x3FD9]  }
0x89: {  	s3 =	sld [smem:$0x3FFE];
	_ =	sdelay $0x1  }
0x8a: {  	s1 =	srdreg.scid  }
0x8b: {  	s0 =	sand.u32 $0x1, s1  }
0x8c: {  	s17 =	sshll.u32 s0, $0xA;
	s2 =	sadd.s32 s3, s2  }
0x8d: {  	s2 =	sadd.s32 s2, s17  }
0x8e: {  	[smem:$0x3FBE] =	sst s2  }
0x8f: {  	_ = 	snop  }
0x90: {  	s2 =	sld [smem:$0x3FD0];
	(tm) =	ssettm $0x1  }
0x91: {  	s18 =	sld [smem:$0x3FFB];
	_ =	sdelay $0x3  }
0x92: {  	_ =	strace s18  }
0x93: {  	s3 =	sld [smem:$0x3FFC];
	_ =	sdelay $0x3  }
0x94: {  	_ =	strace s3  }
0x95: {  	s3 =	sld [smem:$0x3FFD];
	_ =	sdelay $0x3  }
0x96: {  	_ =	strace s3  }
0x97: {  	_ =	strace $0x8FFFFFFF  }
0x98: {  	s19 =	sld [smem:$0x3FDB];
	_ =	sdelay $0x1  }
0x99: {  	s4 =	simm.s32 $_scs_section_size  }
0x9a: {  	s5 =	simm.s32 $_size__tile_overlayer_lowered;
	s6 =	simm.s32 $_tile_overlayer_lowered  }
0x9b: {  	s22 =	simm.s32 $0x1BFF;
	s21 =	sshll.u32 s6, $0x1;
	s3 =	sadd.s32 s4, s19  }
0x9c: {  	s7 =	simm.s32 $0x0;
	s20 =	sshll.u32 s5, $0x1;
	s5 =	sadd.s32 s21, s3  }
0x9d: {  	[timem:s7], [sflag:s22] =	dma.local [hbm:s5], s20  }
0x9e: {  	_ =	swait.ge [sflag:s22], s20  }
0x9f: {  	s4 =	ssub.s32 $0x0, s20;
	[sflag:s22] =	ssyncset.done $0x0  }
0xa0: {  	[sflag:s22] =	ssyncadd.s32 s4;
	_ =	sdelay $0x1  }
0xa1: {  	s23 =	simm.s32 $0x1B8B  }
0xa2: {  	_ =	swait.ge [sflag:s23], $0x1  }
0xa3: {  	[sflag:s23] =	ssyncset.done $0x0  }
0xa4: {  	s25 =	simm.s32 $0x1B8E;
	s24 =	sld [smem:$0x3FFE];
	[sflag:s23] =	ssyncadd.s32 $0xFFFFFFFF  }
0xa5: {  	s26 =	simm.s32 $execute0_lowered;
	[smem:$0x3FD2] =	sst s25  }
0xa6: {  	s5 =	sshll.u32 s26, $0x1;
	_ =	strace $0x80000046;
	[dreg:$0x1] =	wrdreg $0xFFFFFFFF  }
0xa7: {  	s28 =	simm.s32 $_size_execute0_lowered;
	s3 =	sadd.s32 s3, s5;
	[dreg:$0x0] =	wrdreg $0x0  }
0xa8: {  	s5 =	sshll.u32 s28, $0x1;
	[dreg:$0x2] =	wrdreg s3  }
0xa9: {  	[dreg:$0x3] =	wrdreg s5  }
0xaa: {  	[dreg:$0x4] =	wrdreg $0xC0  }
0xab: {  	_ =	task [dreg:s7], $0x5FFFF  }
0xac: {  	[dreg:$0x1] =	wrdreg $0xFFFFFFFF  }
0xad: {  	[dreg:$0x0] =	wrdreg $0x60  }
0xae: {  	[dreg:$0x2] =	wrdreg s2  }
0xaf: {  	[dreg:$0x3] =	wrdreg s24  }
0xb0: {  	[dreg:$0x4] =	wrdreg $0x0  }
0xb1: {  	[dreg:$0x5] =	wrdreg $0x9  }
0xb2: {  	_ =	task.clear_ibuf [dreg:s7], $0x6FFFF;
	_ =	strace $0x90000046  }
0xb3: {  	s29 =	simm.s32 $0x9;
	_ =	strace $0x80000048  }
0xb4: {  	_ =	swait.ge [sflag:s29], $0x1  }
0xb5: {  	[sflag:s29] =	ssyncadd.s32 $0xFFFFFFFF  }
0xb6: {  	_ =	strace $0x90000048  }
0xb7: {  	_ =	sfence  }
0xb8: {  	s30 =	sld [smem:$0x0];
	_ =	sdelay $0x2  }
0xb9: {  	s31 =	sshll.u32 s1, $0xD;
	s1 =	sshrl.u32 s1, $0x2  }
0xba: {  	s3 =	sand.u32 $0x4000, s31;
	s1 =	sadd.s32 s1, s30  }
0xbb: {  	s0 =	sor.u32 s3, s0;
	s1 =	sshll.u32 s1, $0x11  }
0xbc: {  	s0 =	sor.u32 s1, s0  }
0xbd: {  	s0 =	sadd.s32 $0x8F2B, s0  }
0xbe: {  	[sflag:s0] =	ssyncadd.remote.s32 $0x1  }
0xbf: {  	_ =	sfence.sel $0xFFFF  }
0xc0: {  	[dreg:$0x0] =	wrdreg $0xFFFFFFFF;
	(pc) =	sbr.abs _section_cstart, $3  }
0xc1: {  	[dreg:$0x1] =	wrdreg $0xFFFFFFFF  }
0xc2: {  	_ =	task.clear_ibuf [dreg:s7], $0x2FFFF;
	_ =	strace $0x9FFFFFFF  }
0xc3: {  	(tm) =	ssettm $0x7FFFFFFF  }
tec
execute0_lowered:
.L_overlay_start_1:
0x0: {  	(tag) =	ssettag $0x1  }
0x1: {  	s1 =	rddreg [dreg:$0x0]  }
0x2: {  	s7 =	rddreg [dreg:$0x1]  }
0x3: {  	s3 =	rddreg [dreg:$0x2]  }
0x4: {  	s0 =	rddreg [dreg:$0x3]  }
0x5: {  	s5 =	srdreg.scid;
	s2 =	stileid.u32;
	s4 =	simm.s32 $0x0  }
0x6: {  	s14 =	simm.s32 $0x1870;
	s15 =	simm.s32 $0x80;
	s16 =	simm.s32 $0x0  }
0x7: {  	s8 =	sand.u32 $0x1, s5;
	s9 =	smul.u32 $0x61C0, s2;
	[smem:$0x7FF] =	sst s4  }
0x8: {  	s5 =	sadd.s32 $0x3E00, s7;
	s6 =	sadd.s32 $0x3000, s7;
	s31 =	sshll.u32 s2, $0x6  }
0x9: {  	s10 =	smul.u32 $0xC3800, s8;
	s11 =	ssub.s32 $0x2, s8;
	s8 =	sshll.u32 s8, $0x4  }
0xa: {  	_ =	strace $0x80000047;
	s12 =	sshrl.u32 s11, $0x1;
	s30 =	sor.u32 s2, s8  }
0xb: {  	s13 =	sadd.s32 s9, s3;
	s10 =	sadd.s32 s9, s10;
	s11 =	ssub.s32 s11, s12  }
0xc: {  	s12 =	sor.u32 $0x1C01, s31;
	s13 =	sshrl.u32 s13, $0x3;
	s10 =	sshrl.u32 s10, $0x3  }
0xd: {  	s9 =	smax.u32 s11, $0x1;
	s11 =	simm.s32 $0x1;
	s10 =	sadd.s32 s10, s7  }
0xe: {  	s7 =	smul.u32 $0x310, s30;
	s8 =	sadd.s32 $0x4000, s10;
	s10 =	simm.s32 $0x3470  }
.LBB2_1:
0xf: {  	[tilespmem:s10], [sflag:$0x1] =	stream.linear.gather [hbm4b:s5+s4], $0x400, $0x38;
	[tilespmem:$0x3870] =	vst v63  }
0x10: {  	_ =	swait.ge [sflag:s11], $0x400  }
0x11: {  	[sflag:s11] =	ssyncset.done $0x0  }
0x12: {  	[sflag:s11] =	ssyncadd.s32 $0xFFFFFC00  }
0x13: {  	[spmem:s13], [sflag:s12] =	dma.local [hbm:s6], $0xC38  }
0x14: {  	_ =	swait.ge [sflag:s11], $0xC38  }
0x15: {  	[sflag:s11] =	ssyncset.done $0x0  }
0x16: {  	[sflag:s11] =	ssyncadd.s32 $0xFFFFF3C8  }
0x17: {  	s17 =	simm.s32 $0x0;
	[bflag:$0x0] =	sbarrier.arrive $0xFFFF  }
.LBB2_2:
0x18: {  	s18 =	smul.u32 $0x38, s17;
	_ =	sdelay $0x1  }
0x19: {  	s18 =	sadd.s32 s7, s18  }
0x1a: {  	s18 =	sshll.u32 s18, $0x4  }
0x1b: {  	s19 =	simm.s32 $0x0;
	s18 =	sadd.s32 s1, s18  }
0x1c: {  	[tilespmem:s14], [sflag:$0x1] =	stream.linear.gather [hbm4b:s18+s19], $0x1C00, $0x38;
	[tilespmem:$0x3870] =	vst v63  }
0x1d: {  	_ =	swait.ge [sflag:s11], $0x1C00  }
0x1e: {  	[sflag:s11] =	ssyncset.done $0x0  }
0x1f: {  	s31 =	simm.s32 $0x1870;
	[sflag:s11] =	ssyncadd.s32 $0xFFFFE400  }
0x20: {  	[spmem:s3] =	stream.indirect.scatter.add.f32 [tilespmem:s10], [sflag:$0x1], $0x1, s31, s15, $0xb8;
	[tilespmem:$0x3870] =	vst v63  }
0x21: {  	s18 =	simm.s32 $0x200;
	_ =	swait.ge [sflag:s11], $0x80  }
.LBB2_3:
0x22: {  	s19 =	sshra.s32 s18, $0x2;
	[sflag:s11] =	ssyncset.done $0x0;
	p0 =	sne.s32 s18, $0x6E00  }
.Ltmp0:
0x23: {  	s19 =	sadd.s32 $0x1870, s19;
	[sflag:s11] =	ssyncadd.s32 $0xFFFFFF80;
	(pc) =	sbr.rel @p0 .LBB2_3-.Ltmp0, $3  }
0x24: {  	[spmem:s3] =	stream.indirect.scatter.add.f32 [tilespmem:s10], [sflag:$0x1], $0x1, s19, s15, $0xb8;
	[tilespmem:$0x3870] =	vst v63  }
0x25: {  	s18 =	sadd.s32 $0x200, s18;
	_ =	sdelay $0x1  }
0x26: {  	_ =	swait.ge [sflag:s11], $0x80  }
0x27: {  	s17 =	sadd.s32 $0x1, s17  }
0x28: {  	p0 =	sne.s32 s17, $0xE  }
.Ltmp1:
0x29: {  	_ = 	snop;
	(pc) =	sbr.rel @p0 .LBB2_2-.Ltmp1, $3  }
0x2a: {  	_ =	sdelay $0x1  }
0x2b: {  	[sflag:s11] =	ssyncset.done $0x0  }
0x2c: {  	[sflag:s11] =	ssyncadd.s32 $0xFFFFFF80  }
0x2d: {  	s16 =	sadd.s32 $0x1, s16  }
0x2e: {  	p0 =	sne.s32 s16, s9  }
.Ltmp2:
0x2f: {  	[bflag:$0x0] =	sbarrier.arrive $0xFFFF;
	(pc) =	sbr.rel @p0 .LBB2_1-.Ltmp2, $4  }
0x30: {  	[hbm:s8], [sflag:s12] =	dma.local [spmem:s13], $0xC38  }
0x31: {  	_ =	swait.ge [sflag:s11], $0xC38  }
0x32: {  	[sflag:s11] =	ssyncset.done $0x0  }
0x33: {  	[sflag:s11] =	ssyncadd.s32 $0xFFFFF3C8  }
0x34: {  	_ =	sfence.sel $0x180000  }
0x35: {  	[bflag:$0x0] =	sbarrier.arrive $0xFFFF  }
0x36: {  	p0 =	sne.s32 s2, $0x0;
	_ =	strace $0x90000047  }
0x37: {  	s0 =	sadd.s32 @!p0 $0x100000, s0;
	[bflag:$0x2] =	sbarrier.arrive $0xFFFF  }
0x38: {  	[sflag:s0] =	ssyncadd.tile.s32 @!p0 $0x1;
	_ =	shalt  }
.Lfunc_end2:
_tile_overlayer_lowered:
.L_overlay_start_2:
0x39: {  	(tag) =	ssettag $0x2  }
0x3a: {  	s0 =	rddreg [dreg:$0x0];
	s2 =	stileid.u32  }
0x3b: {  	s1 =	rddreg [dreg:$0x1];
	p0 =	sne.s32 s2, $0x0  }
0x3c: {  	s3 =	rddreg [dreg:$0x2];
	[bflag:$0x3] =	sbarrier.arrive $0xFFFF;
	s2 =	simm.s32 @!p0 $0x1C01  }
0x3d: {  	[timem:s3], [sflag:s2] =	dma.local @!p0 [hbm:s0], s1  }
0x3e: {  	s0 =	simm.s32 @!p0 $0x1  }
0x3f: {  	_ =	swait.ge @!p0 [sflag:s0], s1  }
0x40: {  	s1 =	ssub.s32 @!p0 $0x0, s1;
	[sflag:s0] =	ssyncset.done @!p0 $0x0  }
0x41: {  	[sflag:s0] =	ssyncadd.s32 @!p0 s1  }
0x42: {  	[bflag:$0x3] =	sbarrier.arrive $0xFFFF  }
0x43: {  	_ =	shalt  }

// kernel: sparse-core-data-format-call.1.cloned.1.call-start
scs
called_computation.1_lowered:
.L_overlay_start_0:
0x0: {  	s1 =	sld [smem:$0x3FD9]  }
0x1: {  	s2 =	sld [smem:$0x3FFE];
	_ =	sdelay $0x1  }
0x2: {  	s3 =	srdreg.scid  }
0x3: {  	s0 =	sand.u32 $0x1, s3  }
0x4: {  	s17 =	sshll.u32 s0, $0xA;
	s1 =	sadd.s32 s2, s1  }
0x5: {  	s1 =	sadd.s32 s1, s17  }
0x6: {  	[smem:$0x3FBE] =	sst s1  }
0x7: {  	_ = 	snop  }
0x8: {  	(tm) =	ssettm $0x1  }
0x9: {  	s18 =	sld [smem:$0x3FFB];
	_ =	sdelay $0x3  }
0xa: {  	_ =	strace s18  }
0xb: {  	s1 =	sld [smem:$0x3FFC];
	_ =	sdelay $0x3  }
0xc: {  	_ =	strace s1  }
0xd: {  	s1 =	sld [smem:$0x3FFD];
	_ =	sdelay $0x3  }
0xe: {  	_ =	strace s1  }
0xf: {  	_ =	strace $0x8FFFFFFF  }
0x10: {  	s19 =	sld [smem:$0x3FDB];
	_ =	sdelay $0x1  }
0x11: {  	s20 =	simm.s32 $_scs_section_size  }
0x12: {  	s4 =	simm.s32 $_size__tile_overlayer_lowered;
	s5 =	simm.s32 $_tile_overlayer_lowered  }
0x13: {  	s23 =	simm.s32 $0x1BFF;
	s22 =	sshll.u32 s5, $0x1;
	s1 =	sadd.s32 s20, s19  }
0x14: {  	s6 =	simm.s32 $0x0;
	s21 =	sshll.u32 s4, $0x1;
	s4 =	sadd.s32 s22, s1  }
0x15: {  	[timem:s6], [sflag:s23] =	dma.local [hbm:s4], s21  }
0x16: {  	_ =	swait.ge [sflag:s23], s21  }
0x17: {  	s2 =	ssub.s32 $0x0, s21;
	[sflag:s23] =	ssyncset.done $0x0  }
0x18: {  	[sflag:s23] =	ssyncadd.s32 s2;
	_ =	sdelay $0x1  }
0x19: {  	s24 =	simm.s32 $0x1B8B  }
0x1a: {  	_ =	swait.ge [sflag:s24], $0x1  }
0x1b: {  	[sflag:s24] =	ssyncset.done $0x0  }
0x1c: {  	s26 =	simm.s32 $0x1B8E;
	s25 =	sld [smem:$0x3FFE];
	[sflag:s24] =	ssyncadd.s32 $0xFFFFFFFF  }
0x1d: {  	s27 =	simm.s32 $execute0_lowered;
	[smem:$0x3FD2] =	sst s26  }
0x1e: {  	s4 =	sshll.u32 s27, $0x1;
	_ =	strace $0x8000004C;
	[dreg:$0x1] =	wrdreg $0xFFFFFFFF  }
0x1f: {  	s28 =	simm.s32 $_size_execute0_lowered;
	s1 =	sadd.s32 s1, s4;
	[dreg:$0x0] =	wrdreg $0x0  }
0x20: {  	s4 =	sshll.u32 s28, $0x1;
	[dreg:$0x2] =	wrdreg s1  }
0x21: {  	[dreg:$0x3] =	wrdreg s4  }
0x22: {  	[dreg:$0x4] =	wrdreg $0xC0  }
0x23: {  	_ =	task [dreg:s6], $0x5FFFF  }
0x24: {  	[dreg:$0x1] =	wrdreg $0xFFFFFFFF  }
0x25: {  	[dreg:$0x0] =	wrdreg $0x60  }
0x26: {  	[dreg:$0x2] =	wrdreg s25  }
0x27: {  	[dreg:$0x3] =	wrdreg $0x9  }
0x28: {  	_ =	task.clear_ibuf [dreg:s6], $0x4FFFF;
	_ =	strace $0x9000004C  }
0x29: {  	s29 =	simm.s32 $0x9;
	_ =	strace $0x8000004E  }
0x2a: {  	_ =	swait.ge [sflag:s29], $0x1  }
0x2b: {  	[sflag:s29] =	ssyncadd.s32 $0xFFFFFFFF  }
0x2c: {  	_ =	strace $0x9000004E  }
0x2d: {  	_ =	sfence  }
0x2e: {  	s30 =	sld [smem:$0x0];
	_ =	sdelay $0x2  }
0x2f: {  	s31 =	sshll.u32 s3, $0xD;
	s3 =	sshrl.u32 s3, $0x2  }
0x30: {  	s2 =	sand.u32 $0x4000, s31;
	s1 =	sadd.s32 s3, s30  }
0x31: {  	s0 =	sor.u32 s2, s0;
	s1 =	sshll.u32 s1, $0x11  }
0x32: {  	s0 =	sor.u32 s1, s0  }
0x33: {  	s0 =	sadd.s32 $0x8F2B, s0  }
0x34: {  	[sflag:s0] =	ssyncadd.remote.s32 $0x1  }
0x35: {  	_ =	sfence.sel $0xFFFF  }
0x36: {  	[dreg:$0x0] =	wrdreg $0xFFFFFFFF;
	(pc) =	sbr.abs _section_cstart, $3  }
0x37: {  	[dreg:$0x1] =	wrdreg $0xFFFFFFFF  }
0x38: {  	_ =	task.clear_ibuf [dreg:s6], $0x2FFFF;
	_ =	strace $0x9FFFFFFF  }
0x39: {  	(tm) =	ssettm $0x7FFFFFFF  }
tec
execute0_lowered:
.L_overlay_start_1:
0x0: {  	(tag) =	ssettag $0x1  }
0x1: {  	s3 =	rddreg [dreg:$0x0]  }
0x2: {  	s1 =	stileid.u32;
	s2 =	srdreg.scid  }
0x3: {  	s0 =	rddreg [dreg:$0x1];
	_ =	strace $0x8000004D;
	s7 =	simm.s32 $0x2  }
0x4: {  	s14 =	simm.s32 $0x0;
	p0 =	por $0x0, $0x0;
	s9 =	simm.s32 $0xC3800  }
0x5: {  	s13 =	simm.s32 $0x0;
	s4 =	sshll.u32 s1, $0x4;
	s5 =	sshll.u32 s2, $0x8  }
.Ltmp0:
0x6: {  	s12 =	simm.s32 $0x0;
	s4 =	sor.u32 s4, s5;
	(pc) =	sbr.rel .LBB1_1-.Ltmp0, $4  }
0x7: {  	s2 =	sadd.s32 $0x1163200, s3;
	s5 =	simm.s32 $0x1;
	s4 =	sand.u32 $0x180, s4  }
0x8: {  	s3 =	sadd.s32 $0x3A4200, s3;
	[sflag:s5] =	ssyncpa.u1 $0x0;
	s8 =	ssub.s32 $0x18680, s4  }
0x9: {  	s6 =	sand.u32 $0x7, s1;
	[sflag:s7] =	ssyncpa.u1 $0x0;
	s7 =	sshrl.u32 s8, $0x9  }
0xa: {  	s11 =	smov.u32 s6;
	s10 =	smov.u32 s4;
	s8 =	sadd.s32 $0x2, s7  }
.LBB1_5:
0xb: {  	s15 =	sadd.s32 $0x200, s10  }
0xc: {  	s13 =	sadd.s32 $0x8, s11;
	s17 =	smov.u32 s11;
	p2 =	sgt.s32 s15, $0x1869F  }
0xd: {  	s17 =	smov.u32 @p2 s13  }
0xe: {  	s15 =	smov.u32 @p2 s4;
	p2 =	sgt.s32 s17, $0x7  }
0xf: {  	s17 =	smov.u32 @p2 s6;
	p2 =	sne.s32 s12, s8  }
.Ltmp1:
0x10: {  	p1 =	slt.u32 s12, $0x2;
	(pc) =	sbr.rel @!p2 .LBB1_6-.Ltmp1, $4  }
0x11: {  	s16 =	simm.s32 @!p1 $0x2  }
0x12: {  	s14 =	smov.u32 s10;
	p0 =	por !p0, !p0;
	_ =	swait.ge @!p1 [sflag:s16], $0x800  }
0x13: {  	s13 =	smov.u32 s11;
	[sflag:s16] =	ssyncset.done @!p1 $0x0;
	s10 =	smov.u32 s15  }
0x14: {  	s12 =	sadd.s32 $0x1, s12;
	[sflag:s16] =	ssyncadd.s32 @!p1 $0xFFFFF800;
	s11 =	smov.u32 s17  }
.LBB1_1:
0x15: {  	p1 =	sgt.u32 s12, s7  }
0x16: {  	s17 =	smov.u32 s11;
	s19 =	smov.u32 s10;
	p2 =	sgt.s32 @!p1 s11, $0x7  }
0x17: {  	s15 =	sand.u32 @!p1 $0x1FFFFFF, s10;
	s18 =	sshra.s32 @!p1 s11, $0x1F;
	p2 =	por !p2, p1  }
0x18: {  	s20 =	sshra.s32 @!p1 s10, $0x1F;
	s17 =	simm.s32 @p2 $0x7;
	p2 =	sgt.s32 @!p1 s10, $0x18620  }
0x19: {  	s16 =	smulhi.u32 @!p1 $0x14F8B59, s15;
	s18 =	sand.u32 @!p1 s18, s11;
	p2 =	por !p2, p1  }
0x1a: {  	s17 =	ssub.s32 @!p1 s17, s18;
	s18 =	sand.u32 @!p1 s20, s10;
	s19 =	simm.s32 @p2 $0x18620  }
0x1b: {  	s17 =	sadd.s32 @!p1 $0xFFFFFFF9, s17;
	s18 =	ssub.s32 @!p1 s19, s18  }
0x1c: {  	s16 =	sshrl.u32 @!p1 s16, $0x9;
	p2 =	sgt.s32 @!p1 s17, $0x0;
	s19 =	sadd.s32 @!p1 $0xFFFE79E0, s18  }
0x1d: {  	s17 =	sshll.u32 @!p1 s17, $0x4;
	s18 =	ssub.s32 @!p1 $0x186A0, s18;
	p3 =	sgt.s32 @!p1 s19, $0x7F  }
0x1e: {  	s17 =	ssub.s32 @!p1 $0x10, s17;
	p2 =	por !p2, p1;
	p3 =	por !p3, p1  }
0x1f: {  	s16 =	smul.u32 @!p1 $0x186A0, s16;
	s17 =	simm.s32 @!p2 $0x0;
	s18 =	simm.s32 @!p3 $0x0  }
0x20: {  	s19 =	sxor.u32 @!p1 $0xFFFFFFFF, s12;
	s17 =	smul.u32 @!p1 s18, s17  }
0x21: {  	s15 =	ssub.s32 @!p1 s15, s16;
	s18 =	sshll.u32 @!p1 s19, $0xB;
	s19 =	smul.u32 @!p1 $0x186A00, s11  }
0x22: {  	s15 =	sshll.u32 @!p1 s15, $0x4  }
0x23: {  	s18 =	sand.u32 @!p1 $0x800, s18;
	s16 =	sand.u32 @!p1 $0x3FFFFFF0, s17;
	s17 =	sadd.s32 @!p1 s2, s19  }
0x24: {  	s19 =	simm.s32 @!p1 $0x80;
	s15 =	sadd.s32 @!p1 s15, s17;
	s17 =	simm.s32 @!p1 $0x10  }
0x25: {  	[tilespmem:s18], [sflag:$0x1] =	stream.strided.gather @!p1 [hbm4b:s15+s17], s16, s19, s17, $0x38;
	[tilespmem:$0x2020] =	vst v63  }
0x26: {  	p1 =	seq.s32 s12, $0x0  }
0x27: {  	p2 =	sge.u32 @!p1 s12, s8  }
0x28: {  	p1 =	por p1, p2  }
.Ltmp2:
0x29: {  	_ = 	snop;
	(pc) =	sbr.rel @p1 .LBB1_5-.Ltmp2, $1  }
0x2a: {  	_ =	sdelay $0x3  }
0x2b: {  	p1 =	sgt.s32 s13, $0x7;
	s15 =	smov.u32 s13  }
0x2c: {  	s16 =	sshra.s32 s13, $0x1F;
	s17 =	smov.u32 s14;
	s18 =	sshra.s32 s14, $0x1F  }
0x2d: {  	s15 =	simm.s32 @!p1 $0x7;
	s16 =	sand.u32 s16, s13;
	p1 =	sgt.s32 s14, $0x18620  }
0x2e: {  	s27 =	sand.u32 s18, s14;
	s15 =	ssub.s32 s15, s16;
	s17 =	simm.s32 @!p1 $0x18620  }
0x2f: {  	s15 =	sadd.s32 $0xFFFFFFF9, s15;
	s16 =	ssub.s32 s17, s27  }
0x30: {  	p1 =	sgt.s32 s15, $0x0;
	s17 =	sadd.s32 $0xFFFE79E0, s16;
	s15 =	sshll.u32 s15, $0x4  }
0x31: {  	s16 =	ssub.s32 $0x186A0, s16;
	p2 =	sgt.s32 s17, $0x7F;
	s15 =	ssub.s32 $0x10, s15  }
0x32: {  	s16 =	simm.s32 @p2 $0x0;
	s15 =	simm.s32 @p1 $0x0  }
0x33: {  	s15 =	smul.u32 s16, s15;
	_ =	sdelay $0x1  }
0x34: {  	s16 =	simm.s32 $0x1;
	s15 =	sand.u32 $0x3FFFFFF0, s15  }
0x35: {  	s16 =	simm.s32 @!p0 $0x0;
	_ =	swait.ge [sflag:s5], s15  }
0x36: {  	s28 =	sshll.u32 s16, $0xB;
	s15 =	ssub.s32 $0x0, s15;
	[sflag:s5] =	ssyncset.done $0x0  }
0x37: {  	s29 =	sor.u32 $0x40, s28;
	[sflag:s5] =	ssyncadd.s32 s15  }
0x38: {  	v1 =	vld [tilespmem:s29+$0x30]  }
0x39: {  	s30 =	smul.u32 $0x2040, s16;
	v3 =	vld [tilespmem:s29+$0xFFFFFFD0]  }
0x3a: {  	v5 =	vld [tilespmem:s29+$0xFFFFFFE0]  }
0x3b: {  	s31 =	sand.u32 $0x1, s12;
	s15 =	sshrl.u32 s30, $0x2;
	v4 =	vld [tilespmem:s29+$0xFFFFFFF0]  }
0x3c: {  	s16 =	smul.u32 $0x2040, s31;
	s15 =	sor.u32 $0x1007, s15;
	v2 =	vld [tilespmem:s29+$0x0]  }
0x3d: {  	v0 =	vld [tilespmem:s29+$0x10];
	[tilespmem:s15+$0x0 ss:$0x81] =	vst.msk $0xffff, v1  }
0x3e: {  	s16 =	sshrl.u32 s16, $0x2;
	[tilespmem:s15+$0xFFFFFFFA ss:$0x81] =	vst.msk $0xffff, v3;
	v3 =	vld [tilespmem:s29+$0x20]  }
0x3f: {  	s17 =	simm.s32 $0x0;
	s18 =	sadd.s32 $0x80, s29;
	s16 =	sor.u32 $0x1000, s16;
	v1 =	vld [tilespmem:s29+$0xFFFFFFC0];
	[tilespmem:s15+$0xFFFFFFFB ss:$0x81] =	vst.msk $0xffff, v5  }
.LBB1_3:
0x40: {  	v5 =	vld [tilespmem:s18+$0x30];
	s17 =	sadd.s32 $0x8, s17;
	[tilespmem:s15+$0xFFFFFFFC ss:$0x81] =	vst.msk $0xffff, v4  }
0x41: {  	v6 =	vld [tilespmem:s18+$0xFFFFFFD0];
	p1 =	slt.u32 s17, $0x78;
	[tilespmem:s15+$0xFFFFFFFD ss:$0x81] =	vst.msk $0xffff, v2  }
0x42: {  	v7 =	vld [tilespmem:s18+$0xFFFFFFE0];
	[tilespmem:s15+$0xFFFFFFFE ss:$0x81] =	vst.msk $0xffff, v0  }
.Ltmp3:
0x43: {  	v4 =	vld [tilespmem:s18+$0xFFFFFFF0];
	[tilespmem:s15+$0xFFFFFFFF ss:$0x81] =	vst.msk $0xffff, v3;
	(pc) =	sbr.rel @p1 .LBB1_3-.Ltmp3, $4  }
0x44: {  	v2 =	vld [tilespmem:s18+$0x0];
	[tilespmem:s15+$0xFFFFFFF9 ss:$0x81] =	vst.msk $0xffff, v1;
	s15 =	sadd.s32 $0x8, s15  }
0x45: {  	v0 =	vld [tilespmem:s18+$0x10];
	[tilespmem:s15+$0x0 ss:$0x81] =	vst.msk $0xffff, v5  }
0x46: {  	[tilespmem:s15+$0xFFFFFFFA ss:$0x81] =	vst.msk $0xffff, v6;
	v3 =	vld [tilespmem:s18+$0x20]  }
0x47: {  	v1 =	vld [tilespmem:s18+$0xFFFFFFC0];
	[tilespmem:s15+$0xFFFFFFFB ss:$0x81] =	vst.msk $0xffff, v7;
	s18 =	sadd.s32 $0x80, s18  }
0x48: {  	s17 =	sshll.u32 s14, $0x3  }
0x49: {  	s29 =	sand.u32 $0x7F, s14;
	s17 =	sand.u32 $0xFFFFFC00, s17  }
0x4a: {  	s14 =	sor.u32 s29, s17;
	s17 =	smulhi.u32 $0xA79C7B17, s17  }
0x4b: {  	s18 =	smulhi.u32 $0xA79C7B17, s14;
	_ =	sdelay $0x1  }
0x4c: {  	s13 =	smul.u32 $0x30E00, s13;
	s17 =	sshrl.u32 s17, $0x10;
	s18 =	sshrl.u32 s18, $0x10  }
0x4d: {  	s17 =	sand.u32 $0xF, s17;
	s18 =	smul.u32 $0x18700, s18  }
0x4e: {  	[tilespmem:s15+$0xFFFFFFFC ss:$0x81] =	vst.msk $0xffff, v4;
	s17 =	smul.u32 $0x30E0, s17  }
.Ltmp4:
0x4f: {  	[tilespmem:s15+$0xFFFFFFFD ss:$0x81] =	vst.msk $0xffff, v2;
	s14 =	ssub.s32 s14, s18;
	(pc) =	sbr.rel .LBB1_5-.Ltmp4, $4  }
0x50: {  	[tilespmem:s15+$0xFFFFFFFE ss:$0x81] =	vst.msk $0xffff, v0;
	s13 =	sadd.s32 s3, s13;
	s18 =	sand.u32 $0x7, s14  }
0x51: {  	[tilespmem:s15+$0xFFFFFFFF ss:$0x81] =	vst.msk $0xffff, v3;
	s13 =	sadd.s32 s17, s13;
	s14 =	sshrl.u32 s14, $0x3;
	s30 =	sshll.u32 s18, $0x12  }
0x52: {  	[tilespmem:s15+$0xFFFFFFF9 ss:$0x81] =	vst.msk $0xffff, v1;
	s13 =	sadd.s32 s14, s13;
	s31 =	sor.u32 $0x400, s30  }
0x53: {  	[hbm4b:s13+s31] =	stream.strided.scatter [tilespmem:s16], [sflag:$0x2], $0x800, s9, s31, $0x20;
	[tilespmem:$0x2020] =	vst v63  }
.LBB1_6:
0x54: {  	_ =	sfence.sel $0x180000  }
0x55: {  	s2 =	simm.s32 $0x1;
	[bflag:$0x0] =	sbarrier.arrive $0xFFFF  }
0x56: {  	s31 =	simm.s32 $0x2;
	[sflag:s2] =	ssyncpa.u1 $0x1  }
0x57: {  	[sflag:s31] =	ssyncpa.u1 $0x1  }
0x58: {  	p0 =	sne.s32 s1, $0x0;
	_ =	strace $0x9000004D  }
0x59: {  	s0 =	sadd.s32 @!p0 $0x100000, s0;
	[bflag:$0x2] =	sbarrier.arrive $0xFFFF  }
0x5a: {  	[sflag:s0] =	ssyncadd.tile.s32 @!p0 $0x1;
	_ =	shalt  }
.Lfunc_end1:
_tile_overlayer_lowered:
.L_overlay_start_2:
0x5b: {  	(tag) =	ssettag $0x2  }
0x5c: {  	s0 =	rddreg [dreg:$0x0];
	s2 =	stileid.u32  }
0x5d: {  	s1 =	rddreg [dreg:$0x1];
	p0 =	sne.s32 s2, $0x0  }
0x5e: {  	s3 =	rddreg [dreg:$0x2];
	[bflag:$0x3] =	sbarrier.arrive $0xFFFF;
	s2 =	simm.s32 @!p0 $0x1C01  }
0x5f: {  	[timem:s3], [sflag:s2] =	dma.local @!p0 [hbm:s0], s1  }
0x60: {  	s0 =	simm.s32 @!p0 $0x1  }
0x61: {  	_ =	swait.ge @!p0 [sflag:s0], s1  }
0x62: {  	s1 =	ssub.s32 @!p0 $0x0, s1;
	[sflag:s0] =	ssyncset.done @!p0 $0x0  }
0x63: {  	[sflag:s0] =	ssyncadd.s32 @!p0 s1  }
0x64: {  	[bflag:$0x3] =	sbarrier.arrive $0xFFFF  }
0x65: {  	_ =	shalt  }

// kernel: sparse-core-data-format-call.cloned.1.call-start
scs
called_computation_lowered:
.L_overlay_start_0:
0x0: {  	s1 =	sld [smem:$0x3FD9]  }
0x1: {  	s2 =	sld [smem:$0x3FFE];
	_ =	sdelay $0x1  }
0x2: {  	s3 =	srdreg.scid  }
0x3: {  	s0 =	sand.u32 $0x1, s3  }
0x4: {  	s17 =	sshll.u32 s0, $0xA;
	s1 =	sadd.s32 s2, s1  }
0x5: {  	s1 =	sadd.s32 s1, s17  }
0x6: {  	[smem:$0x3FBE] =	sst s1  }
0x7: {  	_ = 	snop  }
0x8: {  	(tm) =	ssettm $0x1  }
0x9: {  	s18 =	sld [smem:$0x3FFB];
	_ =	sdelay $0x3  }
0xa: {  	_ =	strace s18  }
0xb: {  	s1 =	sld [smem:$0x3FFC];
	_ =	sdelay $0x3  }
0xc: {  	_ =	strace s1  }
0xd: {  	s1 =	sld [smem:$0x3FFD];
	_ =	sdelay $0x3  }
0xe: {  	_ =	strace s1  }
0xf: {  	_ =	strace $0x8FFFFFFF  }
0x10: {  	s19 =	sld [smem:$0x3FDB];
	_ =	sdelay $0x1  }
0x11: {  	s20 =	simm.s32 $_scs_section_size  }
0x12: {  	s4 =	simm.s32 $_size__tile_overlayer_lowered;
	s5 =	simm.s32 $_tile_overlayer_lowered  }
0x13: {  	s23 =	simm.s32 $0x1BFF;
	s22 =	sshll.u32 s5, $0x1;
	s1 =	sadd.s32 s20, s19  }
0x14: {  	s6 =	simm.s32 $0x0;
	s21 =	sshll.u32 s4, $0x1;
	s4 =	sadd.s32 s22, s1  }
0x15: {  	[timem:s6], [sflag:s23] =	dma.local [hbm:s4], s21  }
0x16: {  	_ =	swait.ge [sflag:s23], s21  }
0x17: {  	s2 =	ssub.s32 $0x0, s21;
	[sflag:s23] =	ssyncset.done $0x0  }
0x18: {  	[sflag:s23] =	ssyncadd.s32 s2;
	_ =	sdelay $0x1  }
0x19: {  	s24 =	simm.s32 $0x1B8B  }
0x1a: {  	_ =	swait.ge [sflag:s24], $0x1  }
0x1b: {  	[sflag:s24] =	ssyncset.done $0x0  }
0x1c: {  	s26 =	simm.s32 $0x1B8E;
	s25 =	sld [smem:$0x3FFE];
	[sflag:s24] =	ssyncadd.s32 $0xFFFFFFFF  }
0x1d: {  	s27 =	simm.s32 $execute0_lowered;
	[smem:$0x3FD2] =	sst s26  }
0x1e: {  	s4 =	sshll.u32 s27, $0x1;
	_ =	strace $0x80000052;
	[dreg:$0x1] =	wrdreg $0xFFFFFFFF  }
0x1f: {  	s28 =	simm.s32 $_size_execute0_lowered;
	s1 =	sadd.s32 s1, s4;
	[dreg:$0x0] =	wrdreg $0x0  }
0x20: {  	s4 =	sshll.u32 s28, $0x1;
	[dreg:$0x2] =	wrdreg s1  }
0x21: {  	[dreg:$0x3] =	wrdreg s4  }
0x22: {  	[dreg:$0x4] =	wrdreg $0xC0  }
0x23: {  	_ =	task [dreg:s6], $0x5FFFF  }
0x24: {  	[dreg:$0x1] =	wrdreg $0xFFFFFFFF  }
0x25: {  	[dreg:$0x0] =	wrdreg $0x60  }
0x26: {  	[dreg:$0x2] =	wrdreg s25  }
0x27: {  	[dreg:$0x3] =	wrdreg $0x9  }
0x28: {  	_ =	task.clear_ibuf [dreg:s6], $0x4FFFF;
	_ =	strace $0x90000052  }
0x29: {  	s29 =	simm.s32 $0x9;
	_ =	strace $0x80000054  }
0x2a: {  	_ =	swait.ge [sflag:s29], $0x1  }
0x2b: {  	[sflag:s29] =	ssyncadd.s32 $0xFFFFFFFF  }
0x2c: {  	_ =	strace $0x90000054  }
0x2d: {  	_ =	sfence  }
0x2e: {  	s30 =	sld [smem:$0x0];
	_ =	sdelay $0x2  }
0x2f: {  	s31 =	sshll.u32 s3, $0xD;
	s3 =	sshrl.u32 s3, $0x2  }
0x30: {  	s2 =	sand.u32 $0x4000, s31;
	s1 =	sadd.s32 s3, s30  }
0x31: {  	s0 =	sor.u32 s2, s0;
	s1 =	sshll.u32 s1, $0x11  }
0x32: {  	s0 =	sor.u32 s1, s0  }
0x33: {  	s0 =	sadd.s32 $0x8F2B, s0  }
0x34: {  	[sflag:s0] =	ssyncadd.remote.s32 $0x1  }
0x35: {  	_ =	sfence.sel $0xFFFF  }
0x36: {  	[dreg:$0x0] =	wrdreg $0xFFFFFFFF;
	(pc) =	sbr.abs _section_cstart, $3  }
0x37: {  	[dreg:$0x1] =	wrdreg $0xFFFFFFFF  }
0x38: {  	_ =	task.clear_ibuf [dreg:s6], $0x2FFFF;
	_ =	strace $0x9FFFFFFF  }
0x39: {  	(tm) =	ssettm $0x7FFFFFFF  }
tec
execute0_lowered:
.L_overlay_start_1:
0x0: {  	(tag) =	ssettag $0x1  }
0x1: {  	s3 =	rddreg [dreg:$0x0]  }
0x2: {  	s1 =	stileid.u32;
	s2 =	srdreg.scid  }
0x3: {  	s0 =	rddreg [dreg:$0x1];
	_ =	strace $0x80000053;
	s7 =	simm.s32 $0x2  }
0x4: {  	s14 =	simm.s32 $0x0;
	p0 =	por $0x0, $0x0;
	s9 =	simm.s32 $0xC3800  }
0x5: {  	s13 =	simm.s32 $0x0;
	s4 =	sshll.u32 s1, $0x4;
	s5 =	sshll.u32 s2, $0x8  }
.Ltmp0:
0x6: {  	s12 =	simm.s32 $0x0;
	s4 =	sor.u32 s4, s5;
	(pc) =	sbr.rel .LBB1_1-.Ltmp0, $4  }
0x7: {  	s2 =	sadd.s32 $0x12E9C00, s3;
	s5 =	simm.s32 $0x1;
	s4 =	sand.u32 $0x180, s4  }
0x8: {  	s3 =	sadd.s32 $0xE000, s3;
	[sflag:s5] =	ssyncpa.u1 $0x0;
	s8 =	ssub.s32 $0x18680, s4  }
0x9: {  	s6 =	sand.u32 $0x7, s1;
	[sflag:s7] =	ssyncpa.u1 $0x0;
	s7 =	sshrl.u32 s8, $0x9  }
0xa: {  	s11 =	smov.u32 s6;
	s10 =	smov.u32 s4;
	s8 =	sadd.s32 $0x2, s7  }
.LBB1_5:
0xb: {  	s15 =	sadd.s32 $0x200, s10  }
0xc: {  	s13 =	sadd.s32 $0x8, s11;
	s17 =	smov.u32 s11;
	p2 =	sgt.s32 s15, $0x1869F  }
0xd: {  	s17 =	smov.u32 @p2 s13  }
0xe: {  	s15 =	smov.u32 @p2 s4;
	p2 =	sgt.s32 s17, $0x7  }
0xf: {  	s17 =	smov.u32 @p2 s6;
	p2 =	sne.s32 s12, s8  }
.Ltmp1:
0x10: {  	p1 =	slt.u32 s12, $0x2;
	(pc) =	sbr.rel @!p2 .LBB1_6-.Ltmp1, $4  }
0x11: {  	s16 =	simm.s32 @!p1 $0x2  }
0x12: {  	s14 =	smov.u32 s10;
	p0 =	por !p0, !p0;
	_ =	swait.ge @!p1 [sflag:s16], $0x800  }
0x13: {  	s13 =	smov.u32 s11;
	[sflag:s16] =	ssyncset.done @!p1 $0x0;
	s10 =	smov.u32 s15  }
0x14: {  	s12 =	sadd.s32 $0x1, s12;
	[sflag:s16] =	ssyncadd.s32 @!p1 $0xFFFFF800;
	s11 =	smov.u32 s17  }
.LBB1_1:
0x15: {  	p1 =	sgt.u32 s12, s7  }
0x16: {  	s17 =	smov.u32 s11;
	s19 =	smov.u32 s10;
	p2 =	sgt.s32 @!p1 s11, $0x7  }
0x17: {  	s15 =	sand.u32 @!p1 $0x1FFFFFF, s10;
	s18 =	sshra.s32 @!p1 s11, $0x1F;
	p2 =	por !p2, p1  }
0x18: {  	s20 =	sshra.s32 @!p1 s10, $0x1F;
	s17 =	simm.s32 @p2 $0x7;
	p2 =	sgt.s32 @!p1 s10, $0x18620  }
0x19: {  	s16 =	smulhi.u32 @!p1 $0x14F8B59, s15;
	s18 =	sand.u32 @!p1 s18, s11;
	p2 =	por !p2, p1  }
0x1a: {  	s17 =	ssub.s32 @!p1 s17, s18;
	s18 =	sand.u32 @!p1 s20, s10;
	s19 =	simm.s32 @p2 $0x18620  }
0x1b: {  	s17 =	sadd.s32 @!p1 $0xFFFFFFF9, s17;
	s18 =	ssub.s32 @!p1 s19, s18  }
0x1c: {  	s16 =	sshrl.u32 @!p1 s16, $0x9;
	p2 =	sgt.s32 @!p1 s17, $0x0;
	s19 =	sadd.s32 @!p1 $0xFFFE79E0, s18  }
0x1d: {  	s17 =	sshll.u32 @!p1 s17, $0x4;
	s18 =	ssub.s32 @!p1 $0x186A0, s18;
	p3 =	sgt.s32 @!p1 s19, $0x7F  }
0x1e: {  	s17 =	ssub.s32 @!p1 $0x10, s17;
	p2 =	por !p2, p1;
	p3 =	por !p3, p1  }
0x1f: {  	s16 =	smul.u32 @!p1 $0x186A0, s16;
	s17 =	simm.s32 @!p2 $0x0;
	s18 =	simm.s32 @!p3 $0x0  }
0x20: {  	s19 =	sxor.u32 @!p1 $0xFFFFFFFF, s12;
	s17 =	smul.u32 @!p1 s18, s17  }
0x21: {  	s15 =	ssub.s32 @!p1 s15, s16;
	s18 =	sshll.u32 @!p1 s19, $0xB;
	s19 =	smul.u32 @!p1 $0x186A00, s11  }
0x22: {  	s15 =	sshll.u32 @!p1 s15, $0x4  }
0x23: {  	s18 =	sand.u32 @!p1 $0x800, s18;
	s16 =	sand.u32 @!p1 $0x3FFFFFF0, s17;
	s17 =	sadd.s32 @!p1 s2, s19  }
0x24: {  	s19 =	simm.s32 @!p1 $0x80;
	s15 =	sadd.s32 @!p1 s15, s17;
	s17 =	simm.s32 @!p1 $0x10  }
0x25: {  	[tilespmem:s18], [sflag:$0x1] =	stream.strided.gather @!p1 [hbm4b:s15+s17], s16, s19, s17, $0x38;
	[tilespmem:$0x2020] =	vst v63  }
0x26: {  	p1 =	seq.s32 s12, $0x0  }
0x27: {  	p2 =	sge.u32 @!p1 s12, s8  }
0x28: {  	p1 =	por p1, p2  }
.Ltmp2:
0x29: {  	_ = 	snop;
	(pc) =	sbr.rel @p1 .LBB1_5-.Ltmp2, $1  }
0x2a: {  	_ =	sdelay $0x3  }
0x2b: {  	p1 =	sgt.s32 s13, $0x7;
	s15 =	smov.u32 s13  }
0x2c: {  	s16 =	sshra.s32 s13, $0x1F;
	s17 =	smov.u32 s14;
	s18 =	sshra.s32 s14, $0x1F  }
0x2d: {  	s15 =	simm.s32 @!p1 $0x7;
	s16 =	sand.u32 s16, s13;
	p1 =	sgt.s32 s14, $0x18620  }
0x2e: {  	s27 =	sand.u32 s18, s14;
	s15 =	ssub.s32 s15, s16;
	s17 =	simm.s32 @!p1 $0x18620  }
0x2f: {  	s15 =	sadd.s32 $0xFFFFFFF9, s15;
	s16 =	ssub.s32 s17, s27  }
0x30: {  	p1 =	sgt.s32 s15, $0x0;
	s17 =	sadd.s32 $0xFFFE79E0, s16;
	s15 =	sshll.u32 s15, $0x4  }
0x31: {  	s16 =	ssub.s32 $0x186A0, s16;
	p2 =	sgt.s32 s17, $0x7F;
	s15 =	ssub.s32 $0x10, s15  }
0x32: {  	s16 =	simm.s32 @p2 $0x0;
	s15 =	simm.s32 @p1 $0x0  }
0x33: {  	s15 =	smul.u32 s16, s15;
	_ =	sdelay $0x1  }
0x34: {  	s16 =	simm.s32 $0x1;
	s15 =	sand.u32 $0x3FFFFFF0, s15  }
0x35: {  	s16 =	simm.s32 @!p0 $0x0;
	_ =	swait.ge [sflag:s5], s15  }
0x36: {  	s28 =	sshll.u32 s16, $0xB;
	s15 =	ssub.s32 $0x0, s15;
	[sflag:s5] =	ssyncset.done $0x0  }
0x37: {  	s29 =	sor.u32 $0x40, s28;
	[sflag:s5] =	ssyncadd.s32 s15  }
0x38: {  	v1 =	vld [tilespmem:s29+$0x30]  }
0x39: {  	s30 =	smul.u32 $0x2040, s16;
	v3 =	vld [tilespmem:s29+$0xFFFFFFD0]  }
0x3a: {  	v5 =	vld [tilespmem:s29+$0xFFFFFFE0]  }
0x3b: {  	s31 =	sand.u32 $0x1, s12;
	s15 =	sshrl.u32 s30, $0x2;
	v4 =	vld [tilespmem:s29+$0xFFFFFFF0]  }
0x3c: {  	s16 =	smul.u32 $0x2040, s31;
	s15 =	sor.u32 $0x1007, s15;
	v2 =	vld [tilespmem:s29+$0x0]  }
0x3d: {  	v0 =	vld [tilespmem:s29+$0x10];
	[tilespmem:s15+$0x0 ss:$0x81] =	vst.msk $0xffff, v1  }
0x3e: {  	s16 =	sshrl.u32 s16, $0x2;
	[tilespmem:s15+$0xFFFFFFFA ss:$0x81] =	vst.msk $0xffff, v3;
	v3 =	vld [tilespmem:s29+$0x20]  }
0x3f: {  	s17 =	simm.s32 $0x0;
	s18 =	sadd.s32 $0x80, s29;
	s16 =	sor.u32 $0x1000, s16;
	v1 =	vld [tilespmem:s29+$0xFFFFFFC0];
	[tilespmem:s15+$0xFFFFFFFB ss:$0x81] =	vst.msk $0xffff, v5  }
.LBB1_3:
0x40: {  	v5 =	vld [tilespmem:s18+$0x30];
	s17 =	sadd.s32 $0x8, s17;
	[tilespmem:s15+$0xFFFFFFFC ss:$0x81] =	vst.msk $0xffff, v4  }
0x41: {  	v6 =	vld [tilespmem:s18+$0xFFFFFFD0];
	p1 =	slt.u32 s17, $0x78;
	[tilespmem:s15+$0xFFFFFFFD ss:$0x81] =	vst.msk $0xffff, v2  }
0x42: {  	v7 =	vld [tilespmem:s18+$0xFFFFFFE0];
	[tilespmem:s15+$0xFFFFFFFE ss:$0x81] =	vst.msk $0xffff, v0  }
.Ltmp3:
0x43: {  	v4 =	vld [tilespmem:s18+$0xFFFFFFF0];
	[tilespmem:s15+$0xFFFFFFFF ss:$0x81] =	vst.msk $0xffff, v3;
	(pc) =	sbr.rel @p1 .LBB1_3-.Ltmp3, $4  }
0x44: {  	v2 =	vld [tilespmem:s18+$0x0];
	[tilespmem:s15+$0xFFFFFFF9 ss:$0x81] =	vst.msk $0xffff, v1;
	s15 =	sadd.s32 $0x8, s15  }
0x45: {  	v0 =	vld [tilespmem:s18+$0x10];
	[tilespmem:s15+$0x0 ss:$0x81] =	vst.msk $0xffff, v5  }
0x46: {  	[tilespmem:s15+$0xFFFFFFFA ss:$0x81] =	vst.msk $0xffff, v6;
	v3 =	vld [tilespmem:s18+$0x20]  }
0x47: {  	v1 =	vld [tilespmem:s18+$0xFFFFFFC0];
	[tilespmem:s15+$0xFFFFFFFB ss:$0x81] =	vst.msk $0xffff, v7;
	s18 =	sadd.s32 $0x80, s18  }
0x48: {  	s17 =	sshll.u32 s14, $0x3  }
0x49: {  	s29 =	sand.u32 $0x7F, s14;
	s17 =	sand.u32 $0xFFFFFC00, s17  }
0x4a: {  	s14 =	sor.u32 s29, s17;
	s17 =	smulhi.u32 $0xA79C7B17, s17  }
0x4b: {  	s18 =	smulhi.u32 $0xA79C7B17, s14;
	_ =	sdelay $0x1  }
0x4c: {  	s13 =	smul.u32 $0x30E00, s13;
	s17 =	sshrl.u32 s17, $0x10;
	s18 =	sshrl.u32 s18, $0x10  }
0x4d: {  	s17 =	sand.u32 $0xF, s17;
	s18 =	smul.u32 $0x18700, s18  }
0x4e: {  	[tilespmem:s15+$0xFFFFFFFC ss:$0x81] =	vst.msk $0xffff, v4;
	s17 =	smul.u32 $0x30E0, s17  }
.Ltmp4:
0x4f: {  	[tilespmem:s15+$0xFFFFFFFD ss:$0x81] =	vst.msk $0xffff, v2;
	s14 =	ssub.s32 s14, s18;
	(pc) =	sbr.rel .LBB1_5-.Ltmp4, $4  }
0x50: {  	[tilespmem:s15+$0xFFFFFFFE ss:$0x81] =	vst.msk $0xffff, v0;
	s13 =	sadd.s32 s3, s13;
	s18 =	sand.u32 $0x7, s14  }
0x51: {  	[tilespmem:s15+$0xFFFFFFFF ss:$0x81] =	vst.msk $0xffff, v3;
	s13 =	sadd.s32 s17, s13;
	s14 =	sshrl.u32 s14, $0x3;
	s30 =	sshll.u32 s18, $0x12  }
0x52: {  	[tilespmem:s15+$0xFFFFFFF9 ss:$0x81] =	vst.msk $0xffff, v1;
	s13 =	sadd.s32 s14, s13;
	s31 =	sor.u32 $0x400, s30  }
0x53: {  	[hbm4b:s13+s31] =	stream.strided.scatter [tilespmem:s16], [sflag:$0x2], $0x800, s9, s31, $0x20;
	[tilespmem:$0x2020] =	vst v63  }
.LBB1_6:
0x54: {  	_ =	sfence.sel $0x180000  }
0x55: {  	s2 =	simm.s32 $0x1;
	[bflag:$0x0] =	sbarrier.arrive $0xFFFF  }
0x56: {  	s31 =	simm.s32 $0x2;
	[sflag:s2] =	ssyncpa.u1 $0x1  }
0x57: {  	[sflag:s31] =	ssyncpa.u1 $0x1  }
0x58: {  	p0 =	sne.s32 s1, $0x0;
	_ =	strace $0x90000053  }
0x59: {  	s0 =	sadd.s32 @!p0 $0x100000, s0;
	[bflag:$0x2] =	sbarrier.arrive $0xFFFF  }
0x5a: {  	[sflag:s0] =	ssyncadd.tile.s32 @!p0 $0x1;
	_ =	shalt  }
.Lfunc_end1:
_tile_overlayer_lowered:
.L_overlay_start_2:
0x5b: {  	(tag) =	ssettag $0x2  }
0x5c: {  	s0 =	rddreg [dreg:$0x0];
	s2 =	stileid.u32  }
0x5d: {  	s1 =	rddreg [dreg:$0x1];
	p0 =	sne.s32 s2, $0x0  }
0x5e: {  	s3 =	rddreg [dreg:$0x2];
	[bflag:$0x3] =	sbarrier.arrive $0xFFFF;
	s2 =	simm.s32 @!p0 $0x1C01  }
0x5f: {  	[timem:s3], [sflag:s2] =	dma.local @!p0 [hbm:s0], s1  }
0x60: {  	s0 =	simm.s32 @!p0 $0x1  }
0x61: {  	_ =	swait.ge @!p0 [sflag:s0], s1  }
0x62: {  	s1 =	ssub.s32 @!p0 $0x0, s1;
	[sflag:s0] =	ssyncset.done @!p0 $0x0  }
0x63: {  	[sflag:s0] =	ssyncadd.s32 @!p0 s1  }
0x64: {  	[bflag:$0x3] =	sbarrier.arrive $0xFFFF  }
0x65: {  	_ =	shalt  }

</sc_bundles>
